<compile_context>
chip_gen: v7x
topology: tpu7x:2x2x1
jax: 0.10.2.dev20260603
libtpu: 0.0.44.dev20260713+nightly
codegen_flags: <defaults>
</compile_context>

<pallas_src>
import functools

import numpy as np
import jax
import jax.numpy as jnp
from jax import lax
from jax.experimental import pallas as pl
from jax.experimental.pallas import tpu as pltpu
from jax.experimental.pallas import tpu_sc as plsc

B, N, D = 4, 1024, 128
NPOS = 64
TEMP = 0.07

_rp = np.zeros(N, dtype=np.int64)
_rn = np.zeros((N, NPOS - 1), dtype=np.int64)
for _m in range(1, N):
    np.random.seed(0)
    _rp[_m] = np.random.choice(_m, 1)[0]
    _k = N - _m
    _rn[_m] = np.random.choice(_k, NPOS - 1, replace=_k < NPOS - 1)
_COMB = np.zeros((N, 128), dtype=np.float32)
_COMB[:, : NPOS - 1] = _rn
_COMB[:, NPOS - 1] = _rp
_COMBT_HI = np.ascontiguousarray((_COMB.T // 32).astype(np.float32))
_COMBT_LO = np.ascontiguousarray((_COMB.T % 32).astype(np.float32))


def _stage1_body(qf_ref, tf_ref, tl3_ref, qlr_ref,
                 tabt_hi_ref, tabt_lo_ref, s_ref, fidxt_ref, ok_ref,
                 fscr_ref):
    b = pl.program_id(0)
    qf = qf_ref[0]
    tf = tf_ref[0]
    tl = tl3_ref[0]
    qlr = qlr_ref[0]
    qlc = jnp.transpose(qlr)

    qn = qf / jnp.maximum(jnp.sqrt(jnp.sum(qf * qf, axis=1, keepdims=True)), 1e-12)
    tn = tf / jnp.maximum(jnp.sqrt(jnp.sum(tf * tf, axis=1, keepdims=True)), 1e-12)
    s = lax.dot_general(qn, tn, (((1,), (1,)), ((), ())),
                        preferred_element_type=jnp.float32,
                        precision=lax.Precision.HIGHEST)
    for p in range(NPOS):
        s_ref[pl.ds(p * N, N)] = jnp.reshape(s[p:p + 1, :], (N,))

    mask = qlc == tl
    mask_bf = jnp.where(mask, 1.0, 0.0).astype(jnp.bfloat16)
    ioq = lax.broadcasted_iota(jnp.int32, (N, N), 0)
    ioq2 = lax.broadcasted_iota(jnp.int32, (N, N), 1)
    utri_bf = jnp.where(ioq <= ioq2, 1.0, 0.0).astype(jnp.bfloat16)
    c = lax.dot_general(mask_bf, utri_bf, (((1,), (0,)), ((), ())),
                        preferred_element_type=jnp.float32)
    ci = jnp.round(c).astype(jnp.int32)

    m_col = ci[:, N - 1:N]
    okv = jnp.where((m_col >= 1) & (m_col <= N - 1), 1.0, 0.0)
    ok_ref[0] = jnp.full((1, 128), jnp.min(okv), jnp.float32)

    qrow = lax.broadcasted_iota(jnp.int32, (NPOS, N), 1)
    slot = jnp.where(mask, ci, N + qrow + 1 - ci)

    mc_row = jnp.clip(jnp.transpose(m_col), 1, N - 1)

    vio = lax.broadcasted_iota(jnp.int32, (N, NPOS), 0)
    oht_bf = jnp.where(vio == mc_row, 1.0, 0.0).astype(jnp.bfloat16)
    ch = lax.dot_general(tabt_hi_ref[...].astype(jnp.bfloat16), oht_bf,
                         (((1,), (0,)), ((), ())),
                         preferred_element_type=jnp.float32)
    cl = lax.dot_general(tabt_lo_ref[...].astype(jnp.bfloat16), oht_bf,
                         (((1,), (0,)), ((), ())),
                         preferred_element_type=jnp.float32)
    combt = jnp.round(32.0 * ch + cl).astype(jnp.int32)

    combt64 = combt[0:NPOS, :]
    rp_row = combt[NPOS - 1:NPOS, :]
    kk = lax.broadcasted_iota(jnp.int32, (NPOS, NPOS), 0)
    pp = lax.broadcasted_iota(jnp.int32, (NPOS, NPOS), 1)
    shift = jnp.concatenate(
        [jnp.zeros((1, NPOS), jnp.int32), combt64[0:NPOS - 1, :]], axis=0)
    tslott = jnp.where(kk == pp, rp_row + 1,
                       N + 1 + jnp.where(kk < pp, combt64, shift))

    qic = lax.broadcasted_iota(jnp.int32, (N, 1), 0)
    q2t = jnp.concatenate([(qic // 32).astype(jnp.bfloat16),
                           (qic % 32).astype(jnp.bfloat16)], axis=1)
    for p in range(NPOS):
        srow = slot[p:p + 1, :]
        tcol = tslott[:, p:p + 1]
        mkq = jnp.where(tcol == srow, 1.0, 0.0).astype(jnp.bfloat16)
        r = lax.dot_general(mkq, q2t, (((1,), (0,)), ((), ())),
                            preferred_element_type=jnp.float32)
        qsel = jnp.round(32.0 * r[:, 0:1] + r[:, 1:2]).astype(jnp.int32)
        fscr_ref[:, p:p + 1] = qsel + (b * NPOS + p) * N
    for k in range(NPOS):
        fidxt_ref[pl.ds(k * NPOS, NPOS)] = jnp.reshape(
            fscr_ref[k:k + 1, :], (NPOS,))


def _stage1(qf, tf, tl3, qlr, tabt_hi, tabt_lo):
    return pl.pallas_call(
        _stage1_body,
        grid=(B,),
        in_specs=[
            pl.BlockSpec((1, NPOS, D), lambda b: (b, 0, 0)),
            pl.BlockSpec((1, N, D), lambda b: (b, 0, 0)),
            pl.BlockSpec((1, 1, N), lambda b: (b, 0, 0)),
            pl.BlockSpec((1, 1, NPOS), lambda b: (b, 0, 0)),
            pl.BlockSpec((128, N), lambda b: (0, 0)),
            pl.BlockSpec((128, N), lambda b: (0, 0)),
        ],
        out_specs=[
            pl.BlockSpec((NPOS * N,), lambda b: (b,)),
            pl.BlockSpec((NPOS * NPOS,), lambda b: (b,)),
            pl.BlockSpec((1, 1, 128), lambda b: (b, 0, 0)),
        ],
        out_shape=[
            jax.ShapeDtypeStruct((B * NPOS * N,), jnp.float32),
            jax.ShapeDtypeStruct((B * NPOS * NPOS,), jnp.int32),
            jax.ShapeDtypeStruct((B, 1, 128), jnp.float32),
        ],
        scratch_shapes=[pltpu.VMEM((NPOS, NPOS), jnp.int32)],
    )(qf, tf, tl3, qlr, tabt_hi, tabt_lo)


def _sc_gather_body(s_hbm, fidxt_hbm, out_hbm, pv, iv, ov, sem):
    wid = lax.axis_index("s") * 2 + lax.axis_index("c")
    b = wid // 8
    lane = lax.iota(jnp.int32, 16) * NPOS
    for t in range(8):
        p = (wid % 8) * 8 + t
        for cch in range(4):
            pv[t, pl.ds(cch * 16, 16)] = lane + (b * 4096 + cch * 16 * NPOS + p)
    l1 = [pltpu.async_copy(fidxt_hbm.at[pv.at[t]], iv.at[t], sem)
          for t in range(8)]
    for cp in l1:
        cp.wait()
    l2 = [pltpu.async_copy(s_hbm.at[iv.at[t]], ov.at[t, pl.ds(0, NPOS)], sem)
          for t in range(8)]
    for cp in l2:
        cp.wait()
    pltpu.sync_copy(ov, out_hbm.at[pl.ds(wid * 8, 8), :])


@functools.lru_cache(maxsize=1)
def _sc_gather_kernel():
    mesh = plsc.VectorSubcoreMesh(core_axis_name="c", subcore_axis_name="s")
    return pl.kernel(
        _sc_gather_body,
        mesh=mesh,
        out_type=jax.ShapeDtypeStruct((B * NPOS, 128), jnp.float32),
        scratch_types=[
            pltpu.VMEM((8, NPOS), jnp.int32),
            pltpu.VMEM((8, NPOS), jnp.int32),
            pltpu.VMEM((8, 128), jnp.float32),
            pltpu.SemaphoreType.DMA,
        ],
    )


def _stage2_body(lr_ref, ok_ref, loss_ref, out_ref):
    kk = lax.broadcasted_iota(jnp.int32, (NPOS, NPOS), 1)
    pp = lax.broadcasted_iota(jnp.int32, (NPOS, NPOS), 0)
    total = jnp.float32(0.0)
    for b in range(B):
        lr = lr_ref[b * NPOS:(b + 1) * NPOS, 0:NPOS]
        okv = ok_ref[b]
        oks = jnp.max(okv)
        pred = okv[:, 0:NPOS] > 0.5
        gated = jnp.where(pred, lr * jnp.float32(1.0 / TEMP), jnp.float32(0.0))
        out_ref[b] = gated
        rmax = jnp.max(gated, axis=1, keepdims=True)
        e = jnp.exp(gated - rmax)
        lse = jnp.log(jnp.sum(e, axis=1, keepdims=True)) + rmax
        picked = jnp.sum(jnp.where(kk == pp, gated, 0.0), axis=1, keepdims=True)
        ce = jnp.sum(lse - picked) * jnp.float32(1.0 / NPOS)
        total = total + jnp.where(oks > 0.5, ce, jnp.float32(0.0))
    loss_ref[...] = jnp.full((1, 128), total, jnp.float32)


def _stage2(lraw, okf):
    return pl.pallas_call(
        _stage2_body,
        out_shape=[
            jax.ShapeDtypeStruct((1, 128), jnp.float32),
            jax.ShapeDtypeStruct((B, NPOS, NPOS), jnp.float32),
        ],
    )(lraw, okf)


def kernel(q_seed_features, q_seed_labels, t_seed_features, t_seed_labels,
           enc_inds_q, enc_inds_t, cl_loss_label, pc_q, pc_t):
    ql64 = q_seed_labels[:, :NPOS].astype(jnp.int32)
    tl = t_seed_labels.astype(jnp.int32)
    tl3 = tl.reshape(B, 1, N)
    qlr = ql64.reshape(B, 1, NPOS)
    tabt_hi = jnp.asarray(_COMBT_HI)
    tabt_lo = jnp.asarray(_COMBT_LO)

    s, fidxt, okf = _stage1(q_seed_features, t_seed_features, tl3, qlr,
                            tabt_hi, tabt_lo)

    lraw = _sc_gather_kernel()(s, fidxt)

    loss_v, out = _stage2(lraw, okf)
    return loss_v[0, 0], out

# --- scband reference (transcript-rebuilt; emitter-appended) ---
"""Pipeline reference for scband-point-contrastive-loss-30434138259690 (READ-ONLY COPY).

The authoritative reference and input builder live on the scoring server;
editing this copy changes nothing except your own understanding.
"""

import jax, jax.numpy as jnp
import numpy as np

B, N, D = 4, 1024, 128
NPOS = 64
TEMP = 0.07
NLAB = 100


def _cross_entropy(logits, labels):
    lse = jax.scipy.special.logsumexp(logits, axis=1)
    picked = logits[jnp.arange(logits.shape[0]), labels]
    return jnp.mean(lse - picked)


def _build_indices(ql, tl):
    # Deterministic replication of the torch sampling loop (evaluation=True semantics:
    # np.random.seed(0) before each row's choices). Returns gather index maps.
    q_idx = np.zeros(NPOS, dtype=np.int64)
    t_idx = np.zeros((NPOS, NPOS), dtype=np.int64)
    j = 0
    for p in range(NPOS):
        curr = ql[j]
        pos = np.nonzero(tl == curr)[0]
        neg = np.nonzero(tl != curr)[0]
        if len(pos) == 0 or len(neg) == 0:
            return None, None, False
        np.random.seed(0)
        rand_pos = np.random.choice(pos, 1)[0]
        rand_neg = np.random.choice(neg, NPOS - 1, replace=len(neg) < NPOS - 1)
        q_idx[p] = j
        t_idx[p, p] = rand_pos
        t_idx[p, :p] = rand_neg[:p]
        t_idx[p, p + 1:] = rand_neg[p:]
        j += 1
        if j == len(ql):
            j = 0
    return q_idx, t_idx, True


# Since pos and neg partition the N targets, the numpy draws after np.random.seed(0)
# depend only on m = len(pos). Precompute, for every possible m, the index drawn into
# the sorted pos list and the NPOS-1 indices drawn into the sorted neg list. These
# tables derive solely from static constants (numpy seed 0, N, NPOS), never from the
# seeded input draws. np.random.choice on an array indexes it by exactly these draws,
# so RNG stream consumption matches _build_indices bit-for-bit.
_RP_TABLE = np.zeros(N, dtype=np.int64)
_RN_TABLE = np.zeros((N, NPOS - 1), dtype=np.int64)
for _m in range(1, N):
    np.random.seed(0)
    _RP_TABLE[_m] = np.random.choice(_m, 1)[0]
    _k = N - _m
    _RN_TABLE[_m] = np.random.choice(_k, NPOS - 1, replace=_k < NPOS - 1)


def setup_inputs(seed: int = 0) -> dict:
    key = jax.random.key(seed)
    k1, k2, k3, k4, k5, k6, k7, k8 = jax.random.split(key, 8)
    return {
        'q_seed_features': jax.random.normal(k1, (B, N, D), dtype=jnp.float32),
        'q_seed_labels': jax.random.randint(k2, (B, N), 0, NLAB),
        't_seed_features': jax.random.normal(k3, (B, N, D), dtype=jnp.float32),
        't_seed_labels': jax.random.randint(k4, (B, N), 0, NLAB),
        'enc_inds_q': jax.random.randint(k5, (B, N), 0, N),
        'enc_inds_t': jax.random.randint(k6, (B, N), 0, N),
        'cl_loss_label': jnp.arange(NPOS),
        'pc_q': jax.random.normal(k7, (B, 2048, 3), dtype=jnp.float32),
        'pc_t': jax.random.normal(k8, (B, 2048, 3), dtype=jnp.float32),
    }


def reference(q_seed_features, q_seed_labels, t_seed_features, t_seed_labels,
              enc_inds_q, enc_inds_t, cl_loss_label, pc_q, pc_t):
    labels = jnp.asarray(cl_loss_label)
    rp_tab = jnp.asarray(_RP_TABLE)
    rn_tab = jnp.asarray(_RN_TABLE)
    loss = jnp.float32(0.0)
    batch_logits = []
    for i in range(q_seed_features.shape[0]):
        qf = q_seed_features[i]
        tf = t_seed_features[i]
        qf = qf / jnp.clip(jnp.linalg.norm(qf, axis=1, keepdims=True), 1e-12)
        tf = tf / jnp.clip(jnp.linalg.norm(tf, axis=1, keepdims=True), 1e-12)
        ql = q_seed_labels[i]
        tl = t_seed_labels[i]
        # j cycles 0..len(ql)-1 and len(ql) = N > NPOS statically, so j == p.
        ok = jnp.bool_(True)
        rows = []
        for p in range(NPOS):
            curr = ql[p]
            mask = tl == curr
            m = jnp.sum(mask)
            ok = ok & (m >= 1) & (m <= N - 1)
            mc = jnp.clip(m, 1, N - 1)
            # Stable argsort puts mask-True (pos) indices first in increasing order,
            # matching np.nonzero ordering; likewise for neg.
            pos_sorted = jnp.argsort(~mask)
            neg_sorted = jnp.argsort(mask)
            rand_pos = pos_sorted[rp_tab[mc]]
            rand_neg = neg_sorted[rn_tab[mc]]
            rows.append(jnp.concatenate([rand_neg[:p], rand_pos[None], rand_neg[p:]]))
        t_idx = jnp.stack(rows, axis=0)
        qs = jnp.take(qf, jnp.arange(NPOS), axis=0)              # [NPOS, D] gather
        ts = jnp.take(tf, t_idx.reshape(-1), axis=0).reshape(NPOS, NPOS, D)  # gather
        logits = jnp.einsum('pd,pqd->pq', qs, ts)
        out = jnp.where(ok, logits / TEMP, jnp.zeros_like(logits))
        batch_logits.append(out)
        loss = loss + jnp.where(ok, _cross_entropy(out, labels), jnp.float32(0.0))
    return loss, jnp.stack(batch_logits, axis=0)

if __name__ == "__main__":
    import jax
    _d = setup_inputs()
    print(jax.jit(kernel)(*tuple(_d.values())))

</pallas_src>

<mosaic_0001>
#map = affine_map<(d0, d1) -> (0)>
#map1 = affine_map<(d0, d1) -> (0, 0)>
module attributes {stable_mosaic.version = 14 : i64} {
  func.func @_sc_gather_body(%arg0: i32, %arg1: i32, %arg2: memref<262144xf32, #tpu.memory_space<hbm>>, %arg3: memref<16384xi32, #tpu.memory_space<hbm>>, %arg4: memref<256x128xf32, #tpu.memory_space<hbm>>, %arg5: memref<8x64xi32, #tpu.memory_space<vmem>>, %arg6: memref<8x64xi32, #tpu.memory_space<vmem>>, %arg7: memref<8x128xf32, #tpu.memory_space<vmem>>, %arg8: memref<!tpu.dma_semaphore, #tpu.memory_space<semaphore_mem>>) attributes {dimension_semantics = [#tpu.dimension_semantics<core_parallel>, #tpu.dimension_semantics<subcore_parallel>], iteration_bounds = array<i64: 2, 16>, scalar_prefetch = 0 : i64, scratch_operands = 4 : i64, tpu.core_type = #tpu.core_type<sc_vector_subcore>, window_params = [{transform_indices = #map}, {transform_indices = #map}, {transform_indices = #map1}]} {
    %mul3A = arith.constant 2 : i32
    %mul3A_0 = arith.muli %arg1, %mul3A : i32
    %add3A = arith.addi %mul3A_0, %arg0 : i32
    %jit3A = arith.constant 8 : i32
    %div3A = arith.divsi %add3A, %jit3A : i32
    %sign3A = arith.constant 0 : i32
    %sign3A_1 = arith.cmpi sgt, %add3A, %sign3A : i32
    %sign3A_2 = arith.extui %sign3A_1 : i1 to i32
    %sign3A_3 = arith.constant 0 : i32
    %sign3A_4 = arith.cmpi slt, %add3A, %sign3A_3 : i32
    %sign3A_5 = arith.extui %sign3A_4 : i1 to i32
    %sign3A_6 = arith.subi %sign3A_2, %sign3A_5 : i32
    %sign3A_7 = arith.constant 0 : i32
    %sign3A_8 = arith.cmpi sgt, %jit3A, %sign3A_7 : i32
    %sign3A_9 = arith.extui %sign3A_8 : i1 to i32
    %sign3A_10 = arith.constant 0 : i32
    %sign3A_11 = arith.cmpi slt, %jit3A, %sign3A_10 : i32
    %sign3A_12 = arith.extui %sign3A_11 : i1 to i32
    %sign3A_13 = arith.subi %sign3A_9, %sign3A_12 : i32
    %ne3A = arith.cmpi ne, %sign3A_6, %sign3A_13 : i32
    %rem3A = arith.remsi %add3A, %jit3A : i32
    %ne3A_14 = arith.constant 0 : i32
    %ne3A_15 = arith.cmpi ne, %rem3A, %ne3A_14 : i32
    %and3A = arith.andi %ne3A, %ne3A_15 : i1
    %sub3A = arith.constant 1 : i32
    %sub3A_16 = arith.subi %div3A, %sub3A : i32
    %select_n3A = arith.select %and3A, %sub3A_16, %div3A : i32
    %iota3A = tpu.iota {dimensions = array<i32: 0>} : vector<16xi32>
    %mul3A_17 = arith.constant 64 : i32
    %mul3A_18 = vector.broadcast %mul3A_17 : i32 to vector<16xi32>
    %mul3A_19 = arith.muli %iota3A, %mul3A_18 : vector<16xi32>
    %jit3A_20 = arith.constant 8 : i32
    %eq3A = arith.constant 0 : i32
    %eq3A_21 = arith.cmpi eq, %jit3A_20, %eq3A : i32
    %jit3A_22 = arith.constant 1 : i32
    %select_n3A_23 = arith.select %eq3A_21, %jit3A_22, %jit3A_20 : i32
    %rem3A_24 = arith.remsi %add3A, %select_n3A_23 : i32
    %ne3A_25 = arith.constant 0 : i32
    %ne3A_26 = arith.cmpi ne, %rem3A_24, %ne3A_25 : i32
    %lt3A = arith.constant 0 : i32
    %lt3A_27 = arith.cmpi slt, %rem3A_24, %lt3A : i32
    %lt3A_28 = arith.constant 0 : i32
    %lt3A_29 = arith.cmpi slt, %select_n3A_23, %lt3A_28 : i32
    %ne3A_30 = arith.xori %lt3A_27, %lt3A_29 : i1
    %and3A_31 = arith.andi %ne3A_30, %ne3A_26 : i1
    %add3A_32 = arith.addi %rem3A_24, %select_n3A_23 : i32
    %select_n3A_33 = arith.select %and3A_31, %add3A_32, %rem3A_24 : i32
    %mul3A_34 = arith.constant 8 : i32
    %mul3A_35 = arith.muli %select_n3A_33, %mul3A_34 : i32
    %add3A_36 = arith.constant 0 : i32
    %add3A_37 = arith.addi %mul3A_35, %add3A_36 : i32
    %mul3A_38 = arith.constant 4096 : i32
    %mul3A_39 = arith.muli %select_n3A, %mul3A_38 : i32
    %add3A_40 = arith.constant 0 : i32
    %add3A_41 = arith.addi %mul3A_39, %add3A_40 : i32
    %add3A_42 = arith.addi %add3A_41, %add3A_37 : i32
    %add3A_43 = vector.broadcast %add3A_42 : i32 to vector<16xi32>
    %add3A_44 = arith.addi %mul3A_19, %add3A_43 : vector<16xi32>
    %swap3A = arith.constant 0 : i32
    %swap3A_45 = arith.index_cast %swap3A : i32 to index
    %swap3A_46 = arith.constant 0 : index
    %swap3A_47 = tpu.vector_load %arg5[%swap3A_45, %swap3A_46] {strides = array<i32>} : memref<8x64xi32, #tpu.memory_space<vmem>>, vector<1x16xi32>,
    %swap3A_48 = vector.shape_cast %swap3A_47 : vector<1x16xi32> to vector<16xi32>
    %swap3A_49 = vector.shape_cast %add3A_44 : vector<16xi32> to vector<1x16xi32>
    tpu.vector_store %arg5[%swap3A_45, %swap3A_46], %swap3A_49 {strides = array<i32>} : memref<8x64xi32, #tpu.memory_space<vmem>>, vector<1x16xi32>,
    %mul3A_50 = arith.constant 4096 : i32
    %mul3A_51 = arith.muli %select_n3A, %mul3A_50 : i32
    %add3A_52 = arith.constant 1024 : i32
    %add3A_53 = arith.addi %mul3A_51, %add3A_52 : i32
    %add3A_54 = arith.addi %add3A_53, %add3A_37 : i32
    %add3A_55 = vector.broadcast %add3A_54 : i32 to vector<16xi32>
    %add3A_56 = arith.addi %mul3A_19, %add3A_55 : vector<16xi32>
    %swap3A_57 = arith.constant 0 : i32
    %swap3A_58 = arith.index_cast %swap3A_57 : i32 to index
    %swap3A_59 = arith.constant 16 : index
    %swap3A_60 = tpu.vector_load %arg5[%swap3A_58, %swap3A_59] {strides = array<i32>} : memref<8x64xi32, #tpu.memory_space<vmem>>, vector<1x16xi32>,
    %swap3A_61 = vector.shape_cast %swap3A_60 : vector<1x16xi32> to vector<16xi32>
    %swap3A_62 = vector.shape_cast %add3A_56 : vector<16xi32> to vector<1x16xi32>
    tpu.vector_store %arg5[%swap3A_58, %swap3A_59], %swap3A_62 {strides = array<i32>} : memref<8x64xi32, #tpu.memory_space<vmem>>, vector<1x16xi32>,
    %mul3A_63 = arith.constant 4096 : i32
    %mul3A_64 = arith.muli %select_n3A, %mul3A_63 : i32
    %add3A_65 = arith.constant 2048 : i32
    %add3A_66 = arith.addi %mul3A_64, %add3A_65 : i32
    %add3A_67 = arith.addi %add3A_66, %add3A_37 : i32
    %add3A_68 = vector.broadcast %add3A_67 : i32 to vector<16xi32>
    %add3A_69 = arith.addi %mul3A_19, %add3A_68 : vector<16xi32>
    %swap3A_70 = arith.constant 0 : i32
    %swap3A_71 = arith.index_cast %swap3A_70 : i32 to index
    %swap3A_72 = arith.constant 32 : index
    %swap3A_73 = tpu.vector_load %arg5[%swap3A_71, %swap3A_72] {strides = array<i32>} : memref<8x64xi32, #tpu.memory_space<vmem>>, vector<1x16xi32>,
    %swap3A_74 = vector.shape_cast %swap3A_73 : vector<1x16xi32> to vector<16xi32>
    %swap3A_75 = vector.shape_cast %add3A_69 : vector<16xi32> to vector<1x16xi32>
    tpu.vector_store %arg5[%swap3A_71, %swap3A_72], %swap3A_75 {strides = array<i32>} : memref<8x64xi32, #tpu.memory_space<vmem>>, vector<1x16xi32>,
    %mul3A_76 = arith.constant 4096 : i32
    %mul3A_77 = arith.muli %select_n3A, %mul3A_76 : i32
    %add3A_78 = arith.constant 3072 : i32
    %add3A_79 = arith.addi %mul3A_77, %add3A_78 : i32
    %add3A_80 = arith.addi %add3A_79, %add3A_37 : i32
    %add3A_81 = vector.broadcast %add3A_80 : i32 to vector<16xi32>
    %add3A_82 = arith.addi %mul3A_19, %add3A_81 : vector<16xi32>
    %swap3A_83 = arith.constant 0 : i32
    %swap3A_84 = arith.index_cast %swap3A_83 : i32 to index
    %swap3A_85 = arith.constant 48 : index
    %swap3A_86 = tpu.vector_load %arg5[%swap3A_84, %swap3A_85] {strides = array<i32>} : memref<8x64xi32, #tpu.memory_space<vmem>>, vector<1x16xi32>,
    %swap3A_87 = vector.shape_cast %swap3A_86 : vector<1x16xi32> to vector<16xi32>
    %swap3A_88 = vector.shape_cast %add3A_82 : vector<16xi32> to vector<1x16xi32>
    tpu.vector_store %arg5[%swap3A_84, %swap3A_85], %swap3A_88 {strides = array<i32>} : memref<8x64xi32, #tpu.memory_space<vmem>>, vector<1x16xi32>,
    %jit3A_89 = arith.constant 8 : i32
    %eq3A_90 = arith.constant 0 : i32
    %eq3A_91 = arith.cmpi eq, %jit3A_89, %eq3A_90 : i32
    %jit3A_92 = arith.constant 1 : i32
    %select_n3A_93 = arith.select %eq3A_91, %jit3A_92, %jit3A_89 : i32
    %rem3A_94 = arith.remsi %add3A, %select_n3A_93 : i32
    %ne3A_95 = arith.constant 0 : i32
    %ne3A_96 = arith.cmpi ne, %rem3A_94, %ne3A_95 : i32
    %lt3A_97 = arith.constant 0 : i32
    %lt3A_98 = arith.cmpi slt, %rem3A_94, %lt3A_97 : i32
    %lt3A_99 = arith.constant 0 : i32
    %lt3A_100 = arith.cmpi slt, %select_n3A_93, %lt3A_99 : i32
    %ne3A_101 = arith.xori %lt3A_98, %lt3A_100 : i1
    %and3A_102 = arith.andi %ne3A_101, %ne3A_96 : i1
    %add3A_103 = arith.addi %rem3A_94, %select_n3A_93 : i32
    %select_n3A_104 = arith.select %and3A_102, %add3A_103, %rem3A_94 : i32
    %mul3A_105 = arith.constant 8 : i32
    %mul3A_106 = arith.muli %select_n3A_104, %mul3A_105 : i32
    %add3A_107 = arith.constant 1 : i32
    %add3A_108 = arith.addi %mul3A_106, %add3A_107 : i32
    %mul3A_109 = arith.constant 4096 : i32
    %mul3A_110 = arith.muli %select_n3A, %mul3A_109 : i32
    %add3A_111 = arith.constant 0 : i32
    %add3A_112 = arith.addi %mul3A_110, %add3A_111 : i32
    %add3A_113 = arith.addi %add3A_112, %add3A_108 : i32
    %add3A_114 = vector.broadcast %add3A_113 : i32 to vector<16xi32>
    %add3A_115 = arith.addi %mul3A_19, %add3A_114 : vector<16xi32>
    %swap3A_116 = arith.constant 1 : i32
    %swap3A_117 = arith.index_cast %swap3A_116 : i32 to index
    %swap3A_118 = arith.constant 0 : index
    %swap3A_119 = tpu.vector_load %arg5[%swap3A_117, %swap3A_118] {strides = array<i32>} : memref<8x64xi32, #tpu.memory_space<vmem>>, vector<1x16xi32>,
    %swap3A_120 = vector.shape_cast %swap3A_119 : vector<1x16xi32> to vector<16xi32>
    %swap3A_121 = vector.shape_cast %add3A_115 : vector<16xi32> to vector<1x16xi32>
    tpu.vector_store %arg5[%swap3A_117, %swap3A_118], %swap3A_121 {strides = array<i32>} : memref<8x64xi32, #tpu.memory_space<vmem>>, vector<1x16xi32>,
    %mul3A_122 = arith.constant 4096 : i32
    %mul3A_123 = arith.muli %select_n3A, %mul3A_122 : i32
    %add3A_124 = arith.constant 1024 : i32
    %add3A_125 = arith.addi %mul3A_123, %add3A_124 : i32
    %add3A_126 = arith.addi %add3A_125, %add3A_108 : i32
    %add3A_127 = vector.broadcast %add3A_126 : i32 to vector<16xi32>
    %add3A_128 = arith.addi %mul3A_19, %add3A_127 : vector<16xi32>
    %swap3A_129 = arith.constant 1 : i32
    %swap3A_130 = arith.index_cast %swap3A_129 : i32 to index
    %swap3A_131 = arith.constant 16 : index
    %swap3A_132 = tpu.vector_load %arg5[%swap3A_130, %swap3A_131] {strides = array<i32>} : memref<8x64xi32, #tpu.memory_space<vmem>>, vector<1x16xi32>,
    %swap3A_133 = vector.shape_cast %swap3A_132 : vector<1x16xi32> to vector<16xi32>
    %swap3A_134 = vector.shape_cast %add3A_128 : vector<16xi32> to vector<1x16xi32>
    tpu.vector_store %arg5[%swap3A_130, %swap3A_131], %swap3A_134 {strides = array<i32>} : memref<8x64xi32, #tpu.memory_space<vmem>>, vector<1x16xi32>,
    %mul3A_135 = arith.constant 4096 : i32
    %mul3A_136 = arith.muli %select_n3A, %mul3A_135 : i32
    %add3A_137 = arith.constant 2048 : i32
    %add3A_138 = arith.addi %mul3A_136, %add3A_137 : i32
    %add3A_139 = arith.addi %add3A_138, %add3A_108 : i32
    %add3A_140 = vector.broadcast %add3A_139 : i32 to vector<16xi32>
    %add3A_141 = arith.addi %mul3A_19, %add3A_140 : vector<16xi32>
    %swap3A_142 = arith.constant 1 : i32
    %swap3A_143 = arith.index_cast %swap3A_142 : i32 to index
    %swap3A_144 = arith.constant 32 : index
    %swap3A_145 = tpu.vector_load %arg5[%swap3A_143, %swap3A_144] {strides = array<i32>} : memref<8x64xi32, #tpu.memory_space<vmem>>, vector<1x16xi32>,
    %swap3A_146 = vector.shape_cast %swap3A_145 : vector<1x16xi32> to vector<16xi32>
    %swap3A_147 = vector.shape_cast %add3A_141 : vector<16xi32> to vector<1x16xi32>
    tpu.vector_store %arg5[%swap3A_143, %swap3A_144], %swap3A_147 {strides = array<i32>} : memref<8x64xi32, #tpu.memory_space<vmem>>, vector<1x16xi32>,
    %mul3A_148 = arith.constant 4096 : i32
    %mul3A_149 = arith.muli %select_n3A, %mul3A_148 : i32
    %add3A_150 = arith.constant 3072 : i32
    %add3A_151 = arith.addi %mul3A_149, %add3A_150 : i32
    %add3A_152 = arith.addi %add3A_151, %add3A_108 : i32
    %add3A_153 = vector.broadcast %add3A_152 : i32 to vector<16xi32>
    %add3A_154 = arith.addi %mul3A_19, %add3A_153 : vector<16xi32>
    %swap3A_155 = arith.constant 1 : i32
    %swap3A_156 = arith.index_cast %swap3A_155 : i32 to index
    %swap3A_157 = arith.constant 48 : index
    %swap3A_158 = tpu.vector_load %arg5[%swap3A_156, %swap3A_157] {strides = array<i32>} : memref<8x64xi32, #tpu.memory_space<vmem>>, vector<1x16xi32>,
    %swap3A_159 = vector.shape_cast %swap3A_158 : vector<1x16xi32> to vector<16xi32>
    %swap3A_160 = vector.shape_cast %add3A_154 : vector<16xi32> to vector<1x16xi32>
    tpu.vector_store %arg5[%swap3A_156, %swap3A_157], %swap3A_160 {strides = array<i32>} : memref<8x64xi32, #tpu.memory_space<vmem>>, vector<1x16xi32>,
    %jit3A_161 = arith.constant 8 : i32
    %eq3A_162 = arith.constant 0 : i32
    %eq3A_163 = arith.cmpi eq, %jit3A_161, %eq3A_162 : i32
    %jit3A_164 = arith.constant 1 : i32
    %select_n3A_165 = arith.select %eq3A_163, %jit3A_164, %jit3A_161 : i32
    %rem3A_166 = arith.remsi %add3A, %select_n3A_165 : i32
    %ne3A_167 = arith.constant 0 : i32
    %ne3A_168 = arith.cmpi ne, %rem3A_166, %ne3A_167 : i32
    %lt3A_169 = arith.constant 0 : i32
    %lt3A_170 = arith.cmpi slt, %rem3A_166, %lt3A_169 : i32
    %lt3A_171 = arith.constant 0 : i32
    %lt3A_172 = arith.cmpi slt, %select_n3A_165, %lt3A_171 : i32
    %ne3A_173 = arith.xori %lt3A_170, %lt3A_172 : i1
    %and3A_174 = arith.andi %ne3A_173, %ne3A_168 : i1
    %add3A_175 = arith.addi %rem3A_166, %select_n3A_165 : i32
    %select_n3A_176 = arith.select %and3A_174, %add3A_175, %rem3A_166 : i32
    %mul3A_177 = arith.constant 8 : i32
    %mul3A_178 = arith.muli %select_n3A_176, %mul3A_177 : i32
    %add3A_179 = arith.constant 2 : i32
    %add3A_180 = arith.addi %mul3A_178, %add3A_179 : i32
    %mul3A_181 = arith.constant 4096 : i32
    %mul3A_182 = arith.muli %select_n3A, %mul3A_181 : i32
    %add3A_183 = arith.constant 0 : i32
    %add3A_184 = arith.addi %mul3A_182, %add3A_183 : i32
    %add3A_185 = arith.addi %add3A_184, %add3A_180 : i32
    %add3A_186 = vector.broadcast %add3A_185 : i32 to vector<16xi32>
    %add3A_187 = arith.addi %mul3A_19, %add3A_186 : vector<16xi32>
    %swap3A_188 = arith.constant 2 : i32
    %swap3A_189 = arith.index_cast %swap3A_188 : i32 to index
    %swap3A_190 = arith.constant 0 : index
    %swap3A_191 = tpu.vector_load %arg5[%swap3A_189, %swap3A_190] {strides = array<i32>} : memref<8x64xi32, #tpu.memory_space<vmem>>, vector<1x16xi32>,
    %swap3A_192 = vector.shape_cast %swap3A_191 : vector<1x16xi32> to vector<16xi32>
    %swap3A_193 = vector.shape_cast %add3A_187 : vector<16xi32> to vector<1x16xi32>
    tpu.vector_store %arg5[%swap3A_189, %swap3A_190], %swap3A_193 {strides = array<i32>} : memref<8x64xi32, #tpu.memory_space<vmem>>, vector<1x16xi32>,
    %mul3A_194 = arith.constant 4096 : i32
    %mul3A_195 = arith.muli %select_n3A, %mul3A_194 : i32
    %add3A_196 = arith.constant 1024 : i32
    %add3A_197 = arith.addi %mul3A_195, %add3A_196 : i32
    %add3A_198 = arith.addi %add3A_197, %add3A_180 : i32
    %add3A_199 = vector.broadcast %add3A_198 : i32 to vector<16xi32>
    %add3A_200 = arith.addi %mul3A_19, %add3A_199 : vector<16xi32>
    %swap3A_201 = arith.constant 2 : i32
    %swap3A_202 = arith.index_cast %swap3A_201 : i32 to index
    %swap3A_203 = arith.constant 16 : index
    %swap3A_204 = tpu.vector_load %arg5[%swap3A_202, %swap3A_203] {strides = array<i32>} : memref<8x64xi32, #tpu.memory_space<vmem>>, vector<1x16xi32>,
    %swap3A_205 = vector.shape_cast %swap3A_204 : vector<1x16xi32> to vector<16xi32>
    %swap3A_206 = vector.shape_cast %add3A_200 : vector<16xi32> to vector<1x16xi32>
    tpu.vector_store %arg5[%swap3A_202, %swap3A_203], %swap3A_206 {strides = array<i32>} : memref<8x64xi32, #tpu.memory_space<vmem>>, vector<1x16xi32>,
    %mul3A_207 = arith.constant 4096 : i32
    %mul3A_208 = arith.muli %select_n3A, %mul3A_207 : i32
    %add3A_209 = arith.constant 2048 : i32
    %add3A_210 = arith.addi %mul3A_208, %add3A_209 : i32
    %add3A_211 = arith.addi %add3A_210, %add3A_180 : i32
    %add3A_212 = vector.broadcast %add3A_211 : i32 to vector<16xi32>
    %add3A_213 = arith.addi %mul3A_19, %add3A_212 : vector<16xi32>
    %swap3A_214 = arith.constant 2 : i32
    %swap3A_215 = arith.index_cast %swap3A_214 : i32 to index
    %swap3A_216 = arith.constant 32 : index
    %swap3A_217 = tpu.vector_load %arg5[%swap3A_215, %swap3A_216] {strides = array<i32>} : memref<8x64xi32, #tpu.memory_space<vmem>>, vector<1x16xi32>,
    %swap3A_218 = vector.shape_cast %swap3A_217 : vector<1x16xi32> to vector<16xi32>
    %swap3A_219 = vector.shape_cast %add3A_213 : vector<16xi32> to vector<1x16xi32>
    tpu.vector_store %arg5[%swap3A_215, %swap3A_216], %swap3A_219 {strides = array<i32>} : memref<8x64xi32, #tpu.memory_space<vmem>>, vector<1x16xi32>,
    %mul3A_220 = arith.constant 4096 : i32
    %mul3A_221 = arith.muli %select_n3A, %mul3A_220 : i32
    %add3A_222 = arith.constant 3072 : i32
    %add3A_223 = arith.addi %mul3A_221, %add3A_222 : i32
    %add3A_224 = arith.addi %add3A_223, %add3A_180 : i32
    %add3A_225 = vector.broadcast %add3A_224 : i32 to vector<16xi32>
    %add3A_226 = arith.addi %mul3A_19, %add3A_225 : vector<16xi32>
    %swap3A_227 = arith.constant 2 : i32
    %swap3A_228 = arith.index_cast %swap3A_227 : i32 to index
    %swap3A_229 = arith.constant 48 : index
    %swap3A_230 = tpu.vector_load %arg5[%swap3A_228, %swap3A_229] {strides = array<i32>} : memref<8x64xi32, #tpu.memory_space<vmem>>, vector<1x16xi32>,
    %swap3A_231 = vector.shape_cast %swap3A_230 : vector<1x16xi32> to vector<16xi32>
    %swap3A_232 = vector.shape_cast %add3A_226 : vector<16xi32> to vector<1x16xi32>
    tpu.vector_store %arg5[%swap3A_228, %swap3A_229], %swap3A_232 {strides = array<i32>} : memref<8x64xi32, #tpu.memory_space<vmem>>, vector<1x16xi32>,
    %jit3A_233 = arith.constant 8 : i32
    %eq3A_234 = arith.constant 0 : i32
    %eq3A_235 = arith.cmpi eq, %jit3A_233, %eq3A_234 : i32
    %jit3A_236 = arith.constant 1 : i32
    %select_n3A_237 = arith.select %eq3A_235, %jit3A_236, %jit3A_233 : i32
    %rem3A_238 = arith.remsi %add3A, %select_n3A_237 : i32
    %ne3A_239 = arith.constant 0 : i32
    %ne3A_240 = arith.cmpi ne, %rem3A_238, %ne3A_239 : i32
    %lt3A_241 = arith.constant 0 : i32
    %lt3A_242 = arith.cmpi slt, %rem3A_238, %lt3A_241 : i32
    %lt3A_243 = arith.constant 0 : i32
    %lt3A_244 = arith.cmpi slt, %select_n3A_237, %lt3A_243 : i32
    %ne3A_245 = arith.xori %lt3A_242, %lt3A_244 : i1
    %and3A_246 = arith.andi %ne3A_245, %ne3A_240 : i1
    %add3A_247 = arith.addi %rem3A_238, %select_n3A_237 : i32
    %select_n3A_248 = arith.select %and3A_246, %add3A_247, %rem3A_238 : i32
    %mul3A_249 = arith.constant 8 : i32
    %mul3A_250 = arith.muli %select_n3A_248, %mul3A_249 : i32
    %add3A_251 = arith.constant 3 : i32
    %add3A_252 = arith.addi %mul3A_250, %add3A_251 : i32
    %mul3A_253 = arith.constant 4096 : i32
    %mul3A_254 = arith.muli %select_n3A, %mul3A_253 : i32
    %add3A_255 = arith.constant 0 : i32
    %add3A_256 = arith.addi %mul3A_254, %add3A_255 : i32
    %add3A_257 = arith.addi %add3A_256, %add3A_252 : i32
    %add3A_258 = vector.broadcast %add3A_257 : i32 to vector<16xi32>
    %add3A_259 = arith.addi %mul3A_19, %add3A_258 : vector<16xi32>
    %swap3A_260 = arith.constant 3 : i32
    %swap3A_261 = arith.index_cast %swap3A_260 : i32 to index
    %swap3A_262 = arith.constant 0 : index
    %swap3A_263 = tpu.vector_load %arg5[%swap3A_261, %swap3A_262] {strides = array<i32>} : memref<8x64xi32, #tpu.memory_space<vmem>>, vector<1x16xi32>,
    %swap3A_264 = vector.shape_cast %swap3A_263 : vector<1x16xi32> to vector<16xi32>
    %swap3A_265 = vector.shape_cast %add3A_259 : vector<16xi32> to vector<1x16xi32>
    tpu.vector_store %arg5[%swap3A_261, %swap3A_262], %swap3A_265 {strides = array<i32>} : memref<8x64xi32, #tpu.memory_space<vmem>>, vector<1x16xi32>,
    %mul3A_266 = arith.constant 4096 : i32
    %mul3A_267 = arith.muli %select_n3A, %mul3A_266 : i32
    %add3A_268 = arith.constant 1024 : i32
    %add3A_269 = arith.addi %mul3A_267, %add3A_268 : i32
    %add3A_270 = arith.addi %add3A_269, %add3A_252 : i32
    %add3A_271 = vector.broadcast %add3A_270 : i32 to vector<16xi32>
    %add3A_272 = arith.addi %mul3A_19, %add3A_271 : vector<16xi32>
    %swap3A_273 = arith.constant 3 : i32
    %swap3A_274 = arith.index_cast %swap3A_273 : i32 to index
    %swap3A_275 = arith.constant 16 : index
    %swap3A_276 = tpu.vector_load %arg5[%swap3A_274, %swap3A_275] {strides = array<i32>} : memref<8x64xi32, #tpu.memory_space<vmem>>, vector<1x16xi32>,
    %swap3A_277 = vector.shape_cast %swap3A_276 : vector<1x16xi32> to vector<16xi32>
    %swap3A_278 = vector.shape_cast %add3A_272 : vector<16xi32> to vector<1x16xi32>
    tpu.vector_store %arg5[%swap3A_274, %swap3A_275], %swap3A_278 {strides = array<i32>} : memref<8x64xi32, #tpu.memory_space<vmem>>, vector<1x16xi32>,
    %mul3A_279 = arith.constant 4096 : i32
    %mul3A_280 = arith.muli %select_n3A, %mul3A_279 : i32
    %add3A_281 = arith.constant 2048 : i32
    %add3A_282 = arith.addi %mul3A_280, %add3A_281 : i32
    %add3A_283 = arith.addi %add3A_282, %add3A_252 : i32
    %add3A_284 = vector.broadcast %add3A_283 : i32 to vector<16xi32>
    %add3A_285 = arith.addi %mul3A_19, %add3A_284 : vector<16xi32>
    %swap3A_286 = arith.constant 3 : i32
    %swap3A_287 = arith.index_cast %swap3A_286 : i32 to index
    %swap3A_288 = arith.constant 32 : index
    %swap3A_289 = tpu.vector_load %arg5[%swap3A_287, %swap3A_288] {strides = array<i32>} : memref<8x64xi32, #tpu.memory_space<vmem>>, vector<1x16xi32>,
    %swap3A_290 = vector.shape_cast %swap3A_289 : vector<1x16xi32> to vector<16xi32>
    %swap3A_291 = vector.shape_cast %add3A_285 : vector<16xi32> to vector<1x16xi32>
    tpu.vector_store %arg5[%swap3A_287, %swap3A_288], %swap3A_291 {strides = array<i32>} : memref<8x64xi32, #tpu.memory_space<vmem>>, vector<1x16xi32>,
    %mul3A_292 = arith.constant 4096 : i32
    %mul3A_293 = arith.muli %select_n3A, %mul3A_292 : i32
    %add3A_294 = arith.constant 3072 : i32
    %add3A_295 = arith.addi %mul3A_293, %add3A_294 : i32
    %add3A_296 = arith.addi %add3A_295, %add3A_252 : i32
    %add3A_297 = vector.broadcast %add3A_296 : i32 to vector<16xi32>
    %add3A_298 = arith.addi %mul3A_19, %add3A_297 : vector<16xi32>
    %swap3A_299 = arith.constant 3 : i32
    %swap3A_300 = arith.index_cast %swap3A_299 : i32 to index
    %swap3A_301 = arith.constant 48 : index
    %swap3A_302 = tpu.vector_load %arg5[%swap3A_300, %swap3A_301] {strides = array<i32>} : memref<8x64xi32, #tpu.memory_space<vmem>>, vector<1x16xi32>,
    %swap3A_303 = vector.shape_cast %swap3A_302 : vector<1x16xi32> to vector<16xi32>
    %swap3A_304 = vector.shape_cast %add3A_298 : vector<16xi32> to vector<1x16xi32>
    tpu.vector_store %arg5[%swap3A_300, %swap3A_301], %swap3A_304 {strides = array<i32>} : memref<8x64xi32, #tpu.memory_space<vmem>>, vector<1x16xi32>,
    %jit3A_305 = arith.constant 8 : i32
    %eq3A_306 = arith.constant 0 : i32
    %eq3A_307 = arith.cmpi eq, %jit3A_305, %eq3A_306 : i32
    %jit3A_308 = arith.constant 1 : i32
    %select_n3A_309 = arith.select %eq3A_307, %jit3A_308, %jit3A_305 : i32
    %rem3A_310 = arith.remsi %add3A, %select_n3A_309 : i32
    %ne3A_311 = arith.constant 0 : i32
    %ne3A_312 = arith.cmpi ne, %rem3A_310, %ne3A_311 : i32
    %lt3A_313 = arith.constant 0 : i32
    %lt3A_314 = arith.cmpi slt, %rem3A_310, %lt3A_313 : i32
    %lt3A_315 = arith.constant 0 : i32
    %lt3A_316 = arith.cmpi slt, %select_n3A_309, %lt3A_315 : i32
    %ne3A_317 = arith.xori %lt3A_314, %lt3A_316 : i1
    %and3A_318 = arith.andi %ne3A_317, %ne3A_312 : i1
    %add3A_319 = arith.addi %rem3A_310, %select_n3A_309 : i32
    %select_n3A_320 = arith.select %and3A_318, %add3A_319, %rem3A_310 : i32
    %mul3A_321 = arith.constant 8 : i32
    %mul3A_322 = arith.muli %select_n3A_320, %mul3A_321 : i32
    %add3A_323 = arith.constant 4 : i32
    %add3A_324 = arith.addi %mul3A_322, %add3A_323 : i32
    %mul3A_325 = arith.constant 4096 : i32
    %mul3A_326 = arith.muli %select_n3A, %mul3A_325 : i32
    %add3A_327 = arith.constant 0 : i32
    %add3A_328 = arith.addi %mul3A_326, %add3A_327 : i32
    %add3A_329 = arith.addi %add3A_328, %add3A_324 : i32
    %add3A_330 = vector.broadcast %add3A_329 : i32 to vector<16xi32>
    %add3A_331 = arith.addi %mul3A_19, %add3A_330 : vector<16xi32>
    %swap3A_332 = arith.constant 4 : i32
    %swap3A_333 = arith.index_cast %swap3A_332 : i32 to index
    %swap3A_334 = arith.constant 0 : index
    %swap3A_335 = tpu.vector_load %arg5[%swap3A_333, %swap3A_334] {strides = array<i32>} : memref<8x64xi32, #tpu.memory_space<vmem>>, vector<1x16xi32>,
    %swap3A_336 = vector.shape_cast %swap3A_335 : vector<1x16xi32> to vector<16xi32>
    %swap3A_337 = vector.shape_cast %add3A_331 : vector<16xi32> to vector<1x16xi32>
    tpu.vector_store %arg5[%swap3A_333, %swap3A_334], %swap3A_337 {strides = array<i32>} : memref<8x64xi32, #tpu.memory_space<vmem>>, vector<1x16xi32>,
    %mul3A_338 = arith.constant 4096 : i32
    %mul3A_339 = arith.muli %select_n3A, %mul3A_338 : i32
    %add3A_340 = arith.constant 1024 : i32
    %add3A_341 = arith.addi %mul3A_339, %add3A_340 : i32
    %add3A_342 = arith.addi %add3A_341, %add3A_324 : i32
    %add3A_343 = vector.broadcast %add3A_342 : i32 to vector<16xi32>
    %add3A_344 = arith.addi %mul3A_19, %add3A_343 : vector<16xi32>
    %swap3A_345 = arith.constant 4 : i32
    %swap3A_346 = arith.index_cast %swap3A_345 : i32 to index
    %swap3A_347 = arith.constant 16 : index
    %swap3A_348 = tpu.vector_load %arg5[%swap3A_346, %swap3A_347] {strides = array<i32>} : memref<8x64xi32, #tpu.memory_space<vmem>>, vector<1x16xi32>,
    %swap3A_349 = vector.shape_cast %swap3A_348 : vector<1x16xi32> to vector<16xi32>
    %swap3A_350 = vector.shape_cast %add3A_344 : vector<16xi32> to vector<1x16xi32>
    tpu.vector_store %arg5[%swap3A_346, %swap3A_347], %swap3A_350 {strides = array<i32>} : memref<8x64xi32, #tpu.memory_space<vmem>>, vector<1x16xi32>,
    %mul3A_351 = arith.constant 4096 : i32
    %mul3A_352 = arith.muli %select_n3A, %mul3A_351 : i32
    %add3A_353 = arith.constant 2048 : i32
    %add3A_354 = arith.addi %mul3A_352, %add3A_353 : i32
    %add3A_355 = arith.addi %add3A_354, %add3A_324 : i32
    %add3A_356 = vector.broadcast %add3A_355 : i32 to vector<16xi32>
    %add3A_357 = arith.addi %mul3A_19, %add3A_356 : vector<16xi32>
    %swap3A_358 = arith.constant 4 : i32
    %swap3A_359 = arith.index_cast %swap3A_358 : i32 to index
    %swap3A_360 = arith.constant 32 : index
    %swap3A_361 = tpu.vector_load %arg5[%swap3A_359, %swap3A_360] {strides = array<i32>} : memref<8x64xi32, #tpu.memory_space<vmem>>, vector<1x16xi32>,
    %swap3A_362 = vector.shape_cast %swap3A_361 : vector<1x16xi32> to vector<16xi32>
    %swap3A_363 = vector.shape_cast %add3A_357 : vector<16xi32> to vector<1x16xi32>
    tpu.vector_store %arg5[%swap3A_359, %swap3A_360], %swap3A_363 {strides = array<i32>} : memref<8x64xi32, #tpu.memory_space<vmem>>, vector<1x16xi32>,
    %mul3A_364 = arith.constant 4096 : i32
    %mul3A_365 = arith.muli %select_n3A, %mul3A_364 : i32
    %add3A_366 = arith.constant 3072 : i32
    %add3A_367 = arith.addi %mul3A_365, %add3A_366 : i32
    %add3A_368 = arith.addi %add3A_367, %add3A_324 : i32
    %add3A_369 = vector.broadcast %add3A_368 : i32 to vector<16xi32>
    %add3A_370 = arith.addi %mul3A_19, %add3A_369 : vector<16xi32>
    %swap3A_371 = arith.constant 4 : i32
    %swap3A_372 = arith.index_cast %swap3A_371 : i32 to index
    %swap3A_373 = arith.constant 48 : index
    %swap3A_374 = tpu.vector_load %arg5[%swap3A_372, %swap3A_373] {strides = array<i32>} : memref<8x64xi32, #tpu.memory_space<vmem>>, vector<1x16xi32>,
    %swap3A_375 = vector.shape_cast %swap3A_374 : vector<1x16xi32> to vector<16xi32>
    %swap3A_376 = vector.shape_cast %add3A_370 : vector<16xi32> to vector<1x16xi32>
    tpu.vector_store %arg5[%swap3A_372, %swap3A_373], %swap3A_376 {strides = array<i32>} : memref<8x64xi32, #tpu.memory_space<vmem>>, vector<1x16xi32>,
    %jit3A_377 = arith.constant 8 : i32
    %eq3A_378 = arith.constant 0 : i32
    %eq3A_379 = arith.cmpi eq, %jit3A_377, %eq3A_378 : i32
    %jit3A_380 = arith.constant 1 : i32
    %select_n3A_381 = arith.select %eq3A_379, %jit3A_380, %jit3A_377 : i32
    %rem3A_382 = arith.remsi %add3A, %select_n3A_381 : i32
    %ne3A_383 = arith.constant 0 : i32
    %ne3A_384 = arith.cmpi ne, %rem3A_382, %ne3A_383 : i32
    %lt3A_385 = arith.constant 0 : i32
    %lt3A_386 = arith.cmpi slt, %rem3A_382, %lt3A_385 : i32
    %lt3A_387 = arith.constant 0 : i32
    %lt3A_388 = arith.cmpi slt, %select_n3A_381, %lt3A_387 : i32
    %ne3A_389 = arith.xori %lt3A_386, %lt3A_388 : i1
    %and3A_390 = arith.andi %ne3A_389, %ne3A_384 : i1
    %add3A_391 = arith.addi %rem3A_382, %select_n3A_381 : i32
    %select_n3A_392 = arith.select %and3A_390, %add3A_391, %rem3A_382 : i32
    %mul3A_393 = arith.constant 8 : i32
    %mul3A_394 = arith.muli %select_n3A_392, %mul3A_393 : i32
    %add3A_395 = arith.constant 5 : i32
    %add3A_396 = arith.addi %mul3A_394, %add3A_395 : i32
    %mul3A_397 = arith.constant 4096 : i32
    %mul3A_398 = arith.muli %select_n3A, %mul3A_397 : i32
    %add3A_399 = arith.constant 0 : i32
    %add3A_400 = arith.addi %mul3A_398, %add3A_399 : i32
    %add3A_401 = arith.addi %add3A_400, %add3A_396 : i32
    %add3A_402 = vector.broadcast %add3A_401 : i32 to vector<16xi32>
    %add3A_403 = arith.addi %mul3A_19, %add3A_402 : vector<16xi32>
    %swap3A_404 = arith.constant 5 : i32
    %swap3A_405 = arith.index_cast %swap3A_404 : i32 to index
    %swap3A_406 = arith.constant 0 : index
    %swap3A_407 = tpu.vector_load %arg5[%swap3A_405, %swap3A_406] {strides = array<i32>} : memref<8x64xi32, #tpu.memory_space<vmem>>, vector<1x16xi32>,
    %swap3A_408 = vector.shape_cast %swap3A_407 : vector<1x16xi32> to vector<16xi32>
    %swap3A_409 = vector.shape_cast %add3A_403 : vector<16xi32> to vector<1x16xi32>
    tpu.vector_store %arg5[%swap3A_405, %swap3A_406], %swap3A_409 {strides = array<i32>} : memref<8x64xi32, #tpu.memory_space<vmem>>, vector<1x16xi32>,
    %mul3A_410 = arith.constant 4096 : i32
    %mul3A_411 = arith.muli %select_n3A, %mul3A_410 : i32
    %add3A_412 = arith.constant 1024 : i32
    %add3A_413 = arith.addi %mul3A_411, %add3A_412 : i32
    %add3A_414 = arith.addi %add3A_413, %add3A_396 : i32
    %add3A_415 = vector.broadcast %add3A_414 : i32 to vector<16xi32>
    %add3A_416 = arith.addi %mul3A_19, %add3A_415 : vector<16xi32>
    %swap3A_417 = arith.constant 5 : i32
    %swap3A_418 = arith.index_cast %swap3A_417 : i32 to index
    %swap3A_419 = arith.constant 16 : index
    %swap3A_420 = tpu.vector_load %arg5[%swap3A_418, %swap3A_419] {strides = array<i32>} : memref<8x64xi32, #tpu.memory_space<vmem>>, vector<1x16xi32>,
    %swap3A_421 = vector.shape_cast %swap3A_420 : vector<1x16xi32> to vector<16xi32>
    %swap3A_422 = vector.shape_cast %add3A_416 : vector<16xi32> to vector<1x16xi32>
    tpu.vector_store %arg5[%swap3A_418, %swap3A_419], %swap3A_422 {strides = array<i32>} : memref<8x64xi32, #tpu.memory_space<vmem>>, vector<1x16xi32>,
    %mul3A_423 = arith.constant 4096 : i32
    %mul3A_424 = arith.muli %select_n3A, %mul3A_423 : i32
    %add3A_425 = arith.constant 2048 : i32
    %add3A_426 = arith.addi %mul3A_424, %add3A_425 : i32
    %add3A_427 = arith.addi %add3A_426, %add3A_396 : i32
    %add3A_428 = vector.broadcast %add3A_427 : i32 to vector<16xi32>
    %add3A_429 = arith.addi %mul3A_19, %add3A_428 : vector<16xi32>
    %swap3A_430 = arith.constant 5 : i32
    %swap3A_431 = arith.index_cast %swap3A_430 : i32 to index
    %swap3A_432 = arith.constant 32 : index
    %swap3A_433 = tpu.vector_load %arg5[%swap3A_431, %swap3A_432] {strides = array<i32>} : memref<8x64xi32, #tpu.memory_space<vmem>>, vector<1x16xi32>,
    %swap3A_434 = vector.shape_cast %swap3A_433 : vector<1x16xi32> to vector<16xi32>
    %swap3A_435 = vector.shape_cast %add3A_429 : vector<16xi32> to vector<1x16xi32>
    tpu.vector_store %arg5[%swap3A_431, %swap3A_432], %swap3A_435 {strides = array<i32>} : memref<8x64xi32, #tpu.memory_space<vmem>>, vector<1x16xi32>,
    %mul3A_436 = arith.constant 4096 : i32
    %mul3A_437 = arith.muli %select_n3A, %mul3A_436 : i32
    %add3A_438 = arith.constant 3072 : i32
    %add3A_439 = arith.addi %mul3A_437, %add3A_438 : i32
    %add3A_440 = arith.addi %add3A_439, %add3A_396 : i32
    %add3A_441 = vector.broadcast %add3A_440 : i32 to vector<16xi32>
    %add3A_442 = arith.addi %mul3A_19, %add3A_441 : vector<16xi32>
    %swap3A_443 = arith.constant 5 : i32
    %swap3A_444 = arith.index_cast %swap3A_443 : i32 to index
    %swap3A_445 = arith.constant 48 : index
    %swap3A_446 = tpu.vector_load %arg5[%swap3A_444, %swap3A_445] {strides = array<i32>} : memref<8x64xi32, #tpu.memory_space<vmem>>, vector<1x16xi32>,
    %swap3A_447 = vector.shape_cast %swap3A_446 : vector<1x16xi32> to vector<16xi32>
    %swap3A_448 = vector.shape_cast %add3A_442 : vector<16xi32> to vector<1x16xi32>
    tpu.vector_store %arg5[%swap3A_444, %swap3A_445], %swap3A_448 {strides = array<i32>} : memref<8x64xi32, #tpu.memory_space<vmem>>, vector<1x16xi32>,
    %jit3A_449 = arith.constant 8 : i32
    %eq3A_450 = arith.constant 0 : i32
    %eq3A_451 = arith.cmpi eq, %jit3A_449, %eq3A_450 : i32
    %jit3A_452 = arith.constant 1 : i32
    %select_n3A_453 = arith.select %eq3A_451, %jit3A_452, %jit3A_449 : i32
    %rem3A_454 = arith.remsi %add3A, %select_n3A_453 : i32
    %ne3A_455 = arith.constant 0 : i32
    %ne3A_456 = arith.cmpi ne, %rem3A_454, %ne3A_455 : i32
    %lt3A_457 = arith.constant 0 : i32
    %lt3A_458 = arith.cmpi slt, %rem3A_454, %lt3A_457 : i32
    %lt3A_459 = arith.constant 0 : i32
    %lt3A_460 = arith.cmpi slt, %select_n3A_453, %lt3A_459 : i32
    %ne3A_461 = arith.xori %lt3A_458, %lt3A_460 : i1
    %and3A_462 = arith.andi %ne3A_461, %ne3A_456 : i1
    %add3A_463 = arith.addi %rem3A_454, %select_n3A_453 : i32
    %select_n3A_464 = arith.select %and3A_462, %add3A_463, %rem3A_454 : i32
    %mul3A_465 = arith.constant 8 : i32
    %mul3A_466 = arith.muli %select_n3A_464, %mul3A_465 : i32
    %add3A_467 = arith.constant 6 : i32
    %add3A_468 = arith.addi %mul3A_466, %add3A_467 : i32
    %mul3A_469 = arith.constant 4096 : i32
    %mul3A_470 = arith.muli %select_n3A, %mul3A_469 : i32
    %add3A_471 = arith.constant 0 : i32
    %add3A_472 = arith.addi %mul3A_470, %add3A_471 : i32
    %add3A_473 = arith.addi %add3A_472, %add3A_468 : i32
    %add3A_474 = vector.broadcast %add3A_473 : i32 to vector<16xi32>
    %add3A_475 = arith.addi %mul3A_19, %add3A_474 : vector<16xi32>
    %swap3A_476 = arith.constant 6 : i32
    %swap3A_477 = arith.index_cast %swap3A_476 : i32 to index
    %swap3A_478 = arith.constant 0 : index
    %swap3A_479 = tpu.vector_load %arg5[%swap3A_477, %swap3A_478] {strides = array<i32>} : memref<8x64xi32, #tpu.memory_space<vmem>>, vector<1x16xi32>,
    %swap3A_480 = vector.shape_cast %swap3A_479 : vector<1x16xi32> to vector<16xi32>
    %swap3A_481 = vector.shape_cast %add3A_475 : vector<16xi32> to vector<1x16xi32>
    tpu.vector_store %arg5[%swap3A_477, %swap3A_478], %swap3A_481 {strides = array<i32>} : memref<8x64xi32, #tpu.memory_space<vmem>>, vector<1x16xi32>,
    %mul3A_482 = arith.constant 4096 : i32
    %mul3A_483 = arith.muli %select_n3A, %mul3A_482 : i32
    %add3A_484 = arith.constant 1024 : i32
    %add3A_485 = arith.addi %mul3A_483, %add3A_484 : i32
    %add3A_486 = arith.addi %add3A_485, %add3A_468 : i32
    %add3A_487 = vector.broadcast %add3A_486 : i32 to vector<16xi32>
    %add3A_488 = arith.addi %mul3A_19, %add3A_487 : vector<16xi32>
    %swap3A_489 = arith.constant 6 : i32
    %swap3A_490 = arith.index_cast %swap3A_489 : i32 to index
    %swap3A_491 = arith.constant 16 : index
    %swap3A_492 = tpu.vector_load %arg5[%swap3A_490, %swap3A_491] {strides = array<i32>} : memref<8x64xi32, #tpu.memory_space<vmem>>, vector<1x16xi32>,
    %swap3A_493 = vector.shape_cast %swap3A_492 : vector<1x16xi32> to vector<16xi32>
    %swap3A_494 = vector.shape_cast %add3A_488 : vector<16xi32> to vector<1x16xi32>
    tpu.vector_store %arg5[%swap3A_490, %swap3A_491], %swap3A_494 {strides = array<i32>} : memref<8x64xi32, #tpu.memory_space<vmem>>, vector<1x16xi32>,
    %mul3A_495 = arith.constant 4096 : i32
    %mul3A_496 = arith.muli %select_n3A, %mul3A_495 : i32
    %add3A_497 = arith.constant 2048 : i32
    %add3A_498 = arith.addi %mul3A_496, %add3A_497 : i32
    %add3A_499 = arith.addi %add3A_498, %add3A_468 : i32
    %add3A_500 = vector.broadcast %add3A_499 : i32 to vector<16xi32>
    %add3A_501 = arith.addi %mul3A_19, %add3A_500 : vector<16xi32>
    %swap3A_502 = arith.constant 6 : i32
    %swap3A_503 = arith.index_cast %swap3A_502 : i32 to index
    %swap3A_504 = arith.constant 32 : index
    %swap3A_505 = tpu.vector_load %arg5[%swap3A_503, %swap3A_504] {strides = array<i32>} : memref<8x64xi32, #tpu.memory_space<vmem>>, vector<1x16xi32>,
    %swap3A_506 = vector.shape_cast %swap3A_505 : vector<1x16xi32> to vector<16xi32>
    %swap3A_507 = vector.shape_cast %add3A_501 : vector<16xi32> to vector<1x16xi32>
    tpu.vector_store %arg5[%swap3A_503, %swap3A_504], %swap3A_507 {strides = array<i32>} : memref<8x64xi32, #tpu.memory_space<vmem>>, vector<1x16xi32>,
    %mul3A_508 = arith.constant 4096 : i32
    %mul3A_509 = arith.muli %select_n3A, %mul3A_508 : i32
    %add3A_510 = arith.constant 3072 : i32
    %add3A_511 = arith.addi %mul3A_509, %add3A_510 : i32
    %add3A_512 = arith.addi %add3A_511, %add3A_468 : i32
    %add3A_513 = vector.broadcast %add3A_512 : i32 to vector<16xi32>
    %add3A_514 = arith.addi %mul3A_19, %add3A_513 : vector<16xi32>
    %swap3A_515 = arith.constant 6 : i32
    %swap3A_516 = arith.index_cast %swap3A_515 : i32 to index
    %swap3A_517 = arith.constant 48 : index
    %swap3A_518 = tpu.vector_load %arg5[%swap3A_516, %swap3A_517] {strides = array<i32>} : memref<8x64xi32, #tpu.memory_space<vmem>>, vector<1x16xi32>,
    %swap3A_519 = vector.shape_cast %swap3A_518 : vector<1x16xi32> to vector<16xi32>
    %swap3A_520 = vector.shape_cast %add3A_514 : vector<16xi32> to vector<1x16xi32>
    tpu.vector_store %arg5[%swap3A_516, %swap3A_517], %swap3A_520 {strides = array<i32>} : memref<8x64xi32, #tpu.memory_space<vmem>>, vector<1x16xi32>,
    %jit3A_521 = arith.constant 8 : i32
    %eq3A_522 = arith.constant 0 : i32
    %eq3A_523 = arith.cmpi eq, %jit3A_521, %eq3A_522 : i32
    %jit3A_524 = arith.constant 1 : i32
    %select_n3A_525 = arith.select %eq3A_523, %jit3A_524, %jit3A_521 : i32
    %rem3A_526 = arith.remsi %add3A, %select_n3A_525 : i32
    %ne3A_527 = arith.constant 0 : i32
    %ne3A_528 = arith.cmpi ne, %rem3A_526, %ne3A_527 : i32
    %lt3A_529 = arith.constant 0 : i32
    %lt3A_530 = arith.cmpi slt, %rem3A_526, %lt3A_529 : i32
    %lt3A_531 = arith.constant 0 : i32
    %lt3A_532 = arith.cmpi slt, %select_n3A_525, %lt3A_531 : i32
    %ne3A_533 = arith.xori %lt3A_530, %lt3A_532 : i1
    %and3A_534 = arith.andi %ne3A_533, %ne3A_528 : i1
    %add3A_535 = arith.addi %rem3A_526, %select_n3A_525 : i32
    %select_n3A_536 = arith.select %and3A_534, %add3A_535, %rem3A_526 : i32
    %mul3A_537 = arith.constant 8 : i32
    %mul3A_538 = arith.muli %select_n3A_536, %mul3A_537 : i32
    %add3A_539 = arith.constant 7 : i32
    %add3A_540 = arith.addi %mul3A_538, %add3A_539 : i32
    %mul3A_541 = arith.constant 4096 : i32
    %mul3A_542 = arith.muli %select_n3A, %mul3A_541 : i32
    %add3A_543 = arith.constant 0 : i32
    %add3A_544 = arith.addi %mul3A_542, %add3A_543 : i32
    %add3A_545 = arith.addi %add3A_544, %add3A_540 : i32
    %add3A_546 = vector.broadcast %add3A_545 : i32 to vector<16xi32>
    %add3A_547 = arith.addi %mul3A_19, %add3A_546 : vector<16xi32>
    %swap3A_548 = arith.constant 7 : i32
    %swap3A_549 = arith.index_cast %swap3A_548 : i32 to index
    %swap3A_550 = arith.constant 0 : index
    %swap3A_551 = tpu.vector_load %arg5[%swap3A_549, %swap3A_550] {strides = array<i32>} : memref<8x64xi32, #tpu.memory_space<vmem>>, vector<1x16xi32>,
    %swap3A_552 = vector.shape_cast %swap3A_551 : vector<1x16xi32> to vector<16xi32>
    %swap3A_553 = vector.shape_cast %add3A_547 : vector<16xi32> to vector<1x16xi32>
    tpu.vector_store %arg5[%swap3A_549, %swap3A_550], %swap3A_553 {strides = array<i32>} : memref<8x64xi32, #tpu.memory_space<vmem>>, vector<1x16xi32>,
    %mul3A_554 = arith.constant 4096 : i32
    %mul3A_555 = arith.muli %select_n3A, %mul3A_554 : i32
    %add3A_556 = arith.constant 1024 : i32
    %add3A_557 = arith.addi %mul3A_555, %add3A_556 : i32
    %add3A_558 = arith.addi %add3A_557, %add3A_540 : i32
    %add3A_559 = vector.broadcast %add3A_558 : i32 to vector<16xi32>
    %add3A_560 = arith.addi %mul3A_19, %add3A_559 : vector<16xi32>
    %swap3A_561 = arith.constant 7 : i32
    %swap3A_562 = arith.index_cast %swap3A_561 : i32 to index
    %swap3A_563 = arith.constant 16 : index
    %swap3A_564 = tpu.vector_load %arg5[%swap3A_562, %swap3A_563] {strides = array<i32>} : memref<8x64xi32, #tpu.memory_space<vmem>>, vector<1x16xi32>,
    %swap3A_565 = vector.shape_cast %swap3A_564 : vector<1x16xi32> to vector<16xi32>
    %swap3A_566 = vector.shape_cast %add3A_560 : vector<16xi32> to vector<1x16xi32>
    tpu.vector_store %arg5[%swap3A_562, %swap3A_563], %swap3A_566 {strides = array<i32>} : memref<8x64xi32, #tpu.memory_space<vmem>>, vector<1x16xi32>,
    %mul3A_567 = arith.constant 4096 : i32
    %mul3A_568 = arith.muli %select_n3A, %mul3A_567 : i32
    %add3A_569 = arith.constant 2048 : i32
    %add3A_570 = arith.addi %mul3A_568, %add3A_569 : i32
    %add3A_571 = arith.addi %add3A_570, %add3A_540 : i32
    %add3A_572 = vector.broadcast %add3A_571 : i32 to vector<16xi32>
    %add3A_573 = arith.addi %mul3A_19, %add3A_572 : vector<16xi32>
    %swap3A_574 = arith.constant 7 : i32
    %swap3A_575 = arith.index_cast %swap3A_574 : i32 to index
    %swap3A_576 = arith.constant 32 : index
    %swap3A_577 = tpu.vector_load %arg5[%swap3A_575, %swap3A_576] {strides = array<i32>} : memref<8x64xi32, #tpu.memory_space<vmem>>, vector<1x16xi32>,
    %swap3A_578 = vector.shape_cast %swap3A_577 : vector<1x16xi32> to vector<16xi32>
    %swap3A_579 = vector.shape_cast %add3A_573 : vector<16xi32> to vector<1x16xi32>
    tpu.vector_store %arg5[%swap3A_575, %swap3A_576], %swap3A_579 {strides = array<i32>} : memref<8x64xi32, #tpu.memory_space<vmem>>, vector<1x16xi32>,
    %mul3A_580 = arith.constant 4096 : i32
    %mul3A_581 = arith.muli %select_n3A, %mul3A_580 : i32
    %add3A_582 = arith.constant 3072 : i32
    %add3A_583 = arith.addi %mul3A_581, %add3A_582 : i32
    %add3A_584 = arith.addi %add3A_583, %add3A_540 : i32
    %add3A_585 = vector.broadcast %add3A_584 : i32 to vector<16xi32>
    %add3A_586 = arith.addi %mul3A_19, %add3A_585 : vector<16xi32>
    %swap3A_587 = arith.constant 7 : i32
    %swap3A_588 = arith.index_cast %swap3A_587 : i32 to index
    %swap3A_589 = arith.constant 48 : index
    %swap3A_590 = tpu.vector_load %arg5[%swap3A_588, %swap3A_589] {strides = array<i32>} : memref<8x64xi32, #tpu.memory_space<vmem>>, vector<1x16xi32>,
    %swap3A_591 = vector.shape_cast %swap3A_590 : vector<1x16xi32> to vector<16xi32>
    %swap3A_592 = vector.shape_cast %add3A_586 : vector<16xi32> to vector<1x16xi32>
    tpu.vector_store %arg5[%swap3A_588, %swap3A_589], %swap3A_592 {strides = array<i32>} : memref<8x64xi32, #tpu.memory_space<vmem>>, vector<1x16xi32>,
    %dma_start3A = arith.constant 0 : i32
    %dma_start3A_593 = arith.constant 0 : i32
    %dma_start3A_594 = arith.constant 0 : i32
    %dma_start3A_595 = tpu.memref_slice %arg6[%dma_start3A_593, %dma_start3A_594] : memref<8x64xi32, #tpu.memory_space<vmem>> -> memref<1x64xi32, #tpu.memory_space<vmem>>
    %dma_start3A_596 = tpu.memref_squeeze %dma_start3A_595 : memref<1x64xi32, #tpu.memory_space<vmem>> -> memref<64xi32, #tpu.memory_space<vmem>>
    %dma_start3A_597 = arith.constant 0 : i32
    %dma_start3A_598 = tpu.memref_slice %arg5[%dma_start3A, %dma_start3A_597] : memref<8x64xi32, #tpu.memory_space<vmem>> -> memref<1x64xi32, #tpu.memory_space<vmem>>
    %dma_start3A_599 = tpu.memref_squeeze %dma_start3A_598 : memref<1x64xi32, #tpu.memory_space<vmem>> -> memref<64xi32, #tpu.memory_space<vmem>>
    %dma_start3A_600 = arith.constant 0 : i32
    %dma_start3A_601 = tpu.memref_slice %arg3[%dma_start3A_600] : memref<16384xi32, #tpu.memory_space<hbm>> -> memref<16384xi32, #tpu.memory_space<hbm>>
    tpu.enqueue_indirect_dma source(%dma_start3A_601 : memref<16384xi32, #tpu.memory_space<hbm>>) target(%dma_start3A_596 : memref<64xi32, #tpu.memory_space<vmem>>) offsets(%dma_start3A_599 : memref<64xi32, #tpu.memory_space<vmem>>) semaphore(%arg8 : memref<!tpu.dma_semaphore, #tpu.memory_space<semaphore_mem>>)
    %dma_start3A_602 = arith.constant 1 : i32
    %dma_start3A_603 = arith.constant 1 : i32
    %dma_start3A_604 = arith.constant 0 : i32
    %dma_start3A_605 = tpu.memref_slice %arg6[%dma_start3A_603, %dma_start3A_604] : memref<8x64xi32, #tpu.memory_space<vmem>> -> memref<1x64xi32, #tpu.memory_space<vmem>>
    %dma_start3A_606 = tpu.memref_squeeze %dma_start3A_605 : memref<1x64xi32, #tpu.memory_space<vmem>> -> memref<64xi32, #tpu.memory_space<vmem>>
    %dma_start3A_607 = arith.constant 0 : i32
    %dma_start3A_608 = tpu.memref_slice %arg5[%dma_start3A_602, %dma_start3A_607] : memref<8x64xi32, #tpu.memory_space<vmem>> -> memref<1x64xi32, #tpu.memory_space<vmem>>
    %dma_start3A_609 = tpu.memref_squeeze %dma_start3A_608 : memref<1x64xi32, #tpu.memory_space<vmem>> -> memref<64xi32, #tpu.memory_space<vmem>>
    %dma_start3A_610 = arith.constant 0 : i32
    %dma_start3A_611 = tpu.memref_slice %arg3[%dma_start3A_610] : memref<16384xi32, #tpu.memory_space<hbm>> -> memref<16384xi32, #tpu.memory_space<hbm>>
    tpu.enqueue_indirect_dma source(%dma_start3A_611 : memref<16384xi32, #tpu.memory_space<hbm>>) target(%dma_start3A_606 : memref<64xi32, #tpu.memory_space<vmem>>) offsets(%dma_start3A_609 : memref<64xi32, #tpu.memory_space<vmem>>) semaphore(%arg8 : memref<!tpu.dma_semaphore, #tpu.memory_space<semaphore_mem>>)
    %dma_start3A_612 = arith.constant 2 : i32
    %dma_start3A_613 = arith.constant 2 : i32
    %dma_start3A_614 = arith.constant 0 : i32
    %dma_start3A_615 = tpu.memref_slice %arg6[%dma_start3A_613, %dma_start3A_614] : memref<8x64xi32, #tpu.memory_space<vmem>> -> memref<1x64xi32, #tpu.memory_space<vmem>>
    %dma_start3A_616 = tpu.memref_squeeze %dma_start3A_615 : memref<1x64xi32, #tpu.memory_space<vmem>> -> memref<64xi32, #tpu.memory_space<vmem>>
    %dma_start3A_617 = arith.constant 0 : i32
    %dma_start3A_618 = tpu.memref_slice %arg5[%dma_start3A_612, %dma_start3A_617] : memref<8x64xi32, #tpu.memory_space<vmem>> -> memref<1x64xi32, #tpu.memory_space<vmem>>
    %dma_start3A_619 = tpu.memref_squeeze %dma_start3A_618 : memref<1x64xi32, #tpu.memory_space<vmem>> -> memref<64xi32, #tpu.memory_space<vmem>>
    %dma_start3A_620 = arith.constant 0 : i32
    %dma_start3A_621 = tpu.memref_slice %arg3[%dma_start3A_620] : memref<16384xi32, #tpu.memory_space<hbm>> -> memref<16384xi32, #tpu.memory_space<hbm>>
    tpu.enqueue_indirect_dma source(%dma_start3A_621 : memref<16384xi32, #tpu.memory_space<hbm>>) target(%dma_start3A_616 : memref<64xi32, #tpu.memory_space<vmem>>) offsets(%dma_start3A_619 : memref<64xi32, #tpu.memory_space<vmem>>) semaphore(%arg8 : memref<!tpu.dma_semaphore, #tpu.memory_space<semaphore_mem>>)
    %dma_start3A_622 = arith.constant 3 : i32
    %dma_start3A_623 = arith.constant 3 : i32
    %dma_start3A_624 = arith.constant 0 : i32
    %dma_start3A_625 = tpu.memref_slice %arg6[%dma_start3A_623, %dma_start3A_624] : memref<8x64xi32, #tpu.memory_space<vmem>> -> memref<1x64xi32, #tpu.memory_space<vmem>>
    %dma_start3A_626 = tpu.memref_squeeze %dma_start3A_625 : memref<1x64xi32, #tpu.memory_space<vmem>> -> memref<64xi32, #tpu.memory_space<vmem>>
    %dma_start3A_627 = arith.constant 0 : i32
    %dma_start3A_628 = tpu.memref_slice %arg5[%dma_start3A_622, %dma_start3A_627] : memref<8x64xi32, #tpu.memory_space<vmem>> -> memref<1x64xi32, #tpu.memory_space<vmem>>
    %dma_start3A_629 = tpu.memref_squeeze %dma_start3A_628 : memref<1x64xi32, #tpu.memory_space<vmem>> -> memref<64xi32, #tpu.memory_space<vmem>>
    %dma_start3A_630 = arith.constant 0 : i32
    %dma_start3A_631 = tpu.memref_slice %arg3[%dma_start3A_630] : memref<16384xi32, #tpu.memory_space<hbm>> -> memref<16384xi32, #tpu.memory_space<hbm>>
    tpu.enqueue_indirect_dma source(%dma_start3A_631 : memref<16384xi32, #tpu.memory_space<hbm>>) target(%dma_start3A_626 : memref<64xi32, #tpu.memory_space<vmem>>) offsets(%dma_start3A_629 : memref<64xi32, #tpu.memory_space<vmem>>) semaphore(%arg8 : memref<!tpu.dma_semaphore, #tpu.memory_space<semaphore_mem>>)
    %dma_start3A_632 = arith.constant 4 : i32
    %dma_start3A_633 = arith.constant 4 : i32
    %dma_start3A_634 = arith.constant 0 : i32
    %dma_start3A_635 = tpu.memref_slice %arg6[%dma_start3A_633, %dma_start3A_634] : memref<8x64xi32, #tpu.memory_space<vmem>> -> memref<1x64xi32, #tpu.memory_space<vmem>>
    %dma_start3A_636 = tpu.memref_squeeze %dma_start3A_635 : memref<1x64xi32, #tpu.memory_space<vmem>> -> memref<64xi32, #tpu.memory_space<vmem>>
    %dma_start3A_637 = arith.constant 0 : i32
    %dma_start3A_638 = tpu.memref_slice %arg5[%dma_start3A_632, %dma_start3A_637] : memref<8x64xi32, #tpu.memory_space<vmem>> -> memref<1x64xi32, #tpu.memory_space<vmem>>
    %dma_start3A_639 = tpu.memref_squeeze %dma_start3A_638 : memref<1x64xi32, #tpu.memory_space<vmem>> -> memref<64xi32, #tpu.memory_space<vmem>>
    %dma_start3A_640 = arith.constant 0 : i32
    %dma_start3A_641 = tpu.memref_slice %arg3[%dma_start3A_640] : memref<16384xi32, #tpu.memory_space<hbm>> -> memref<16384xi32, #tpu.memory_space<hbm>>
    tpu.enqueue_indirect_dma source(%dma_start3A_641 : memref<16384xi32, #tpu.memory_space<hbm>>) target(%dma_start3A_636 : memref<64xi32, #tpu.memory_space<vmem>>) offsets(%dma_start3A_639 : memref<64xi32, #tpu.memory_space<vmem>>) semaphore(%arg8 : memref<!tpu.dma_semaphore, #tpu.memory_space<semaphore_mem>>)
    %dma_start3A_642 = arith.constant 5 : i32
    %dma_start3A_643 = arith.constant 5 : i32
    %dma_start3A_644 = arith.constant 0 : i32
    %dma_start3A_645 = tpu.memref_slice %arg6[%dma_start3A_643, %dma_start3A_644] : memref<8x64xi32, #tpu.memory_space<vmem>> -> memref<1x64xi32, #tpu.memory_space<vmem>>
    %dma_start3A_646 = tpu.memref_squeeze %dma_start3A_645 : memref<1x64xi32, #tpu.memory_space<vmem>> -> memref<64xi32, #tpu.memory_space<vmem>>
    %dma_start3A_647 = arith.constant 0 : i32
    %dma_start3A_648 = tpu.memref_slice %arg5[%dma_start3A_642, %dma_start3A_647] : memref<8x64xi32, #tpu.memory_space<vmem>> -> memref<1x64xi32, #tpu.memory_space<vmem>>
    %dma_start3A_649 = tpu.memref_squeeze %dma_start3A_648 : memref<1x64xi32, #tpu.memory_space<vmem>> -> memref<64xi32, #tpu.memory_space<vmem>>
    %dma_start3A_650 = arith.constant 0 : i32
    %dma_start3A_651 = tpu.memref_slice %arg3[%dma_start3A_650] : memref<16384xi32, #tpu.memory_space<hbm>> -> memref<16384xi32, #tpu.memory_space<hbm>>
    tpu.enqueue_indirect_dma source(%dma_start3A_651 : memref<16384xi32, #tpu.memory_space<hbm>>) target(%dma_start3A_646 : memref<64xi32, #tpu.memory_space<vmem>>) offsets(%dma_start3A_649 : memref<64xi32, #tpu.memory_space<vmem>>) semaphore(%arg8 : memref<!tpu.dma_semaphore, #tpu.memory_space<semaphore_mem>>)
    %dma_start3A_652 = arith.constant 6 : i32
    %dma_start3A_653 = arith.constant 6 : i32
    %dma_start3A_654 = arith.constant 0 : i32
    %dma_start3A_655 = tpu.memref_slice %arg6[%dma_start3A_653, %dma_start3A_654] : memref<8x64xi32, #tpu.memory_space<vmem>> -> memref<1x64xi32, #tpu.memory_space<vmem>>
    %dma_start3A_656 = tpu.memref_squeeze %dma_start3A_655 : memref<1x64xi32, #tpu.memory_space<vmem>> -> memref<64xi32, #tpu.memory_space<vmem>>
    %dma_start3A_657 = arith.constant 0 : i32
    %dma_start3A_658 = tpu.memref_slice %arg5[%dma_start3A_652, %dma_start3A_657] : memref<8x64xi32, #tpu.memory_space<vmem>> -> memref<1x64xi32, #tpu.memory_space<vmem>>
    %dma_start3A_659 = tpu.memref_squeeze %dma_start3A_658 : memref<1x64xi32, #tpu.memory_space<vmem>> -> memref<64xi32, #tpu.memory_space<vmem>>
    %dma_start3A_660 = arith.constant 0 : i32
    %dma_start3A_661 = tpu.memref_slice %arg3[%dma_start3A_660] : memref<16384xi32, #tpu.memory_space<hbm>> -> memref<16384xi32, #tpu.memory_space<hbm>>
    tpu.enqueue_indirect_dma source(%dma_start3A_661 : memref<16384xi32, #tpu.memory_space<hbm>>) target(%dma_start3A_656 : memref<64xi32, #tpu.memory_space<vmem>>) offsets(%dma_start3A_659 : memref<64xi32, #tpu.memory_space<vmem>>) semaphore(%arg8 : memref<!tpu.dma_semaphore, #tpu.memory_space<semaphore_mem>>)
    %dma_start3A_662 = arith.constant 7 : i32
    %dma_start3A_663 = arith.constant 7 : i32
    %dma_start3A_664 = arith.constant 0 : i32
    %dma_start3A_665 = tpu.memref_slice %arg6[%dma_start3A_663, %dma_start3A_664] : memref<8x64xi32, #tpu.memory_space<vmem>> -> memref<1x64xi32, #tpu.memory_space<vmem>>
    %dma_start3A_666 = tpu.memref_squeeze %dma_start3A_665 : memref<1x64xi32, #tpu.memory_space<vmem>> -> memref<64xi32, #tpu.memory_space<vmem>>
    %dma_start3A_667 = arith.constant 0 : i32
    %dma_start3A_668 = tpu.memref_slice %arg5[%dma_start3A_662, %dma_start3A_667] : memref<8x64xi32, #tpu.memory_space<vmem>> -> memref<1x64xi32, #tpu.memory_space<vmem>>
    %dma_start3A_669 = tpu.memref_squeeze %dma_start3A_668 : memref<1x64xi32, #tpu.memory_space<vmem>> -> memref<64xi32, #tpu.memory_space<vmem>>
    %dma_start3A_670 = arith.constant 0 : i32
    %dma_start3A_671 = tpu.memref_slice %arg3[%dma_start3A_670] : memref<16384xi32, #tpu.memory_space<hbm>> -> memref<16384xi32, #tpu.memory_space<hbm>>
    tpu.enqueue_indirect_dma source(%dma_start3A_671 : memref<16384xi32, #tpu.memory_space<hbm>>) target(%dma_start3A_666 : memref<64xi32, #tpu.memory_space<vmem>>) offsets(%dma_start3A_669 : memref<64xi32, #tpu.memory_space<vmem>>) semaphore(%arg8 : memref<!tpu.dma_semaphore, #tpu.memory_space<semaphore_mem>>)
    %dma_wait3A = arith.constant 0 : i32
    %dma_wait3A_672 = arith.constant 0 : i32
    %dma_wait3A_673 = arith.constant 0 : i32
    %dma_wait3A_674 = tpu.memref_slice %arg6[%dma_wait3A_672, %dma_wait3A_673] : memref<8x64xi32, #tpu.memory_space<vmem>> -> memref<1x64xi32, #tpu.memory_space<vmem>>
    %dma_wait3A_675 = tpu.memref_squeeze %dma_wait3A_674 : memref<1x64xi32, #tpu.memory_space<vmem>> -> memref<64xi32, #tpu.memory_space<vmem>>
    %dma_wait3A_676 = arith.constant 0 : i32
    %dma_wait3A_677 = tpu.memref_slice %arg5[%dma_wait3A, %dma_wait3A_676] : memref<8x64xi32, #tpu.memory_space<vmem>> -> memref<1x64xi32, #tpu.memory_space<vmem>>
    %dma_wait3A_678 = tpu.memref_squeeze %dma_wait3A_677 : memref<1x64xi32, #tpu.memory_space<vmem>> -> memref<64xi32, #tpu.memory_space<vmem>>
    %dma_wait3A_679 = arith.constant 0 : i32
    %dma_wait3A_680 = tpu.memref_slice %arg3[%dma_wait3A_679] : memref<16384xi32, #tpu.memory_space<hbm>> -> memref<16384xi32, #tpu.memory_space<hbm>>
    tpu.wait_indirect_dma semaphore(%arg8 : memref<!tpu.dma_semaphore, #tpu.memory_space<semaphore_mem>>) src(%dma_wait3A_680 : memref<16384xi32, #tpu.memory_space<hbm>>) dst(%dma_wait3A_675 : memref<64xi32, #tpu.memory_space<vmem>>)
    %dma_wait3A_681 = arith.constant 1 : i32
    %dma_wait3A_682 = arith.constant 1 : i32
    %dma_wait3A_683 = arith.constant 0 : i32
    %dma_wait3A_684 = tpu.memref_slice %arg6[%dma_wait3A_682, %dma_wait3A_683] : memref<8x64xi32, #tpu.memory_space<vmem>> -> memref<1x64xi32, #tpu.memory_space<vmem>>
    %dma_wait3A_685 = tpu.memref_squeeze %dma_wait3A_684 : memref<1x64xi32, #tpu.memory_space<vmem>> -> memref<64xi32, #tpu.memory_space<vmem>>
    %dma_wait3A_686 = arith.constant 0 : i32
    %dma_wait3A_687 = tpu.memref_slice %arg5[%dma_wait3A_681, %dma_wait3A_686] : memref<8x64xi32, #tpu.memory_space<vmem>> -> memref<1x64xi32, #tpu.memory_space<vmem>>
    %dma_wait3A_688 = tpu.memref_squeeze %dma_wait3A_687 : memref<1x64xi32, #tpu.memory_space<vmem>> -> memref<64xi32, #tpu.memory_space<vmem>>
    %dma_wait3A_689 = arith.constant 0 : i32
    %dma_wait3A_690 = tpu.memref_slice %arg3[%dma_wait3A_689] : memref<16384xi32, #tpu.memory_space<hbm>> -> memref<16384xi32, #tpu.memory_space<hbm>>
    tpu.wait_indirect_dma semaphore(%arg8 : memref<!tpu.dma_semaphore, #tpu.memory_space<semaphore_mem>>) src(%dma_wait3A_690 : memref<16384xi32, #tpu.memory_space<hbm>>) dst(%dma_wait3A_685 : memref<64xi32, #tpu.memory_space<vmem>>)
    %dma_wait3A_691 = arith.constant 2 : i32
    %dma_wait3A_692 = arith.constant 2 : i32
    %dma_wait3A_693 = arith.constant 0 : i32
    %dma_wait3A_694 = tpu.memref_slice %arg6[%dma_wait3A_692, %dma_wait3A_693] : memref<8x64xi32, #tpu.memory_space<vmem>> -> memref<1x64xi32, #tpu.memory_space<vmem>>
    %dma_wait3A_695 = tpu.memref_squeeze %dma_wait3A_694 : memref<1x64xi32, #tpu.memory_space<vmem>> -> memref<64xi32, #tpu.memory_space<vmem>>
    %dma_wait3A_696 = arith.constant 0 : i32
    %dma_wait3A_697 = tpu.memref_slice %arg5[%dma_wait3A_691, %dma_wait3A_696] : memref<8x64xi32, #tpu.memory_space<vmem>> -> memref<1x64xi32, #tpu.memory_space<vmem>>
    %dma_wait3A_698 = tpu.memref_squeeze %dma_wait3A_697 : memref<1x64xi32, #tpu.memory_space<vmem>> -> memref<64xi32, #tpu.memory_space<vmem>>
    %dma_wait3A_699 = arith.constant 0 : i32
    %dma_wait3A_700 = tpu.memref_slice %arg3[%dma_wait3A_699] : memref<16384xi32, #tpu.memory_space<hbm>> -> memref<16384xi32, #tpu.memory_space<hbm>>
    tpu.wait_indirect_dma semaphore(%arg8 : memref<!tpu.dma_semaphore, #tpu.memory_space<semaphore_mem>>) src(%dma_wait3A_700 : memref<16384xi32, #tpu.memory_space<hbm>>) dst(%dma_wait3A_695 : memref<64xi32, #tpu.memory_space<vmem>>)
    %dma_wait3A_701 = arith.constant 3 : i32
    %dma_wait3A_702 = arith.constant 3 : i32
    %dma_wait3A_703 = arith.constant 0 : i32
    %dma_wait3A_704 = tpu.memref_slice %arg6[%dma_wait3A_702, %dma_wait3A_703] : memref<8x64xi32, #tpu.memory_space<vmem>> -> memref<1x64xi32, #tpu.memory_space<vmem>>
    %dma_wait3A_705 = tpu.memref_squeeze %dma_wait3A_704 : memref<1x64xi32, #tpu.memory_space<vmem>> -> memref<64xi32, #tpu.memory_space<vmem>>
    %dma_wait3A_706 = arith.constant 0 : i32
    %dma_wait3A_707 = tpu.memref_slice %arg5[%dma_wait3A_701, %dma_wait3A_706] : memref<8x64xi32, #tpu.memory_space<vmem>> -> memref<1x64xi32, #tpu.memory_space<vmem>>
    %dma_wait3A_708 = tpu.memref_squeeze %dma_wait3A_707 : memref<1x64xi32, #tpu.memory_space<vmem>> -> memref<64xi32, #tpu.memory_space<vmem>>
    %dma_wait3A_709 = arith.constant 0 : i32
    %dma_wait3A_710 = tpu.memref_slice %arg3[%dma_wait3A_709] : memref<16384xi32, #tpu.memory_space<hbm>> -> memref<16384xi32, #tpu.memory_space<hbm>>
    tpu.wait_indirect_dma semaphore(%arg8 : memref<!tpu.dma_semaphore, #tpu.memory_space<semaphore_mem>>) src(%dma_wait3A_710 : memref<16384xi32, #tpu.memory_space<hbm>>) dst(%dma_wait3A_705 : memref<64xi32, #tpu.memory_space<vmem>>)
    %dma_wait3A_711 = arith.constant 4 : i32
    %dma_wait3A_712 = arith.constant 4 : i32
    %dma_wait3A_713 = arith.constant 0 : i32
    %dma_wait3A_714 = tpu.memref_slice %arg6[%dma_wait3A_712, %dma_wait3A_713] : memref<8x64xi32, #tpu.memory_space<vmem>> -> memref<1x64xi32, #tpu.memory_space<vmem>>
    %dma_wait3A_715 = tpu.memref_squeeze %dma_wait3A_714 : memref<1x64xi32, #tpu.memory_space<vmem>> -> memref<64xi32, #tpu.memory_space<vmem>>
    %dma_wait3A_716 = arith.constant 0 : i32
    %dma_wait3A_717 = tpu.memref_slice %arg5[%dma_wait3A_711, %dma_wait3A_716] : memref<8x64xi32, #tpu.memory_space<vmem>> -> memref<1x64xi32, #tpu.memory_space<vmem>>
    %dma_wait3A_718 = tpu.memref_squeeze %dma_wait3A_717 : memref<1x64xi32, #tpu.memory_space<vmem>> -> memref<64xi32, #tpu.memory_space<vmem>>
    %dma_wait3A_719 = arith.constant 0 : i32
    %dma_wait3A_720 = tpu.memref_slice %arg3[%dma_wait3A_719] : memref<16384xi32, #tpu.memory_space<hbm>> -> memref<16384xi32, #tpu.memory_space<hbm>>
    tpu.wait_indirect_dma semaphore(%arg8 : memref<!tpu.dma_semaphore, #tpu.memory_space<semaphore_mem>>) src(%dma_wait3A_720 : memref<16384xi32, #tpu.memory_space<hbm>>) dst(%dma_wait3A_715 : memref<64xi32, #tpu.memory_space<vmem>>)
    %dma_wait3A_721 = arith.constant 5 : i32
    %dma_wait3A_722 = arith.constant 5 : i32
    %dma_wait3A_723 = arith.constant 0 : i32
    %dma_wait3A_724 = tpu.memref_slice %arg6[%dma_wait3A_722, %dma_wait3A_723] : memref<8x64xi32, #tpu.memory_space<vmem>> -> memref<1x64xi32, #tpu.memory_space<vmem>>
    %dma_wait3A_725 = tpu.memref_squeeze %dma_wait3A_724 : memref<1x64xi32, #tpu.memory_space<vmem>> -> memref<64xi32, #tpu.memory_space<vmem>>
    %dma_wait3A_726 = arith.constant 0 : i32
    %dma_wait3A_727 = tpu.memref_slice %arg5[%dma_wait3A_721, %dma_wait3A_726] : memref<8x64xi32, #tpu.memory_space<vmem>> -> memref<1x64xi32, #tpu.memory_space<vmem>>
    %dma_wait3A_728 = tpu.memref_squeeze %dma_wait3A_727 : memref<1x64xi32, #tpu.memory_space<vmem>> -> memref<64xi32, #tpu.memory_space<vmem>>
    %dma_wait3A_729 = arith.constant 0 : i32
    %dma_wait3A_730 = tpu.memref_slice %arg3[%dma_wait3A_729] : memref<16384xi32, #tpu.memory_space<hbm>> -> memref<16384xi32, #tpu.memory_space<hbm>>
    tpu.wait_indirect_dma semaphore(%arg8 : memref<!tpu.dma_semaphore, #tpu.memory_space<semaphore_mem>>) src(%dma_wait3A_730 : memref<16384xi32, #tpu.memory_space<hbm>>) dst(%dma_wait3A_725 : memref<64xi32, #tpu.memory_space<vmem>>)
    %dma_wait3A_731 = arith.constant 6 : i32
    %dma_wait3A_732 = arith.constant 6 : i32
    %dma_wait3A_733 = arith.constant 0 : i32
    %dma_wait3A_734 = tpu.memref_slice %arg6[%dma_wait3A_732, %dma_wait3A_733] : memref<8x64xi32, #tpu.memory_space<vmem>> -> memref<1x64xi32, #tpu.memory_space<vmem>>
    %dma_wait3A_735 = tpu.memref_squeeze %dma_wait3A_734 : memref<1x64xi32, #tpu.memory_space<vmem>> -> memref<64xi32, #tpu.memory_space<vmem>>
    %dma_wait3A_736 = arith.constant 0 : i32
    %dma_wait3A_737 = tpu.memref_slice %arg5[%dma_wait3A_731, %dma_wait3A_736] : memref<8x64xi32, #tpu.memory_space<vmem>> -> memref<1x64xi32, #tpu.memory_space<vmem>>
    %dma_wait3A_738 = tpu.memref_squeeze %dma_wait3A_737 : memref<1x64xi32, #tpu.memory_space<vmem>> -> memref<64xi32, #tpu.memory_space<vmem>>
    %dma_wait3A_739 = arith.constant 0 : i32
    %dma_wait3A_740 = tpu.memref_slice %arg3[%dma_wait3A_739] : memref<16384xi32, #tpu.memory_space<hbm>> -> memref<16384xi32, #tpu.memory_space<hbm>>
    tpu.wait_indirect_dma semaphore(%arg8 : memref<!tpu.dma_semaphore, #tpu.memory_space<semaphore_mem>>) src(%dma_wait3A_740 : memref<16384xi32, #tpu.memory_space<hbm>>) dst(%dma_wait3A_735 : memref<64xi32, #tpu.memory_space<vmem>>)
    %dma_wait3A_741 = arith.constant 7 : i32
    %dma_wait3A_742 = arith.constant 7 : i32
    %dma_wait3A_743 = arith.constant 0 : i32
    %dma_wait3A_744 = tpu.memref_slice %arg6[%dma_wait3A_742, %dma_wait3A_743] : memref<8x64xi32, #tpu.memory_space<vmem>> -> memref<1x64xi32, #tpu.memory_space<vmem>>
    %dma_wait3A_745 = tpu.memref_squeeze %dma_wait3A_744 : memref<1x64xi32, #tpu.memory_space<vmem>> -> memref<64xi32, #tpu.memory_space<vmem>>
    %dma_wait3A_746 = arith.constant 0 : i32
    %dma_wait3A_747 = tpu.memref_slice %arg5[%dma_wait3A_741, %dma_wait3A_746] : memref<8x64xi32, #tpu.memory_space<vmem>> -> memref<1x64xi32, #tpu.memory_space<vmem>>
    %dma_wait3A_748 = tpu.memref_squeeze %dma_wait3A_747 : memref<1x64xi32, #tpu.memory_space<vmem>> -> memref<64xi32, #tpu.memory_space<vmem>>
    %dma_wait3A_749 = arith.constant 0 : i32
    %dma_wait3A_750 = tpu.memref_slice %arg3[%dma_wait3A_749] : memref<16384xi32, #tpu.memory_space<hbm>> -> memref<16384xi32, #tpu.memory_space<hbm>>
    tpu.wait_indirect_dma semaphore(%arg8 : memref<!tpu.dma_semaphore, #tpu.memory_space<semaphore_mem>>) src(%dma_wait3A_750 : memref<16384xi32, #tpu.memory_space<hbm>>) dst(%dma_wait3A_745 : memref<64xi32, #tpu.memory_space<vmem>>)
    %dma_start3A_751 = arith.constant 0 : i32
    %dma_start3A_752 = arith.constant 0 : i32
    %dma_start3A_753 = arith.constant 0 : i32
    %dma_start3A_754 = tpu.memref_slice %arg7[%dma_start3A_752, %dma_start3A_753] : memref<8x128xf32, #tpu.memory_space<vmem>> -> memref<1x64xf32, #tpu.memory_space<vmem>>
    %dma_start3A_755 = tpu.memref_squeeze %dma_start3A_754 : memref<1x64xf32, #tpu.memory_space<vmem>> -> memref<64xf32, #tpu.memory_space<vmem>>
    %dma_start3A_756 = arith.constant 0 : i32
    %dma_start3A_757 = tpu.memref_slice %arg6[%dma_start3A_751, %dma_start3A_756] : memref<8x64xi32, #tpu.memory_space<vmem>> -> memref<1x64xi32, #tpu.memory_space<vmem>>
    %dma_start3A_758 = tpu.memref_squeeze %dma_start3A_757 : memref<1x64xi32, #tpu.memory_space<vmem>> -> memref<64xi32, #tpu.memory_space<vmem>>
    %dma_start3A_759 = arith.constant 0 : i32
    %dma_start3A_760 = tpu.memref_slice %arg2[%dma_start3A_759] : memref<262144xf32, #tpu.memory_space<hbm>> -> memref<262144xf32, #tpu.memory_space<hbm>>
    tpu.enqueue_indirect_dma source(%dma_start3A_760 : memref<262144xf32, #tpu.memory_space<hbm>>) target(%dma_start3A_755 : memref<64xf32, #tpu.memory_space<vmem>>) offsets(%dma_start3A_758 : memref<64xi32, #tpu.memory_space<vmem>>) semaphore(%arg8 : memref<!tpu.dma_semaphore, #tpu.memory_space<semaphore_mem>>)
    %dma_start3A_761 = arith.constant 1 : i32
    %dma_start3A_762 = arith.constant 1 : i32
    %dma_start3A_763 = arith.constant 0 : i32
    %dma_start3A_764 = tpu.memref_slice %arg7[%dma_start3A_762, %dma_start3A_763] : memref<8x128xf32, #tpu.memory_space<vmem>> -> memref<1x64xf32, #tpu.memory_space<vmem>>
    %dma_start3A_765 = tpu.memref_squeeze %dma_start3A_764 : memref<1x64xf32, #tpu.memory_space<vmem>> -> memref<64xf32, #tpu.memory_space<vmem>>
    %dma_start3A_766 = arith.constant 0 : i32
    %dma_start3A_767 = tpu.memref_slice %arg6[%dma_start3A_761, %dma_start3A_766] : memref<8x64xi32, #tpu.memory_space<vmem>> -> memref<1x64xi32, #tpu.memory_space<vmem>>
    %dma_start3A_768 = tpu.memref_squeeze %dma_start3A_767 : memref<1x64xi32, #tpu.memory_space<vmem>> -> memref<64xi32, #tpu.memory_space<vmem>>
    %dma_start3A_769 = arith.constant 0 : i32
    %dma_start3A_770 = tpu.memref_slice %arg2[%dma_start3A_769] : memref<262144xf32, #tpu.memory_space<hbm>> -> memref<262144xf32, #tpu.memory_space<hbm>>
    tpu.enqueue_indirect_dma source(%dma_start3A_770 : memref<262144xf32, #tpu.memory_space<hbm>>) target(%dma_start3A_765 : memref<64xf32, #tpu.memory_space<vmem>>) offsets(%dma_start3A_768 : memref<64xi32, #tpu.memory_space<vmem>>) semaphore(%arg8 : memref<!tpu.dma_semaphore, #tpu.memory_space<semaphore_mem>>)
    %dma_start3A_771 = arith.constant 2 : i32
    %dma_start3A_772 = arith.constant 2 : i32
    %dma_start3A_773 = arith.constant 0 : i32
    %dma_start3A_774 = tpu.memref_slice %arg7[%dma_start3A_772, %dma_start3A_773] : memref<8x128xf32, #tpu.memory_space<vmem>> -> memref<1x64xf32, #tpu.memory_space<vmem>>
    %dma_start3A_775 = tpu.memref_squeeze %dma_start3A_774 : memref<1x64xf32, #tpu.memory_space<vmem>> -> memref<64xf32, #tpu.memory_space<vmem>>
    %dma_start3A_776 = arith.constant 0 : i32
    %dma_start3A_777 = tpu.memref_slice %arg6[%dma_start3A_771, %dma_start3A_776] : memref<8x64xi32, #tpu.memory_space<vmem>> -> memref<1x64xi32, #tpu.memory_space<vmem>>
    %dma_start3A_778 = tpu.memref_squeeze %dma_start3A_777 : memref<1x64xi32, #tpu.memory_space<vmem>> -> memref<64xi32, #tpu.memory_space<vmem>>
    %dma_start3A_779 = arith.constant 0 : i32
    %dma_start3A_780 = tpu.memref_slice %arg2[%dma_start3A_779] : memref<262144xf32, #tpu.memory_space<hbm>> -> memref<262144xf32, #tpu.memory_space<hbm>>
    tpu.enqueue_indirect_dma source(%dma_start3A_780 : memref<262144xf32, #tpu.memory_space<hbm>>) target(%dma_start3A_775 : memref<64xf32, #tpu.memory_space<vmem>>) offsets(%dma_start3A_778 : memref<64xi32, #tpu.memory_space<vmem>>) semaphore(%arg8 : memref<!tpu.dma_semaphore, #tpu.memory_space<semaphore_mem>>)
    %dma_start3A_781 = arith.constant 3 : i32
    %dma_start3A_782 = arith.constant 3 : i32
    %dma_start3A_783 = arith.constant 0 : i32
    %dma_start3A_784 = tpu.memref_slice %arg7[%dma_start3A_782, %dma_start3A_783] : memref<8x128xf32, #tpu.memory_space<vmem>> -> memref<1x64xf32, #tpu.memory_space<vmem>>
    %dma_start3A_785 = tpu.memref_squeeze %dma_start3A_784 : memref<1x64xf32, #tpu.memory_space<vmem>> -> memref<64xf32, #tpu.memory_space<vmem>>
    %dma_start3A_786 = arith.constant 0 : i32
    %dma_start3A_787 = tpu.memref_slice %arg6[%dma_start3A_781, %dma_start3A_786] : memref<8x64xi32, #tpu.memory_space<vmem>> -> memref<1x64xi32, #tpu.memory_space<vmem>>
    %dma_start3A_788 = tpu.memref_squeeze %dma_start3A_787 : memref<1x64xi32, #tpu.memory_space<vmem>> -> memref<64xi32, #tpu.memory_space<vmem>>
    %dma_start3A_789 = arith.constant 0 : i32
    %dma_start3A_790 = tpu.memref_slice %arg2[%dma_start3A_789] : memref<262144xf32, #tpu.memory_space<hbm>> -> memref<262144xf32, #tpu.memory_space<hbm>>
    tpu.enqueue_indirect_dma source(%dma_start3A_790 : memref<262144xf32, #tpu.memory_space<hbm>>) target(%dma_start3A_785 : memref<64xf32, #tpu.memory_space<vmem>>) offsets(%dma_start3A_788 : memref<64xi32, #tpu.memory_space<vmem>>) semaphore(%arg8 : memref<!tpu.dma_semaphore, #tpu.memory_space<semaphore_mem>>)
    %dma_start3A_791 = arith.constant 4 : i32
    %dma_start3A_792 = arith.constant 4 : i32
    %dma_start3A_793 = arith.constant 0 : i32
    %dma_start3A_794 = tpu.memref_slice %arg7[%dma_start3A_792, %dma_start3A_793] : memref<8x128xf32, #tpu.memory_space<vmem>> -> memref<1x64xf32, #tpu.memory_space<vmem>>
    %dma_start3A_795 = tpu.memref_squeeze %dma_start3A_794 : memref<1x64xf32, #tpu.memory_space<vmem>> -> memref<64xf32, #tpu.memory_space<vmem>>
    %dma_start3A_796 = arith.constant 0 : i32
    %dma_start3A_797 = tpu.memref_slice %arg6[%dma_start3A_791, %dma_start3A_796] : memref<8x64xi32, #tpu.memory_space<vmem>> -> memref<1x64xi32, #tpu.memory_space<vmem>>
    %dma_start3A_798 = tpu.memref_squeeze %dma_start3A_797 : memref<1x64xi32, #tpu.memory_space<vmem>> -> memref<64xi32, #tpu.memory_space<vmem>>
    %dma_start3A_799 = arith.constant 0 : i32
    %dma_start3A_800 = tpu.memref_slice %arg2[%dma_start3A_799] : memref<262144xf32, #tpu.memory_space<hbm>> -> memref<262144xf32, #tpu.memory_space<hbm>>
    tpu.enqueue_indirect_dma source(%dma_start3A_800 : memref<262144xf32, #tpu.memory_space<hbm>>) target(%dma_start3A_795 : memref<64xf32, #tpu.memory_space<vmem>>) offsets(%dma_start3A_798 : memref<64xi32, #tpu.memory_space<vmem>>) semaphore(%arg8 : memref<!tpu.dma_semaphore, #tpu.memory_space<semaphore_mem>>)
    %dma_start3A_801 = arith.constant 5 : i32
    %dma_start3A_802 = arith.constant 5 : i32
    %dma_start3A_803 = arith.constant 0 : i32
    %dma_start3A_804 = tpu.memref_slice %arg7[%dma_start3A_802, %dma_start3A_803] : memref<8x128xf32, #tpu.memory_space<vmem>> -> memref<1x64xf32, #tpu.memory_space<vmem>>
    %dma_start3A_805 = tpu.memref_squeeze %dma_start3A_804 : memref<1x64xf32, #tpu.memory_space<vmem>> -> memref<64xf32, #tpu.memory_space<vmem>>
    %dma_start3A_806 = arith.constant 0 : i32
    %dma_start3A_807 = tpu.memref_slice %arg6[%dma_start3A_801, %dma_start3A_806] : memref<8x64xi32, #tpu.memory_space<vmem>> -> memref<1x64xi32, #tpu.memory_space<vmem>>
    %dma_start3A_808 = tpu.memref_squeeze %dma_start3A_807 : memref<1x64xi32, #tpu.memory_space<vmem>> -> memref<64xi32, #tpu.memory_space<vmem>>
    %dma_start3A_809 = arith.constant 0 : i32
    %dma_start3A_810 = tpu.memref_slice %arg2[%dma_start3A_809] : memref<262144xf32, #tpu.memory_space<hbm>> -> memref<262144xf32, #tpu.memory_space<hbm>>
    tpu.enqueue_indirect_dma source(%dma_start3A_810 : memref<262144xf32, #tpu.memory_space<hbm>>) target(%dma_start3A_805 : memref<64xf32, #tpu.memory_space<vmem>>) offsets(%dma_start3A_808 : memref<64xi32, #tpu.memory_space<vmem>>) semaphore(%arg8 : memref<!tpu.dma_semaphore, #tpu.memory_space<semaphore_mem>>)
    %dma_start3A_811 = arith.constant 6 : i32
    %dma_start3A_812 = arith.constant 6 : i32
    %dma_start3A_813 = arith.constant 0 : i32
    %dma_start3A_814 = tpu.memref_slice %arg7[%dma_start3A_812, %dma_start3A_813] : memref<8x128xf32, #tpu.memory_space<vmem>> -> memref<1x64xf32, #tpu.memory_space<vmem>>
    %dma_start3A_815 = tpu.memref_squeeze %dma_start3A_814 : memref<1x64xf32, #tpu.memory_space<vmem>> -> memref<64xf32, #tpu.memory_space<vmem>>
    %dma_start3A_816 = arith.constant 0 : i32
    %dma_start3A_817 = tpu.memref_slice %arg6[%dma_start3A_811, %dma_start3A_816] : memref<8x64xi32, #tpu.memory_space<vmem>> -> memref<1x64xi32, #tpu.memory_space<vmem>>
    %dma_start3A_818 = tpu.memref_squeeze %dma_start3A_817 : memref<1x64xi32, #tpu.memory_space<vmem>> -> memref<64xi32, #tpu.memory_space<vmem>>
    %dma_start3A_819 = arith.constant 0 : i32
    %dma_start3A_820 = tpu.memref_slice %arg2[%dma_start3A_819] : memref<262144xf32, #tpu.memory_space<hbm>> -> memref<262144xf32, #tpu.memory_space<hbm>>
    tpu.enqueue_indirect_dma source(%dma_start3A_820 : memref<262144xf32, #tpu.memory_space<hbm>>) target(%dma_start3A_815 : memref<64xf32, #tpu.memory_space<vmem>>) offsets(%dma_start3A_818 : memref<64xi32, #tpu.memory_space<vmem>>) semaphore(%arg8 : memref<!tpu.dma_semaphore, #tpu.memory_space<semaphore_mem>>)
    %dma_start3A_821 = arith.constant 7 : i32
    %dma_start3A_822 = arith.constant 7 : i32
    %dma_start3A_823 = arith.constant 0 : i32
    %dma_start3A_824 = tpu.memref_slice %arg7[%dma_start3A_822, %dma_start3A_823] : memref<8x128xf32, #tpu.memory_space<vmem>> -> memref<1x64xf32, #tpu.memory_space<vmem>>
    %dma_start3A_825 = tpu.memref_squeeze %dma_start3A_824 : memref<1x64xf32, #tpu.memory_space<vmem>> -> memref<64xf32, #tpu.memory_space<vmem>>
    %dma_start3A_826 = arith.constant 0 : i32
    %dma_start3A_827 = tpu.memref_slice %arg6[%dma_start3A_821, %dma_start3A_826] : memref<8x64xi32, #tpu.memory_space<vmem>> -> memref<1x64xi32, #tpu.memory_space<vmem>>
    %dma_start3A_828 = tpu.memref_squeeze %dma_start3A_827 : memref<1x64xi32, #tpu.memory_space<vmem>> -> memref<64xi32, #tpu.memory_space<vmem>>
    %dma_start3A_829 = arith.constant 0 : i32
    %dma_start3A_830 = tpu.memref_slice %arg2[%dma_start3A_829] : memref<262144xf32, #tpu.memory_space<hbm>> -> memref<262144xf32, #tpu.memory_space<hbm>>
    tpu.enqueue_indirect_dma source(%dma_start3A_830 : memref<262144xf32, #tpu.memory_space<hbm>>) target(%dma_start3A_825 : memref<64xf32, #tpu.memory_space<vmem>>) offsets(%dma_start3A_828 : memref<64xi32, #tpu.memory_space<vmem>>) semaphore(%arg8 : memref<!tpu.dma_semaphore, #tpu.memory_space<semaphore_mem>>)
    %dma_wait3A_831 = arith.constant 0 : i32
    %dma_wait3A_832 = arith.constant 0 : i32
    %dma_wait3A_833 = arith.constant 0 : i32
    %dma_wait3A_834 = tpu.memref_slice %arg7[%dma_wait3A_832, %dma_wait3A_833] : memref<8x128xf32, #tpu.memory_space<vmem>> -> memref<1x64xf32, #tpu.memory_space<vmem>>
    %dma_wait3A_835 = tpu.memref_squeeze %dma_wait3A_834 : memref<1x64xf32, #tpu.memory_space<vmem>> -> memref<64xf32, #tpu.memory_space<vmem>>
    %dma_wait3A_836 = arith.constant 0 : i32
    %dma_wait3A_837 = tpu.memref_slice %arg6[%dma_wait3A_831, %dma_wait3A_836] : memref<8x64xi32, #tpu.memory_space<vmem>> -> memref<1x64xi32, #tpu.memory_space<vmem>>
    %dma_wait3A_838 = tpu.memref_squeeze %dma_wait3A_837 : memref<1x64xi32, #tpu.memory_space<vmem>> -> memref<64xi32, #tpu.memory_space<vmem>>
    %dma_wait3A_839 = arith.constant 0 : i32
    %dma_wait3A_840 = tpu.memref_slice %arg2[%dma_wait3A_839] : memref<262144xf32, #tpu.memory_space<hbm>> -> memref<262144xf32, #tpu.memory_space<hbm>>
    tpu.wait_indirect_dma semaphore(%arg8 : memref<!tpu.dma_semaphore, #tpu.memory_space<semaphore_mem>>) src(%dma_wait3A_840 : memref<262144xf32, #tpu.memory_space<hbm>>) dst(%dma_wait3A_835 : memref<64xf32, #tpu.memory_space<vmem>>)
    %dma_wait3A_841 = arith.constant 1 : i32
    %dma_wait3A_842 = arith.constant 1 : i32
    %dma_wait3A_843 = arith.constant 0 : i32
    %dma_wait3A_844 = tpu.memref_slice %arg7[%dma_wait3A_842, %dma_wait3A_843] : memref<8x128xf32, #tpu.memory_space<vmem>> -> memref<1x64xf32, #tpu.memory_space<vmem>>
    %dma_wait3A_845 = tpu.memref_squeeze %dma_wait3A_844 : memref<1x64xf32, #tpu.memory_space<vmem>> -> memref<64xf32, #tpu.memory_space<vmem>>
    %dma_wait3A_846 = arith.constant 0 : i32
    %dma_wait3A_847 = tpu.memref_slice %arg6[%dma_wait3A_841, %dma_wait3A_846] : memref<8x64xi32, #tpu.memory_space<vmem>> -> memref<1x64xi32, #tpu.memory_space<vmem>>
    %dma_wait3A_848 = tpu.memref_squeeze %dma_wait3A_847 : memref<1x64xi32, #tpu.memory_space<vmem>> -> memref<64xi32, #tpu.memory_space<vmem>>
    %dma_wait3A_849 = arith.constant 0 : i32
    %dma_wait3A_850 = tpu.memref_slice %arg2[%dma_wait3A_849] : memref<262144xf32, #tpu.memory_space<hbm>> -> memref<262144xf32, #tpu.memory_space<hbm>>
    tpu.wait_indirect_dma semaphore(%arg8 : memref<!tpu.dma_semaphore, #tpu.memory_space<semaphore_mem>>) src(%dma_wait3A_850 : memref<262144xf32, #tpu.memory_space<hbm>>) dst(%dma_wait3A_845 : memref<64xf32, #tpu.memory_space<vmem>>)
    %dma_wait3A_851 = arith.constant 2 : i32
    %dma_wait3A_852 = arith.constant 2 : i32
    %dma_wait3A_853 = arith.constant 0 : i32
    %dma_wait3A_854 = tpu.memref_slice %arg7[%dma_wait3A_852, %dma_wait3A_853] : memref<8x128xf32, #tpu.memory_space<vmem>> -> memref<1x64xf32, #tpu.memory_space<vmem>>
    %dma_wait3A_855 = tpu.memref_squeeze %dma_wait3A_854 : memref<1x64xf32, #tpu.memory_space<vmem>> -> memref<64xf32, #tpu.memory_space<vmem>>
    %dma_wait3A_856 = arith.constant 0 : i32
    %dma_wait3A_857 = tpu.memref_slice %arg6[%dma_wait3A_851, %dma_wait3A_856] : memref<8x64xi32, #tpu.memory_space<vmem>> -> memref<1x64xi32, #tpu.memory_space<vmem>>
    %dma_wait3A_858 = tpu.memref_squeeze %dma_wait3A_857 : memref<1x64xi32, #tpu.memory_space<vmem>> -> memref<64xi32, #tpu.memory_space<vmem>>
    %dma_wait3A_859 = arith.constant 0 : i32
    %dma_wait3A_860 = tpu.memref_slice %arg2[%dma_wait3A_859] : memref<262144xf32, #tpu.memory_space<hbm>> -> memref<262144xf32, #tpu.memory_space<hbm>>
    tpu.wait_indirect_dma semaphore(%arg8 : memref<!tpu.dma_semaphore, #tpu.memory_space<semaphore_mem>>) src(%dma_wait3A_860 : memref<262144xf32, #tpu.memory_space<hbm>>) dst(%dma_wait3A_855 : memref<64xf32, #tpu.memory_space<vmem>>)
    %dma_wait3A_861 = arith.constant 3 : i32
    %dma_wait3A_862 = arith.constant 3 : i32
    %dma_wait3A_863 = arith.constant 0 : i32
    %dma_wait3A_864 = tpu.memref_slice %arg7[%dma_wait3A_862, %dma_wait3A_863] : memref<8x128xf32, #tpu.memory_space<vmem>> -> memref<1x64xf32, #tpu.memory_space<vmem>>
    %dma_wait3A_865 = tpu.memref_squeeze %dma_wait3A_864 : memref<1x64xf32, #tpu.memory_space<vmem>> -> memref<64xf32, #tpu.memory_space<vmem>>
    %dma_wait3A_866 = arith.constant 0 : i32
    %dma_wait3A_867 = tpu.memref_slice %arg6[%dma_wait3A_861, %dma_wait3A_866] : memref<8x64xi32, #tpu.memory_space<vmem>> -> memref<1x64xi32, #tpu.memory_space<vmem>>
    %dma_wait3A_868 = tpu.memref_squeeze %dma_wait3A_867 : memref<1x64xi32, #tpu.memory_space<vmem>> -> memref<64xi32, #tpu.memory_space<vmem>>
    %dma_wait3A_869 = arith.constant 0 : i32
    %dma_wait3A_870 = tpu.memref_slice %arg2[%dma_wait3A_869] : memref<262144xf32, #tpu.memory_space<hbm>> -> memref<262144xf32, #tpu.memory_space<hbm>>
    tpu.wait_indirect_dma semaphore(%arg8 : memref<!tpu.dma_semaphore, #tpu.memory_space<semaphore_mem>>) src(%dma_wait3A_870 : memref<262144xf32, #tpu.memory_space<hbm>>) dst(%dma_wait3A_865 : memref<64xf32, #tpu.memory_space<vmem>>)
    %dma_wait3A_871 = arith.constant 4 : i32
    %dma_wait3A_872 = arith.constant 4 : i32
    %dma_wait3A_873 = arith.constant 0 : i32
    %dma_wait3A_874 = tpu.memref_slice %arg7[%dma_wait3A_872, %dma_wait3A_873] : memref<8x128xf32, #tpu.memory_space<vmem>> -> memref<1x64xf32, #tpu.memory_space<vmem>>
    %dma_wait3A_875 = tpu.memref_squeeze %dma_wait3A_874 : memref<1x64xf32, #tpu.memory_space<vmem>> -> memref<64xf32, #tpu.memory_space<vmem>>
    %dma_wait3A_876 = arith.constant 0 : i32
    %dma_wait3A_877 = tpu.memref_slice %arg6[%dma_wait3A_871, %dma_wait3A_876] : memref<8x64xi32, #tpu.memory_space<vmem>> -> memref<1x64xi32, #tpu.memory_space<vmem>>
    %dma_wait3A_878 = tpu.memref_squeeze %dma_wait3A_877 : memref<1x64xi32, #tpu.memory_space<vmem>> -> memref<64xi32, #tpu.memory_space<vmem>>
    %dma_wait3A_879 = arith.constant 0 : i32
    %dma_wait3A_880 = tpu.memref_slice %arg2[%dma_wait3A_879] : memref<262144xf32, #tpu.memory_space<hbm>> -> memref<262144xf32, #tpu.memory_space<hbm>>
    tpu.wait_indirect_dma semaphore(%arg8 : memref<!tpu.dma_semaphore, #tpu.memory_space<semaphore_mem>>) src(%dma_wait3A_880 : memref<262144xf32, #tpu.memory_space<hbm>>) dst(%dma_wait3A_875 : memref<64xf32, #tpu.memory_space<vmem>>)
    %dma_wait3A_881 = arith.constant 5 : i32
    %dma_wait3A_882 = arith.constant 5 : i32
    %dma_wait3A_883 = arith.constant 0 : i32
    %dma_wait3A_884 = tpu.memref_slice %arg7[%dma_wait3A_882, %dma_wait3A_883] : memref<8x128xf32, #tpu.memory_space<vmem>> -> memref<1x64xf32, #tpu.memory_space<vmem>>
    %dma_wait3A_885 = tpu.memref_squeeze %dma_wait3A_884 : memref<1x64xf32, #tpu.memory_space<vmem>> -> memref<64xf32, #tpu.memory_space<vmem>>
    %dma_wait3A_886 = arith.constant 0 : i32
    %dma_wait3A_887 = tpu.memref_slice %arg6[%dma_wait3A_881, %dma_wait3A_886] : memref<8x64xi32, #tpu.memory_space<vmem>> -> memref<1x64xi32, #tpu.memory_space<vmem>>
    %dma_wait3A_888 = tpu.memref_squeeze %dma_wait3A_887 : memref<1x64xi32, #tpu.memory_space<vmem>> -> memref<64xi32, #tpu.memory_space<vmem>>
    %dma_wait3A_889 = arith.constant 0 : i32
    %dma_wait3A_890 = tpu.memref_slice %arg2[%dma_wait3A_889] : memref<262144xf32, #tpu.memory_space<hbm>> -> memref<262144xf32, #tpu.memory_space<hbm>>
    tpu.wait_indirect_dma semaphore(%arg8 : memref<!tpu.dma_semaphore, #tpu.memory_space<semaphore_mem>>) src(%dma_wait3A_890 : memref<262144xf32, #tpu.memory_space<hbm>>) dst(%dma_wait3A_885 : memref<64xf32, #tpu.memory_space<vmem>>)
    %dma_wait3A_891 = arith.constant 6 : i32
    %dma_wait3A_892 = arith.constant 6 : i32
    %dma_wait3A_893 = arith.constant 0 : i32
    %dma_wait3A_894 = tpu.memref_slice %arg7[%dma_wait3A_892, %dma_wait3A_893] : memref<8x128xf32, #tpu.memory_space<vmem>> -> memref<1x64xf32, #tpu.memory_space<vmem>>
    %dma_wait3A_895 = tpu.memref_squeeze %dma_wait3A_894 : memref<1x64xf32, #tpu.memory_space<vmem>> -> memref<64xf32, #tpu.memory_space<vmem>>
    %dma_wait3A_896 = arith.constant 0 : i32
    %dma_wait3A_897 = tpu.memref_slice %arg6[%dma_wait3A_891, %dma_wait3A_896] : memref<8x64xi32, #tpu.memory_space<vmem>> -> memref<1x64xi32, #tpu.memory_space<vmem>>
    %dma_wait3A_898 = tpu.memref_squeeze %dma_wait3A_897 : memref<1x64xi32, #tpu.memory_space<vmem>> -> memref<64xi32, #tpu.memory_space<vmem>>
    %dma_wait3A_899 = arith.constant 0 : i32
    %dma_wait3A_900 = tpu.memref_slice %arg2[%dma_wait3A_899] : memref<262144xf32, #tpu.memory_space<hbm>> -> memref<262144xf32, #tpu.memory_space<hbm>>
    tpu.wait_indirect_dma semaphore(%arg8 : memref<!tpu.dma_semaphore, #tpu.memory_space<semaphore_mem>>) src(%dma_wait3A_900 : memref<262144xf32, #tpu.memory_space<hbm>>) dst(%dma_wait3A_895 : memref<64xf32, #tpu.memory_space<vmem>>)
    %dma_wait3A_901 = arith.constant 7 : i32
    %dma_wait3A_902 = arith.constant 7 : i32
    %dma_wait3A_903 = arith.constant 0 : i32
    %dma_wait3A_904 = tpu.memref_slice %arg7[%dma_wait3A_902, %dma_wait3A_903] : memref<8x128xf32, #tpu.memory_space<vmem>> -> memref<1x64xf32, #tpu.memory_space<vmem>>
    %dma_wait3A_905 = tpu.memref_squeeze %dma_wait3A_904 : memref<1x64xf32, #tpu.memory_space<vmem>> -> memref<64xf32, #tpu.memory_space<vmem>>
    %dma_wait3A_906 = arith.constant 0 : i32
    %dma_wait3A_907 = tpu.memref_slice %arg6[%dma_wait3A_901, %dma_wait3A_906] : memref<8x64xi32, #tpu.memory_space<vmem>> -> memref<1x64xi32, #tpu.memory_space<vmem>>
    %dma_wait3A_908 = tpu.memref_squeeze %dma_wait3A_907 : memref<1x64xi32, #tpu.memory_space<vmem>> -> memref<64xi32, #tpu.memory_space<vmem>>
    %dma_wait3A_909 = arith.constant 0 : i32
    %dma_wait3A_910 = tpu.memref_slice %arg2[%dma_wait3A_909] : memref<262144xf32, #tpu.memory_space<hbm>> -> memref<262144xf32, #tpu.memory_space<hbm>>
    tpu.wait_indirect_dma semaphore(%arg8 : memref<!tpu.dma_semaphore, #tpu.memory_space<semaphore_mem>>) src(%dma_wait3A_910 : memref<262144xf32, #tpu.memory_space<hbm>>) dst(%dma_wait3A_905 : memref<64xf32, #tpu.memory_space<vmem>>)
    %mul3A_911 = arith.constant 8 : i32
    %mul3A_912 = arith.muli %add3A, %mul3A_911 : i32
    "tpu.region"() ({
      %run_scoped3A = tpu.sem_alloc : memref<!tpu.dma_semaphore, #tpu.memory_space<semaphore_mem>>
      %dma_start3A_913 = arith.constant 0 : i32
      %dma_start3A_914 = tpu.memref_slice %arg4[%mul3A_912, %dma_start3A_913] : memref<256x128xf32, #tpu.memory_space<hbm>> -> memref<8x128xf32, #tpu.memory_space<hbm>>
      %dma_start3A_915 = arith.constant 0 : i32
      %dma_start3A_916 = tpu.memref_slice %arg4[%mul3A_912, %dma_start3A_915] : memref<256x128xf32, #tpu.memory_space<hbm>> -> memref<8x128xf32, #tpu.memory_space<hbm>>
      tpu.enqueue_dma source(%arg7 : memref<8x128xf32, #tpu.memory_space<vmem>>) target(%dma_start3A_916 : memref<8x128xf32, #tpu.memory_space<hbm>>) target_semaphore(%run_scoped3A : memref<!tpu.dma_semaphore, #tpu.memory_space<semaphore_mem>>)
      %dma_wait3A_917 = arith.constant 0 : i32
      %dma_wait3A_918 = tpu.memref_slice %arg4[%mul3A_912, %dma_wait3A_917] : memref<256x128xf32, #tpu.memory_space<hbm>> -> memref<8x128xf32, #tpu.memory_space<hbm>>
      %dma_wait3A_919 = arith.constant 0 : i32
      %dma_wait3A_920 = tpu.memref_slice %arg4[%mul3A_912, %dma_wait3A_919] : memref<256x128xf32, #tpu.memory_space<hbm>> -> memref<8x128xf32, #tpu.memory_space<hbm>>
      tpu.wait_dma2 semaphore(%run_scoped3A : memref<!tpu.dma_semaphore, #tpu.memory_space<semaphore_mem>>) src(%arg7 : memref<8x128xf32, #tpu.memory_space<vmem>>) dst(%dma_wait3A_920 : memref<8x128xf32, #tpu.memory_space<hbm>>)
      tpu.yield
    }) : () -> ()
    return
  }
}

module attributes {stable_mosaic.version = 14 : i64} {
  func.func @_stage2_body(%arg0: memref<256x128xf32, #tpu.memory_space<vmem>>, %arg1: memref<4x1x128xf32, #tpu.memory_space<vmem>>, %arg2: memref<1x128xf32, #tpu.memory_space<vmem>>, %arg3: memref<4x64x64xf32, #tpu.memory_space<vmem>>) attributes {dimension_semantics = [], scalar_prefetch = 0 : i64, scratch_operands = 0 : i64, tpu.core_type = #tpu.core_type<tc>} {
    %iota3A = tpu.iota {dimensions = array<i32: 1>} : vector<64x64xi32>
    %iota3A_0 = tpu.iota {dimensions = array<i32: 0>} : vector<64x64xi32>
    %get3A = arith.constant 0 : index
    %get3A_1 = arith.constant 0 : index
    %get3A_2 = vector.load %arg0[%get3A, %get3A_1] : memref<256x128xf32, #tpu.memory_space<vmem>>, vector<64x64xf32>
    %get3A_3 = arith.constant 0 : index
    %get3A_4 = arith.constant 0 : index
    %get3A_5 = arith.constant 0 : index
    %get3A_6 = vector.load %arg1[%get3A_3, %get3A_4, %get3A_5] : memref<4x1x128xf32, #tpu.memory_space<vmem>>, vector<1x1x128xf32>
    %get3A_7 = vector.shape_cast %get3A_6 : vector<1x1x128xf32> to vector<1x128xf32>
    %reduce_max3A = vector.shape_cast %get3A_7 : vector<1x128xf32> to vector<1x1x128xf32>
    %reduce_max3A_8 = arith.constant dense<0xFF800000> : vector<1xf32>
    %reduce_max3A_9 = vector.multi_reduction <maximumf>, %reduce_max3A, %reduce_max3A_8 [1, 2] : vector<1x1x128xf32> to vector<1xf32>
    %reduce_max3A_10 = vector.shape_cast %reduce_max3A_9 : vector<1xf32> to vector<1x1x1xf32>
    %reduce_max3A_11 = vector.extract %reduce_max3A_10[0, 0, 0] : f32 from vector<1x1x1xf32>
    %slice3A = vector.extract_strided_slice %get3A_7 {offsets = [0, 0], sizes = [1, 64], strides = [1, 1]} : vector<1x128xf32> to vector<1x64xf32>
    %gt3A = arith.constant 5.000000e-01 : f32
    %gt3A_12 = vector.broadcast %gt3A : f32 to vector<1x64xf32>
    %gt3A_13 = arith.cmpf ogt, %slice3A, %gt3A_12 : vector<1x64xf32>
    %mul3A = arith.constant 14.2857141 : f32
    %mul3A_14 = vector.broadcast %mul3A : f32 to vector<64x64xf32>
    %mul3A_15 = arith.mulf %get3A_2, %mul3A_14 : vector<64x64xf32>
    %jit3A = arith.constant 0.000000e+00 : f32
    %broadcast_in_dim3A = vector.shape_cast %gt3A_13 : vector<1x64xi1> to vector<1x64xi1>
    %broadcast_in_dim3A_16 = vector.broadcast %broadcast_in_dim3A : vector<1x64xi1> to vector<64x64xi1>
    %broadcast_in_dim3A_17 = vector.broadcast %jit3A : f32 to vector<64x64xf32>
    %select_n3A = arith.select %broadcast_in_dim3A_16, %mul3A_15, %broadcast_in_dim3A_17 : vector<64x64xi1>, vector<64x64xf32>
    %swap3A = arith.constant 0 : index
    %swap3A_18 = arith.constant 0 : index
    %swap3A_19 = arith.constant 0 : index
    %swap3A_20 = vector.load %arg3[%swap3A, %swap3A_18, %swap3A_19] : memref<4x64x64xf32, #tpu.memory_space<vmem>>, vector<1x64x64xf32>
    %swap3A_21 = vector.shape_cast %swap3A_20 : vector<1x64x64xf32> to vector<64x64xf32>
    %swap3A_22 = vector.shape_cast %select_n3A : vector<64x64xf32> to vector<1x64x64xf32>
    tpu.vector_store %arg3[%swap3A, %swap3A_18, %swap3A_19], %swap3A_22 {strides = array<i32>} : memref<4x64x64xf32, #tpu.memory_space<vmem>>, vector<1x64x64xf32>,
    %reduce_max3A_23 = arith.constant dense<0xFF800000> : vector<64xf32>
    %reduce_max3A_24 = vector.multi_reduction <maximumf>, %select_n3A, %reduce_max3A_23 [1] : vector<64x64xf32> to vector<64xf32>
    %broadcast_in_dim3A_25 = vector.shape_cast %reduce_max3A_24 : vector<64xf32> to vector<64x1xf32>
    %sub3A = vector.broadcast %broadcast_in_dim3A_25 : vector<64x1xf32> to vector<64x64xf32>
    %sub3A_26 = arith.subf %select_n3A, %sub3A : vector<64x64xf32>
    %exp3A = math.exp %sub3A_26 : vector<64x64xf32>
    %reduce_sum3A = arith.constant dense<0.000000e+00> : vector<64xf32>
    %reduce_sum3A_27 = vector.multi_reduction <add>, %exp3A, %reduce_sum3A [1] : vector<64x64xf32> to vector<64xf32>
    %broadcast_in_dim3A_28 = vector.shape_cast %reduce_sum3A_27 : vector<64xf32> to vector<64x1xf32>
    %log3A = math.log %broadcast_in_dim3A_28 : vector<64x1xf32>
    %add3A = arith.addf %log3A, %broadcast_in_dim3A_25 : vector<64x1xf32>
    %eq3A = arith.cmpi eq, %iota3A, %iota3A_0 : vector<64x64xi32>
    %jit3A_29 = arith.constant 0.000000e+00 : f32
    %broadcast_in_dim3A_30 = vector.broadcast %jit3A_29 : f32 to vector<64x64xf32>
    %select_n3A_31 = arith.select %eq3A, %select_n3A, %broadcast_in_dim3A_30 : vector<64x64xi1>, vector<64x64xf32>
    %reduce_sum3A_32 = arith.constant dense<0.000000e+00> : vector<64xf32>
    %reduce_sum3A_33 = vector.multi_reduction <add>, %select_n3A_31, %reduce_sum3A_32 [1] : vector<64x64xf32> to vector<64xf32>
    %broadcast_in_dim3A_34 = vector.shape_cast %reduce_sum3A_33 : vector<64xf32> to vector<64x1xf32>
    %sub3A_35 = arith.subf %add3A, %broadcast_in_dim3A_34 : vector<64x1xf32>
    %reduce_sum3A_36 = vector.shape_cast %sub3A_35 : vector<64x1xf32> to vector<1x64x1xf32>
    %reduce_sum3A_37 = arith.constant dense<0.000000e+00> : vector<1xf32>
    %reduce_sum3A_38 = vector.multi_reduction <add>, %reduce_sum3A_36, %reduce_sum3A_37 [1, 2] : vector<1x64x1xf32> to vector<1xf32>
    %reduce_sum3A_39 = vector.shape_cast %reduce_sum3A_38 : vector<1xf32> to vector<1x1x1xf32>
    %reduce_sum3A_40 = vector.extract %reduce_sum3A_39[0, 0, 0] : f32 from vector<1x1x1xf32>
    %mul3A_41 = arith.constant 1.562500e-02 : f32
    %mul3A_42 = arith.mulf %reduce_sum3A_40, %mul3A_41 : f32
    %gt3A_43 = arith.constant 5.000000e-01 : f32
    %gt3A_44 = arith.cmpf ogt, %reduce_max3A_11, %gt3A_43 : f32
    %jit3A_45 = arith.constant 0.000000e+00 : f32
    %select_n3A_46 = arith.select %gt3A_44, %mul3A_42, %jit3A_45 : f32
    %add3A_47 = arith.constant 0.000000e+00 : f32
    %add3A_48 = arith.addf %add3A_47, %select_n3A_46 : f32
    %get3A_49 = arith.constant 64 : index
    %get3A_50 = arith.constant 0 : index
    %get3A_51 = vector.load %arg0[%get3A_49, %get3A_50] : memref<256x128xf32, #tpu.memory_space<vmem>>, vector<64x64xf32>
    %get3A_52 = arith.constant 1 : index
    %get3A_53 = arith.constant 0 : index
    %get3A_54 = arith.constant 0 : index
    %get3A_55 = vector.load %arg1[%get3A_52, %get3A_53, %get3A_54] : memref<4x1x128xf32, #tpu.memory_space<vmem>>, vector<1x1x128xf32>
    %get3A_56 = vector.shape_cast %get3A_55 : vector<1x1x128xf32> to vector<1x128xf32>
    %reduce_max3A_57 = vector.shape_cast %get3A_56 : vector<1x128xf32> to vector<1x1x128xf32>
    %reduce_max3A_58 = arith.constant dense<0xFF800000> : vector<1xf32>
    %reduce_max3A_59 = vector.multi_reduction <maximumf>, %reduce_max3A_57, %reduce_max3A_58 [1, 2] : vector<1x1x128xf32> to vector<1xf32>
    %reduce_max3A_60 = vector.shape_cast %reduce_max3A_59 : vector<1xf32> to vector<1x1x1xf32>
    %reduce_max3A_61 = vector.extract %reduce_max3A_60[0, 0, 0] : f32 from vector<1x1x1xf32>
    %slice3A_62 = vector.extract_strided_slice %get3A_56 {offsets = [0, 0], sizes = [1, 64], strides = [1, 1]} : vector<1x128xf32> to vector<1x64xf32>
    %gt3A_63 = arith.constant 5.000000e-01 : f32
    %gt3A_64 = vector.broadcast %gt3A_63 : f32 to vector<1x64xf32>
    %gt3A_65 = arith.cmpf ogt, %slice3A_62, %gt3A_64 : vector<1x64xf32>
    %mul3A_66 = arith.constant 14.2857141 : f32
    %mul3A_67 = vector.broadcast %mul3A_66 : f32 to vector<64x64xf32>
    %mul3A_68 = arith.mulf %get3A_51, %mul3A_67 : vector<64x64xf32>
    %jit3A_69 = arith.constant 0.000000e+00 : f32
    %broadcast_in_dim3A_70 = vector.shape_cast %gt3A_65 : vector<1x64xi1> to vector<1x64xi1>
    %broadcast_in_dim3A_71 = vector.broadcast %broadcast_in_dim3A_70 : vector<1x64xi1> to vector<64x64xi1>
    %broadcast_in_dim3A_72 = vector.broadcast %jit3A_69 : f32 to vector<64x64xf32>
    %select_n3A_73 = arith.select %broadcast_in_dim3A_71, %mul3A_68, %broadcast_in_dim3A_72 : vector<64x64xi1>, vector<64x64xf32>
    %swap3A_74 = arith.constant 1 : index
    %swap3A_75 = arith.constant 0 : index
    %swap3A_76 = arith.constant 0 : index
    %swap3A_77 = vector.load %arg3[%swap3A_74, %swap3A_75, %swap3A_76] : memref<4x64x64xf32, #tpu.memory_space<vmem>>, vector<1x64x64xf32>
    %swap3A_78 = vector.shape_cast %swap3A_77 : vector<1x64x64xf32> to vector<64x64xf32>
    %swap3A_79 = vector.shape_cast %select_n3A_73 : vector<64x64xf32> to vector<1x64x64xf32>
    tpu.vector_store %arg3[%swap3A_74, %swap3A_75, %swap3A_76], %swap3A_79 {strides = array<i32>} : memref<4x64x64xf32, #tpu.memory_space<vmem>>, vector<1x64x64xf32>,
    %reduce_max3A_80 = arith.constant dense<0xFF800000> : vector<64xf32>
    %reduce_max3A_81 = vector.multi_reduction <maximumf>, %select_n3A_73, %reduce_max3A_80 [1] : vector<64x64xf32> to vector<64xf32>
    %broadcast_in_dim3A_82 = vector.shape_cast %reduce_max3A_81 : vector<64xf32> to vector<64x1xf32>
    %sub3A_83 = vector.broadcast %broadcast_in_dim3A_82 : vector<64x1xf32> to vector<64x64xf32>
    %sub3A_84 = arith.subf %select_n3A_73, %sub3A_83 : vector<64x64xf32>
    %exp3A_85 = math.exp %sub3A_84 : vector<64x64xf32>
    %reduce_sum3A_86 = arith.constant dense<0.000000e+00> : vector<64xf32>
    %reduce_sum3A_87 = vector.multi_reduction <add>, %exp3A_85, %reduce_sum3A_86 [1] : vector<64x64xf32> to vector<64xf32>
    %broadcast_in_dim3A_88 = vector.shape_cast %reduce_sum3A_87 : vector<64xf32> to vector<64x1xf32>
    %log3A_89 = math.log %broadcast_in_dim3A_88 : vector<64x1xf32>
    %add3A_90 = arith.addf %log3A_89, %broadcast_in_dim3A_82 : vector<64x1xf32>
    %eq3A_91 = arith.cmpi eq, %iota3A, %iota3A_0 : vector<64x64xi32>
    %jit3A_92 = arith.constant 0.000000e+00 : f32
    %broadcast_in_dim3A_93 = vector.broadcast %jit3A_92 : f32 to vector<64x64xf32>
    %select_n3A_94 = arith.select %eq3A_91, %select_n3A_73, %broadcast_in_dim3A_93 : vector<64x64xi1>, vector<64x64xf32>
    %reduce_sum3A_95 = arith.constant dense<0.000000e+00> : vector<64xf32>
    %reduce_sum3A_96 = vector.multi_reduction <add>, %select_n3A_94, %reduce_sum3A_95 [1] : vector<64x64xf32> to vector<64xf32>
    %broadcast_in_dim3A_97 = vector.shape_cast %reduce_sum3A_96 : vector<64xf32> to vector<64x1xf32>
    %sub3A_98 = arith.subf %add3A_90, %broadcast_in_dim3A_97 : vector<64x1xf32>
    %reduce_sum3A_99 = vector.shape_cast %sub3A_98 : vector<64x1xf32> to vector<1x64x1xf32>
    %reduce_sum3A_100 = arith.constant dense<0.000000e+00> : vector<1xf32>
    %reduce_sum3A_101 = vector.multi_reduction <add>, %reduce_sum3A_99, %reduce_sum3A_100 [1, 2] : vector<1x64x1xf32> to vector<1xf32>
    %reduce_sum3A_102 = vector.shape_cast %reduce_sum3A_101 : vector<1xf32> to vector<1x1x1xf32>
    %reduce_sum3A_103 = vector.extract %reduce_sum3A_102[0, 0, 0] : f32 from vector<1x1x1xf32>
    %mul3A_104 = arith.constant 1.562500e-02 : f32
    %mul3A_105 = arith.mulf %reduce_sum3A_103, %mul3A_104 : f32
    %gt3A_106 = arith.constant 5.000000e-01 : f32
    %gt3A_107 = arith.cmpf ogt, %reduce_max3A_61, %gt3A_106 : f32
    %jit3A_108 = arith.constant 0.000000e+00 : f32
    %select_n3A_109 = arith.select %gt3A_107, %mul3A_105, %jit3A_108 : f32
    %add3A_110 = arith.addf %add3A_48, %select_n3A_109 : f32
    %get3A_111 = arith.constant 128 : index
    %get3A_112 = arith.constant 0 : index
    %get3A_113 = vector.load %arg0[%get3A_111, %get3A_112] : memref<256x128xf32, #tpu.memory_space<vmem>>, vector<64x64xf32>
    %get3A_114 = arith.constant 2 : index
    %get3A_115 = arith.constant 0 : index
    %get3A_116 = arith.constant 0 : index
    %get3A_117 = vector.load %arg1[%get3A_114, %get3A_115, %get3A_116] : memref<4x1x128xf32, #tpu.memory_space<vmem>>, vector<1x1x128xf32>
    %get3A_118 = vector.shape_cast %get3A_117 : vector<1x1x128xf32> to vector<1x128xf32>
    %reduce_max3A_119 = vector.shape_cast %get3A_118 : vector<1x128xf32> to vector<1x1x128xf32>
    %reduce_max3A_120 = arith.constant dense<0xFF800000> : vector<1xf32>
    %reduce_max3A_121 = vector.multi_reduction <maximumf>, %reduce_max3A_119, %reduce_max3A_120 [1, 2] : vector<1x1x128xf32> to vector<1xf32>
    %reduce_max3A_122 = vector.shape_cast %reduce_max3A_121 : vector<1xf32> to vector<1x1x1xf32>
    %reduce_max3A_123 = vector.extract %reduce_max3A_122[0, 0, 0] : f32 from vector<1x1x1xf32>
    %slice3A_124 = vector.extract_strided_slice %get3A_118 {offsets = [0, 0], sizes = [1, 64], strides = [1, 1]} : vector<1x128xf32> to vector<1x64xf32>
    %gt3A_125 = arith.constant 5.000000e-01 : f32
    %gt3A_126 = vector.broadcast %gt3A_125 : f32 to vector<1x64xf32>
    %gt3A_127 = arith.cmpf ogt, %slice3A_124, %gt3A_126 : vector<1x64xf32>
    %mul3A_128 = arith.constant 14.2857141 : f32
    %mul3A_129 = vector.broadcast %mul3A_128 : f32 to vector<64x64xf32>
    %mul3A_130 = arith.mulf %get3A_113, %mul3A_129 : vector<64x64xf32>
    %jit3A_131 = arith.constant 0.000000e+00 : f32
    %broadcast_in_dim3A_132 = vector.shape_cast %gt3A_127 : vector<1x64xi1> to vector<1x64xi1>
    %broadcast_in_dim3A_133 = vector.broadcast %broadcast_in_dim3A_132 : vector<1x64xi1> to vector<64x64xi1>
    %broadcast_in_dim3A_134 = vector.broadcast %jit3A_131 : f32 to vector<64x64xf32>
    %select_n3A_135 = arith.select %broadcast_in_dim3A_133, %mul3A_130, %broadcast_in_dim3A_134 : vector<64x64xi1>, vector<64x64xf32>
    %swap3A_136 = arith.constant 2 : index
    %swap3A_137 = arith.constant 0 : index
    %swap3A_138 = arith.constant 0 : index
    %swap3A_139 = vector.load %arg3[%swap3A_136, %swap3A_137, %swap3A_138] : memref<4x64x64xf32, #tpu.memory_space<vmem>>, vector<1x64x64xf32>
    %swap3A_140 = vector.shape_cast %swap3A_139 : vector<1x64x64xf32> to vector<64x64xf32>
    %swap3A_141 = vector.shape_cast %select_n3A_135 : vector<64x64xf32> to vector<1x64x64xf32>
    tpu.vector_store %arg3[%swap3A_136, %swap3A_137, %swap3A_138], %swap3A_141 {strides = array<i32>} : memref<4x64x64xf32, #tpu.memory_space<vmem>>, vector<1x64x64xf32>,
    %reduce_max3A_142 = arith.constant dense<0xFF800000> : vector<64xf32>
    %reduce_max3A_143 = vector.multi_reduction <maximumf>, %select_n3A_135, %reduce_max3A_142 [1] : vector<64x64xf32> to vector<64xf32>
    %broadcast_in_dim3A_144 = vector.shape_cast %reduce_max3A_143 : vector<64xf32> to vector<64x1xf32>
    %sub3A_145 = vector.broadcast %broadcast_in_dim3A_144 : vector<64x1xf32> to vector<64x64xf32>
    %sub3A_146 = arith.subf %select_n3A_135, %sub3A_145 : vector<64x64xf32>
    %exp3A_147 = math.exp %sub3A_146 : vector<64x64xf32>
    %reduce_sum3A_148 = arith.constant dense<0.000000e+00> : vector<64xf32>
    %reduce_sum3A_149 = vector.multi_reduction <add>, %exp3A_147, %reduce_sum3A_148 [1] : vector<64x64xf32> to vector<64xf32>
    %broadcast_in_dim3A_150 = vector.shape_cast %reduce_sum3A_149 : vector<64xf32> to vector<64x1xf32>
    %log3A_151 = math.log %broadcast_in_dim3A_150 : vector<64x1xf32>
    %add3A_152 = arith.addf %log3A_151, %broadcast_in_dim3A_144 : vector<64x1xf32>
    %eq3A_153 = arith.cmpi eq, %iota3A, %iota3A_0 : vector<64x64xi32>
    %jit3A_154 = arith.constant 0.000000e+00 : f32
    %broadcast_in_dim3A_155 = vector.broadcast %jit3A_154 : f32 to vector<64x64xf32>
    %select_n3A_156 = arith.select %eq3A_153, %select_n3A_135, %broadcast_in_dim3A_155 : vector<64x64xi1>, vector<64x64xf32>
    %reduce_sum3A_157 = arith.constant dense<0.000000e+00> : vector<64xf32>
    %reduce_sum3A_158 = vector.multi_reduction <add>, %select_n3A_156, %reduce_sum3A_157 [1] : vector<64x64xf32> to vector<64xf32>
    %broadcast_in_dim3A_159 = vector.shape_cast %reduce_sum3A_158 : vector<64xf32> to vector<64x1xf32>
    %sub3A_160 = arith.subf %add3A_152, %broadcast_in_dim3A_159 : vector<64x1xf32>
    %reduce_sum3A_161 = vector.shape_cast %sub3A_160 : vector<64x1xf32> to vector<1x64x1xf32>
    %reduce_sum3A_162 = arith.constant dense<0.000000e+00> : vector<1xf32>
    %reduce_sum3A_163 = vector.multi_reduction <add>, %reduce_sum3A_161, %reduce_sum3A_162 [1, 2] : vector<1x64x1xf32> to vector<1xf32>
    %reduce_sum3A_164 = vector.shape_cast %reduce_sum3A_163 : vector<1xf32> to vector<1x1x1xf32>
    %reduce_sum3A_165 = vector.extract %reduce_sum3A_164[0, 0, 0] : f32 from vector<1x1x1xf32>
    %mul3A_166 = arith.constant 1.562500e-02 : f32
    %mul3A_167 = arith.mulf %reduce_sum3A_165, %mul3A_166 : f32
    %gt3A_168 = arith.constant 5.000000e-01 : f32
    %gt3A_169 = arith.cmpf ogt, %reduce_max3A_123, %gt3A_168 : f32
    %jit3A_170 = arith.constant 0.000000e+00 : f32
    %select_n3A_171 = arith.select %gt3A_169, %mul3A_167, %jit3A_170 : f32
    %add3A_172 = arith.addf %add3A_110, %select_n3A_171 : f32
    %get3A_173 = arith.constant 192 : index
    %get3A_174 = arith.constant 0 : index
    %get3A_175 = vector.load %arg0[%get3A_173, %get3A_174] : memref<256x128xf32, #tpu.memory_space<vmem>>, vector<64x64xf32>
    %get3A_176 = arith.constant 3 : index
    %get3A_177 = arith.constant 0 : index
    %get3A_178 = arith.constant 0 : index
    %get3A_179 = vector.load %arg1[%get3A_176, %get3A_177, %get3A_178] : memref<4x1x128xf32, #tpu.memory_space<vmem>>, vector<1x1x128xf32>
    %get3A_180 = vector.shape_cast %get3A_179 : vector<1x1x128xf32> to vector<1x128xf32>
    %reduce_max3A_181 = vector.shape_cast %get3A_180 : vector<1x128xf32> to vector<1x1x128xf32>
    %reduce_max3A_182 = arith.constant dense<0xFF800000> : vector<1xf32>
    %reduce_max3A_183 = vector.multi_reduction <maximumf>, %reduce_max3A_181, %reduce_max3A_182 [1, 2] : vector<1x1x128xf32> to vector<1xf32>
    %reduce_max3A_184 = vector.shape_cast %reduce_max3A_183 : vector<1xf32> to vector<1x1x1xf32>
    %reduce_max3A_185 = vector.extract %reduce_max3A_184[0, 0, 0] : f32 from vector<1x1x1xf32>
    %slice3A_186 = vector.extract_strided_slice %get3A_180 {offsets = [0, 0], sizes = [1, 64], strides = [1, 1]} : vector<1x128xf32> to vector<1x64xf32>
    %gt3A_187 = arith.constant 5.000000e-01 : f32
    %gt3A_188 = vector.broadcast %gt3A_187 : f32 to vector<1x64xf32>
    %gt3A_189 = arith.cmpf ogt, %slice3A_186, %gt3A_188 : vector<1x64xf32>
    %mul3A_190 = arith.constant 14.2857141 : f32
    %mul3A_191 = vector.broadcast %mul3A_190 : f32 to vector<64x64xf32>
    %mul3A_192 = arith.mulf %get3A_175, %mul3A_191 : vector<64x64xf32>
    %jit3A_193 = arith.constant 0.000000e+00 : f32
    %broadcast_in_dim3A_194 = vector.shape_cast %gt3A_189 : vector<1x64xi1> to vector<1x64xi1>
    %broadcast_in_dim3A_195 = vector.broadcast %broadcast_in_dim3A_194 : vector<1x64xi1> to vector<64x64xi1>
    %broadcast_in_dim3A_196 = vector.broadcast %jit3A_193 : f32 to vector<64x64xf32>
    %select_n3A_197 = arith.select %broadcast_in_dim3A_195, %mul3A_192, %broadcast_in_dim3A_196 : vector<64x64xi1>, vector<64x64xf32>
    %swap3A_198 = arith.constant 3 : index
    %swap3A_199 = arith.constant 0 : index
    %swap3A_200 = arith.constant 0 : index
    %swap3A_201 = vector.load %arg3[%swap3A_198, %swap3A_199, %swap3A_200] : memref<4x64x64xf32, #tpu.memory_space<vmem>>, vector<1x64x64xf32>
    %swap3A_202 = vector.shape_cast %swap3A_201 : vector<1x64x64xf32> to vector<64x64xf32>
    %swap3A_203 = vector.shape_cast %select_n3A_197 : vector<64x64xf32> to vector<1x64x64xf32>
    tpu.vector_store %arg3[%swap3A_198, %swap3A_199, %swap3A_200], %swap3A_203 {strides = array<i32>} : memref<4x64x64xf32, #tpu.memory_space<vmem>>, vector<1x64x64xf32>,
    %reduce_max3A_204 = arith.constant dense<0xFF800000> : vector<64xf32>
    %reduce_max3A_205 = vector.multi_reduction <maximumf>, %select_n3A_197, %reduce_max3A_204 [1] : vector<64x64xf32> to vector<64xf32>
    %broadcast_in_dim3A_206 = vector.shape_cast %reduce_max3A_205 : vector<64xf32> to vector<64x1xf32>
    %sub3A_207 = vector.broadcast %broadcast_in_dim3A_206 : vector<64x1xf32> to vector<64x64xf32>
    %sub3A_208 = arith.subf %select_n3A_197, %sub3A_207 : vector<64x64xf32>
    %exp3A_209 = math.exp %sub3A_208 : vector<64x64xf32>
    %reduce_sum3A_210 = arith.constant dense<0.000000e+00> : vector<64xf32>
    %reduce_sum3A_211 = vector.multi_reduction <add>, %exp3A_209, %reduce_sum3A_210 [1] : vector<64x64xf32> to vector<64xf32>
    %broadcast_in_dim3A_212 = vector.shape_cast %reduce_sum3A_211 : vector<64xf32> to vector<64x1xf32>
    %log3A_213 = math.log %broadcast_in_dim3A_212 : vector<64x1xf32>
    %add3A_214 = arith.addf %log3A_213, %broadcast_in_dim3A_206 : vector<64x1xf32>
    %eq3A_215 = arith.cmpi eq, %iota3A, %iota3A_0 : vector<64x64xi32>
    %jit3A_216 = arith.constant 0.000000e+00 : f32
    %broadcast_in_dim3A_217 = vector.broadcast %jit3A_216 : f32 to vector<64x64xf32>
    %select_n3A_218 = arith.select %eq3A_215, %select_n3A_197, %broadcast_in_dim3A_217 : vector<64x64xi1>, vector<64x64xf32>
    %reduce_sum3A_219 = arith.constant dense<0.000000e+00> : vector<64xf32>
    %reduce_sum3A_220 = vector.multi_reduction <add>, %select_n3A_218, %reduce_sum3A_219 [1] : vector<64x64xf32> to vector<64xf32>
    %broadcast_in_dim3A_221 = vector.shape_cast %reduce_sum3A_220 : vector<64xf32> to vector<64x1xf32>
    %sub3A_222 = arith.subf %add3A_214, %broadcast_in_dim3A_221 : vector<64x1xf32>
    %reduce_sum3A_223 = vector.shape_cast %sub3A_222 : vector<64x1xf32> to vector<1x64x1xf32>
    %reduce_sum3A_224 = arith.constant dense<0.000000e+00> : vector<1xf32>
    %reduce_sum3A_225 = vector.multi_reduction <add>, %reduce_sum3A_223, %reduce_sum3A_224 [1, 2] : vector<1x64x1xf32> to vector<1xf32>
    %reduce_sum3A_226 = vector.shape_cast %reduce_sum3A_225 : vector<1xf32> to vector<1x1x1xf32>
    %reduce_sum3A_227 = vector.extract %reduce_sum3A_226[0, 0, 0] : f32 from vector<1x1x1xf32>
    %mul3A_228 = arith.constant 1.562500e-02 : f32
    %mul3A_229 = arith.mulf %reduce_sum3A_227, %mul3A_228 : f32
    %gt3A_230 = arith.constant 5.000000e-01 : f32
    %gt3A_231 = arith.cmpf ogt, %reduce_max3A_185, %gt3A_230 : f32
    %jit3A_232 = arith.constant 0.000000e+00 : f32
    %select_n3A_233 = arith.select %gt3A_231, %mul3A_229, %jit3A_232 : f32
    %add3A_234 = arith.addf %add3A_172, %select_n3A_233 : f32
    %broadcast_in_dim3A_235 = vector.broadcast %add3A_234 : f32 to vector<1x128xf32>
    %swap3A_236 = arith.constant 0 : index
    %swap3A_237 = arith.constant 0 : index
    %swap3A_238 = vector.load %arg2[%swap3A_236, %swap3A_237] : memref<1x128xf32, #tpu.memory_space<vmem>>, vector<1x128xf32>
    tpu.vector_store %arg2[%swap3A_236, %swap3A_237], %broadcast_in_dim3A_235 {strides = array<i32>} : memref<1x128xf32, #tpu.memory_space<vmem>>, vector<1x128xf32>,
    return
  }
}

module attributes {stable_mosaic.version = 14 : i64} {
  func.func @_stage1_body(%arg0: i32, %arg1: memref<1x64x128xf32, #tpu.memory_space<vmem>>, %arg2: memref<1x1024x128xf32, #tpu.memory_space<vmem>>, %arg3: memref<1x1x1024xi32, #tpu.memory_space<vmem>>, %arg4: memref<1x1x64xi32, #tpu.memory_space<vmem>>, %arg5: memref<128x1024xf32, #tpu.memory_space<vmem>>, %arg6: memref<128x1024xf32, #tpu.memory_space<vmem>>, %arg7: memref<65536xf32, #tpu.memory_space<vmem>>, %arg8: memref<4096xi32, #tpu.memory_space<vmem>>, %arg9: memref<1x1x128xf32, #tpu.memory_space<vmem>>, %arg10: memref<64x64xi32, #tpu.memory_space<vmem>>) attributes {dimension_semantics = [#tpu.dimension_semantics<arbitrary>], iteration_bounds = array<i64: 4>, scalar_prefetch = 0 : i64, scratch_operands = 1 : i64, tpu.core_type = #tpu.core_type<tc>, window_params = [{transform_indices = @transform_0, window_bounds = array<i64: 1, 64, 128>}, {transform_indices = @transform_1, window_bounds = array<i64: 1, 1024, 128>}, {transform_indices = @transform_2, window_bounds = array<i64: 1, 1, 1024>}, {transform_indices = @transform_3, window_bounds = array<i64: 1, 1, 64>}, {pipeline_mode = #tpu.pipeline_mode<synchronous>, transform_indices = @transform_4, window_bounds = array<i64: 128, 1024>}, {pipeline_mode = #tpu.pipeline_mode<synchronous>, transform_indices = @transform_5, window_bounds = array<i64: 128, 1024>}, {transform_indices = @transform_6, window_bounds = array<i64: 65536>}, {transform_indices = @transform_7, window_bounds = array<i64: 4096>}, {transform_indices = @transform_8, window_bounds = array<i64: 1, 1, 128>}]} {
    %get3A = arith.constant 0 : index
    %get3A_0 = arith.constant 0 : index
    %get3A_1 = arith.constant 0 : index
    %get3A_2 = vector.load %arg1[%get3A, %get3A_0, %get3A_1] : memref<1x64x128xf32, #tpu.memory_space<vmem>>, vector<1x64x128xf32>
    %get3A_3 = vector.shape_cast %get3A_2 : vector<1x64x128xf32> to vector<64x128xf32>
    %get3A_4 = arith.constant 0 : index
    %get3A_5 = arith.constant 0 : index
    %get3A_6 = arith.constant 0 : index
    %get3A_7 = vector.load %arg2[%get3A_4, %get3A_5, %get3A_6] : memref<1x1024x128xf32, #tpu.memory_space<vmem>>, vector<1x1024x128xf32>
    %get3A_8 = vector.shape_cast %get3A_7 : vector<1x1024x128xf32> to vector<1024x128xf32>
    %get3A_9 = arith.constant 0 : index
    %get3A_10 = arith.constant 0 : index
    %get3A_11 = arith.constant 0 : index
    %get3A_12 = vector.load %arg3[%get3A_9, %get3A_10, %get3A_11] : memref<1x1x1024xi32, #tpu.memory_space<vmem>>, vector<1x1x1024xi32>
    %get3A_13 = vector.shape_cast %get3A_12 : vector<1x1x1024xi32> to vector<1x1024xi32>
    %get3A_14 = arith.constant 0 : index
    %get3A_15 = arith.constant 0 : index
    %get3A_16 = arith.constant 0 : index
    %get3A_17 = vector.load %arg4[%get3A_14, %get3A_15, %get3A_16] : memref<1x1x64xi32, #tpu.memory_space<vmem>>, vector<1x1x64xi32>
    %get3A_18 = vector.shape_cast %get3A_17 : vector<1x1x64xi32> to vector<1x64xi32>
    %transpose3A = tpu.transpose %get3A_18, [1, 0] : vector<1x64xi32> -> vector<64x1xi32>
    %mul3A = arith.mulf %get3A_3, %get3A_3 : vector<64x128xf32>
    %reduce_sum3A = arith.constant dense<0.000000e+00> : vector<64xf32>
    %reduce_sum3A_19 = vector.multi_reduction <add>, %mul3A, %reduce_sum3A [1] : vector<64x128xf32> to vector<64xf32>
    %broadcast_in_dim3A = vector.shape_cast %reduce_sum3A_19 : vector<64xf32> to vector<64x1xf32>
    %sqrt3A = math.sqrt %broadcast_in_dim3A : vector<64x1xf32>
    %max3A = arith.constant 9.99999996E-13 : f32
    %max3A_20 = vector.broadcast %max3A : f32 to vector<64x1xf32>
    %max3A_21 = arith.maximumf %sqrt3A, %max3A_20 : vector<64x1xf32>
    %div3A = vector.broadcast %max3A_21 : vector<64x1xf32> to vector<64x128xf32>
    %div3A_22 = arith.divf %get3A_3, %div3A : vector<64x128xf32>
    %mul3A_23 = arith.mulf %get3A_8, %get3A_8 : vector<1024x128xf32>
    %reduce_sum3A_24 = arith.constant dense<0.000000e+00> : vector<1024xf32>
    %reduce_sum3A_25 = vector.multi_reduction <add>, %mul3A_23, %reduce_sum3A_24 [1] : vector<1024x128xf32> to vector<1024xf32>
    %broadcast_in_dim3A_26 = vector.shape_cast %reduce_sum3A_25 : vector<1024xf32> to vector<1024x1xf32>
    %sqrt3A_27 = math.sqrt %broadcast_in_dim3A_26 : vector<1024x1xf32>
    %max3A_28 = arith.constant 9.99999996E-13 : f32
    %max3A_29 = vector.broadcast %max3A_28 : f32 to vector<1024x1xf32>
    %max3A_30 = arith.maximumf %sqrt3A_27, %max3A_29 : vector<1024x1xf32>
    %div3A_31 = vector.broadcast %max3A_30 : vector<1024x1xf32> to vector<1024x128xf32>
    %div3A_32 = arith.divf %get3A_8, %div3A_31 : vector<1024x128xf32>
    %dot_general3A = arith.constant dense<0.000000e+00> : vector<64x1024xf32>
    %dot_general3A_33 = tpu.matmul %div3A_22, %div3A_32, %dot_general3A {dimension_numbers = #tpu.dot_dimension_numbers<[1], [1], [0], [0], [0, 0, 1, 0], [], []>, precision = #tpu.contract_precision<fp32>, transpose_lhs_hint = false} : vector<64x128xf32>, vector<1024x128xf32>, vector<64x1024xf32> -> vector<64x1024xf32>
    %slice3A = vector.extract_strided_slice %dot_general3A_33 {offsets = [0, 0], sizes = [1, 1024], strides = [1, 1]} : vector<64x1024xf32> to vector<1x1024xf32>
    %reshape3A = vector.shape_cast %slice3A : vector<1x1024xf32> to vector<1024xf32>
    %swap3A = arith.constant 0 : index
    %swap3A_34 = vector.load %arg7[%swap3A] : memref<65536xf32, #tpu.memory_space<vmem>>, vector<1024xf32>
    tpu.vector_store %arg7[%swap3A], %reshape3A {strides = array<i32>} : memref<65536xf32, #tpu.memory_space<vmem>>, vector<1024xf32>,
    %slice3A_35 = vector.extract_strided_slice %dot_general3A_33 {offsets = [1, 0], sizes = [1, 1024], strides = [1, 1]} : vector<64x1024xf32> to vector<1x1024xf32>
    %reshape3A_36 = vector.shape_cast %slice3A_35 : vector<1x1024xf32> to vector<1024xf32>
    %swap3A_37 = arith.constant 1024 : index
    %swap3A_38 = vector.load %arg7[%swap3A_37] : memref<65536xf32, #tpu.memory_space<vmem>>, vector<1024xf32>
    tpu.vector_store %arg7[%swap3A_37], %reshape3A_36 {strides = array<i32>} : memref<65536xf32, #tpu.memory_space<vmem>>, vector<1024xf32>,
    %slice3A_39 = vector.extract_strided_slice %dot_general3A_33 {offsets = [2, 0], sizes = [1, 1024], strides = [1, 1]} : vector<64x1024xf32> to vector<1x1024xf32>
    %reshape3A_40 = vector.shape_cast %slice3A_39 : vector<1x1024xf32> to vector<1024xf32>
    %swap3A_41 = arith.constant 2048 : index
    %swap3A_42 = vector.load %arg7[%swap3A_41] : memref<65536xf32, #tpu.memory_space<vmem>>, vector<1024xf32>
    tpu.vector_store %arg7[%swap3A_41], %reshape3A_40 {strides = array<i32>} : memref<65536xf32, #tpu.memory_space<vmem>>, vector<1024xf32>,
    %slice3A_43 = vector.extract_strided_slice %dot_general3A_33 {offsets = [3, 0], sizes = [1, 1024], strides = [1, 1]} : vector<64x1024xf32> to vector<1x1024xf32>
    %reshape3A_44 = vector.shape_cast %slice3A_43 : vector<1x1024xf32> to vector<1024xf32>
    %swap3A_45 = arith.constant 3072 : index
    %swap3A_46 = vector.load %arg7[%swap3A_45] : memref<65536xf32, #tpu.memory_space<vmem>>, vector<1024xf32>
    tpu.vector_store %arg7[%swap3A_45], %reshape3A_44 {strides = array<i32>} : memref<65536xf32, #tpu.memory_space<vmem>>, vector<1024xf32>,
    %slice3A_47 = vector.extract_strided_slice %dot_general3A_33 {offsets = [4, 0], sizes = [1, 1024], strides = [1, 1]} : vector<64x1024xf32> to vector<1x1024xf32>
    %reshape3A_48 = vector.shape_cast %slice3A_47 : vector<1x1024xf32> to vector<1024xf32>
    %swap3A_49 = arith.constant 4096 : index
    %swap3A_50 = vector.load %arg7[%swap3A_49] : memref<65536xf32, #tpu.memory_space<vmem>>, vector<1024xf32>
    tpu.vector_store %arg7[%swap3A_49], %reshape3A_48 {strides = array<i32>} : memref<65536xf32, #tpu.memory_space<vmem>>, vector<1024xf32>,
    %slice3A_51 = vector.extract_strided_slice %dot_general3A_33 {offsets = [5, 0], sizes = [1, 1024], strides = [1, 1]} : vector<64x1024xf32> to vector<1x1024xf32>
    %reshape3A_52 = vector.shape_cast %slice3A_51 : vector<1x1024xf32> to vector<1024xf32>
    %swap3A_53 = arith.constant 5120 : index
    %swap3A_54 = vector.load %arg7[%swap3A_53] : memref<65536xf32, #tpu.memory_space<vmem>>, vector<1024xf32>
    tpu.vector_store %arg7[%swap3A_53], %reshape3A_52 {strides = array<i32>} : memref<65536xf32, #tpu.memory_space<vmem>>, vector<1024xf32>,
    %slice3A_55 = vector.extract_strided_slice %dot_general3A_33 {offsets = [6, 0], sizes = [1, 1024], strides = [1, 1]} : vector<64x1024xf32> to vector<1x1024xf32>
    %reshape3A_56 = vector.shape_cast %slice3A_55 : vector<1x1024xf32> to vector<1024xf32>
    %swap3A_57 = arith.constant 6144 : index
    %swap3A_58 = vector.load %arg7[%swap3A_57] : memref<65536xf32, #tpu.memory_space<vmem>>, vector<1024xf32>
    tpu.vector_store %arg7[%swap3A_57], %reshape3A_56 {strides = array<i32>} : memref<65536xf32, #tpu.memory_space<vmem>>, vector<1024xf32>,
    %slice3A_59 = vector.extract_strided_slice %dot_general3A_33 {offsets = [7, 0], sizes = [1, 1024], strides = [1, 1]} : vector<64x1024xf32> to vector<1x1024xf32>
    %reshape3A_60 = vector.shape_cast %slice3A_59 : vector<1x1024xf32> to vector<1024xf32>
    %swap3A_61 = arith.constant 7168 : index
    %swap3A_62 = vector.load %arg7[%swap3A_61] : memref<65536xf32, #tpu.memory_space<vmem>>, vector<1024xf32>
    tpu.vector_store %arg7[%swap3A_61], %reshape3A_60 {strides = array<i32>} : memref<65536xf32, #tpu.memory_space<vmem>>, vector<1024xf32>,
    %slice3A_63 = vector.extract_strided_slice %dot_general3A_33 {offsets = [8, 0], sizes = [1, 1024], strides = [1, 1]} : vector<64x1024xf32> to vector<1x1024xf32>
    %reshape3A_64 = vector.shape_cast %slice3A_63 : vector<1x1024xf32> to vector<1024xf32>
    %swap3A_65 = arith.constant 8192 : index
    %swap3A_66 = vector.load %arg7[%swap3A_65] : memref<65536xf32, #tpu.memory_space<vmem>>, vector<1024xf32>
    tpu.vector_store %arg7[%swap3A_65], %reshape3A_64 {strides = array<i32>} : memref<65536xf32, #tpu.memory_space<vmem>>, vector<1024xf32>,
    %slice3A_67 = vector.extract_strided_slice %dot_general3A_33 {offsets = [9, 0], sizes = [1, 1024], strides = [1, 1]} : vector<64x1024xf32> to vector<1x1024xf32>
    %reshape3A_68 = vector.shape_cast %slice3A_67 : vector<1x1024xf32> to vector<1024xf32>
    %swap3A_69 = arith.constant 9216 : index
    %swap3A_70 = vector.load %arg7[%swap3A_69] : memref<65536xf32, #tpu.memory_space<vmem>>, vector<1024xf32>
    tpu.vector_store %arg7[%swap3A_69], %reshape3A_68 {strides = array<i32>} : memref<65536xf32, #tpu.memory_space<vmem>>, vector<1024xf32>,
    %slice3A_71 = vector.extract_strided_slice %dot_general3A_33 {offsets = [10, 0], sizes = [1, 1024], strides = [1, 1]} : vector<64x1024xf32> to vector<1x1024xf32>
    %reshape3A_72 = vector.shape_cast %slice3A_71 : vector<1x1024xf32> to vector<1024xf32>
    %swap3A_73 = arith.constant 10240 : index
    %swap3A_74 = vector.load %arg7[%swap3A_73] : memref<65536xf32, #tpu.memory_space<vmem>>, vector<1024xf32>
    tpu.vector_store %arg7[%swap3A_73], %reshape3A_72 {strides = array<i32>} : memref<65536xf32, #tpu.memory_space<vmem>>, vector<1024xf32>,
    %slice3A_75 = vector.extract_strided_slice %dot_general3A_33 {offsets = [11, 0], sizes = [1, 1024], strides = [1, 1]} : vector<64x1024xf32> to vector<1x1024xf32>
    %reshape3A_76 = vector.shape_cast %slice3A_75 : vector<1x1024xf32> to vector<1024xf32>
    %swap3A_77 = arith.constant 11264 : index
    %swap3A_78 = vector.load %arg7[%swap3A_77] : memref<65536xf32, #tpu.memory_space<vmem>>, vector<1024xf32>
    tpu.vector_store %arg7[%swap3A_77], %reshape3A_76 {strides = array<i32>} : memref<65536xf32, #tpu.memory_space<vmem>>, vector<1024xf32>,
    %slice3A_79 = vector.extract_strided_slice %dot_general3A_33 {offsets = [12, 0], sizes = [1, 1024], strides = [1, 1]} : vector<64x1024xf32> to vector<1x1024xf32>
    %reshape3A_80 = vector.shape_cast %slice3A_79 : vector<1x1024xf32> to vector<1024xf32>
    %swap3A_81 = arith.constant 12288 : index
    %swap3A_82 = vector.load %arg7[%swap3A_81] : memref<65536xf32, #tpu.memory_space<vmem>>, vector<1024xf32>
    tpu.vector_store %arg7[%swap3A_81], %reshape3A_80 {strides = array<i32>} : memref<65536xf32, #tpu.memory_space<vmem>>, vector<1024xf32>,
    %slice3A_83 = vector.extract_strided_slice %dot_general3A_33 {offsets = [13, 0], sizes = [1, 1024], strides = [1, 1]} : vector<64x1024xf32> to vector<1x1024xf32>
    %reshape3A_84 = vector.shape_cast %slice3A_83 : vector<1x1024xf32> to vector<1024xf32>
    %swap3A_85 = arith.constant 13312 : index
    %swap3A_86 = vector.load %arg7[%swap3A_85] : memref<65536xf32, #tpu.memory_space<vmem>>, vector<1024xf32>
    tpu.vector_store %arg7[%swap3A_85], %reshape3A_84 {strides = array<i32>} : memref<65536xf32, #tpu.memory_space<vmem>>, vector<1024xf32>,
    %slice3A_87 = vector.extract_strided_slice %dot_general3A_33 {offsets = [14, 0], sizes = [1, 1024], strides = [1, 1]} : vector<64x1024xf32> to vector<1x1024xf32>
    %reshape3A_88 = vector.shape_cast %slice3A_87 : vector<1x1024xf32> to vector<1024xf32>
    %swap3A_89 = arith.constant 14336 : index
    %swap3A_90 = vector.load %arg7[%swap3A_89] : memref<65536xf32, #tpu.memory_space<vmem>>, vector<1024xf32>
    tpu.vector_store %arg7[%swap3A_89], %reshape3A_88 {strides = array<i32>} : memref<65536xf32, #tpu.memory_space<vmem>>, vector<1024xf32>,
    %slice3A_91 = vector.extract_strided_slice %dot_general3A_33 {offsets = [15, 0], sizes = [1, 1024], strides = [1, 1]} : vector<64x1024xf32> to vector<1x1024xf32>
    %reshape3A_92 = vector.shape_cast %slice3A_91 : vector<1x1024xf32> to vector<1024xf32>
    %swap3A_93 = arith.constant 15360 : index
    %swap3A_94 = vector.load %arg7[%swap3A_93] : memref<65536xf32, #tpu.memory_space<vmem>>, vector<1024xf32>
    tpu.vector_store %arg7[%swap3A_93], %reshape3A_92 {strides = array<i32>} : memref<65536xf32, #tpu.memory_space<vmem>>, vector<1024xf32>,
    %slice3A_95 = vector.extract_strided_slice %dot_general3A_33 {offsets = [16, 0], sizes = [1, 1024], strides = [1, 1]} : vector<64x1024xf32> to vector<1x1024xf32>
    %reshape3A_96 = vector.shape_cast %slice3A_95 : vector<1x1024xf32> to vector<1024xf32>
    %swap3A_97 = arith.constant 16384 : index
    %swap3A_98 = vector.load %arg7[%swap3A_97] : memref<65536xf32, #tpu.memory_space<vmem>>, vector<1024xf32>
    tpu.vector_store %arg7[%swap3A_97], %reshape3A_96 {strides = array<i32>} : memref<65536xf32, #tpu.memory_space<vmem>>, vector<1024xf32>,
    %slice3A_99 = vector.extract_strided_slice %dot_general3A_33 {offsets = [17, 0], sizes = [1, 1024], strides = [1, 1]} : vector<64x1024xf32> to vector<1x1024xf32>
    %reshape3A_100 = vector.shape_cast %slice3A_99 : vector<1x1024xf32> to vector<1024xf32>
    %swap3A_101 = arith.constant 17408 : index
    %swap3A_102 = vector.load %arg7[%swap3A_101] : memref<65536xf32, #tpu.memory_space<vmem>>, vector<1024xf32>
    tpu.vector_store %arg7[%swap3A_101], %reshape3A_100 {strides = array<i32>} : memref<65536xf32, #tpu.memory_space<vmem>>, vector<1024xf32>,
    %slice3A_103 = vector.extract_strided_slice %dot_general3A_33 {offsets = [18, 0], sizes = [1, 1024], strides = [1, 1]} : vector<64x1024xf32> to vector<1x1024xf32>
    %reshape3A_104 = vector.shape_cast %slice3A_103 : vector<1x1024xf32> to vector<1024xf32>
    %swap3A_105 = arith.constant 18432 : index
    %swap3A_106 = vector.load %arg7[%swap3A_105] : memref<65536xf32, #tpu.memory_space<vmem>>, vector<1024xf32>
    tpu.vector_store %arg7[%swap3A_105], %reshape3A_104 {strides = array<i32>} : memref<65536xf32, #tpu.memory_space<vmem>>, vector<1024xf32>,
    %slice3A_107 = vector.extract_strided_slice %dot_general3A_33 {offsets = [19, 0], sizes = [1, 1024], strides = [1, 1]} : vector<64x1024xf32> to vector<1x1024xf32>
    %reshape3A_108 = vector.shape_cast %slice3A_107 : vector<1x1024xf32> to vector<1024xf32>
    %swap3A_109 = arith.constant 19456 : index
    %swap3A_110 = vector.load %arg7[%swap3A_109] : memref<65536xf32, #tpu.memory_space<vmem>>, vector<1024xf32>
    tpu.vector_store %arg7[%swap3A_109], %reshape3A_108 {strides = array<i32>} : memref<65536xf32, #tpu.memory_space<vmem>>, vector<1024xf32>,
    %slice3A_111 = vector.extract_strided_slice %dot_general3A_33 {offsets = [20, 0], sizes = [1, 1024], strides = [1, 1]} : vector<64x1024xf32> to vector<1x1024xf32>
    %reshape3A_112 = vector.shape_cast %slice3A_111 : vector<1x1024xf32> to vector<1024xf32>
    %swap3A_113 = arith.constant 20480 : index
    %swap3A_114 = vector.load %arg7[%swap3A_113] : memref<65536xf32, #tpu.memory_space<vmem>>, vector<1024xf32>
    tpu.vector_store %arg7[%swap3A_113], %reshape3A_112 {strides = array<i32>} : memref<65536xf32, #tpu.memory_space<vmem>>, vector<1024xf32>,
    %slice3A_115 = vector.extract_strided_slice %dot_general3A_33 {offsets = [21, 0], sizes = [1, 1024], strides = [1, 1]} : vector<64x1024xf32> to vector<1x1024xf32>
    %reshape3A_116 = vector.shape_cast %slice3A_115 : vector<1x1024xf32> to vector<1024xf32>
    %swap3A_117 = arith.constant 21504 : index
    %swap3A_118 = vector.load %arg7[%swap3A_117] : memref<65536xf32, #tpu.memory_space<vmem>>, vector<1024xf32>
    tpu.vector_store %arg7[%swap3A_117], %reshape3A_116 {strides = array<i32>} : memref<65536xf32, #tpu.memory_space<vmem>>, vector<1024xf32>,
    %slice3A_119 = vector.extract_strided_slice %dot_general3A_33 {offsets = [22, 0], sizes = [1, 1024], strides = [1, 1]} : vector<64x1024xf32> to vector<1x1024xf32>
    %reshape3A_120 = vector.shape_cast %slice3A_119 : vector<1x1024xf32> to vector<1024xf32>
    %swap3A_121 = arith.constant 22528 : index
    %swap3A_122 = vector.load %arg7[%swap3A_121] : memref<65536xf32, #tpu.memory_space<vmem>>, vector<1024xf32>
    tpu.vector_store %arg7[%swap3A_121], %reshape3A_120 {strides = array<i32>} : memref<65536xf32, #tpu.memory_space<vmem>>, vector<1024xf32>,
    %slice3A_123 = vector.extract_strided_slice %dot_general3A_33 {offsets = [23, 0], sizes = [1, 1024], strides = [1, 1]} : vector<64x1024xf32> to vector<1x1024xf32>
    %reshape3A_124 = vector.shape_cast %slice3A_123 : vector<1x1024xf32> to vector<1024xf32>
    %swap3A_125 = arith.constant 23552 : index
    %swap3A_126 = vector.load %arg7[%swap3A_125] : memref<65536xf32, #tpu.memory_space<vmem>>, vector<1024xf32>
    tpu.vector_store %arg7[%swap3A_125], %reshape3A_124 {strides = array<i32>} : memref<65536xf32, #tpu.memory_space<vmem>>, vector<1024xf32>,
    %slice3A_127 = vector.extract_strided_slice %dot_general3A_33 {offsets = [24, 0], sizes = [1, 1024], strides = [1, 1]} : vector<64x1024xf32> to vector<1x1024xf32>
    %reshape3A_128 = vector.shape_cast %slice3A_127 : vector<1x1024xf32> to vector<1024xf32>
    %swap3A_129 = arith.constant 24576 : index
    %swap3A_130 = vector.load %arg7[%swap3A_129] : memref<65536xf32, #tpu.memory_space<vmem>>, vector<1024xf32>
    tpu.vector_store %arg7[%swap3A_129], %reshape3A_128 {strides = array<i32>} : memref<65536xf32, #tpu.memory_space<vmem>>, vector<1024xf32>,
    %slice3A_131 = vector.extract_strided_slice %dot_general3A_33 {offsets = [25, 0], sizes = [1, 1024], strides = [1, 1]} : vector<64x1024xf32> to vector<1x1024xf32>
    %reshape3A_132 = vector.shape_cast %slice3A_131 : vector<1x1024xf32> to vector<1024xf32>
    %swap3A_133 = arith.constant 25600 : index
    %swap3A_134 = vector.load %arg7[%swap3A_133] : memref<65536xf32, #tpu.memory_space<vmem>>, vector<1024xf32>
    tpu.vector_store %arg7[%swap3A_133], %reshape3A_132 {strides = array<i32>} : memref<65536xf32, #tpu.memory_space<vmem>>, vector<1024xf32>,
    %slice3A_135 = vector.extract_strided_slice %dot_general3A_33 {offsets = [26, 0], sizes = [1, 1024], strides = [1, 1]} : vector<64x1024xf32> to vector<1x1024xf32>
    %reshape3A_136 = vector.shape_cast %slice3A_135 : vector<1x1024xf32> to vector<1024xf32>
    %swap3A_137 = arith.constant 26624 : index
    %swap3A_138 = vector.load %arg7[%swap3A_137] : memref<65536xf32, #tpu.memory_space<vmem>>, vector<1024xf32>
    tpu.vector_store %arg7[%swap3A_137], %reshape3A_136 {strides = array<i32>} : memref<65536xf32, #tpu.memory_space<vmem>>, vector<1024xf32>,
    %slice3A_139 = vector.extract_strided_slice %dot_general3A_33 {offsets = [27, 0], sizes = [1, 1024], strides = [1, 1]} : vector<64x1024xf32> to vector<1x1024xf32>
    %reshape3A_140 = vector.shape_cast %slice3A_139 : vector<1x1024xf32> to vector<1024xf32>
    %swap3A_141 = arith.constant 27648 : index
    %swap3A_142 = vector.load %arg7[%swap3A_141] : memref<65536xf32, #tpu.memory_space<vmem>>, vector<1024xf32>
    tpu.vector_store %arg7[%swap3A_141], %reshape3A_140 {strides = array<i32>} : memref<65536xf32, #tpu.memory_space<vmem>>, vector<1024xf32>,
    %slice3A_143 = vector.extract_strided_slice %dot_general3A_33 {offsets = [28, 0], sizes = [1, 1024], strides = [1, 1]} : vector<64x1024xf32> to vector<1x1024xf32>
    %reshape3A_144 = vector.shape_cast %slice3A_143 : vector<1x1024xf32> to vector<1024xf32>
    %swap3A_145 = arith.constant 28672 : index
    %swap3A_146 = vector.load %arg7[%swap3A_145] : memref<65536xf32, #tpu.memory_space<vmem>>, vector<1024xf32>
    tpu.vector_store %arg7[%swap3A_145], %reshape3A_144 {strides = array<i32>} : memref<65536xf32, #tpu.memory_space<vmem>>, vector<1024xf32>,
    %slice3A_147 = vector.extract_strided_slice %dot_general3A_33 {offsets = [29, 0], sizes = [1, 1024], strides = [1, 1]} : vector<64x1024xf32> to vector<1x1024xf32>
    %reshape3A_148 = vector.shape_cast %slice3A_147 : vector<1x1024xf32> to vector<1024xf32>
    %swap3A_149 = arith.constant 29696 : index
    %swap3A_150 = vector.load %arg7[%swap3A_149] : memref<65536xf32, #tpu.memory_space<vmem>>, vector<1024xf32>
    tpu.vector_store %arg7[%swap3A_149], %reshape3A_148 {strides = array<i32>} : memref<65536xf32, #tpu.memory_space<vmem>>, vector<1024xf32>,
    %slice3A_151 = vector.extract_strided_slice %dot_general3A_33 {offsets = [30, 0], sizes = [1, 1024], strides = [1, 1]} : vector<64x1024xf32> to vector<1x1024xf32>
    %reshape3A_152 = vector.shape_cast %slice3A_151 : vector<1x1024xf32> to vector<1024xf32>
    %swap3A_153 = arith.constant 30720 : index
    %swap3A_154 = vector.load %arg7[%swap3A_153] : memref<65536xf32, #tpu.memory_space<vmem>>, vector<1024xf32>
    tpu.vector_store %arg7[%swap3A_153], %reshape3A_152 {strides = array<i32>} : memref<65536xf32, #tpu.memory_space<vmem>>, vector<1024xf32>,
    %slice3A_155 = vector.extract_strided_slice %dot_general3A_33 {offsets = [31, 0], sizes = [1, 1024], strides = [1, 1]} : vector<64x1024xf32> to vector<1x1024xf32>
    %reshape3A_156 = vector.shape_cast %slice3A_155 : vector<1x1024xf32> to vector<1024xf32>
    %swap3A_157 = arith.constant 31744 : index
    %swap3A_158 = vector.load %arg7[%swap3A_157] : memref<65536xf32, #tpu.memory_space<vmem>>, vector<1024xf32>
    tpu.vector_store %arg7[%swap3A_157], %reshape3A_156 {strides = array<i32>} : memref<65536xf32, #tpu.memory_space<vmem>>, vector<1024xf32>,
    %slice3A_159 = vector.extract_strided_slice %dot_general3A_33 {offsets = [32, 0], sizes = [1, 1024], strides = [1, 1]} : vector<64x1024xf32> to vector<1x1024xf32>
    %reshape3A_160 = vector.shape_cast %slice3A_159 : vector<1x1024xf32> to vector<1024xf32>
    %swap3A_161 = arith.constant 32768 : index
    %swap3A_162 = vector.load %arg7[%swap3A_161] : memref<65536xf32, #tpu.memory_space<vmem>>, vector<1024xf32>
    tpu.vector_store %arg7[%swap3A_161], %reshape3A_160 {strides = array<i32>} : memref<65536xf32, #tpu.memory_space<vmem>>, vector<1024xf32>,
    %slice3A_163 = vector.extract_strided_slice %dot_general3A_33 {offsets = [33, 0], sizes = [1, 1024], strides = [1, 1]} : vector<64x1024xf32> to vector<1x1024xf32>
    %reshape3A_164 = vector.shape_cast %slice3A_163 : vector<1x1024xf32> to vector<1024xf32>
    %swap3A_165 = arith.constant 33792 : index
    %swap3A_166 = vector.load %arg7[%swap3A_165] : memref<65536xf32, #tpu.memory_space<vmem>>, vector<1024xf32>
    tpu.vector_store %arg7[%swap3A_165], %reshape3A_164 {strides = array<i32>} : memref<65536xf32, #tpu.memory_space<vmem>>, vector<1024xf32>,
    %slice3A_167 = vector.extract_strided_slice %dot_general3A_33 {offsets = [34, 0], sizes = [1, 1024], strides = [1, 1]} : vector<64x1024xf32> to vector<1x1024xf32>
    %reshape3A_168 = vector.shape_cast %slice3A_167 : vector<1x1024xf32> to vector<1024xf32>
    %swap3A_169 = arith.constant 34816 : index
    %swap3A_170 = vector.load %arg7[%swap3A_169] : memref<65536xf32, #tpu.memory_space<vmem>>, vector<1024xf32>
    tpu.vector_store %arg7[%swap3A_169], %reshape3A_168 {strides = array<i32>} : memref<65536xf32, #tpu.memory_space<vmem>>, vector<1024xf32>,
    %slice3A_171 = vector.extract_strided_slice %dot_general3A_33 {offsets = [35, 0], sizes = [1, 1024], strides = [1, 1]} : vector<64x1024xf32> to vector<1x1024xf32>
    %reshape3A_172 = vector.shape_cast %slice3A_171 : vector<1x1024xf32> to vector<1024xf32>
    %swap3A_173 = arith.constant 35840 : index
    %swap3A_174 = vector.load %arg7[%swap3A_173] : memref<65536xf32, #tpu.memory_space<vmem>>, vector<1024xf32>
    tpu.vector_store %arg7[%swap3A_173], %reshape3A_172 {strides = array<i32>} : memref<65536xf32, #tpu.memory_space<vmem>>, vector<1024xf32>,
    %slice3A_175 = vector.extract_strided_slice %dot_general3A_33 {offsets = [36, 0], sizes = [1, 1024], strides = [1, 1]} : vector<64x1024xf32> to vector<1x1024xf32>
    %reshape3A_176 = vector.shape_cast %slice3A_175 : vector<1x1024xf32> to vector<1024xf32>
    %swap3A_177 = arith.constant 36864 : index
    %swap3A_178 = vector.load %arg7[%swap3A_177] : memref<65536xf32, #tpu.memory_space<vmem>>, vector<1024xf32>
    tpu.vector_store %arg7[%swap3A_177], %reshape3A_176 {strides = array<i32>} : memref<65536xf32, #tpu.memory_space<vmem>>, vector<1024xf32>,
    %slice3A_179 = vector.extract_strided_slice %dot_general3A_33 {offsets = [37, 0], sizes = [1, 1024], strides = [1, 1]} : vector<64x1024xf32> to vector<1x1024xf32>
    %reshape3A_180 = vector.shape_cast %slice3A_179 : vector<1x1024xf32> to vector<1024xf32>
    %swap3A_181 = arith.constant 37888 : index
    %swap3A_182 = vector.load %arg7[%swap3A_181] : memref<65536xf32, #tpu.memory_space<vmem>>, vector<1024xf32>
    tpu.vector_store %arg7[%swap3A_181], %reshape3A_180 {strides = array<i32>} : memref<65536xf32, #tpu.memory_space<vmem>>, vector<1024xf32>,
    %slice3A_183 = vector.extract_strided_slice %dot_general3A_33 {offsets = [38, 0], sizes = [1, 1024], strides = [1, 1]} : vector<64x1024xf32> to vector<1x1024xf32>
    %reshape3A_184 = vector.shape_cast %slice3A_183 : vector<1x1024xf32> to vector<1024xf32>
    %swap3A_185 = arith.constant 38912 : index
    %swap3A_186 = vector.load %arg7[%swap3A_185] : memref<65536xf32, #tpu.memory_space<vmem>>, vector<1024xf32>
    tpu.vector_store %arg7[%swap3A_185], %reshape3A_184 {strides = array<i32>} : memref<65536xf32, #tpu.memory_space<vmem>>, vector<1024xf32>,
    %slice3A_187 = vector.extract_strided_slice %dot_general3A_33 {offsets = [39, 0], sizes = [1, 1024], strides = [1, 1]} : vector<64x1024xf32> to vector<1x1024xf32>
    %reshape3A_188 = vector.shape_cast %slice3A_187 : vector<1x1024xf32> to vector<1024xf32>
    %swap3A_189 = arith.constant 39936 : index
    %swap3A_190 = vector.load %arg7[%swap3A_189] : memref<65536xf32, #tpu.memory_space<vmem>>, vector<1024xf32>
    tpu.vector_store %arg7[%swap3A_189], %reshape3A_188 {strides = array<i32>} : memref<65536xf32, #tpu.memory_space<vmem>>, vector<1024xf32>,
    %slice3A_191 = vector.extract_strided_slice %dot_general3A_33 {offsets = [40, 0], sizes = [1, 1024], strides = [1, 1]} : vector<64x1024xf32> to vector<1x1024xf32>
    %reshape3A_192 = vector.shape_cast %slice3A_191 : vector<1x1024xf32> to vector<1024xf32>
    %swap3A_193 = arith.constant 40960 : index
    %swap3A_194 = vector.load %arg7[%swap3A_193] : memref<65536xf32, #tpu.memory_space<vmem>>, vector<1024xf32>
    tpu.vector_store %arg7[%swap3A_193], %reshape3A_192 {strides = array<i32>} : memref<65536xf32, #tpu.memory_space<vmem>>, vector<1024xf32>,
    %slice3A_195 = vector.extract_strided_slice %dot_general3A_33 {offsets = [41, 0], sizes = [1, 1024], strides = [1, 1]} : vector<64x1024xf32> to vector<1x1024xf32>
    %reshape3A_196 = vector.shape_cast %slice3A_195 : vector<1x1024xf32> to vector<1024xf32>
    %swap3A_197 = arith.constant 41984 : index
    %swap3A_198 = vector.load %arg7[%swap3A_197] : memref<65536xf32, #tpu.memory_space<vmem>>, vector<1024xf32>
    tpu.vector_store %arg7[%swap3A_197], %reshape3A_196 {strides = array<i32>} : memref<65536xf32, #tpu.memory_space<vmem>>, vector<1024xf32>,
    %slice3A_199 = vector.extract_strided_slice %dot_general3A_33 {offsets = [42, 0], sizes = [1, 1024], strides = [1, 1]} : vector<64x1024xf32> to vector<1x1024xf32>
    %reshape3A_200 = vector.shape_cast %slice3A_199 : vector<1x1024xf32> to vector<1024xf32>
    %swap3A_201 = arith.constant 43008 : index
    %swap3A_202 = vector.load %arg7[%swap3A_201] : memref<65536xf32, #tpu.memory_space<vmem>>, vector<1024xf32>
    tpu.vector_store %arg7[%swap3A_201], %reshape3A_200 {strides = array<i32>} : memref<65536xf32, #tpu.memory_space<vmem>>, vector<1024xf32>,
    %slice3A_203 = vector.extract_strided_slice %dot_general3A_33 {offsets = [43, 0], sizes = [1, 1024], strides = [1, 1]} : vector<64x1024xf32> to vector<1x1024xf32>
    %reshape3A_204 = vector.shape_cast %slice3A_203 : vector<1x1024xf32> to vector<1024xf32>
    %swap3A_205 = arith.constant 44032 : index
    %swap3A_206 = vector.load %arg7[%swap3A_205] : memref<65536xf32, #tpu.memory_space<vmem>>, vector<1024xf32>
    tpu.vector_store %arg7[%swap3A_205], %reshape3A_204 {strides = array<i32>} : memref<65536xf32, #tpu.memory_space<vmem>>, vector<1024xf32>,
    %slice3A_207 = vector.extract_strided_slice %dot_general3A_33 {offsets = [44, 0], sizes = [1, 1024], strides = [1, 1]} : vector<64x1024xf32> to vector<1x1024xf32>
    %reshape3A_208 = vector.shape_cast %slice3A_207 : vector<1x1024xf32> to vector<1024xf32>
    %swap3A_209 = arith.constant 45056 : index
    %swap3A_210 = vector.load %arg7[%swap3A_209] : memref<65536xf32, #tpu.memory_space<vmem>>, vector<1024xf32>
    tpu.vector_store %arg7[%swap3A_209], %reshape3A_208 {strides = array<i32>} : memref<65536xf32, #tpu.memory_space<vmem>>, vector<1024xf32>,
    %slice3A_211 = vector.extract_strided_slice %dot_general3A_33 {offsets = [45, 0], sizes = [1, 1024], strides = [1, 1]} : vector<64x1024xf32> to vector<1x1024xf32>
    %reshape3A_212 = vector.shape_cast %slice3A_211 : vector<1x1024xf32> to vector<1024xf32>
    %swap3A_213 = arith.constant 46080 : index
    %swap3A_214 = vector.load %arg7[%swap3A_213] : memref<65536xf32, #tpu.memory_space<vmem>>, vector<1024xf32>
    tpu.vector_store %arg7[%swap3A_213], %reshape3A_212 {strides = array<i32>} : memref<65536xf32, #tpu.memory_space<vmem>>, vector<1024xf32>,
    %slice3A_215 = vector.extract_strided_slice %dot_general3A_33 {offsets = [46, 0], sizes = [1, 1024], strides = [1, 1]} : vector<64x1024xf32> to vector<1x1024xf32>
    %reshape3A_216 = vector.shape_cast %slice3A_215 : vector<1x1024xf32> to vector<1024xf32>
    %swap3A_217 = arith.constant 47104 : index
    %swap3A_218 = vector.load %arg7[%swap3A_217] : memref<65536xf32, #tpu.memory_space<vmem>>, vector<1024xf32>
    tpu.vector_store %arg7[%swap3A_217], %reshape3A_216 {strides = array<i32>} : memref<65536xf32, #tpu.memory_space<vmem>>, vector<1024xf32>,
    %slice3A_219 = vector.extract_strided_slice %dot_general3A_33 {offsets = [47, 0], sizes = [1, 1024], strides = [1, 1]} : vector<64x1024xf32> to vector<1x1024xf32>
    %reshape3A_220 = vector.shape_cast %slice3A_219 : vector<1x1024xf32> to vector<1024xf32>
    %swap3A_221 = arith.constant 48128 : index
    %swap3A_222 = vector.load %arg7[%swap3A_221] : memref<65536xf32, #tpu.memory_space<vmem>>, vector<1024xf32>
    tpu.vector_store %arg7[%swap3A_221], %reshape3A_220 {strides = array<i32>} : memref<65536xf32, #tpu.memory_space<vmem>>, vector<1024xf32>,
    %slice3A_223 = vector.extract_strided_slice %dot_general3A_33 {offsets = [48, 0], sizes = [1, 1024], strides = [1, 1]} : vector<64x1024xf32> to vector<1x1024xf32>
    %reshape3A_224 = vector.shape_cast %slice3A_223 : vector<1x1024xf32> to vector<1024xf32>
    %swap3A_225 = arith.constant 49152 : index
    %swap3A_226 = vector.load %arg7[%swap3A_225] : memref<65536xf32, #tpu.memory_space<vmem>>, vector<1024xf32>
    tpu.vector_store %arg7[%swap3A_225], %reshape3A_224 {strides = array<i32>} : memref<65536xf32, #tpu.memory_space<vmem>>, vector<1024xf32>,
    %slice3A_227 = vector.extract_strided_slice %dot_general3A_33 {offsets = [49, 0], sizes = [1, 1024], strides = [1, 1]} : vector<64x1024xf32> to vector<1x1024xf32>
    %reshape3A_228 = vector.shape_cast %slice3A_227 : vector<1x1024xf32> to vector<1024xf32>
    %swap3A_229 = arith.constant 50176 : index
    %swap3A_230 = vector.load %arg7[%swap3A_229] : memref<65536xf32, #tpu.memory_space<vmem>>, vector<1024xf32>
    tpu.vector_store %arg7[%swap3A_229], %reshape3A_228 {strides = array<i32>} : memref<65536xf32, #tpu.memory_space<vmem>>, vector<1024xf32>,
    %slice3A_231 = vector.extract_strided_slice %dot_general3A_33 {offsets = [50, 0], sizes = [1, 1024], strides = [1, 1]} : vector<64x1024xf32> to vector<1x1024xf32>
    %reshape3A_232 = vector.shape_cast %slice3A_231 : vector<1x1024xf32> to vector<1024xf32>
    %swap3A_233 = arith.constant 51200 : index
    %swap3A_234 = vector.load %arg7[%swap3A_233] : memref<65536xf32, #tpu.memory_space<vmem>>, vector<1024xf32>
    tpu.vector_store %arg7[%swap3A_233], %reshape3A_232 {strides = array<i32>} : memref<65536xf32, #tpu.memory_space<vmem>>, vector<1024xf32>,
    %slice3A_235 = vector.extract_strided_slice %dot_general3A_33 {offsets = [51, 0], sizes = [1, 1024], strides = [1, 1]} : vector<64x1024xf32> to vector<1x1024xf32>
    %reshape3A_236 = vector.shape_cast %slice3A_235 : vector<1x1024xf32> to vector<1024xf32>
    %swap3A_237 = arith.constant 52224 : index
    %swap3A_238 = vector.load %arg7[%swap3A_237] : memref<65536xf32, #tpu.memory_space<vmem>>, vector<1024xf32>
    tpu.vector_store %arg7[%swap3A_237], %reshape3A_236 {strides = array<i32>} : memref<65536xf32, #tpu.memory_space<vmem>>, vector<1024xf32>,
    %slice3A_239 = vector.extract_strided_slice %dot_general3A_33 {offsets = [52, 0], sizes = [1, 1024], strides = [1, 1]} : vector<64x1024xf32> to vector<1x1024xf32>
    %reshape3A_240 = vector.shape_cast %slice3A_239 : vector<1x1024xf32> to vector<1024xf32>
    %swap3A_241 = arith.constant 53248 : index
    %swap3A_242 = vector.load %arg7[%swap3A_241] : memref<65536xf32, #tpu.memory_space<vmem>>, vector<1024xf32>
    tpu.vector_store %arg7[%swap3A_241], %reshape3A_240 {strides = array<i32>} : memref<65536xf32, #tpu.memory_space<vmem>>, vector<1024xf32>,
    %slice3A_243 = vector.extract_strided_slice %dot_general3A_33 {offsets = [53, 0], sizes = [1, 1024], strides = [1, 1]} : vector<64x1024xf32> to vector<1x1024xf32>
    %reshape3A_244 = vector.shape_cast %slice3A_243 : vector<1x1024xf32> to vector<1024xf32>
    %swap3A_245 = arith.constant 54272 : index
    %swap3A_246 = vector.load %arg7[%swap3A_245] : memref<65536xf32, #tpu.memory_space<vmem>>, vector<1024xf32>
    tpu.vector_store %arg7[%swap3A_245], %reshape3A_244 {strides = array<i32>} : memref<65536xf32, #tpu.memory_space<vmem>>, vector<1024xf32>,
    %slice3A_247 = vector.extract_strided_slice %dot_general3A_33 {offsets = [54, 0], sizes = [1, 1024], strides = [1, 1]} : vector<64x1024xf32> to vector<1x1024xf32>
    %reshape3A_248 = vector.shape_cast %slice3A_247 : vector<1x1024xf32> to vector<1024xf32>
    %swap3A_249 = arith.constant 55296 : index
    %swap3A_250 = vector.load %arg7[%swap3A_249] : memref<65536xf32, #tpu.memory_space<vmem>>, vector<1024xf32>
    tpu.vector_store %arg7[%swap3A_249], %reshape3A_248 {strides = array<i32>} : memref<65536xf32, #tpu.memory_space<vmem>>, vector<1024xf32>,
    %slice3A_251 = vector.extract_strided_slice %dot_general3A_33 {offsets = [55, 0], sizes = [1, 1024], strides = [1, 1]} : vector<64x1024xf32> to vector<1x1024xf32>
    %reshape3A_252 = vector.shape_cast %slice3A_251 : vector<1x1024xf32> to vector<1024xf32>
    %swap3A_253 = arith.constant 56320 : index
    %swap3A_254 = vector.load %arg7[%swap3A_253] : memref<65536xf32, #tpu.memory_space<vmem>>, vector<1024xf32>
    tpu.vector_store %arg7[%swap3A_253], %reshape3A_252 {strides = array<i32>} : memref<65536xf32, #tpu.memory_space<vmem>>, vector<1024xf32>,
    %slice3A_255 = vector.extract_strided_slice %dot_general3A_33 {offsets = [56, 0], sizes = [1, 1024], strides = [1, 1]} : vector<64x1024xf32> to vector<1x1024xf32>
    %reshape3A_256 = vector.shape_cast %slice3A_255 : vector<1x1024xf32> to vector<1024xf32>
    %swap3A_257 = arith.constant 57344 : index
    %swap3A_258 = vector.load %arg7[%swap3A_257] : memref<65536xf32, #tpu.memory_space<vmem>>, vector<1024xf32>
    tpu.vector_store %arg7[%swap3A_257], %reshape3A_256 {strides = array<i32>} : memref<65536xf32, #tpu.memory_space<vmem>>, vector<1024xf32>,
    %slice3A_259 = vector.extract_strided_slice %dot_general3A_33 {offsets = [57, 0], sizes = [1, 1024], strides = [1, 1]} : vector<64x1024xf32> to vector<1x1024xf32>
    %reshape3A_260 = vector.shape_cast %slice3A_259 : vector<1x1024xf32> to vector<1024xf32>
    %swap3A_261 = arith.constant 58368 : index
    %swap3A_262 = vector.load %arg7[%swap3A_261] : memref<65536xf32, #tpu.memory_space<vmem>>, vector<1024xf32>
    tpu.vector_store %arg7[%swap3A_261], %reshape3A_260 {strides = array<i32>} : memref<65536xf32, #tpu.memory_space<vmem>>, vector<1024xf32>,
    %slice3A_263 = vector.extract_strided_slice %dot_general3A_33 {offsets = [58, 0], sizes = [1, 1024], strides = [1, 1]} : vector<64x1024xf32> to vector<1x1024xf32>
    %reshape3A_264 = vector.shape_cast %slice3A_263 : vector<1x1024xf32> to vector<1024xf32>
    %swap3A_265 = arith.constant 59392 : index
    %swap3A_266 = vector.load %arg7[%swap3A_265] : memref<65536xf32, #tpu.memory_space<vmem>>, vector<1024xf32>
    tpu.vector_store %arg7[%swap3A_265], %reshape3A_264 {strides = array<i32>} : memref<65536xf32, #tpu.memory_space<vmem>>, vector<1024xf32>,
    %slice3A_267 = vector.extract_strided_slice %dot_general3A_33 {offsets = [59, 0], sizes = [1, 1024], strides = [1, 1]} : vector<64x1024xf32> to vector<1x1024xf32>
    %reshape3A_268 = vector.shape_cast %slice3A_267 : vector<1x1024xf32> to vector<1024xf32>
    %swap3A_269 = arith.constant 60416 : index
    %swap3A_270 = vector.load %arg7[%swap3A_269] : memref<65536xf32, #tpu.memory_space<vmem>>, vector<1024xf32>
    tpu.vector_store %arg7[%swap3A_269], %reshape3A_268 {strides = array<i32>} : memref<65536xf32, #tpu.memory_space<vmem>>, vector<1024xf32>,
    %slice3A_271 = vector.extract_strided_slice %dot_general3A_33 {offsets = [60, 0], sizes = [1, 1024], strides = [1, 1]} : vector<64x1024xf32> to vector<1x1024xf32>
    %reshape3A_272 = vector.shape_cast %slice3A_271 : vector<1x1024xf32> to vector<1024xf32>
    %swap3A_273 = arith.constant 61440 : index
    %swap3A_274 = vector.load %arg7[%swap3A_273] : memref<65536xf32, #tpu.memory_space<vmem>>, vector<1024xf32>
    tpu.vector_store %arg7[%swap3A_273], %reshape3A_272 {strides = array<i32>} : memref<65536xf32, #tpu.memory_space<vmem>>, vector<1024xf32>,
    %slice3A_275 = vector.extract_strided_slice %dot_general3A_33 {offsets = [61, 0], sizes = [1, 1024], strides = [1, 1]} : vector<64x1024xf32> to vector<1x1024xf32>
    %reshape3A_276 = vector.shape_cast %slice3A_275 : vector<1x1024xf32> to vector<1024xf32>
    %swap3A_277 = arith.constant 62464 : index
    %swap3A_278 = vector.load %arg7[%swap3A_277] : memref<65536xf32, #tpu.memory_space<vmem>>, vector<1024xf32>
    tpu.vector_store %arg7[%swap3A_277], %reshape3A_276 {strides = array<i32>} : memref<65536xf32, #tpu.memory_space<vmem>>, vector<1024xf32>,
    %slice3A_279 = vector.extract_strided_slice %dot_general3A_33 {offsets = [62, 0], sizes = [1, 1024], strides = [1, 1]} : vector<64x1024xf32> to vector<1x1024xf32>
    %reshape3A_280 = vector.shape_cast %slice3A_279 : vector<1x1024xf32> to vector<1024xf32>
    %swap3A_281 = arith.constant 63488 : index
    %swap3A_282 = vector.load %arg7[%swap3A_281] : memref<65536xf32, #tpu.memory_space<vmem>>, vector<1024xf32>
    tpu.vector_store %arg7[%swap3A_281], %reshape3A_280 {strides = array<i32>} : memref<65536xf32, #tpu.memory_space<vmem>>, vector<1024xf32>,
    %slice3A_283 = vector.extract_strided_slice %dot_general3A_33 {offsets = [63, 0], sizes = [1, 1024], strides = [1, 1]} : vector<64x1024xf32> to vector<1x1024xf32>
    %reshape3A_284 = vector.shape_cast %slice3A_283 : vector<1x1024xf32> to vector<1024xf32>
    %swap3A_285 = arith.constant 64512 : index
    %swap3A_286 = vector.load %arg7[%swap3A_285] : memref<65536xf32, #tpu.memory_space<vmem>>, vector<1024xf32>
    tpu.vector_store %arg7[%swap3A_285], %reshape3A_284 {strides = array<i32>} : memref<65536xf32, #tpu.memory_space<vmem>>, vector<1024xf32>,
    %eq3A = vector.broadcast %transpose3A : vector<64x1xi32> to vector<64x1024xi32>
    %eq3A_287 = vector.broadcast %get3A_13 : vector<1x1024xi32> to vector<64x1024xi32>
    %eq3A_288 = arith.cmpi eq, %eq3A, %eq3A_287 : vector<64x1024xi32>
    %jit3A = arith.constant 1.000000e+00 : f32
    %jit3A_289 = arith.constant 0.000000e+00 : f32
    %broadcast_in_dim3A_290 = vector.broadcast %jit3A : f32 to vector<64x1024xf32>
    %broadcast_in_dim3A_291 = vector.broadcast %jit3A_289 : f32 to vector<64x1024xf32>
    %select_n3A = arith.select %eq3A_288, %broadcast_in_dim3A_290, %broadcast_in_dim3A_291 : vector<64x1024xi1>, vector<64x1024xf32>
    %convert_element_type3A = arith.truncf %select_n3A : vector<64x1024xf32> to vector<64x1024xbf16>
    %iota3A = tpu.iota {dimensions = array<i32: 0>} : vector<1024x1024xi32>
    %iota3A_292 = tpu.iota {dimensions = array<i32: 1>} : vector<1024x1024xi32>
    %le3A = arith.cmpi sle, %iota3A, %iota3A_292 : vector<1024x1024xi32>
    %jit3A_293 = arith.constant 1.000000e+00 : f32
    %jit3A_294 = arith.constant 0.000000e+00 : f32
    %broadcast_in_dim3A_295 = vector.broadcast %jit3A_293 : f32 to vector<1024x1024xf32>
    %broadcast_in_dim3A_296 = vector.broadcast %jit3A_294 : f32 to vector<1024x1024xf32>
    %select_n3A_297 = arith.select %le3A, %broadcast_in_dim3A_295, %broadcast_in_dim3A_296 : vector<1024x1024xi1>, vector<1024x1024xf32>
    %convert_element_type3A_298 = arith.truncf %select_n3A_297 : vector<1024x1024xf32> to vector<1024x1024xbf16>
    %dot_general3A_299 = arith.constant dense<0.000000e+00> : vector<64x1024xf32>
    %dot_general3A_300 = tpu.matmul %convert_element_type3A, %convert_element_type3A_298, %dot_general3A_299 {dimension_numbers = #tpu.dot_dimension_numbers<[1], [0], [0], [1], [0, 0, 1, 1], [], []>, transpose_lhs_hint = false} : vector<64x1024xbf16>, vector<1024x1024xbf16>, vector<64x1024xf32> -> vector<64x1024xf32>
    %round3A = math.roundeven %dot_general3A_300 : vector<64x1024xf32>
    %convert_element_type3A_301 = arith.fptosi %round3A : vector<64x1024xf32> to vector<64x1024xi32>
    %slice3A_302 = vector.extract_strided_slice %convert_element_type3A_301 {offsets = [0, 1023], sizes = [64, 1], strides = [1, 1]} : vector<64x1024xi32> to vector<64x1xi32>
    %ge3A = arith.constant 1 : i32
    %ge3A_303 = vector.broadcast %ge3A : i32 to vector<64x1xi32>
    %ge3A_304 = arith.cmpi sge, %slice3A_302, %ge3A_303 : vector<64x1xi32>
    %le3A_305 = arith.constant 1023 : i32
    %le3A_306 = vector.broadcast %le3A_305 : i32 to vector<64x1xi32>
    %le3A_307 = arith.cmpi sle, %slice3A_302, %le3A_306 : vector<64x1xi32>
    %and3A = arith.andi %ge3A_304, %le3A_307 : vector<64x1xi1>
    %jit3A_308 = arith.constant 1.000000e+00 : f32
    %jit3A_309 = arith.constant 0.000000e+00 : f32
    %broadcast_in_dim3A_310 = vector.broadcast %jit3A_308 : f32 to vector<64x1xf32>
    %broadcast_in_dim3A_311 = vector.broadcast %jit3A_309 : f32 to vector<64x1xf32>
    %select_n3A_312 = arith.select %and3A, %broadcast_in_dim3A_310, %broadcast_in_dim3A_311 : vector<64x1xi1>, vector<64x1xf32>
    %reduce_min3A = vector.shape_cast %select_n3A_312 : vector<64x1xf32> to vector<1x64x1xf32>
    %reduce_min3A_313 = arith.constant dense<0x7F800000> : vector<1xf32>
    %reduce_min3A_314 = vector.multi_reduction <minimumf>, %reduce_min3A, %reduce_min3A_313 [1, 2] : vector<1x64x1xf32> to vector<1xf32>
    %reduce_min3A_315 = vector.shape_cast %reduce_min3A_314 : vector<1xf32> to vector<1x1x1xf32>
    %reduce_min3A_316 = vector.extract %reduce_min3A_315[0, 0, 0] : f32 from vector<1x1x1xf32>
    %broadcast_in_dim3A_317 = vector.broadcast %reduce_min3A_316 : f32 to vector<1x128xf32>
    %swap3A_318 = arith.constant 0 : index
    %swap3A_319 = arith.constant 0 : index
    %swap3A_320 = arith.constant 0 : index
    %swap3A_321 = vector.load %arg9[%swap3A_318, %swap3A_319, %swap3A_320] : memref<1x1x128xf32, #tpu.memory_space<vmem>>, vector<1x1x128xf32>
    %swap3A_322 = vector.shape_cast %swap3A_321 : vector<1x1x128xf32> to vector<1x128xf32>
    %swap3A_323 = vector.shape_cast %broadcast_in_dim3A_317 : vector<1x128xf32> to vector<1x1x128xf32>
    tpu.vector_store %arg9[%swap3A_318, %swap3A_319, %swap3A_320], %swap3A_323 {strides = array<i32>} : memref<1x1x128xf32, #tpu.memory_space<vmem>>, vector<1x1x128xf32>,
    %iota3A_324 = tpu.iota {dimensions = array<i32: 1>} : vector<64x1024xi32>
    %add3A = arith.constant 1024 : i32
    %add3A_325 = vector.broadcast %add3A : i32 to vector<64x1024xi32>
    %add3A_326 = arith.addi %add3A_325, %iota3A_324 : vector<64x1024xi32>
    %add3A_327 = arith.constant 1 : i32
    %add3A_328 = vector.broadcast %add3A_327 : i32 to vector<64x1024xi32>
    %add3A_329 = arith.addi %add3A_326, %add3A_328 : vector<64x1024xi32>
    %sub3A = arith.subi %add3A_329, %convert_element_type3A_301 : vector<64x1024xi32>
    %select_n3A_330 = arith.select %eq3A_288, %convert_element_type3A_301, %sub3A : vector<64x1024xi1>, vector<64x1024xi32>
    %transpose3A_331 = tpu.transpose %slice3A_302, [1, 0] : vector<64x1xi32> -> vector<1x64xi32>
    %jit3A_332 = arith.constant 1 : i32
    %jit3A_333 = arith.constant 1023 : i32
    %max3A_334 = vector.broadcast %jit3A_332 : i32 to vector<1x64xi32>
    %max3A_335 = arith.maxsi %max3A_334, %transpose3A_331 : vector<1x64xi32>
    %min3A = vector.broadcast %jit3A_333 : i32 to vector<1x64xi32>
    %min3A_336 = arith.minsi %min3A, %max3A_335 : vector<1x64xi32>
    %iota3A_337 = tpu.iota {dimensions = array<i32: 0>} : vector<1024x64xi32>
    %eq3A_338 = vector.broadcast %min3A_336 : vector<1x64xi32> to vector<1024x64xi32>
    %eq3A_339 = arith.cmpi eq, %iota3A_337, %eq3A_338 : vector<1024x64xi32>
    %jit3A_340 = arith.constant 1.000000e+00 : f32
    %jit3A_341 = arith.constant 0.000000e+00 : f32
    %broadcast_in_dim3A_342 = vector.broadcast %jit3A_340 : f32 to vector<1024x64xf32>
    %broadcast_in_dim3A_343 = vector.broadcast %jit3A_341 : f32 to vector<1024x64xf32>
    %select_n3A_344 = arith.select %eq3A_339, %broadcast_in_dim3A_342, %broadcast_in_dim3A_343 : vector<1024x64xi1>, vector<1024x64xf32>
    %convert_element_type3A_345 = arith.truncf %select_n3A_344 : vector<1024x64xf32> to vector<1024x64xbf16>
    %get3A_346 = arith.constant 0 : index
    %get3A_347 = arith.constant 0 : index
    %get3A_348 = vector.load %arg5[%get3A_346, %get3A_347] : memref<128x1024xf32, #tpu.memory_space<vmem>>, vector<128x1024xf32>
    %convert_element_type3A_349 = arith.truncf %get3A_348 : vector<128x1024xf32> to vector<128x1024xbf16>
    %dot_general3A_350 = arith.constant dense<0.000000e+00> : vector<128x64xf32>
    %dot_general3A_351 = tpu.matmul %convert_element_type3A_349, %convert_element_type3A_345, %dot_general3A_350 {dimension_numbers = #tpu.dot_dimension_numbers<[1], [0], [0], [1], [0, 0, 1, 1], [], []>, transpose_lhs_hint = false} : vector<128x1024xbf16>, vector<1024x64xbf16>, vector<128x64xf32> -> vector<128x64xf32>
    %get3A_352 = arith.constant 0 : index
    %get3A_353 = arith.constant 0 : index
    %get3A_354 = vector.load %arg6[%get3A_352, %get3A_353] : memref<128x1024xf32, #tpu.memory_space<vmem>>, vector<128x1024xf32>
    %convert_element_type3A_355 = arith.truncf %get3A_354 : vector<128x1024xf32> to vector<128x1024xbf16>
    %dot_general3A_356 = arith.constant dense<0.000000e+00> : vector<128x64xf32>
    %dot_general3A_357 = tpu.matmul %convert_element_type3A_355, %convert_element_type3A_345, %dot_general3A_356 {dimension_numbers = #tpu.dot_dimension_numbers<[1], [0], [0], [1], [0, 0, 1, 1], [], []>, transpose_lhs_hint = false} : vector<128x1024xbf16>, vector<1024x64xbf16>, vector<128x64xf32> -> vector<128x64xf32>
    %mul3A_358 = arith.constant 3.200000e+01 : f32
    %mul3A_359 = vector.broadcast %mul3A_358 : f32 to vector<128x64xf32>
    %mul3A_360 = arith.mulf %mul3A_359, %dot_general3A_351 : vector<128x64xf32>
    %add3A_361 = arith.addf %mul3A_360, %dot_general3A_357 : vector<128x64xf32>
    %round3A_362 = math.roundeven %add3A_361 : vector<128x64xf32>
    %convert_element_type3A_363 = arith.fptosi %round3A_362 : vector<128x64xf32> to vector<128x64xi32>
    %slice3A_364 = vector.extract_strided_slice %convert_element_type3A_363 {offsets = [0, 0], sizes = [64, 64], strides = [1, 1]} : vector<128x64xi32> to vector<64x64xi32>
    %slice3A_365 = vector.extract_strided_slice %convert_element_type3A_363 {offsets = [63, 0], sizes = [1, 64], strides = [1, 1]} : vector<128x64xi32> to vector<1x64xi32>
    %iota3A_366 = tpu.iota {dimensions = array<i32: 0>} : vector<64x64xi32>
    %iota3A_367 = tpu.iota {dimensions = array<i32: 1>} : vector<64x64xi32>
    %broadcast_in_dim3A_368 = arith.constant 0 : i32
    %broadcast_in_dim3A_369 = vector.broadcast %broadcast_in_dim3A_368 : i32 to vector<1x64xi32>
    %slice3A_370 = vector.extract_strided_slice %slice3A_364 {offsets = [0, 0], sizes = [63, 64], strides = [1, 1]} : vector<64x64xi32> to vector<63x64xi32>
    %concatenate3A = tpu.concatenate %broadcast_in_dim3A_369, %slice3A_370 in 0 : vector<1x64xi32>, vector<63x64xi32> -> vector<64x64xi32>
    %eq3A_371 = arith.cmpi eq, %iota3A_366, %iota3A_367 : vector<64x64xi32>
    %add3A_372 = arith.constant 1 : i32
    %add3A_373 = vector.broadcast %add3A_372 : i32 to vector<1x64xi32>
    %add3A_374 = arith.addi %slice3A_365, %add3A_373 : vector<1x64xi32>
    %lt3A = arith.cmpi slt, %iota3A_366, %iota3A_367 : vector<64x64xi32>
    %select_n3A_375 = arith.select %lt3A, %slice3A_364, %concatenate3A : vector<64x64xi1>, vector<64x64xi32>
    %add3A_376 = arith.constant 1025 : i32
    %add3A_377 = vector.broadcast %add3A_376 : i32 to vector<64x64xi32>
    %add3A_378 = arith.addi %add3A_377, %select_n3A_375 : vector<64x64xi32>
    %broadcast_in_dim3A_379 = vector.shape_cast %add3A_374 : vector<1x64xi32> to vector<1x64xi32>
    %broadcast_in_dim3A_380 = vector.broadcast %broadcast_in_dim3A_379 : vector<1x64xi32> to vector<64x64xi32>
    %select_n3A_381 = arith.select %eq3A_371, %broadcast_in_dim3A_380, %add3A_378 : vector<64x64xi1>, vector<64x64xi32>
    %iota3A_382 = tpu.iota {dimensions = array<i32: 0>} : vector<1024x1xi32>
    %jit3A_383 = arith.constant 32 : i32
    %div3A_384 = vector.broadcast %jit3A_383 : i32 to vector<1024x1xi32>
    %div3A_385 = arith.divsi %iota3A_382, %div3A_384 : vector<1024x1xi32>
    %sign3A = arith.constant 0 : i32
    %sign3A_386 = vector.broadcast %sign3A : i32 to vector<1024x1xi32>
    %sign3A_387 = arith.cmpi sgt, %iota3A_382, %sign3A_386 : vector<1024x1xi32>
    %sign3A_388 = arith.extui %sign3A_387 : vector<1024x1xi1> to vector<1024x1xi32>
    %sign3A_389 = arith.constant 0 : i32
    %sign3A_390 = vector.broadcast %sign3A_389 : i32 to vector<1024x1xi32>
    %sign3A_391 = arith.cmpi slt, %iota3A_382, %sign3A_390 : vector<1024x1xi32>
    %sign3A_392 = arith.extui %sign3A_391 : vector<1024x1xi1> to vector<1024x1xi32>
    %sign3A_393 = arith.subi %sign3A_388, %sign3A_392 : vector<1024x1xi32>
    %sign3A_394 = arith.constant 0 : i32
    %sign3A_395 = arith.cmpi sgt, %jit3A_383, %sign3A_394 : i32
    %sign3A_396 = arith.extui %sign3A_395 : i1 to i32
    %sign3A_397 = arith.constant 0 : i32
    %sign3A_398 = arith.cmpi slt, %jit3A_383, %sign3A_397 : i32
    %sign3A_399 = arith.extui %sign3A_398 : i1 to i32
    %sign3A_400 = arith.subi %sign3A_396, %sign3A_399 : i32
    %ne3A = vector.broadcast %sign3A_400 : i32 to vector<1024x1xi32>
    %ne3A_401 = arith.cmpi ne, %sign3A_393, %ne3A : vector<1024x1xi32>
    %rem3A = vector.broadcast %jit3A_383 : i32 to vector<1024x1xi32>
    %rem3A_402 = arith.remsi %iota3A_382, %rem3A : vector<1024x1xi32>
    %ne3A_403 = arith.constant 0 : i32
    %ne3A_404 = vector.broadcast %ne3A_403 : i32 to vector<1024x1xi32>
    %ne3A_405 = arith.cmpi ne, %rem3A_402, %ne3A_404 : vector<1024x1xi32>
    %and3A_406 = arith.andi %ne3A_401, %ne3A_405 : vector<1024x1xi1>
    %sub3A_407 = arith.constant 1 : i32
    %sub3A_408 = vector.broadcast %sub3A_407 : i32 to vector<1024x1xi32>
    %sub3A_409 = arith.subi %div3A_385, %sub3A_408 : vector<1024x1xi32>
    %select_n3A_410 = arith.select %and3A_406, %sub3A_409, %div3A_385 : vector<1024x1xi1>, vector<1024x1xi32>
    %convert_element_type3A_411 = arith.sitofp %select_n3A_410 : vector<1024x1xi32> to vector<1024x1xbf16>
    %jit3A_412 = arith.constant 32 : i32
    %eq3A_413 = arith.constant 0 : i32
    %eq3A_414 = arith.cmpi eq, %jit3A_412, %eq3A_413 : i32
    %jit3A_415 = arith.constant 1 : i32
    %select_n3A_416 = arith.select %eq3A_414, %jit3A_415, %jit3A_412 : i32
    %rem3A_417 = vector.broadcast %select_n3A_416 : i32 to vector<1024x1xi32>
    %rem3A_418 = arith.remsi %iota3A_382, %rem3A_417 : vector<1024x1xi32>
    %ne3A_419 = arith.constant 0 : i32
    %ne3A_420 = vector.broadcast %ne3A_419 : i32 to vector<1024x1xi32>
    %ne3A_421 = arith.cmpi ne, %rem3A_418, %ne3A_420 : vector<1024x1xi32>
    %lt3A_422 = arith.constant 0 : i32
    %lt3A_423 = vector.broadcast %lt3A_422 : i32 to vector<1024x1xi32>
    %lt3A_424 = arith.cmpi slt, %rem3A_418, %lt3A_423 : vector<1024x1xi32>
    %lt3A_425 = arith.constant 0 : i32
    %lt3A_426 = arith.cmpi slt, %select_n3A_416, %lt3A_425 : i32
    %ne3A_427 = vector.broadcast %lt3A_426 : i1 to vector<1024x1xi1>
    %ne3A_428 = vector.broadcast %ne3A_427 : vector<1024x1xi1> to vector<1024x1xi1>
    %ne3A_429 = arith.xori %lt3A_424, %ne3A_428 : vector<1024x1xi1>
    %and3A_430 = arith.andi %ne3A_429, %ne3A_421 : vector<1024x1xi1>
    %add3A_431 = vector.broadcast %select_n3A_416 : i32 to vector<1024x1xi32>
    %add3A_432 = arith.addi %rem3A_418, %add3A_431 : vector<1024x1xi32>
    %select_n3A_433 = arith.select %and3A_430, %add3A_432, %rem3A_418 : vector<1024x1xi1>, vector<1024x1xi32>
    %convert_element_type3A_434 = arith.sitofp %select_n3A_433 : vector<1024x1xi32> to vector<1024x1xbf16>
    %concatenate3A_435 = tpu.concatenate %convert_element_type3A_411, %convert_element_type3A_434 in 1 : vector<1024x1xbf16>, vector<1024x1xbf16> -> vector<1024x2xbf16>
    %slice3A_436 = vector.extract_strided_slice %select_n3A_330 {offsets = [0, 0], sizes = [1, 1024], strides = [1, 1]} : vector<64x1024xi32> to vector<1x1024xi32>
    %slice3A_437 = vector.extract_strided_slice %select_n3A_381 {offsets = [0, 0], sizes = [64, 1], strides = [1, 1]} : vector<64x64xi32> to vector<64x1xi32>
    %eq3A_438 = vector.broadcast %slice3A_437 : vector<64x1xi32> to vector<64x1024xi32>
    %eq3A_439 = vector.broadcast %slice3A_436 : vector<1x1024xi32> to vector<64x1024xi32>
    %eq3A_440 = arith.cmpi eq, %eq3A_438, %eq3A_439 : vector<64x1024xi32>
    %jit3A_441 = arith.constant 1.000000e+00 : f32
    %jit3A_442 = arith.constant 0.000000e+00 : f32
    %broadcast_in_dim3A_443 = vector.broadcast %jit3A_441 : f32 to vector<64x1024xf32>
    %broadcast_in_dim3A_444 = vector.broadcast %jit3A_442 : f32 to vector<64x1024xf32>
    %select_n3A_445 = arith.select %eq3A_440, %broadcast_in_dim3A_443, %broadcast_in_dim3A_444 : vector<64x1024xi1>, vector<64x1024xf32>
    %convert_element_type3A_446 = arith.truncf %select_n3A_445 : vector<64x1024xf32> to vector<64x1024xbf16>
    %dot_general3A_447 = arith.constant dense<0.000000e+00> : vector<64x2xf32>
    %dot_general3A_448 = tpu.matmul %convert_element_type3A_446, %concatenate3A_435, %dot_general3A_447 {dimension_numbers = #tpu.dot_dimension_numbers<[1], [0], [0], [1], [0, 0, 1, 1], [], []>, transpose_lhs_hint = false} : vector<64x1024xbf16>, vector<1024x2xbf16>, vector<64x2xf32> -> vector<64x2xf32>
    %slice3A_449 = vector.extract_strided_slice %dot_general3A_448 {offsets = [0, 0], sizes = [64, 1], strides = [1, 1]} : vector<64x2xf32> to vector<64x1xf32>
    %mul3A_450 = arith.constant 3.200000e+01 : f32
    %mul3A_451 = vector.broadcast %mul3A_450 : f32 to vector<64x1xf32>
    %mul3A_452 = arith.mulf %mul3A_451, %slice3A_449 : vector<64x1xf32>
    %slice3A_453 = vector.extract_strided_slice %dot_general3A_448 {offsets = [0, 1], sizes = [64, 1], strides = [1, 1]} : vector<64x2xf32> to vector<64x1xf32>
    %add3A_454 = arith.addf %mul3A_452, %slice3A_453 : vector<64x1xf32>
    %round3A_455 = math.roundeven %add3A_454 : vector<64x1xf32>
    %convert_element_type3A_456 = arith.fptosi %round3A_455 : vector<64x1xf32> to vector<64x1xi32>
    %mul3A_457 = arith.constant 64 : i32
    %mul3A_458 = arith.muli %arg0, %mul3A_457 : i32
    %add3A_459 = arith.constant 0 : i32
    %add3A_460 = arith.addi %mul3A_458, %add3A_459 : i32
    %mul3A_461 = arith.constant 1024 : i32
    %mul3A_462 = arith.muli %add3A_460, %mul3A_461 : i32
    %add3A_463 = vector.broadcast %mul3A_462 : i32 to vector<64x1xi32>
    %add3A_464 = arith.addi %convert_element_type3A_456, %add3A_463 : vector<64x1xi32>
    %swap3A_465 = arith.constant 0 : index
    %swap3A_466 = arith.constant 0 : index
    %swap3A_467 = vector.load %arg10[%swap3A_465, %swap3A_466] : memref<64x64xi32, #tpu.memory_space<vmem>>, vector<64x1xi32>
    tpu.vector_store %arg10[%swap3A_465, %swap3A_466], %add3A_464 {strides = array<i32>} : memref<64x64xi32, #tpu.memory_space<vmem>>, vector<64x1xi32>,
    %slice3A_468 = vector.extract_strided_slice %select_n3A_330 {offsets = [1, 0], sizes = [1, 1024], strides = [1, 1]} : vector<64x1024xi32> to vector<1x1024xi32>
    %slice3A_469 = vector.extract_strided_slice %select_n3A_381 {offsets = [0, 1], sizes = [64, 1], strides = [1, 1]} : vector<64x64xi32> to vector<64x1xi32>
    %eq3A_470 = vector.broadcast %slice3A_469 : vector<64x1xi32> to vector<64x1024xi32>
    %eq3A_471 = vector.broadcast %slice3A_468 : vector<1x1024xi32> to vector<64x1024xi32>
    %eq3A_472 = arith.cmpi eq, %eq3A_470, %eq3A_471 : vector<64x1024xi32>
    %jit3A_473 = arith.constant 1.000000e+00 : f32
    %jit3A_474 = arith.constant 0.000000e+00 : f32
    %broadcast_in_dim3A_475 = vector.broadcast %jit3A_473 : f32 to vector<64x1024xf32>
    %broadcast_in_dim3A_476 = vector.broadcast %jit3A_474 : f32 to vector<64x1024xf32>
    %select_n3A_477 = arith.select %eq3A_472, %broadcast_in_dim3A_475, %broadcast_in_dim3A_476 : vector<64x1024xi1>, vector<64x1024xf32>
    %convert_element_type3A_478 = arith.truncf %select_n3A_477 : vector<64x1024xf32> to vector<64x1024xbf16>
    %dot_general3A_479 = arith.constant dense<0.000000e+00> : vector<64x2xf32>
    %dot_general3A_480 = tpu.matmul %convert_element_type3A_478, %concatenate3A_435, %dot_general3A_479 {dimension_numbers = #tpu.dot_dimension_numbers<[1], [0], [0], [1], [0, 0, 1, 1], [], []>, transpose_lhs_hint = false} : vector<64x1024xbf16>, vector<1024x2xbf16>, vector<64x2xf32> -> vector<64x2xf32>
    %slice3A_481 = vector.extract_strided_slice %dot_general3A_480 {offsets = [0, 0], sizes = [64, 1], strides = [1, 1]} : vector<64x2xf32> to vector<64x1xf32>
    %mul3A_482 = arith.constant 3.200000e+01 : f32
    %mul3A_483 = vector.broadcast %mul3A_482 : f32 to vector<64x1xf32>
    %mul3A_484 = arith.mulf %mul3A_483, %slice3A_481 : vector<64x1xf32>
    %slice3A_485 = vector.extract_strided_slice %dot_general3A_480 {offsets = [0, 1], sizes = [64, 1], strides = [1, 1]} : vector<64x2xf32> to vector<64x1xf32>
    %add3A_486 = arith.addf %mul3A_484, %slice3A_485 : vector<64x1xf32>
    %round3A_487 = math.roundeven %add3A_486 : vector<64x1xf32>
    %convert_element_type3A_488 = arith.fptosi %round3A_487 : vector<64x1xf32> to vector<64x1xi32>
    %mul3A_489 = arith.constant 64 : i32
    %mul3A_490 = arith.muli %arg0, %mul3A_489 : i32
    %add3A_491 = arith.constant 1 : i32
    %add3A_492 = arith.addi %mul3A_490, %add3A_491 : i32
    %mul3A_493 = arith.constant 1024 : i32
    %mul3A_494 = arith.muli %add3A_492, %mul3A_493 : i32
    %add3A_495 = vector.broadcast %mul3A_494 : i32 to vector<64x1xi32>
    %add3A_496 = arith.addi %convert_element_type3A_488, %add3A_495 : vector<64x1xi32>
    %swap3A_497 = arith.constant 0 : index
    %swap3A_498 = arith.constant 1 : index
    %swap3A_499 = vector.load %arg10[%swap3A_497, %swap3A_498] : memref<64x64xi32, #tpu.memory_space<vmem>>, vector<64x1xi32>
    tpu.vector_store %arg10[%swap3A_497, %swap3A_498], %add3A_496 {strides = array<i32>} : memref<64x64xi32, #tpu.memory_space<vmem>>, vector<64x1xi32>,
    %slice3A_500 = vector.extract_strided_slice %select_n3A_330 {offsets = [2, 0], sizes = [1, 1024], strides = [1, 1]} : vector<64x1024xi32> to vector<1x1024xi32>
    %slice3A_501 = vector.extract_strided_slice %select_n3A_381 {offsets = [0, 2], sizes = [64, 1], strides = [1, 1]} : vector<64x64xi32> to vector<64x1xi32>
    %eq3A_502 = vector.broadcast %slice3A_501 : vector<64x1xi32> to vector<64x1024xi32>
    %eq3A_503 = vector.broadcast %slice3A_500 : vector<1x1024xi32> to vector<64x1024xi32>
    %eq3A_504 = arith.cmpi eq, %eq3A_502, %eq3A_503 : vector<64x1024xi32>
    %jit3A_505 = arith.constant 1.000000e+00 : f32
    %jit3A_506 = arith.constant 0.000000e+00 : f32
    %broadcast_in_dim3A_507 = vector.broadcast %jit3A_505 : f32 to vector<64x1024xf32>
    %broadcast_in_dim3A_508 = vector.broadcast %jit3A_506 : f32 to vector<64x1024xf32>
    %select_n3A_509 = arith.select %eq3A_504, %broadcast_in_dim3A_507, %broadcast_in_dim3A_508 : vector<64x1024xi1>, vector<64x1024xf32>
    %convert_element_type3A_510 = arith.truncf %select_n3A_509 : vector<64x1024xf32> to vector<64x1024xbf16>
    %dot_general3A_511 = arith.constant dense<0.000000e+00> : vector<64x2xf32>
    %dot_general3A_512 = tpu.matmul %convert_element_type3A_510, %concatenate3A_435, %dot_general3A_511 {dimension_numbers = #tpu.dot_dimension_numbers<[1], [0], [0], [1], [0, 0, 1, 1], [], []>, transpose_lhs_hint = false} : vector<64x1024xbf16>, vector<1024x2xbf16>, vector<64x2xf32> -> vector<64x2xf32>
    %slice3A_513 = vector.extract_strided_slice %dot_general3A_512 {offsets = [0, 0], sizes = [64, 1], strides = [1, 1]} : vector<64x2xf32> to vector<64x1xf32>
    %mul3A_514 = arith.constant 3.200000e+01 : f32
    %mul3A_515 = vector.broadcast %mul3A_514 : f32 to vector<64x1xf32>
    %mul3A_516 = arith.mulf %mul3A_515, %slice3A_513 : vector<64x1xf32>
    %slice3A_517 = vector.extract_strided_slice %dot_general3A_512 {offsets = [0, 1], sizes = [64, 1], strides = [1, 1]} : vector<64x2xf32> to vector<64x1xf32>
    %add3A_518 = arith.addf %mul3A_516, %slice3A_517 : vector<64x1xf32>
    %round3A_519 = math.roundeven %add3A_518 : vector<64x1xf32>
    %convert_element_type3A_520 = arith.fptosi %round3A_519 : vector<64x1xf32> to vector<64x1xi32>
    %mul3A_521 = arith.constant 64 : i32
    %mul3A_522 = arith.muli %arg0, %mul3A_521 : i32
    %add3A_523 = arith.constant 2 : i32
    %add3A_524 = arith.addi %mul3A_522, %add3A_523 : i32
    %mul3A_525 = arith.constant 1024 : i32
    %mul3A_526 = arith.muli %add3A_524, %mul3A_525 : i32
    %add3A_527 = vector.broadcast %mul3A_526 : i32 to vector<64x1xi32>
    %add3A_528 = arith.addi %convert_element_type3A_520, %add3A_527 : vector<64x1xi32>
    %swap3A_529 = arith.constant 0 : index
    %swap3A_530 = arith.constant 2 : index
    %swap3A_531 = vector.load %arg10[%swap3A_529, %swap3A_530] : memref<64x64xi32, #tpu.memory_space<vmem>>, vector<64x1xi32>
    tpu.vector_store %arg10[%swap3A_529, %swap3A_530], %add3A_528 {strides = array<i32>} : memref<64x64xi32, #tpu.memory_space<vmem>>, vector<64x1xi32>,
    %slice3A_532 = vector.extract_strided_slice %select_n3A_330 {offsets = [3, 0], sizes = [1, 1024], strides = [1, 1]} : vector<64x1024xi32> to vector<1x1024xi32>
    %slice3A_533 = vector.extract_strided_slice %select_n3A_381 {offsets = [0, 3], sizes = [64, 1], strides = [1, 1]} : vector<64x64xi32> to vector<64x1xi32>
    %eq3A_534 = vector.broadcast %slice3A_533 : vector<64x1xi32> to vector<64x1024xi32>
    %eq3A_535 = vector.broadcast %slice3A_532 : vector<1x1024xi32> to vector<64x1024xi32>
    %eq3A_536 = arith.cmpi eq, %eq3A_534, %eq3A_535 : vector<64x1024xi32>
    %jit3A_537 = arith.constant 1.000000e+00 : f32
    %jit3A_538 = arith.constant 0.000000e+00 : f32
    %broadcast_in_dim3A_539 = vector.broadcast %jit3A_537 : f32 to vector<64x1024xf32>
    %broadcast_in_dim3A_540 = vector.broadcast %jit3A_538 : f32 to vector<64x1024xf32>
    %select_n3A_541 = arith.select %eq3A_536, %broadcast_in_dim3A_539, %broadcast_in_dim3A_540 : vector<64x1024xi1>, vector<64x1024xf32>
    %convert_element_type3A_542 = arith.truncf %select_n3A_541 : vector<64x1024xf32> to vector<64x1024xbf16>
    %dot_general3A_543 = arith.constant dense<0.000000e+00> : vector<64x2xf32>
    %dot_general3A_544 = tpu.matmul %convert_element_type3A_542, %concatenate3A_435, %dot_general3A_543 {dimension_numbers = #tpu.dot_dimension_numbers<[1], [0], [0], [1], [0, 0, 1, 1], [], []>, transpose_lhs_hint = false} : vector<64x1024xbf16>, vector<1024x2xbf16>, vector<64x2xf32> -> vector<64x2xf32>
    %slice3A_545 = vector.extract_strided_slice %dot_general3A_544 {offsets = [0, 0], sizes = [64, 1], strides = [1, 1]} : vector<64x2xf32> to vector<64x1xf32>
    %mul3A_546 = arith.constant 3.200000e+01 : f32
    %mul3A_547 = vector.broadcast %mul3A_546 : f32 to vector<64x1xf32>
    %mul3A_548 = arith.mulf %mul3A_547, %slice3A_545 : vector<64x1xf32>
    %slice3A_549 = vector.extract_strided_slice %dot_general3A_544 {offsets = [0, 1], sizes = [64, 1], strides = [1, 1]} : vector<64x2xf32> to vector<64x1xf32>
    %add3A_550 = arith.addf %mul3A_548, %slice3A_549 : vector<64x1xf32>
    %round3A_551 = math.roundeven %add3A_550 : vector<64x1xf32>
    %convert_element_type3A_552 = arith.fptosi %round3A_551 : vector<64x1xf32> to vector<64x1xi32>
    %mul3A_553 = arith.constant 64 : i32
    %mul3A_554 = arith.muli %arg0, %mul3A_553 : i32
    %add3A_555 = arith.constant 3 : i32
    %add3A_556 = arith.addi %mul3A_554, %add3A_555 : i32
    %mul3A_557 = arith.constant 1024 : i32
    %mul3A_558 = arith.muli %add3A_556, %mul3A_557 : i32
    %add3A_559 = vector.broadcast %mul3A_558 : i32 to vector<64x1xi32>
    %add3A_560 = arith.addi %convert_element_type3A_552, %add3A_559 : vector<64x1xi32>
    %swap3A_561 = arith.constant 0 : index
    %swap3A_562 = arith.constant 3 : index
    %swap3A_563 = vector.load %arg10[%swap3A_561, %swap3A_562] : memref<64x64xi32, #tpu.memory_space<vmem>>, vector<64x1xi32>
    tpu.vector_store %arg10[%swap3A_561, %swap3A_562], %add3A_560 {strides = array<i32>} : memref<64x64xi32, #tpu.memory_space<vmem>>, vector<64x1xi32>,
    %slice3A_564 = vector.extract_strided_slice %select_n3A_330 {offsets = [4, 0], sizes = [1, 1024], strides = [1, 1]} : vector<64x1024xi32> to vector<1x1024xi32>
    %slice3A_565 = vector.extract_strided_slice %select_n3A_381 {offsets = [0, 4], sizes = [64, 1], strides = [1, 1]} : vector<64x64xi32> to vector<64x1xi32>
    %eq3A_566 = vector.broadcast %slice3A_565 : vector<64x1xi32> to vector<64x1024xi32>
    %eq3A_567 = vector.broadcast %slice3A_564 : vector<1x1024xi32> to vector<64x1024xi32>
    %eq3A_568 = arith.cmpi eq, %eq3A_566, %eq3A_567 : vector<64x1024xi32>
    %jit3A_569 = arith.constant 1.000000e+00 : f32
    %jit3A_570 = arith.constant 0.000000e+00 : f32
    %broadcast_in_dim3A_571 = vector.broadcast %jit3A_569 : f32 to vector<64x1024xf32>
    %broadcast_in_dim3A_572 = vector.broadcast %jit3A_570 : f32 to vector<64x1024xf32>
    %select_n3A_573 = arith.select %eq3A_568, %broadcast_in_dim3A_571, %broadcast_in_dim3A_572 : vector<64x1024xi1>, vector<64x1024xf32>
    %convert_element_type3A_574 = arith.truncf %select_n3A_573 : vector<64x1024xf32> to vector<64x1024xbf16>
    %dot_general3A_575 = arith.constant dense<0.000000e+00> : vector<64x2xf32>
    %dot_general3A_576 = tpu.matmul %convert_element_type3A_574, %concatenate3A_435, %dot_general3A_575 {dimension_numbers = #tpu.dot_dimension_numbers<[1], [0], [0], [1], [0, 0, 1, 1], [], []>, transpose_lhs_hint = false} : vector<64x1024xbf16>, vector<1024x2xbf16>, vector<64x2xf32> -> vector<64x2xf32>
    %slice3A_577 = vector.extract_strided_slice %dot_general3A_576 {offsets = [0, 0], sizes = [64, 1], strides = [1, 1]} : vector<64x2xf32> to vector<64x1xf32>
    %mul3A_578 = arith.constant 3.200000e+01 : f32
    %mul3A_579 = vector.broadcast %mul3A_578 : f32 to vector<64x1xf32>
    %mul3A_580 = arith.mulf %mul3A_579, %slice3A_577 : vector<64x1xf32>
    %slice3A_581 = vector.extract_strided_slice %dot_general3A_576 {offsets = [0, 1], sizes = [64, 1], strides = [1, 1]} : vector<64x2xf32> to vector<64x1xf32>
    %add3A_582 = arith.addf %mul3A_580, %slice3A_581 : vector<64x1xf32>
    %round3A_583 = math.roundeven %add3A_582 : vector<64x1xf32>
    %convert_element_type3A_584 = arith.fptosi %round3A_583 : vector<64x1xf32> to vector<64x1xi32>
    %mul3A_585 = arith.constant 64 : i32
    %mul3A_586 = arith.muli %arg0, %mul3A_585 : i32
    %add3A_587 = arith.constant 4 : i32
    %add3A_588 = arith.addi %mul3A_586, %add3A_587 : i32
    %mul3A_589 = arith.constant 1024 : i32
    %mul3A_590 = arith.muli %add3A_588, %mul3A_589 : i32
    %add3A_591 = vector.broadcast %mul3A_590 : i32 to vector<64x1xi32>
    %add3A_592 = arith.addi %convert_element_type3A_584, %add3A_591 : vector<64x1xi32>
    %swap3A_593 = arith.constant 0 : index
    %swap3A_594 = arith.constant 4 : index
    %swap3A_595 = vector.load %arg10[%swap3A_593, %swap3A_594] : memref<64x64xi32, #tpu.memory_space<vmem>>, vector<64x1xi32>
    tpu.vector_store %arg10[%swap3A_593, %swap3A_594], %add3A_592 {strides = array<i32>} : memref<64x64xi32, #tpu.memory_space<vmem>>, vector<64x1xi32>,
    %slice3A_596 = vector.extract_strided_slice %select_n3A_330 {offsets = [5, 0], sizes = [1, 1024], strides = [1, 1]} : vector<64x1024xi32> to vector<1x1024xi32>
    %slice3A_597 = vector.extract_strided_slice %select_n3A_381 {offsets = [0, 5], sizes = [64, 1], strides = [1, 1]} : vector<64x64xi32> to vector<64x1xi32>
    %eq3A_598 = vector.broadcast %slice3A_597 : vector<64x1xi32> to vector<64x1024xi32>
    %eq3A_599 = vector.broadcast %slice3A_596 : vector<1x1024xi32> to vector<64x1024xi32>
    %eq3A_600 = arith.cmpi eq, %eq3A_598, %eq3A_599 : vector<64x1024xi32>
    %jit3A_601 = arith.constant 1.000000e+00 : f32
    %jit3A_602 = arith.constant 0.000000e+00 : f32
    %broadcast_in_dim3A_603 = vector.broadcast %jit3A_601 : f32 to vector<64x1024xf32>
    %broadcast_in_dim3A_604 = vector.broadcast %jit3A_602 : f32 to vector<64x1024xf32>
    %select_n3A_605 = arith.select %eq3A_600, %broadcast_in_dim3A_603, %broadcast_in_dim3A_604 : vector<64x1024xi1>, vector<64x1024xf32>
    %convert_element_type3A_606 = arith.truncf %select_n3A_605 : vector<64x1024xf32> to vector<64x1024xbf16>
    %dot_general3A_607 = arith.constant dense<0.000000e+00> : vector<64x2xf32>
    %dot_general3A_608 = tpu.matmul %convert_element_type3A_606, %concatenate3A_435, %dot_general3A_607 {dimension_numbers = #tpu.dot_dimension_numbers<[1], [0], [0], [1], [0, 0, 1, 1], [], []>, transpose_lhs_hint = false} : vector<64x1024xbf16>, vector<1024x2xbf16>, vector<64x2xf32> -> vector<64x2xf32>
    %slice3A_609 = vector.extract_strided_slice %dot_general3A_608 {offsets = [0, 0], sizes = [64, 1], strides = [1, 1]} : vector<64x2xf32> to vector<64x1xf32>
    %mul3A_610 = arith.constant 3.200000e+01 : f32
    %mul3A_611 = vector.broadcast %mul3A_610 : f32 to vector<64x1xf32>
    %mul3A_612 = arith.mulf %mul3A_611, %slice3A_609 : vector<64x1xf32>
    %slice3A_613 = vector.extract_strided_slice %dot_general3A_608 {offsets = [0, 1], sizes = [64, 1], strides = [1, 1]} : vector<64x2xf32> to vector<64x1xf32>
    %add3A_614 = arith.addf %mul3A_612, %slice3A_613 : vector<64x1xf32>
    %round3A_615 = math.roundeven %add3A_614 : vector<64x1xf32>
    %convert_element_type3A_616 = arith.fptosi %round3A_615 : vector<64x1xf32> to vector<64x1xi32>
    %mul3A_617 = arith.constant 64 : i32
    %mul3A_618 = arith.muli %arg0, %mul3A_617 : i32
    %add3A_619 = arith.constant 5 : i32
    %add3A_620 = arith.addi %mul3A_618, %add3A_619 : i32
    %mul3A_621 = arith.constant 1024 : i32
    %mul3A_622 = arith.muli %add3A_620, %mul3A_621 : i32
    %add3A_623 = vector.broadcast %mul3A_622 : i32 to vector<64x1xi32>
    %add3A_624 = arith.addi %convert_element_type3A_616, %add3A_623 : vector<64x1xi32>
    %swap3A_625 = arith.constant 0 : index
    %swap3A_626 = arith.constant 5 : index
    %swap3A_627 = vector.load %arg10[%swap3A_625, %swap3A_626] : memref<64x64xi32, #tpu.memory_space<vmem>>, vector<64x1xi32>
    tpu.vector_store %arg10[%swap3A_625, %swap3A_626], %add3A_624 {strides = array<i32>} : memref<64x64xi32, #tpu.memory_space<vmem>>, vector<64x1xi32>,
    %slice3A_628 = vector.extract_strided_slice %select_n3A_330 {offsets = [6, 0], sizes = [1, 1024], strides = [1, 1]} : vector<64x1024xi32> to vector<1x1024xi32>
    %slice3A_629 = vector.extract_strided_slice %select_n3A_381 {offsets = [0, 6], sizes = [64, 1], strides = [1, 1]} : vector<64x64xi32> to vector<64x1xi32>
    %eq3A_630 = vector.broadcast %slice3A_629 : vector<64x1xi32> to vector<64x1024xi32>
    %eq3A_631 = vector.broadcast %slice3A_628 : vector<1x1024xi32> to vector<64x1024xi32>
    %eq3A_632 = arith.cmpi eq, %eq3A_630, %eq3A_631 : vector<64x1024xi32>
    %jit3A_633 = arith.constant 1.000000e+00 : f32
    %jit3A_634 = arith.constant 0.000000e+00 : f32
    %broadcast_in_dim3A_635 = vector.broadcast %jit3A_633 : f32 to vector<64x1024xf32>
    %broadcast_in_dim3A_636 = vector.broadcast %jit3A_634 : f32 to vector<64x1024xf32>
    %select_n3A_637 = arith.select %eq3A_632, %broadcast_in_dim3A_635, %broadcast_in_dim3A_636 : vector<64x1024xi1>, vector<64x1024xf32>
    %convert_element_type3A_638 = arith.truncf %select_n3A_637 : vector<64x1024xf32> to vector<64x1024xbf16>
    %dot_general3A_639 = arith.constant dense<0.000000e+00> : vector<64x2xf32>
    %dot_general3A_640 = tpu.matmul %convert_element_type3A_638, %concatenate3A_435, %dot_general3A_639 {dimension_numbers = #tpu.dot_dimension_numbers<[1], [0], [0], [1], [0, 0, 1, 1], [], []>, transpose_lhs_hint = false} : vector<64x1024xbf16>, vector<1024x2xbf16>, vector<64x2xf32> -> vector<64x2xf32>
    %slice3A_641 = vector.extract_strided_slice %dot_general3A_640 {offsets = [0, 0], sizes = [64, 1], strides = [1, 1]} : vector<64x2xf32> to vector<64x1xf32>
    %mul3A_642 = arith.constant 3.200000e+01 : f32
    %mul3A_643 = vector.broadcast %mul3A_642 : f32 to vector<64x1xf32>
    %mul3A_644 = arith.mulf %mul3A_643, %slice3A_641 : vector<64x1xf32>
    %slice3A_645 = vector.extract_strided_slice %dot_general3A_640 {offsets = [0, 1], sizes = [64, 1], strides = [1, 1]} : vector<64x2xf32> to vector<64x1xf32>
    %add3A_646 = arith.addf %mul3A_644, %slice3A_645 : vector<64x1xf32>
    %round3A_647 = math.roundeven %add3A_646 : vector<64x1xf32>
    %convert_element_type3A_648 = arith.fptosi %round3A_647 : vector<64x1xf32> to vector<64x1xi32>
    %mul3A_649 = arith.constant 64 : i32
    %mul3A_650 = arith.muli %arg0, %mul3A_649 : i32
    %add3A_651 = arith.constant 6 : i32
    %add3A_652 = arith.addi %mul3A_650, %add3A_651 : i32
    %mul3A_653 = arith.constant 1024 : i32
    %mul3A_654 = arith.muli %add3A_652, %mul3A_653 : i32
    %add3A_655 = vector.broadcast %mul3A_654 : i32 to vector<64x1xi32>
    %add3A_656 = arith.addi %convert_element_type3A_648, %add3A_655 : vector<64x1xi32>
    %swap3A_657 = arith.constant 0 : index
    %swap3A_658 = arith.constant 6 : index
    %swap3A_659 = vector.load %arg10[%swap3A_657, %swap3A_658] : memref<64x64xi32, #tpu.memory_space<vmem>>, vector<64x1xi32>
    tpu.vector_store %arg10[%swap3A_657, %swap3A_658], %add3A_656 {strides = array<i32>} : memref<64x64xi32, #tpu.memory_space<vmem>>, vector<64x1xi32>,
    %slice3A_660 = vector.extract_strided_slice %select_n3A_330 {offsets = [7, 0], sizes = [1, 1024], strides = [1, 1]} : vector<64x1024xi32> to vector<1x1024xi32>
    %slice3A_661 = vector.extract_strided_slice %select_n3A_381 {offsets = [0, 7], sizes = [64, 1], strides = [1, 1]} : vector<64x64xi32> to vector<64x1xi32>
    %eq3A_662 = vector.broadcast %slice3A_661 : vector<64x1xi32> to vector<64x1024xi32>
    %eq3A_663 = vector.broadcast %slice3A_660 : vector<1x1024xi32> to vector<64x1024xi32>
    %eq3A_664 = arith.cmpi eq, %eq3A_662, %eq3A_663 : vector<64x1024xi32>
    %jit3A_665 = arith.constant 1.000000e+00 : f32
    %jit3A_666 = arith.constant 0.000000e+00 : f32
    %broadcast_in_dim3A_667 = vector.broadcast %jit3A_665 : f32 to vector<64x1024xf32>
    %broadcast_in_dim3A_668 = vector.broadcast %jit3A_666 : f32 to vector<64x1024xf32>
    %select_n3A_669 = arith.select %eq3A_664, %broadcast_in_dim3A_667, %broadcast_in_dim3A_668 : vector<64x1024xi1>, vector<64x1024xf32>
    %convert_element_type3A_670 = arith.truncf %select_n3A_669 : vector<64x1024xf32> to vector<64x1024xbf16>
    %dot_general3A_671 = arith.constant dense<0.000000e+00> : vector<64x2xf32>
    %dot_general3A_672 = tpu.matmul %convert_element_type3A_670, %concatenate3A_435, %dot_general3A_671 {dimension_numbers = #tpu.dot_dimension_numbers<[1], [0], [0], [1], [0, 0, 1, 1], [], []>, transpose_lhs_hint = false} : vector<64x1024xbf16>, vector<1024x2xbf16>, vector<64x2xf32> -> vector<64x2xf32>
    %slice3A_673 = vector.extract_strided_slice %dot_general3A_672 {offsets = [0, 0], sizes = [64, 1], strides = [1, 1]} : vector<64x2xf32> to vector<64x1xf32>
    %mul3A_674 = arith.constant 3.200000e+01 : f32
    %mul3A_675 = vector.broadcast %mul3A_674 : f32 to vector<64x1xf32>
    %mul3A_676 = arith.mulf %mul3A_675, %slice3A_673 : vector<64x1xf32>
    %slice3A_677 = vector.extract_strided_slice %dot_general3A_672 {offsets = [0, 1], sizes = [64, 1], strides = [1, 1]} : vector<64x2xf32> to vector<64x1xf32>
    %add3A_678 = arith.addf %mul3A_676, %slice3A_677 : vector<64x1xf32>
    %round3A_679 = math.roundeven %add3A_678 : vector<64x1xf32>
    %convert_element_type3A_680 = arith.fptosi %round3A_679 : vector<64x1xf32> to vector<64x1xi32>
    %mul3A_681 = arith.constant 64 : i32
    %mul3A_682 = arith.muli %arg0, %mul3A_681 : i32
    %add3A_683 = arith.constant 7 : i32
    %add3A_684 = arith.addi %mul3A_682, %add3A_683 : i32
    %mul3A_685 = arith.constant 1024 : i32
    %mul3A_686 = arith.muli %add3A_684, %mul3A_685 : i32
    %add3A_687 = vector.broadcast %mul3A_686 : i32 to vector<64x1xi32>
    %add3A_688 = arith.addi %convert_element_type3A_680, %add3A_687 : vector<64x1xi32>
    %swap3A_689 = arith.constant 0 : index
    %swap3A_690 = arith.constant 7 : index
    %swap3A_691 = vector.load %arg10[%swap3A_689, %swap3A_690] : memref<64x64xi32, #tpu.memory_space<vmem>>, vector<64x1xi32>
    tpu.vector_store %arg10[%swap3A_689, %swap3A_690], %add3A_688 {strides = array<i32>} : memref<64x64xi32, #tpu.memory_space<vmem>>, vector<64x1xi32>,
    %slice3A_692 = vector.extract_strided_slice %select_n3A_330 {offsets = [8, 0], sizes = [1, 1024], strides = [1, 1]} : vector<64x1024xi32> to vector<1x1024xi32>
    %slice3A_693 = vector.extract_strided_slice %select_n3A_381 {offsets = [0, 8], sizes = [64, 1], strides = [1, 1]} : vector<64x64xi32> to vector<64x1xi32>
    %eq3A_694 = vector.broadcast %slice3A_693 : vector<64x1xi32> to vector<64x1024xi32>
    %eq3A_695 = vector.broadcast %slice3A_692 : vector<1x1024xi32> to vector<64x1024xi32>
    %eq3A_696 = arith.cmpi eq, %eq3A_694, %eq3A_695 : vector<64x1024xi32>
    %jit3A_697 = arith.constant 1.000000e+00 : f32
    %jit3A_698 = arith.constant 0.000000e+00 : f32
    %broadcast_in_dim3A_699 = vector.broadcast %jit3A_697 : f32 to vector<64x1024xf32>
    %broadcast_in_dim3A_700 = vector.broadcast %jit3A_698 : f32 to vector<64x1024xf32>
    %select_n3A_701 = arith.select %eq3A_696, %broadcast_in_dim3A_699, %broadcast_in_dim3A_700 : vector<64x1024xi1>, vector<64x1024xf32>
    %convert_element_type3A_702 = arith.truncf %select_n3A_701 : vector<64x1024xf32> to vector<64x1024xbf16>
    %dot_general3A_703 = arith.constant dense<0.000000e+00> : vector<64x2xf32>
    %dot_general3A_704 = tpu.matmul %convert_element_type3A_702, %concatenate3A_435, %dot_general3A_703 {dimension_numbers = #tpu.dot_dimension_numbers<[1], [0], [0], [1], [0, 0, 1, 1], [], []>, transpose_lhs_hint = false} : vector<64x1024xbf16>, vector<1024x2xbf16>, vector<64x2xf32> -> vector<64x2xf32>
    %slice3A_705 = vector.extract_strided_slice %dot_general3A_704 {offsets = [0, 0], sizes = [64, 1], strides = [1, 1]} : vector<64x2xf32> to vector<64x1xf32>
    %mul3A_706 = arith.constant 3.200000e+01 : f32
    %mul3A_707 = vector.broadcast %mul3A_706 : f32 to vector<64x1xf32>
    %mul3A_708 = arith.mulf %mul3A_707, %slice3A_705 : vector<64x1xf32>
    %slice3A_709 = vector.extract_strided_slice %dot_general3A_704 {offsets = [0, 1], sizes = [64, 1], strides = [1, 1]} : vector<64x2xf32> to vector<64x1xf32>
    %add3A_710 = arith.addf %mul3A_708, %slice3A_709 : vector<64x1xf32>
    %round3A_711 = math.roundeven %add3A_710 : vector<64x1xf32>
    %convert_element_type3A_712 = arith.fptosi %round3A_711 : vector<64x1xf32> to vector<64x1xi32>
    %mul3A_713 = arith.constant 64 : i32
    %mul3A_714 = arith.muli %arg0, %mul3A_713 : i32
    %add3A_715 = arith.constant 8 : i32
    %add3A_716 = arith.addi %mul3A_714, %add3A_715 : i32
    %mul3A_717 = arith.constant 1024 : i32
    %mul3A_718 = arith.muli %add3A_716, %mul3A_717 : i32
    %add3A_719 = vector.broadcast %mul3A_718 : i32 to vector<64x1xi32>
    %add3A_720 = arith.addi %convert_element_type3A_712, %add3A_719 : vector<64x1xi32>
    %swap3A_721 = arith.constant 0 : index
    %swap3A_722 = arith.constant 8 : index
    %swap3A_723 = vector.load %arg10[%swap3A_721, %swap3A_722] : memref<64x64xi32, #tpu.memory_space<vmem>>, vector<64x1xi32>
    tpu.vector_store %arg10[%swap3A_721, %swap3A_722], %add3A_720 {strides = array<i32>} : memref<64x64xi32, #tpu.memory_space<vmem>>, vector<64x1xi32>,
    %slice3A_724 = vector.extract_strided_slice %select_n3A_330 {offsets = [9, 0], sizes = [1, 1024], strides = [1, 1]} : vector<64x1024xi32> to vector<1x1024xi32>
    %slice3A_725 = vector.extract_strided_slice %select_n3A_381 {offsets = [0, 9], sizes = [64, 1], strides = [1, 1]} : vector<64x64xi32> to vector<64x1xi32>
    %eq3A_726 = vector.broadcast %slice3A_725 : vector<64x1xi32> to vector<64x1024xi32>
    %eq3A_727 = vector.broadcast %slice3A_724 : vector<1x1024xi32> to vector<64x1024xi32>
    %eq3A_728 = arith.cmpi eq, %eq3A_726, %eq3A_727 : vector<64x1024xi32>
    %jit3A_729 = arith.constant 1.000000e+00 : f32
    %jit3A_730 = arith.constant 0.000000e+00 : f32
    %broadcast_in_dim3A_731 = vector.broadcast %jit3A_729 : f32 to vector<64x1024xf32>
    %broadcast_in_dim3A_732 = vector.broadcast %jit3A_730 : f32 to vector<64x1024xf32>
    %select_n3A_733 = arith.select %eq3A_728, %broadcast_in_dim3A_731, %broadcast_in_dim3A_732 : vector<64x1024xi1>, vector<64x1024xf32>
    %convert_element_type3A_734 = arith.truncf %select_n3A_733 : vector<64x1024xf32> to vector<64x1024xbf16>
    %dot_general3A_735 = arith.constant dense<0.000000e+00> : vector<64x2xf32>
    %dot_general3A_736 = tpu.matmul %convert_element_type3A_734, %concatenate3A_435, %dot_general3A_735 {dimension_numbers = #tpu.dot_dimension_numbers<[1], [0], [0], [1], [0, 0, 1, 1], [], []>, transpose_lhs_hint = false} : vector<64x1024xbf16>, vector<1024x2xbf16>, vector<64x2xf32> -> vector<64x2xf32>
    %slice3A_737 = vector.extract_strided_slice %dot_general3A_736 {offsets = [0, 0], sizes = [64, 1], strides = [1, 1]} : vector<64x2xf32> to vector<64x1xf32>
    %mul3A_738 = arith.constant 3.200000e+01 : f32
    %mul3A_739 = vector.broadcast %mul3A_738 : f32 to vector<64x1xf32>
    %mul3A_740 = arith.mulf %mul3A_739, %slice3A_737 : vector<64x1xf32>
    %slice3A_741 = vector.extract_strided_slice %dot_general3A_736 {offsets = [0, 1], sizes = [64, 1], strides = [1, 1]} : vector<64x2xf32> to vector<64x1xf32>
    %add3A_742 = arith.addf %mul3A_740, %slice3A_741 : vector<64x1xf32>
    %round3A_743 = math.roundeven %add3A_742 : vector<64x1xf32>
    %convert_element_type3A_744 = arith.fptosi %round3A_743 : vector<64x1xf32> to vector<64x1xi32>
    %mul3A_745 = arith.constant 64 : i32
    %mul3A_746 = arith.muli %arg0, %mul3A_745 : i32
    %add3A_747 = arith.constant 9 : i32
    %add3A_748 = arith.addi %mul3A_746, %add3A_747 : i32
    %mul3A_749 = arith.constant 1024 : i32
    %mul3A_750 = arith.muli %add3A_748, %mul3A_749 : i32
    %add3A_751 = vector.broadcast %mul3A_750 : i32 to vector<64x1xi32>
    %add3A_752 = arith.addi %convert_element_type3A_744, %add3A_751 : vector<64x1xi32>
    %swap3A_753 = arith.constant 0 : index
    %swap3A_754 = arith.constant 9 : index
    %swap3A_755 = vector.load %arg10[%swap3A_753, %swap3A_754] : memref<64x64xi32, #tpu.memory_space<vmem>>, vector<64x1xi32>
    tpu.vector_store %arg10[%swap3A_753, %swap3A_754], %add3A_752 {strides = array<i32>} : memref<64x64xi32, #tpu.memory_space<vmem>>, vector<64x1xi32>,
    %slice3A_756 = vector.extract_strided_slice %select_n3A_330 {offsets = [10, 0], sizes = [1, 1024], strides = [1, 1]} : vector<64x1024xi32> to vector<1x1024xi32>
    %slice3A_757 = vector.extract_strided_slice %select_n3A_381 {offsets = [0, 10], sizes = [64, 1], strides = [1, 1]} : vector<64x64xi32> to vector<64x1xi32>
    %eq3A_758 = vector.broadcast %slice3A_757 : vector<64x1xi32> to vector<64x1024xi32>
    %eq3A_759 = vector.broadcast %slice3A_756 : vector<1x1024xi32> to vector<64x1024xi32>
    %eq3A_760 = arith.cmpi eq, %eq3A_758, %eq3A_759 : vector<64x1024xi32>
    %jit3A_761 = arith.constant 1.000000e+00 : f32
    %jit3A_762 = arith.constant 0.000000e+00 : f32
    %broadcast_in_dim3A_763 = vector.broadcast %jit3A_761 : f32 to vector<64x1024xf32>
    %broadcast_in_dim3A_764 = vector.broadcast %jit3A_762 : f32 to vector<64x1024xf32>
    %select_n3A_765 = arith.select %eq3A_760, %broadcast_in_dim3A_763, %broadcast_in_dim3A_764 : vector<64x1024xi1>, vector<64x1024xf32>
    %convert_element_type3A_766 = arith.truncf %select_n3A_765 : vector<64x1024xf32> to vector<64x1024xbf16>
    %dot_general3A_767 = arith.constant dense<0.000000e+00> : vector<64x2xf32>
    %dot_general3A_768 = tpu.matmul %convert_element_type3A_766, %concatenate3A_435, %dot_general3A_767 {dimension_numbers = #tpu.dot_dimension_numbers<[1], [0], [0], [1], [0, 0, 1, 1], [], []>, transpose_lhs_hint = false} : vector<64x1024xbf16>, vector<1024x2xbf16>, vector<64x2xf32> -> vector<64x2xf32>
    %slice3A_769 = vector.extract_strided_slice %dot_general3A_768 {offsets = [0, 0], sizes = [64, 1], strides = [1, 1]} : vector<64x2xf32> to vector<64x1xf32>
    %mul3A_770 = arith.constant 3.200000e+01 : f32
    %mul3A_771 = vector.broadcast %mul3A_770 : f32 to vector<64x1xf32>
    %mul3A_772 = arith.mulf %mul3A_771, %slice3A_769 : vector<64x1xf32>
    %slice3A_773 = vector.extract_strided_slice %dot_general3A_768 {offsets = [0, 1], sizes = [64, 1], strides = [1, 1]} : vector<64x2xf32> to vector<64x1xf32>
    %add3A_774 = arith.addf %mul3A_772, %slice3A_773 : vector<64x1xf32>
    %round3A_775 = math.roundeven %add3A_774 : vector<64x1xf32>
    %convert_element_type3A_776 = arith.fptosi %round3A_775 : vector<64x1xf32> to vector<64x1xi32>
    %mul3A_777 = arith.constant 64 : i32
    %mul3A_778 = arith.muli %arg0, %mul3A_777 : i32
    %add3A_779 = arith.constant 10 : i32
    %add3A_780 = arith.addi %mul3A_778, %add3A_779 : i32
    %mul3A_781 = arith.constant 1024 : i32
    %mul3A_782 = arith.muli %add3A_780, %mul3A_781 : i32
    %add3A_783 = vector.broadcast %mul3A_782 : i32 to vector<64x1xi32>
    %add3A_784 = arith.addi %convert_element_type3A_776, %add3A_783 : vector<64x1xi32>
    %swap3A_785 = arith.constant 0 : index
    %swap3A_786 = arith.constant 10 : index
    %swap3A_787 = vector.load %arg10[%swap3A_785, %swap3A_786] : memref<64x64xi32, #tpu.memory_space<vmem>>, vector<64x1xi32>
    tpu.vector_store %arg10[%swap3A_785, %swap3A_786], %add3A_784 {strides = array<i32>} : memref<64x64xi32, #tpu.memory_space<vmem>>, vector<64x1xi32>,
    %slice3A_788 = vector.extract_strided_slice %select_n3A_330 {offsets = [11, 0], sizes = [1, 1024], strides = [1, 1]} : vector<64x1024xi32> to vector<1x1024xi32>
    %slice3A_789 = vector.extract_strided_slice %select_n3A_381 {offsets = [0, 11], sizes = [64, 1], strides = [1, 1]} : vector<64x64xi32> to vector<64x1xi32>
    %eq3A_790 = vector.broadcast %slice3A_789 : vector<64x1xi32> to vector<64x1024xi32>
    %eq3A_791 = vector.broadcast %slice3A_788 : vector<1x1024xi32> to vector<64x1024xi32>
    %eq3A_792 = arith.cmpi eq, %eq3A_790, %eq3A_791 : vector<64x1024xi32>
    %jit3A_793 = arith.constant 1.000000e+00 : f32
    %jit3A_794 = arith.constant 0.000000e+00 : f32
    %broadcast_in_dim3A_795 = vector.broadcast %jit3A_793 : f32 to vector<64x1024xf32>
    %broadcast_in_dim3A_796 = vector.broadcast %jit3A_794 : f32 to vector<64x1024xf32>
    %select_n3A_797 = arith.select %eq3A_792, %broadcast_in_dim3A_795, %broadcast_in_dim3A_796 : vector<64x1024xi1>, vector<64x1024xf32>
    %convert_element_type3A_798 = arith.truncf %select_n3A_797 : vector<64x1024xf32> to vector<64x1024xbf16>
    %dot_general3A_799 = arith.constant dense<0.000000e+00> : vector<64x2xf32>
    %dot_general3A_800 = tpu.matmul %convert_element_type3A_798, %concatenate3A_435, %dot_general3A_799 {dimension_numbers = #tpu.dot_dimension_numbers<[1], [0], [0], [1], [0, 0, 1, 1], [], []>, transpose_lhs_hint = false} : vector<64x1024xbf16>, vector<1024x2xbf16>, vector<64x2xf32> -> vector<64x2xf32>
    %slice3A_801 = vector.extract_strided_slice %dot_general3A_800 {offsets = [0, 0], sizes = [64, 1], strides = [1, 1]} : vector<64x2xf32> to vector<64x1xf32>
    %mul3A_802 = arith.constant 3.200000e+01 : f32
    %mul3A_803 = vector.broadcast %mul3A_802 : f32 to vector<64x1xf32>
    %mul3A_804 = arith.mulf %mul3A_803, %slice3A_801 : vector<64x1xf32>
    %slice3A_805 = vector.extract_strided_slice %dot_general3A_800 {offsets = [0, 1], sizes = [64, 1], strides = [1, 1]} : vector<64x2xf32> to vector<64x1xf32>
    %add3A_806 = arith.addf %mul3A_804, %slice3A_805 : vector<64x1xf32>
    %round3A_807 = math.roundeven %add3A_806 : vector<64x1xf32>
    %convert_element_type3A_808 = arith.fptosi %round3A_807 : vector<64x1xf32> to vector<64x1xi32>
    %mul3A_809 = arith.constant 64 : i32
    %mul3A_810 = arith.muli %arg0, %mul3A_809 : i32
    %add3A_811 = arith.constant 11 : i32
    %add3A_812 = arith.addi %mul3A_810, %add3A_811 : i32
    %mul3A_813 = arith.constant 1024 : i32
    %mul3A_814 = arith.muli %add3A_812, %mul3A_813 : i32
    %add3A_815 = vector.broadcast %mul3A_814 : i32 to vector<64x1xi32>
    %add3A_816 = arith.addi %convert_element_type3A_808, %add3A_815 : vector<64x1xi32>
    %swap3A_817 = arith.constant 0 : index
    %swap3A_818 = arith.constant 11 : index
    %swap3A_819 = vector.load %arg10[%swap3A_817, %swap3A_818] : memref<64x64xi32, #tpu.memory_space<vmem>>, vector<64x1xi32>
    tpu.vector_store %arg10[%swap3A_817, %swap3A_818], %add3A_816 {strides = array<i32>} : memref<64x64xi32, #tpu.memory_space<vmem>>, vector<64x1xi32>,
    %slice3A_820 = vector.extract_strided_slice %select_n3A_330 {offsets = [12, 0], sizes = [1, 1024], strides = [1, 1]} : vector<64x1024xi32> to vector<1x1024xi32>
    %slice3A_821 = vector.extract_strided_slice %select_n3A_381 {offsets = [0, 12], sizes = [64, 1], strides = [1, 1]} : vector<64x64xi32> to vector<64x1xi32>
    %eq3A_822 = vector.broadcast %slice3A_821 : vector<64x1xi32> to vector<64x1024xi32>
    %eq3A_823 = vector.broadcast %slice3A_820 : vector<1x1024xi32> to vector<64x1024xi32>
    %eq3A_824 = arith.cmpi eq, %eq3A_822, %eq3A_823 : vector<64x1024xi32>
    %jit3A_825 = arith.constant 1.000000e+00 : f32
    %jit3A_826 = arith.constant 0.000000e+00 : f32
    %broadcast_in_dim3A_827 = vector.broadcast %jit3A_825 : f32 to vector<64x1024xf32>
    %broadcast_in_dim3A_828 = vector.broadcast %jit3A_826 : f32 to vector<64x1024xf32>
    %select_n3A_829 = arith.select %eq3A_824, %broadcast_in_dim3A_827, %broadcast_in_dim3A_828 : vector<64x1024xi1>, vector<64x1024xf32>
    %convert_element_type3A_830 = arith.truncf %select_n3A_829 : vector<64x1024xf32> to vector<64x1024xbf16>
    %dot_general3A_831 = arith.constant dense<0.000000e+00> : vector<64x2xf32>
    %dot_general3A_832 = tpu.matmul %convert_element_type3A_830, %concatenate3A_435, %dot_general3A_831 {dimension_numbers = #tpu.dot_dimension_numbers<[1], [0], [0], [1], [0, 0, 1, 1], [], []>, transpose_lhs_hint = false} : vector<64x1024xbf16>, vector<1024x2xbf16>, vector<64x2xf32> -> vector<64x2xf32>
    %slice3A_833 = vector.extract_strided_slice %dot_general3A_832 {offsets = [0, 0], sizes = [64, 1], strides = [1, 1]} : vector<64x2xf32> to vector<64x1xf32>
    %mul3A_834 = arith.constant 3.200000e+01 : f32
    %mul3A_835 = vector.broadcast %mul3A_834 : f32 to vector<64x1xf32>
    %mul3A_836 = arith.mulf %mul3A_835, %slice3A_833 : vector<64x1xf32>
    %slice3A_837 = vector.extract_strided_slice %dot_general3A_832 {offsets = [0, 1], sizes = [64, 1], strides = [1, 1]} : vector<64x2xf32> to vector<64x1xf32>
    %add3A_838 = arith.addf %mul3A_836, %slice3A_837 : vector<64x1xf32>
    %round3A_839 = math.roundeven %add3A_838 : vector<64x1xf32>
    %convert_element_type3A_840 = arith.fptosi %round3A_839 : vector<64x1xf32> to vector<64x1xi32>
    %mul3A_841 = arith.constant 64 : i32
    %mul3A_842 = arith.muli %arg0, %mul3A_841 : i32
    %add3A_843 = arith.constant 12 : i32
    %add3A_844 = arith.addi %mul3A_842, %add3A_843 : i32
    %mul3A_845 = arith.constant 1024 : i32
    %mul3A_846 = arith.muli %add3A_844, %mul3A_845 : i32
    %add3A_847 = vector.broadcast %mul3A_846 : i32 to vector<64x1xi32>
    %add3A_848 = arith.addi %convert_element_type3A_840, %add3A_847 : vector<64x1xi32>
    %swap3A_849 = arith.constant 0 : index
    %swap3A_850 = arith.constant 12 : index
    %swap3A_851 = vector.load %arg10[%swap3A_849, %swap3A_850] : memref<64x64xi32, #tpu.memory_space<vmem>>, vector<64x1xi32>
    tpu.vector_store %arg10[%swap3A_849, %swap3A_850], %add3A_848 {strides = array<i32>} : memref<64x64xi32, #tpu.memory_space<vmem>>, vector<64x1xi32>,
    %slice3A_852 = vector.extract_strided_slice %select_n3A_330 {offsets = [13, 0], sizes = [1, 1024], strides = [1, 1]} : vector<64x1024xi32> to vector<1x1024xi32>
    %slice3A_853 = vector.extract_strided_slice %select_n3A_381 {offsets = [0, 13], sizes = [64, 1], strides = [1, 1]} : vector<64x64xi32> to vector<64x1xi32>
    %eq3A_854 = vector.broadcast %slice3A_853 : vector<64x1xi32> to vector<64x1024xi32>
    %eq3A_855 = vector.broadcast %slice3A_852 : vector<1x1024xi32> to vector<64x1024xi32>
    %eq3A_856 = arith.cmpi eq, %eq3A_854, %eq3A_855 : vector<64x1024xi32>
    %jit3A_857 = arith.constant 1.000000e+00 : f32
    %jit3A_858 = arith.constant 0.000000e+00 : f32
    %broadcast_in_dim3A_859 = vector.broadcast %jit3A_857 : f32 to vector<64x1024xf32>
    %broadcast_in_dim3A_860 = vector.broadcast %jit3A_858 : f32 to vector<64x1024xf32>
    %select_n3A_861 = arith.select %eq3A_856, %broadcast_in_dim3A_859, %broadcast_in_dim3A_860 : vector<64x1024xi1>, vector<64x1024xf32>
    %convert_element_type3A_862 = arith.truncf %select_n3A_861 : vector<64x1024xf32> to vector<64x1024xbf16>
    %dot_general3A_863 = arith.constant dense<0.000000e+00> : vector<64x2xf32>
    %dot_general3A_864 = tpu.matmul %convert_element_type3A_862, %concatenate3A_435, %dot_general3A_863 {dimension_numbers = #tpu.dot_dimension_numbers<[1], [0], [0], [1], [0, 0, 1, 1], [], []>, transpose_lhs_hint = false} : vector<64x1024xbf16>, vector<1024x2xbf16>, vector<64x2xf32> -> vector<64x2xf32>
    %slice3A_865 = vector.extract_strided_slice %dot_general3A_864 {offsets = [0, 0], sizes = [64, 1], strides = [1, 1]} : vector<64x2xf32> to vector<64x1xf32>
    %mul3A_866 = arith.constant 3.200000e+01 : f32
    %mul3A_867 = vector.broadcast %mul3A_866 : f32 to vector<64x1xf32>
    %mul3A_868 = arith.mulf %mul3A_867, %slice3A_865 : vector<64x1xf32>
    %slice3A_869 = vector.extract_strided_slice %dot_general3A_864 {offsets = [0, 1], sizes = [64, 1], strides = [1, 1]} : vector<64x2xf32> to vector<64x1xf32>
    %add3A_870 = arith.addf %mul3A_868, %slice3A_869 : vector<64x1xf32>
    %round3A_871 = math.roundeven %add3A_870 : vector<64x1xf32>
    %convert_element_type3A_872 = arith.fptosi %round3A_871 : vector<64x1xf32> to vector<64x1xi32>
    %mul3A_873 = arith.constant 64 : i32
    %mul3A_874 = arith.muli %arg0, %mul3A_873 : i32
    %add3A_875 = arith.constant 13 : i32
    %add3A_876 = arith.addi %mul3A_874, %add3A_875 : i32
    %mul3A_877 = arith.constant 1024 : i32
    %mul3A_878 = arith.muli %add3A_876, %mul3A_877 : i32
    %add3A_879 = vector.broadcast %mul3A_878 : i32 to vector<64x1xi32>
    %add3A_880 = arith.addi %convert_element_type3A_872, %add3A_879 : vector<64x1xi32>
    %swap3A_881 = arith.constant 0 : index
    %swap3A_882 = arith.constant 13 : index
    %swap3A_883 = vector.load %arg10[%swap3A_881, %swap3A_882] : memref<64x64xi32, #tpu.memory_space<vmem>>, vector<64x1xi32>
    tpu.vector_store %arg10[%swap3A_881, %swap3A_882], %add3A_880 {strides = array<i32>} : memref<64x64xi32, #tpu.memory_space<vmem>>, vector<64x1xi32>,
    %slice3A_884 = vector.extract_strided_slice %select_n3A_330 {offsets = [14, 0], sizes = [1, 1024], strides = [1, 1]} : vector<64x1024xi32> to vector<1x1024xi32>
    %slice3A_885 = vector.extract_strided_slice %select_n3A_381 {offsets = [0, 14], sizes = [64, 1], strides = [1, 1]} : vector<64x64xi32> to vector<64x1xi32>
    %eq3A_886 = vector.broadcast %slice3A_885 : vector<64x1xi32> to vector<64x1024xi32>
    %eq3A_887 = vector.broadcast %slice3A_884 : vector<1x1024xi32> to vector<64x1024xi32>
    %eq3A_888 = arith.cmpi eq, %eq3A_886, %eq3A_887 : vector<64x1024xi32>
    %jit3A_889 = arith.constant 1.000000e+00 : f32
    %jit3A_890 = arith.constant 0.000000e+00 : f32
    %broadcast_in_dim3A_891 = vector.broadcast %jit3A_889 : f32 to vector<64x1024xf32>
    %broadcast_in_dim3A_892 = vector.broadcast %jit3A_890 : f32 to vector<64x1024xf32>
    %select_n3A_893 = arith.select %eq3A_888, %broadcast_in_dim3A_891, %broadcast_in_dim3A_892 : vector<64x1024xi1>, vector<64x1024xf32>
    %convert_element_type3A_894 = arith.truncf %select_n3A_893 : vector<64x1024xf32> to vector<64x1024xbf16>
    %dot_general3A_895 = arith.constant dense<0.000000e+00> : vector<64x2xf32>
    %dot_general3A_896 = tpu.matmul %convert_element_type3A_894, %concatenate3A_435, %dot_general3A_895 {dimension_numbers = #tpu.dot_dimension_numbers<[1], [0], [0], [1], [0, 0, 1, 1], [], []>, transpose_lhs_hint = false} : vector<64x1024xbf16>, vector<1024x2xbf16>, vector<64x2xf32> -> vector<64x2xf32>
    %slice3A_897 = vector.extract_strided_slice %dot_general3A_896 {offsets = [0, 0], sizes = [64, 1], strides = [1, 1]} : vector<64x2xf32> to vector<64x1xf32>
    %mul3A_898 = arith.constant 3.200000e+01 : f32
    %mul3A_899 = vector.broadcast %mul3A_898 : f32 to vector<64x1xf32>
    %mul3A_900 = arith.mulf %mul3A_899, %slice3A_897 : vector<64x1xf32>
    %slice3A_901 = vector.extract_strided_slice %dot_general3A_896 {offsets = [0, 1], sizes = [64, 1], strides = [1, 1]} : vector<64x2xf32> to vector<64x1xf32>
    %add3A_902 = arith.addf %mul3A_900, %slice3A_901 : vector<64x1xf32>
    %round3A_903 = math.roundeven %add3A_902 : vector<64x1xf32>
    %convert_element_type3A_904 = arith.fptosi %round3A_903 : vector<64x1xf32> to vector<64x1xi32>
    %mul3A_905 = arith.constant 64 : i32
    %mul3A_906 = arith.muli %arg0, %mul3A_905 : i32
    %add3A_907 = arith.constant 14 : i32
    %add3A_908 = arith.addi %mul3A_906, %add3A_907 : i32
    %mul3A_909 = arith.constant 1024 : i32
    %mul3A_910 = arith.muli %add3A_908, %mul3A_909 : i32
    %add3A_911 = vector.broadcast %mul3A_910 : i32 to vector<64x1xi32>
    %add3A_912 = arith.addi %convert_element_type3A_904, %add3A_911 : vector<64x1xi32>
    %swap3A_913 = arith.constant 0 : index
    %swap3A_914 = arith.constant 14 : index
    %swap3A_915 = vector.load %arg10[%swap3A_913, %swap3A_914] : memref<64x64xi32, #tpu.memory_space<vmem>>, vector<64x1xi32>
    tpu.vector_store %arg10[%swap3A_913, %swap3A_914], %add3A_912 {strides = array<i32>} : memref<64x64xi32, #tpu.memory_space<vmem>>, vector<64x1xi32>,
    %slice3A_916 = vector.extract_strided_slice %select_n3A_330 {offsets = [15, 0], sizes = [1, 1024], strides = [1, 1]} : vector<64x1024xi32> to vector<1x1024xi32>
    %slice3A_917 = vector.extract_strided_slice %select_n3A_381 {offsets = [0, 15], sizes = [64, 1], strides = [1, 1]} : vector<64x64xi32> to vector<64x1xi32>
    %eq3A_918 = vector.broadcast %slice3A_917 : vector<64x1xi32> to vector<64x1024xi32>
    %eq3A_919 = vector.broadcast %slice3A_916 : vector<1x1024xi32> to vector<64x1024xi32>
    %eq3A_920 = arith.cmpi eq, %eq3A_918, %eq3A_919 : vector<64x1024xi32>
    %jit3A_921 = arith.constant 1.000000e+00 : f32
    %jit3A_922 = arith.constant 0.000000e+00 : f32
    %broadcast_in_dim3A_923 = vector.broadcast %jit3A_921 : f32 to vector<64x1024xf32>
    %broadcast_in_dim3A_924 = vector.broadcast %jit3A_922 : f32 to vector<64x1024xf32>
    %select_n3A_925 = arith.select %eq3A_920, %broadcast_in_dim3A_923, %broadcast_in_dim3A_924 : vector<64x1024xi1>, vector<64x1024xf32>
    %convert_element_type3A_926 = arith.truncf %select_n3A_925 : vector<64x1024xf32> to vector<64x1024xbf16>
    %dot_general3A_927 = arith.constant dense<0.000000e+00> : vector<64x2xf32>
    %dot_general3A_928 = tpu.matmul %convert_element_type3A_926, %concatenate3A_435, %dot_general3A_927 {dimension_numbers = #tpu.dot_dimension_numbers<[1], [0], [0], [1], [0, 0, 1, 1], [], []>, transpose_lhs_hint = false} : vector<64x1024xbf16>, vector<1024x2xbf16>, vector<64x2xf32> -> vector<64x2xf32>
    %slice3A_929 = vector.extract_strided_slice %dot_general3A_928 {offsets = [0, 0], sizes = [64, 1], strides = [1, 1]} : vector<64x2xf32> to vector<64x1xf32>
    %mul3A_930 = arith.constant 3.200000e+01 : f32
    %mul3A_931 = vector.broadcast %mul3A_930 : f32 to vector<64x1xf32>
    %mul3A_932 = arith.mulf %mul3A_931, %slice3A_929 : vector<64x1xf32>
    %slice3A_933 = vector.extract_strided_slice %dot_general3A_928 {offsets = [0, 1], sizes = [64, 1], strides = [1, 1]} : vector<64x2xf32> to vector<64x1xf32>
    %add3A_934 = arith.addf %mul3A_932, %slice3A_933 : vector<64x1xf32>
    %round3A_935 = math.roundeven %add3A_934 : vector<64x1xf32>
    %convert_element_type3A_936 = arith.fptosi %round3A_935 : vector<64x1xf32> to vector<64x1xi32>
    %mul3A_937 = arith.constant 64 : i32
    %mul3A_938 = arith.muli %arg0, %mul3A_937 : i32
    %add3A_939 = arith.constant 15 : i32
    %add3A_940 = arith.addi %mul3A_938, %add3A_939 : i32
    %mul3A_941 = arith.constant 1024 : i32
    %mul3A_942 = arith.muli %add3A_940, %mul3A_941 : i32
    %add3A_943 = vector.broadcast %mul3A_942 : i32 to vector<64x1xi32>
    %add3A_944 = arith.addi %convert_element_type3A_936, %add3A_943 : vector<64x1xi32>
    %swap3A_945 = arith.constant 0 : index
    %swap3A_946 = arith.constant 15 : index
    %swap3A_947 = vector.load %arg10[%swap3A_945, %swap3A_946] : memref<64x64xi32, #tpu.memory_space<vmem>>, vector<64x1xi32>
    tpu.vector_store %arg10[%swap3A_945, %swap3A_946], %add3A_944 {strides = array<i32>} : memref<64x64xi32, #tpu.memory_space<vmem>>, vector<64x1xi32>,
    %slice3A_948 = vector.extract_strided_slice %select_n3A_330 {offsets = [16, 0], sizes = [1, 1024], strides = [1, 1]} : vector<64x1024xi32> to vector<1x1024xi32>
    %slice3A_949 = vector.extract_strided_slice %select_n3A_381 {offsets = [0, 16], sizes = [64, 1], strides = [1, 1]} : vector<64x64xi32> to vector<64x1xi32>
    %eq3A_950 = vector.broadcast %slice3A_949 : vector<64x1xi32> to vector<64x1024xi32>
    %eq3A_951 = vector.broadcast %slice3A_948 : vector<1x1024xi32> to vector<64x1024xi32>
    %eq3A_952 = arith.cmpi eq, %eq3A_950, %eq3A_951 : vector<64x1024xi32>
    %jit3A_953 = arith.constant 1.000000e+00 : f32
    %jit3A_954 = arith.constant 0.000000e+00 : f32
    %broadcast_in_dim3A_955 = vector.broadcast %jit3A_953 : f32 to vector<64x1024xf32>
    %broadcast_in_dim3A_956 = vector.broadcast %jit3A_954 : f32 to vector<64x1024xf32>
    %select_n3A_957 = arith.select %eq3A_952, %broadcast_in_dim3A_955, %broadcast_in_dim3A_956 : vector<64x1024xi1>, vector<64x1024xf32>
    %convert_element_type3A_958 = arith.truncf %select_n3A_957 : vector<64x1024xf32> to vector<64x1024xbf16>
    %dot_general3A_959 = arith.constant dense<0.000000e+00> : vector<64x2xf32>
    %dot_general3A_960 = tpu.matmul %convert_element_type3A_958, %concatenate3A_435, %dot_general3A_959 {dimension_numbers = #tpu.dot_dimension_numbers<[1], [0], [0], [1], [0, 0, 1, 1], [], []>, transpose_lhs_hint = false} : vector<64x1024xbf16>, vector<1024x2xbf16>, vector<64x2xf32> -> vector<64x2xf32>
    %slice3A_961 = vector.extract_strided_slice %dot_general3A_960 {offsets = [0, 0], sizes = [64, 1], strides = [1, 1]} : vector<64x2xf32> to vector<64x1xf32>
    %mul3A_962 = arith.constant 3.200000e+01 : f32
    %mul3A_963 = vector.broadcast %mul3A_962 : f32 to vector<64x1xf32>
    %mul3A_964 = arith.mulf %mul3A_963, %slice3A_961 : vector<64x1xf32>
    %slice3A_965 = vector.extract_strided_slice %dot_general3A_960 {offsets = [0, 1], sizes = [64, 1], strides = [1, 1]} : vector<64x2xf32> to vector<64x1xf32>
    %add3A_966 = arith.addf %mul3A_964, %slice3A_965 : vector<64x1xf32>
    %round3A_967 = math.roundeven %add3A_966 : vector<64x1xf32>
    %convert_element_type3A_968 = arith.fptosi %round3A_967 : vector<64x1xf32> to vector<64x1xi32>
    %mul3A_969 = arith.constant 64 : i32
    %mul3A_970 = arith.muli %arg0, %mul3A_969 : i32
    %add3A_971 = arith.constant 16 : i32
    %add3A_972 = arith.addi %mul3A_970, %add3A_971 : i32
    %mul3A_973 = arith.constant 1024 : i32
    %mul3A_974 = arith.muli %add3A_972, %mul3A_973 : i32
    %add3A_975 = vector.broadcast %mul3A_974 : i32 to vector<64x1xi32>
    %add3A_976 = arith.addi %convert_element_type3A_968, %add3A_975 : vector<64x1xi32>
    %swap3A_977 = arith.constant 0 : index
    %swap3A_978 = arith.constant 16 : index
    %swap3A_979 = vector.load %arg10[%swap3A_977, %swap3A_978] : memref<64x64xi32, #tpu.memory_space<vmem>>, vector<64x1xi32>
    tpu.vector_store %arg10[%swap3A_977, %swap3A_978], %add3A_976 {strides = array<i32>} : memref<64x64xi32, #tpu.memory_space<vmem>>, vector<64x1xi32>,
    %slice3A_980 = vector.extract_strided_slice %select_n3A_330 {offsets = [17, 0], sizes = [1, 1024], strides = [1, 1]} : vector<64x1024xi32> to vector<1x1024xi32>
    %slice3A_981 = vector.extract_strided_slice %select_n3A_381 {offsets = [0, 17], sizes = [64, 1], strides = [1, 1]} : vector<64x64xi32> to vector<64x1xi32>
    %eq3A_982 = vector.broadcast %slice3A_981 : vector<64x1xi32> to vector<64x1024xi32>
    %eq3A_983 = vector.broadcast %slice3A_980 : vector<1x1024xi32> to vector<64x1024xi32>
    %eq3A_984 = arith.cmpi eq, %eq3A_982, %eq3A_983 : vector<64x1024xi32>
    %jit3A_985 = arith.constant 1.000000e+00 : f32
    %jit3A_986 = arith.constant 0.000000e+00 : f32
    %broadcast_in_dim3A_987 = vector.broadcast %jit3A_985 : f32 to vector<64x1024xf32>
    %broadcast_in_dim3A_988 = vector.broadcast %jit3A_986 : f32 to vector<64x1024xf32>
    %select_n3A_989 = arith.select %eq3A_984, %broadcast_in_dim3A_987, %broadcast_in_dim3A_988 : vector<64x1024xi1>, vector<64x1024xf32>
    %convert_element_type3A_990 = arith.truncf %select_n3A_989 : vector<64x1024xf32> to vector<64x1024xbf16>
    %dot_general3A_991 = arith.constant dense<0.000000e+00> : vector<64x2xf32>
    %dot_general3A_992 = tpu.matmul %convert_element_type3A_990, %concatenate3A_435, %dot_general3A_991 {dimension_numbers = #tpu.dot_dimension_numbers<[1], [0], [0], [1], [0, 0, 1, 1], [], []>, transpose_lhs_hint = false} : vector<64x1024xbf16>, vector<1024x2xbf16>, vector<64x2xf32> -> vector<64x2xf32>
    %slice3A_993 = vector.extract_strided_slice %dot_general3A_992 {offsets = [0, 0], sizes = [64, 1], strides = [1, 1]} : vector<64x2xf32> to vector<64x1xf32>
    %mul3A_994 = arith.constant 3.200000e+01 : f32
    %mul3A_995 = vector.broadcast %mul3A_994 : f32 to vector<64x1xf32>
    %mul3A_996 = arith.mulf %mul3A_995, %slice3A_993 : vector<64x1xf32>
    %slice3A_997 = vector.extract_strided_slice %dot_general3A_992 {offsets = [0, 1], sizes = [64, 1], strides = [1, 1]} : vector<64x2xf32> to vector<64x1xf32>
    %add3A_998 = arith.addf %mul3A_996, %slice3A_997 : vector<64x1xf32>
    %round3A_999 = math.roundeven %add3A_998 : vector<64x1xf32>
    %convert_element_type3A_1000 = arith.fptosi %round3A_999 : vector<64x1xf32> to vector<64x1xi32>
    %mul3A_1001 = arith.constant 64 : i32
    %mul3A_1002 = arith.muli %arg0, %mul3A_1001 : i32
    %add3A_1003 = arith.constant 17 : i32
    %add3A_1004 = arith.addi %mul3A_1002, %add3A_1003 : i32
    %mul3A_1005 = arith.constant 1024 : i32
    %mul3A_1006 = arith.muli %add3A_1004, %mul3A_1005 : i32
    %add3A_1007 = vector.broadcast %mul3A_1006 : i32 to vector<64x1xi32>
    %add3A_1008 = arith.addi %convert_element_type3A_1000, %add3A_1007 : vector<64x1xi32>
    %swap3A_1009 = arith.constant 0 : index
    %swap3A_1010 = arith.constant 17 : index
    %swap3A_1011 = vector.load %arg10[%swap3A_1009, %swap3A_1010] : memref<64x64xi32, #tpu.memory_space<vmem>>, vector<64x1xi32>
    tpu.vector_store %arg10[%swap3A_1009, %swap3A_1010], %add3A_1008 {strides = array<i32>} : memref<64x64xi32, #tpu.memory_space<vmem>>, vector<64x1xi32>,
    %slice3A_1012 = vector.extract_strided_slice %select_n3A_330 {offsets = [18, 0], sizes = [1, 1024], strides = [1, 1]} : vector<64x1024xi32> to vector<1x1024xi32>
    %slice3A_1013 = vector.extract_strided_slice %select_n3A_381 {offsets = [0, 18], sizes = [64, 1], strides = [1, 1]} : vector<64x64xi32> to vector<64x1xi32>
    %eq3A_1014 = vector.broadcast %slice3A_1013 : vector<64x1xi32> to vector<64x1024xi32>
    %eq3A_1015 = vector.broadcast %slice3A_1012 : vector<1x1024xi32> to vector<64x1024xi32>
    %eq3A_1016 = arith.cmpi eq, %eq3A_1014, %eq3A_1015 : vector<64x1024xi32>
    %jit3A_1017 = arith.constant 1.000000e+00 : f32
    %jit3A_1018 = arith.constant 0.000000e+00 : f32
    %broadcast_in_dim3A_1019 = vector.broadcast %jit3A_1017 : f32 to vector<64x1024xf32>
    %broadcast_in_dim3A_1020 = vector.broadcast %jit3A_1018 : f32 to vector<64x1024xf32>
    %select_n3A_1021 = arith.select %eq3A_1016, %broadcast_in_dim3A_1019, %broadcast_in_dim3A_1020 : vector<64x1024xi1>, vector<64x1024xf32>
    %convert_element_type3A_1022 = arith.truncf %select_n3A_1021 : vector<64x1024xf32> to vector<64x1024xbf16>
    %dot_general3A_1023 = arith.constant dense<0.000000e+00> : vector<64x2xf32>
    %dot_general3A_1024 = tpu.matmul %convert_element_type3A_1022, %concatenate3A_435, %dot_general3A_1023 {dimension_numbers = #tpu.dot_dimension_numbers<[1], [0], [0], [1], [0, 0, 1, 1], [], []>, transpose_lhs_hint = false} : vector<64x1024xbf16>, vector<1024x2xbf16>, vector<64x2xf32> -> vector<64x2xf32>
    %slice3A_1025 = vector.extract_strided_slice %dot_general3A_1024 {offsets = [0, 0], sizes = [64, 1], strides = [1, 1]} : vector<64x2xf32> to vector<64x1xf32>
    %mul3A_1026 = arith.constant 3.200000e+01 : f32
    %mul3A_1027 = vector.broadcast %mul3A_1026 : f32 to vector<64x1xf32>
    %mul3A_1028 = arith.mulf %mul3A_1027, %slice3A_1025 : vector<64x1xf32>
    %slice3A_1029 = vector.extract_strided_slice %dot_general3A_1024 {offsets = [0, 1], sizes = [64, 1], strides = [1, 1]} : vector<64x2xf32> to vector<64x1xf32>
    %add3A_1030 = arith.addf %mul3A_1028, %slice3A_1029 : vector<64x1xf32>
    %round3A_1031 = math.roundeven %add3A_1030 : vector<64x1xf32>
    %convert_element_type3A_1032 = arith.fptosi %round3A_1031 : vector<64x1xf32> to vector<64x1xi32>
    %mul3A_1033 = arith.constant 64 : i32
    %mul3A_1034 = arith.muli %arg0, %mul3A_1033 : i32
    %add3A_1035 = arith.constant 18 : i32
    %add3A_1036 = arith.addi %mul3A_1034, %add3A_1035 : i32
    %mul3A_1037 = arith.constant 1024 : i32
    %mul3A_1038 = arith.muli %add3A_1036, %mul3A_1037 : i32
    %add3A_1039 = vector.broadcast %mul3A_1038 : i32 to vector<64x1xi32>
    %add3A_1040 = arith.addi %convert_element_type3A_1032, %add3A_1039 : vector<64x1xi32>
    %swap3A_1041 = arith.constant 0 : index
    %swap3A_1042 = arith.constant 18 : index
    %swap3A_1043 = vector.load %arg10[%swap3A_1041, %swap3A_1042] : memref<64x64xi32, #tpu.memory_space<vmem>>, vector<64x1xi32>
    tpu.vector_store %arg10[%swap3A_1041, %swap3A_1042], %add3A_1040 {strides = array<i32>} : memref<64x64xi32, #tpu.memory_space<vmem>>, vector<64x1xi32>,
    %slice3A_1044 = vector.extract_strided_slice %select_n3A_330 {offsets = [19, 0], sizes = [1, 1024], strides = [1, 1]} : vector<64x1024xi32> to vector<1x1024xi32>
    %slice3A_1045 = vector.extract_strided_slice %select_n3A_381 {offsets = [0, 19], sizes = [64, 1], strides = [1, 1]} : vector<64x64xi32> to vector<64x1xi32>
    %eq3A_1046 = vector.broadcast %slice3A_1045 : vector<64x1xi32> to vector<64x1024xi32>
    %eq3A_1047 = vector.broadcast %slice3A_1044 : vector<1x1024xi32> to vector<64x1024xi32>
    %eq3A_1048 = arith.cmpi eq, %eq3A_1046, %eq3A_1047 : vector<64x1024xi32>
    %jit3A_1049 = arith.constant 1.000000e+00 : f32
    %jit3A_1050 = arith.constant 0.000000e+00 : f32
    %broadcast_in_dim3A_1051 = vector.broadcast %jit3A_1049 : f32 to vector<64x1024xf32>
    %broadcast_in_dim3A_1052 = vector.broadcast %jit3A_1050 : f32 to vector<64x1024xf32>
    %select_n3A_1053 = arith.select %eq3A_1048, %broadcast_in_dim3A_1051, %broadcast_in_dim3A_1052 : vector<64x1024xi1>, vector<64x1024xf32>
    %convert_element_type3A_1054 = arith.truncf %select_n3A_1053 : vector<64x1024xf32> to vector<64x1024xbf16>
    %dot_general3A_1055 = arith.constant dense<0.000000e+00> : vector<64x2xf32>
    %dot_general3A_1056 = tpu.matmul %convert_element_type3A_1054, %concatenate3A_435, %dot_general3A_1055 {dimension_numbers = #tpu.dot_dimension_numbers<[1], [0], [0], [1], [0, 0, 1, 1], [], []>, transpose_lhs_hint = false} : vector<64x1024xbf16>, vector<1024x2xbf16>, vector<64x2xf32> -> vector<64x2xf32>
    %slice3A_1057 = vector.extract_strided_slice %dot_general3A_1056 {offsets = [0, 0], sizes = [64, 1], strides = [1, 1]} : vector<64x2xf32> to vector<64x1xf32>
    %mul3A_1058 = arith.constant 3.200000e+01 : f32
    %mul3A_1059 = vector.broadcast %mul3A_1058 : f32 to vector<64x1xf32>
    %mul3A_1060 = arith.mulf %mul3A_1059, %slice3A_1057 : vector<64x1xf32>
    %slice3A_1061 = vector.extract_strided_slice %dot_general3A_1056 {offsets = [0, 1], sizes = [64, 1], strides = [1, 1]} : vector<64x2xf32> to vector<64x1xf32>
    %add3A_1062 = arith.addf %mul3A_1060, %slice3A_1061 : vector<64x1xf32>
    %round3A_1063 = math.roundeven %add3A_1062 : vector<64x1xf32>
    %convert_element_type3A_1064 = arith.fptosi %round3A_1063 : vector<64x1xf32> to vector<64x1xi32>
    %mul3A_1065 = arith.constant 64 : i32
    %mul3A_1066 = arith.muli %arg0, %mul3A_1065 : i32
    %add3A_1067 = arith.constant 19 : i32
    %add3A_1068 = arith.addi %mul3A_1066, %add3A_1067 : i32
    %mul3A_1069 = arith.constant 1024 : i32
    %mul3A_1070 = arith.muli %add3A_1068, %mul3A_1069 : i32
    %add3A_1071 = vector.broadcast %mul3A_1070 : i32 to vector<64x1xi32>
    %add3A_1072 = arith.addi %convert_element_type3A_1064, %add3A_1071 : vector<64x1xi32>
    %swap3A_1073 = arith.constant 0 : index
    %swap3A_1074 = arith.constant 19 : index
    %swap3A_1075 = vector.load %arg10[%swap3A_1073, %swap3A_1074] : memref<64x64xi32, #tpu.memory_space<vmem>>, vector<64x1xi32>
    tpu.vector_store %arg10[%swap3A_1073, %swap3A_1074], %add3A_1072 {strides = array<i32>} : memref<64x64xi32, #tpu.memory_space<vmem>>, vector<64x1xi32>,
    %slice3A_1076 = vector.extract_strided_slice %select_n3A_330 {offsets = [20, 0], sizes = [1, 1024], strides = [1, 1]} : vector<64x1024xi32> to vector<1x1024xi32>
    %slice3A_1077 = vector.extract_strided_slice %select_n3A_381 {offsets = [0, 20], sizes = [64, 1], strides = [1, 1]} : vector<64x64xi32> to vector<64x1xi32>
    %eq3A_1078 = vector.broadcast %slice3A_1077 : vector<64x1xi32> to vector<64x1024xi32>
    %eq3A_1079 = vector.broadcast %slice3A_1076 : vector<1x1024xi32> to vector<64x1024xi32>
    %eq3A_1080 = arith.cmpi eq, %eq3A_1078, %eq3A_1079 : vector<64x1024xi32>
    %jit3A_1081 = arith.constant 1.000000e+00 : f32
    %jit3A_1082 = arith.constant 0.000000e+00 : f32
    %broadcast_in_dim3A_1083 = vector.broadcast %jit3A_1081 : f32 to vector<64x1024xf32>
    %broadcast_in_dim3A_1084 = vector.broadcast %jit3A_1082 : f32 to vector<64x1024xf32>
    %select_n3A_1085 = arith.select %eq3A_1080, %broadcast_in_dim3A_1083, %broadcast_in_dim3A_1084 : vector<64x1024xi1>, vector<64x1024xf32>
    %convert_element_type3A_1086 = arith.truncf %select_n3A_1085 : vector<64x1024xf32> to vector<64x1024xbf16>
    %dot_general3A_1087 = arith.constant dense<0.000000e+00> : vector<64x2xf32>
    %dot_general3A_1088 = tpu.matmul %convert_element_type3A_1086, %concatenate3A_435, %dot_general3A_1087 {dimension_numbers = #tpu.dot_dimension_numbers<[1], [0], [0], [1], [0, 0, 1, 1], [], []>, transpose_lhs_hint = false} : vector<64x1024xbf16>, vector<1024x2xbf16>, vector<64x2xf32> -> vector<64x2xf32>
    %slice3A_1089 = vector.extract_strided_slice %dot_general3A_1088 {offsets = [0, 0], sizes = [64, 1], strides = [1, 1]} : vector<64x2xf32> to vector<64x1xf32>
    %mul3A_1090 = arith.constant 3.200000e+01 : f32
    %mul3A_1091 = vector.broadcast %mul3A_1090 : f32 to vector<64x1xf32>
    %mul3A_1092 = arith.mulf %mul3A_1091, %slice3A_1089 : vector<64x1xf32>
    %slice3A_1093 = vector.extract_strided_slice %dot_general3A_1088 {offsets = [0, 1], sizes = [64, 1], strides = [1, 1]} : vector<64x2xf32> to vector<64x1xf32>
    %add3A_1094 = arith.addf %mul3A_1092, %slice3A_1093 : vector<64x1xf32>
    %round3A_1095 = math.roundeven %add3A_1094 : vector<64x1xf32>
    %convert_element_type3A_1096 = arith.fptosi %round3A_1095 : vector<64x1xf32> to vector<64x1xi32>
    %mul3A_1097 = arith.constant 64 : i32
    %mul3A_1098 = arith.muli %arg0, %mul3A_1097 : i32
    %add3A_1099 = arith.constant 20 : i32
    %add3A_1100 = arith.addi %mul3A_1098, %add3A_1099 : i32
    %mul3A_1101 = arith.constant 1024 : i32
    %mul3A_1102 = arith.muli %add3A_1100, %mul3A_1101 : i32
    %add3A_1103 = vector.broadcast %mul3A_1102 : i32 to vector<64x1xi32>
    %add3A_1104 = arith.addi %convert_element_type3A_1096, %add3A_1103 : vector<64x1xi32>
    %swap3A_1105 = arith.constant 0 : index
    %swap3A_1106 = arith.constant 20 : index
    %swap3A_1107 = vector.load %arg10[%swap3A_1105, %swap3A_1106] : memref<64x64xi32, #tpu.memory_space<vmem>>, vector<64x1xi32>
    tpu.vector_store %arg10[%swap3A_1105, %swap3A_1106], %add3A_1104 {strides = array<i32>} : memref<64x64xi32, #tpu.memory_space<vmem>>, vector<64x1xi32>,
    %slice3A_1108 = vector.extract_strided_slice %select_n3A_330 {offsets = [21, 0], sizes = [1, 1024], strides = [1, 1]} : vector<64x1024xi32> to vector<1x1024xi32>
    %slice3A_1109 = vector.extract_strided_slice %select_n3A_381 {offsets = [0, 21], sizes = [64, 1], strides = [1, 1]} : vector<64x64xi32> to vector<64x1xi32>
    %eq3A_1110 = vector.broadcast %slice3A_1109 : vector<64x1xi32> to vector<64x1024xi32>
    %eq3A_1111 = vector.broadcast %slice3A_1108 : vector<1x1024xi32> to vector<64x1024xi32>
    %eq3A_1112 = arith.cmpi eq, %eq3A_1110, %eq3A_1111 : vector<64x1024xi32>
    %jit3A_1113 = arith.constant 1.000000e+00 : f32
    %jit3A_1114 = arith.constant 0.000000e+00 : f32
    %broadcast_in_dim3A_1115 = vector.broadcast %jit3A_1113 : f32 to vector<64x1024xf32>
    %broadcast_in_dim3A_1116 = vector.broadcast %jit3A_1114 : f32 to vector<64x1024xf32>
    %select_n3A_1117 = arith.select %eq3A_1112, %broadcast_in_dim3A_1115, %broadcast_in_dim3A_1116 : vector<64x1024xi1>, vector<64x1024xf32>
    %convert_element_type3A_1118 = arith.truncf %select_n3A_1117 : vector<64x1024xf32> to vector<64x1024xbf16>
    %dot_general3A_1119 = arith.constant dense<0.000000e+00> : vector<64x2xf32>
    %dot_general3A_1120 = tpu.matmul %convert_element_type3A_1118, %concatenate3A_435, %dot_general3A_1119 {dimension_numbers = #tpu.dot_dimension_numbers<[1], [0], [0], [1], [0, 0, 1, 1], [], []>, transpose_lhs_hint = false} : vector<64x1024xbf16>, vector<1024x2xbf16>, vector<64x2xf32> -> vector<64x2xf32>
    %slice3A_1121 = vector.extract_strided_slice %dot_general3A_1120 {offsets = [0, 0], sizes = [64, 1], strides = [1, 1]} : vector<64x2xf32> to vector<64x1xf32>
    %mul3A_1122 = arith.constant 3.200000e+01 : f32
    %mul3A_1123 = vector.broadcast %mul3A_1122 : f32 to vector<64x1xf32>
    %mul3A_1124 = arith.mulf %mul3A_1123, %slice3A_1121 : vector<64x1xf32>
    %slice3A_1125 = vector.extract_strided_slice %dot_general3A_1120 {offsets = [0, 1], sizes = [64, 1], strides = [1, 1]} : vector<64x2xf32> to vector<64x1xf32>
    %add3A_1126 = arith.addf %mul3A_1124, %slice3A_1125 : vector<64x1xf32>
    %round3A_1127 = math.roundeven %add3A_1126 : vector<64x1xf32>
    %convert_element_type3A_1128 = arith.fptosi %round3A_1127 : vector<64x1xf32> to vector<64x1xi32>
    %mul3A_1129 = arith.constant 64 : i32
    %mul3A_1130 = arith.muli %arg0, %mul3A_1129 : i32
    %add3A_1131 = arith.constant 21 : i32
    %add3A_1132 = arith.addi %mul3A_1130, %add3A_1131 : i32
    %mul3A_1133 = arith.constant 1024 : i32
    %mul3A_1134 = arith.muli %add3A_1132, %mul3A_1133 : i32
    %add3A_1135 = vector.broadcast %mul3A_1134 : i32 to vector<64x1xi32>
    %add3A_1136 = arith.addi %convert_element_type3A_1128, %add3A_1135 : vector<64x1xi32>
    %swap3A_1137 = arith.constant 0 : index
    %swap3A_1138 = arith.constant 21 : index
    %swap3A_1139 = vector.load %arg10[%swap3A_1137, %swap3A_1138] : memref<64x64xi32, #tpu.memory_space<vmem>>, vector<64x1xi32>
    tpu.vector_store %arg10[%swap3A_1137, %swap3A_1138], %add3A_1136 {strides = array<i32>} : memref<64x64xi32, #tpu.memory_space<vmem>>, vector<64x1xi32>,
    %slice3A_1140 = vector.extract_strided_slice %select_n3A_330 {offsets = [22, 0], sizes = [1, 1024], strides = [1, 1]} : vector<64x1024xi32> to vector<1x1024xi32>
    %slice3A_1141 = vector.extract_strided_slice %select_n3A_381 {offsets = [0, 22], sizes = [64, 1], strides = [1, 1]} : vector<64x64xi32> to vector<64x1xi32>
    %eq3A_1142 = vector.broadcast %slice3A_1141 : vector<64x1xi32> to vector<64x1024xi32>
    %eq3A_1143 = vector.broadcast %slice3A_1140 : vector<1x1024xi32> to vector<64x1024xi32>
    %eq3A_1144 = arith.cmpi eq, %eq3A_1142, %eq3A_1143 : vector<64x1024xi32>
    %jit3A_1145 = arith.constant 1.000000e+00 : f32
    %jit3A_1146 = arith.constant 0.000000e+00 : f32
    %broadcast_in_dim3A_1147 = vector.broadcast %jit3A_1145 : f32 to vector<64x1024xf32>
    %broadcast_in_dim3A_1148 = vector.broadcast %jit3A_1146 : f32 to vector<64x1024xf32>
    %select_n3A_1149 = arith.select %eq3A_1144, %broadcast_in_dim3A_1147, %broadcast_in_dim3A_1148 : vector<64x1024xi1>, vector<64x1024xf32>
    %convert_element_type3A_1150 = arith.truncf %select_n3A_1149 : vector<64x1024xf32> to vector<64x1024xbf16>
    %dot_general3A_1151 = arith.constant dense<0.000000e+00> : vector<64x2xf32>
    %dot_general3A_1152 = tpu.matmul %convert_element_type3A_1150, %concatenate3A_435, %dot_general3A_1151 {dimension_numbers = #tpu.dot_dimension_numbers<[1], [0], [0], [1], [0, 0, 1, 1], [], []>, transpose_lhs_hint = false} : vector<64x1024xbf16>, vector<1024x2xbf16>, vector<64x2xf32> -> vector<64x2xf32>
    %slice3A_1153 = vector.extract_strided_slice %dot_general3A_1152 {offsets = [0, 0], sizes = [64, 1], strides = [1, 1]} : vector<64x2xf32> to vector<64x1xf32>
    %mul3A_1154 = arith.constant 3.200000e+01 : f32
    %mul3A_1155 = vector.broadcast %mul3A_1154 : f32 to vector<64x1xf32>
    %mul3A_1156 = arith.mulf %mul3A_1155, %slice3A_1153 : vector<64x1xf32>
    %slice3A_1157 = vector.extract_strided_slice %dot_general3A_1152 {offsets = [0, 1], sizes = [64, 1], strides = [1, 1]} : vector<64x2xf32> to vector<64x1xf32>
    %add3A_1158 = arith.addf %mul3A_1156, %slice3A_1157 : vector<64x1xf32>
    %round3A_1159 = math.roundeven %add3A_1158 : vector<64x1xf32>
    %convert_element_type3A_1160 = arith.fptosi %round3A_1159 : vector<64x1xf32> to vector<64x1xi32>
    %mul3A_1161 = arith.constant 64 : i32
    %mul3A_1162 = arith.muli %arg0, %mul3A_1161 : i32
    %add3A_1163 = arith.constant 22 : i32
    %add3A_1164 = arith.addi %mul3A_1162, %add3A_1163 : i32
    %mul3A_1165 = arith.constant 1024 : i32
    %mul3A_1166 = arith.muli %add3A_1164, %mul3A_1165 : i32
    %add3A_1167 = vector.broadcast %mul3A_1166 : i32 to vector<64x1xi32>
    %add3A_1168 = arith.addi %convert_element_type3A_1160, %add3A_1167 : vector<64x1xi32>
    %swap3A_1169 = arith.constant 0 : index
    %swap3A_1170 = arith.constant 22 : index
    %swap3A_1171 = vector.load %arg10[%swap3A_1169, %swap3A_1170] : memref<64x64xi32, #tpu.memory_space<vmem>>, vector<64x1xi32>
    tpu.vector_store %arg10[%swap3A_1169, %swap3A_1170], %add3A_1168 {strides = array<i32>} : memref<64x64xi32, #tpu.memory_space<vmem>>, vector<64x1xi32>,
    %slice3A_1172 = vector.extract_strided_slice %select_n3A_330 {offsets = [23, 0], sizes = [1, 1024], strides = [1, 1]} : vector<64x1024xi32> to vector<1x1024xi32>
    %slice3A_1173 = vector.extract_strided_slice %select_n3A_381 {offsets = [0, 23], sizes = [64, 1], strides = [1, 1]} : vector<64x64xi32> to vector<64x1xi32>
    %eq3A_1174 = vector.broadcast %slice3A_1173 : vector<64x1xi32> to vector<64x1024xi32>
    %eq3A_1175 = vector.broadcast %slice3A_1172 : vector<1x1024xi32> to vector<64x1024xi32>
    %eq3A_1176 = arith.cmpi eq, %eq3A_1174, %eq3A_1175 : vector<64x1024xi32>
    %jit3A_1177 = arith.constant 1.000000e+00 : f32
    %jit3A_1178 = arith.constant 0.000000e+00 : f32
    %broadcast_in_dim3A_1179 = vector.broadcast %jit3A_1177 : f32 to vector<64x1024xf32>
    %broadcast_in_dim3A_1180 = vector.broadcast %jit3A_1178 : f32 to vector<64x1024xf32>
    %select_n3A_1181 = arith.select %eq3A_1176, %broadcast_in_dim3A_1179, %broadcast_in_dim3A_1180 : vector<64x1024xi1>, vector<64x1024xf32>
    %convert_element_type3A_1182 = arith.truncf %select_n3A_1181 : vector<64x1024xf32> to vector<64x1024xbf16>
    %dot_general3A_1183 = arith.constant dense<0.000000e+00> : vector<64x2xf32>
    %dot_general3A_1184 = tpu.matmul %convert_element_type3A_1182, %concatenate3A_435, %dot_general3A_1183 {dimension_numbers = #tpu.dot_dimension_numbers<[1], [0], [0], [1], [0, 0, 1, 1], [], []>, transpose_lhs_hint = false} : vector<64x1024xbf16>, vector<1024x2xbf16>, vector<64x2xf32> -> vector<64x2xf32>
    %slice3A_1185 = vector.extract_strided_slice %dot_general3A_1184 {offsets = [0, 0], sizes = [64, 1], strides = [1, 1]} : vector<64x2xf32> to vector<64x1xf32>
    %mul3A_1186 = arith.constant 3.200000e+01 : f32
    %mul3A_1187 = vector.broadcast %mul3A_1186 : f32 to vector<64x1xf32>
    %mul3A_1188 = arith.mulf %mul3A_1187, %slice3A_1185 : vector<64x1xf32>
    %slice3A_1189 = vector.extract_strided_slice %dot_general3A_1184 {offsets = [0, 1], sizes = [64, 1], strides = [1, 1]} : vector<64x2xf32> to vector<64x1xf32>
    %add3A_1190 = arith.addf %mul3A_1188, %slice3A_1189 : vector<64x1xf32>
    %round3A_1191 = math.roundeven %add3A_1190 : vector<64x1xf32>
    %convert_element_type3A_1192 = arith.fptosi %round3A_1191 : vector<64x1xf32> to vector<64x1xi32>
    %mul3A_1193 = arith.constant 64 : i32
    %mul3A_1194 = arith.muli %arg0, %mul3A_1193 : i32
    %add3A_1195 = arith.constant 23 : i32
    %add3A_1196 = arith.addi %mul3A_1194, %add3A_1195 : i32
    %mul3A_1197 = arith.constant 1024 : i32
    %mul3A_1198 = arith.muli %add3A_1196, %mul3A_1197 : i32
    %add3A_1199 = vector.broadcast %mul3A_1198 : i32 to vector<64x1xi32>
    %add3A_1200 = arith.addi %convert_element_type3A_1192, %add3A_1199 : vector<64x1xi32>
    %swap3A_1201 = arith.constant 0 : index
    %swap3A_1202 = arith.constant 23 : index
    %swap3A_1203 = vector.load %arg10[%swap3A_1201, %swap3A_1202] : memref<64x64xi32, #tpu.memory_space<vmem>>, vector<64x1xi32>
    tpu.vector_store %arg10[%swap3A_1201, %swap3A_1202], %add3A_1200 {strides = array<i32>} : memref<64x64xi32, #tpu.memory_space<vmem>>, vector<64x1xi32>,
    %slice3A_1204 = vector.extract_strided_slice %select_n3A_330 {offsets = [24, 0], sizes = [1, 1024], strides = [1, 1]} : vector<64x1024xi32> to vector<1x1024xi32>
    %slice3A_1205 = vector.extract_strided_slice %select_n3A_381 {offsets = [0, 24], sizes = [64, 1], strides = [1, 1]} : vector<64x64xi32> to vector<64x1xi32>
    %eq3A_1206 = vector.broadcast %slice3A_1205 : vector<64x1xi32> to vector<64x1024xi32>
    %eq3A_1207 = vector.broadcast %slice3A_1204 : vector<1x1024xi32> to vector<64x1024xi32>
    %eq3A_1208 = arith.cmpi eq, %eq3A_1206, %eq3A_1207 : vector<64x1024xi32>
    %jit3A_1209 = arith.constant 1.000000e+00 : f32
    %jit3A_1210 = arith.constant 0.000000e+00 : f32
    %broadcast_in_dim3A_1211 = vector.broadcast %jit3A_1209 : f32 to vector<64x1024xf32>
    %broadcast_in_dim3A_1212 = vector.broadcast %jit3A_1210 : f32 to vector<64x1024xf32>
    %select_n3A_1213 = arith.select %eq3A_1208, %broadcast_in_dim3A_1211, %broadcast_in_dim3A_1212 : vector<64x1024xi1>, vector<64x1024xf32>
    %convert_element_type3A_1214 = arith.truncf %select_n3A_1213 : vector<64x1024xf32> to vector<64x1024xbf16>
    %dot_general3A_1215 = arith.constant dense<0.000000e+00> : vector<64x2xf32>
    %dot_general3A_1216 = tpu.matmul %convert_element_type3A_1214, %concatenate3A_435, %dot_general3A_1215 {dimension_numbers = #tpu.dot_dimension_numbers<[1], [0], [0], [1], [0, 0, 1, 1], [], []>, transpose_lhs_hint = false} : vector<64x1024xbf16>, vector<1024x2xbf16>, vector<64x2xf32> -> vector<64x2xf32>
    %slice3A_1217 = vector.extract_strided_slice %dot_general3A_1216 {offsets = [0, 0], sizes = [64, 1], strides = [1, 1]} : vector<64x2xf32> to vector<64x1xf32>
    %mul3A_1218 = arith.constant 3.200000e+01 : f32
    %mul3A_1219 = vector.broadcast %mul3A_1218 : f32 to vector<64x1xf32>
    %mul3A_1220 = arith.mulf %mul3A_1219, %slice3A_1217 : vector<64x1xf32>
    %slice3A_1221 = vector.extract_strided_slice %dot_general3A_1216 {offsets = [0, 1], sizes = [64, 1], strides = [1, 1]} : vector<64x2xf32> to vector<64x1xf32>
    %add3A_1222 = arith.addf %mul3A_1220, %slice3A_1221 : vector<64x1xf32>
    %round3A_1223 = math.roundeven %add3A_1222 : vector<64x1xf32>
    %convert_element_type3A_1224 = arith.fptosi %round3A_1223 : vector<64x1xf32> to vector<64x1xi32>
    %mul3A_1225 = arith.constant 64 : i32
    %mul3A_1226 = arith.muli %arg0, %mul3A_1225 : i32
    %add3A_1227 = arith.constant 24 : i32
    %add3A_1228 = arith.addi %mul3A_1226, %add3A_1227 : i32
    %mul3A_1229 = arith.constant 1024 : i32
    %mul3A_1230 = arith.muli %add3A_1228, %mul3A_1229 : i32
    %add3A_1231 = vector.broadcast %mul3A_1230 : i32 to vector<64x1xi32>
    %add3A_1232 = arith.addi %convert_element_type3A_1224, %add3A_1231 : vector<64x1xi32>
    %swap3A_1233 = arith.constant 0 : index
    %swap3A_1234 = arith.constant 24 : index
    %swap3A_1235 = vector.load %arg10[%swap3A_1233, %swap3A_1234] : memref<64x64xi32, #tpu.memory_space<vmem>>, vector<64x1xi32>
    tpu.vector_store %arg10[%swap3A_1233, %swap3A_1234], %add3A_1232 {strides = array<i32>} : memref<64x64xi32, #tpu.memory_space<vmem>>, vector<64x1xi32>,
    %slice3A_1236 = vector.extract_strided_slice %select_n3A_330 {offsets = [25, 0], sizes = [1, 1024], strides = [1, 1]} : vector<64x1024xi32> to vector<1x1024xi32>
    %slice3A_1237 = vector.extract_strided_slice %select_n3A_381 {offsets = [0, 25], sizes = [64, 1], strides = [1, 1]} : vector<64x64xi32> to vector<64x1xi32>
    %eq3A_1238 = vector.broadcast %slice3A_1237 : vector<64x1xi32> to vector<64x1024xi32>
    %eq3A_1239 = vector.broadcast %slice3A_1236 : vector<1x1024xi32> to vector<64x1024xi32>
    %eq3A_1240 = arith.cmpi eq, %eq3A_1238, %eq3A_1239 : vector<64x1024xi32>
    %jit3A_1241 = arith.constant 1.000000e+00 : f32
    %jit3A_1242 = arith.constant 0.000000e+00 : f32
    %broadcast_in_dim3A_1243 = vector.broadcast %jit3A_1241 : f32 to vector<64x1024xf32>
    %broadcast_in_dim3A_1244 = vector.broadcast %jit3A_1242 : f32 to vector<64x1024xf32>
    %select_n3A_1245 = arith.select %eq3A_1240, %broadcast_in_dim3A_1243, %broadcast_in_dim3A_1244 : vector<64x1024xi1>, vector<64x1024xf32>
    %convert_element_type3A_1246 = arith.truncf %select_n3A_1245 : vector<64x1024xf32> to vector<64x1024xbf16>
    %dot_general3A_1247 = arith.constant dense<0.000000e+00> : vector<64x2xf32>
    %dot_general3A_1248 = tpu.matmul %convert_element_type3A_1246, %concatenate3A_435, %dot_general3A_1247 {dimension_numbers = #tpu.dot_dimension_numbers<[1], [0], [0], [1], [0, 0, 1, 1], [], []>, transpose_lhs_hint = false} : vector<64x1024xbf16>, vector<1024x2xbf16>, vector<64x2xf32> -> vector<64x2xf32>
    %slice3A_1249 = vector.extract_strided_slice %dot_general3A_1248 {offsets = [0, 0], sizes = [64, 1], strides = [1, 1]} : vector<64x2xf32> to vector<64x1xf32>
    %mul3A_1250 = arith.constant 3.200000e+01 : f32
    %mul3A_1251 = vector.broadcast %mul3A_1250 : f32 to vector<64x1xf32>
    %mul3A_1252 = arith.mulf %mul3A_1251, %slice3A_1249 : vector<64x1xf32>
    %slice3A_1253 = vector.extract_strided_slice %dot_general3A_1248 {offsets = [0, 1], sizes = [64, 1], strides = [1, 1]} : vector<64x2xf32> to vector<64x1xf32>
    %add3A_1254 = arith.addf %mul3A_1252, %slice3A_1253 : vector<64x1xf32>
    %round3A_1255 = math.roundeven %add3A_1254 : vector<64x1xf32>
    %convert_element_type3A_1256 = arith.fptosi %round3A_1255 : vector<64x1xf32> to vector<64x1xi32>
    %mul3A_1257 = arith.constant 64 : i32
    %mul3A_1258 = arith.muli %arg0, %mul3A_1257 : i32
    %add3A_1259 = arith.constant 25 : i32
    %add3A_1260 = arith.addi %mul3A_1258, %add3A_1259 : i32
    %mul3A_1261 = arith.constant 1024 : i32
    %mul3A_1262 = arith.muli %add3A_1260, %mul3A_1261 : i32
    %add3A_1263 = vector.broadcast %mul3A_1262 : i32 to vector<64x1xi32>
    %add3A_1264 = arith.addi %convert_element_type3A_1256, %add3A_1263 : vector<64x1xi32>
    %swap3A_1265 = arith.constant 0 : index
    %swap3A_1266 = arith.constant 25 : index
    %swap3A_1267 = vector.load %arg10[%swap3A_1265, %swap3A_1266] : memref<64x64xi32, #tpu.memory_space<vmem>>, vector<64x1xi32>
    tpu.vector_store %arg10[%swap3A_1265, %swap3A_1266], %add3A_1264 {strides = array<i32>} : memref<64x64xi32, #tpu.memory_space<vmem>>, vector<64x1xi32>,
    %slice3A_1268 = vector.extract_strided_slice %select_n3A_330 {offsets = [26, 0], sizes = [1, 1024], strides = [1, 1]} : vector<64x1024xi32> to vector<1x1024xi32>
    %slice3A_1269 = vector.extract_strided_slice %select_n3A_381 {offsets = [0, 26], sizes = [64, 1], strides = [1, 1]} : vector<64x64xi32> to vector<64x1xi32>
    %eq3A_1270 = vector.broadcast %slice3A_1269 : vector<64x1xi32> to vector<64x1024xi32>
    %eq3A_1271 = vector.broadcast %slice3A_1268 : vector<1x1024xi32> to vector<64x1024xi32>
    %eq3A_1272 = arith.cmpi eq, %eq3A_1270, %eq3A_1271 : vector<64x1024xi32>
    %jit3A_1273 = arith.constant 1.000000e+00 : f32
    %jit3A_1274 = arith.constant 0.000000e+00 : f32
    %broadcast_in_dim3A_1275 = vector.broadcast %jit3A_1273 : f32 to vector<64x1024xf32>
    %broadcast_in_dim3A_1276 = vector.broadcast %jit3A_1274 : f32 to vector<64x1024xf32>
    %select_n3A_1277 = arith.select %eq3A_1272, %broadcast_in_dim3A_1275, %broadcast_in_dim3A_1276 : vector<64x1024xi1>, vector<64x1024xf32>
    %convert_element_type3A_1278 = arith.truncf %select_n3A_1277 : vector<64x1024xf32> to vector<64x1024xbf16>
    %dot_general3A_1279 = arith.constant dense<0.000000e+00> : vector<64x2xf32>
    %dot_general3A_1280 = tpu.matmul %convert_element_type3A_1278, %concatenate3A_435, %dot_general3A_1279 {dimension_numbers = #tpu.dot_dimension_numbers<[1], [0], [0], [1], [0, 0, 1, 1], [], []>, transpose_lhs_hint = false} : vector<64x1024xbf16>, vector<1024x2xbf16>, vector<64x2xf32> -> vector<64x2xf32>
    %slice3A_1281 = vector.extract_strided_slice %dot_general3A_1280 {offsets = [0, 0], sizes = [64, 1], strides = [1, 1]} : vector<64x2xf32> to vector<64x1xf32>
    %mul3A_1282 = arith.constant 3.200000e+01 : f32
    %mul3A_1283 = vector.broadcast %mul3A_1282 : f32 to vector<64x1xf32>
    %mul3A_1284 = arith.mulf %mul3A_1283, %slice3A_1281 : vector<64x1xf32>
    %slice3A_1285 = vector.extract_strided_slice %dot_general3A_1280 {offsets = [0, 1], sizes = [64, 1], strides = [1, 1]} : vector<64x2xf32> to vector<64x1xf32>
    %add3A_1286 = arith.addf %mul3A_1284, %slice3A_1285 : vector<64x1xf32>
    %round3A_1287 = math.roundeven %add3A_1286 : vector<64x1xf32>
    %convert_element_type3A_1288 = arith.fptosi %round3A_1287 : vector<64x1xf32> to vector<64x1xi32>
    %mul3A_1289 = arith.constant 64 : i32
    %mul3A_1290 = arith.muli %arg0, %mul3A_1289 : i32
    %add3A_1291 = arith.constant 26 : i32
    %add3A_1292 = arith.addi %mul3A_1290, %add3A_1291 : i32
    %mul3A_1293 = arith.constant 1024 : i32
    %mul3A_1294 = arith.muli %add3A_1292, %mul3A_1293 : i32
    %add3A_1295 = vector.broadcast %mul3A_1294 : i32 to vector<64x1xi32>
    %add3A_1296 = arith.addi %convert_element_type3A_1288, %add3A_1295 : vector<64x1xi32>
    %swap3A_1297 = arith.constant 0 : index
    %swap3A_1298 = arith.constant 26 : index
    %swap3A_1299 = vector.load %arg10[%swap3A_1297, %swap3A_1298] : memref<64x64xi32, #tpu.memory_space<vmem>>, vector<64x1xi32>
    tpu.vector_store %arg10[%swap3A_1297, %swap3A_1298], %add3A_1296 {strides = array<i32>} : memref<64x64xi32, #tpu.memory_space<vmem>>, vector<64x1xi32>,
    %slice3A_1300 = vector.extract_strided_slice %select_n3A_330 {offsets = [27, 0], sizes = [1, 1024], strides = [1, 1]} : vector<64x1024xi32> to vector<1x1024xi32>
    %slice3A_1301 = vector.extract_strided_slice %select_n3A_381 {offsets = [0, 27], sizes = [64, 1], strides = [1, 1]} : vector<64x64xi32> to vector<64x1xi32>
    %eq3A_1302 = vector.broadcast %slice3A_1301 : vector<64x1xi32> to vector<64x1024xi32>
    %eq3A_1303 = vector.broadcast %slice3A_1300 : vector<1x1024xi32> to vector<64x1024xi32>
    %eq3A_1304 = arith.cmpi eq, %eq3A_1302, %eq3A_1303 : vector<64x1024xi32>
    %jit3A_1305 = arith.constant 1.000000e+00 : f32
    %jit3A_1306 = arith.constant 0.000000e+00 : f32
    %broadcast_in_dim3A_1307 = vector.broadcast %jit3A_1305 : f32 to vector<64x1024xf32>
    %broadcast_in_dim3A_1308 = vector.broadcast %jit3A_1306 : f32 to vector<64x1024xf32>
    %select_n3A_1309 = arith.select %eq3A_1304, %broadcast_in_dim3A_1307, %broadcast_in_dim3A_1308 : vector<64x1024xi1>, vector<64x1024xf32>
    %convert_element_type3A_1310 = arith.truncf %select_n3A_1309 : vector<64x1024xf32> to vector<64x1024xbf16>
    %dot_general3A_1311 = arith.constant dense<0.000000e+00> : vector<64x2xf32>
    %dot_general3A_1312 = tpu.matmul %convert_element_type3A_1310, %concatenate3A_435, %dot_general3A_1311 {dimension_numbers = #tpu.dot_dimension_numbers<[1], [0], [0], [1], [0, 0, 1, 1], [], []>, transpose_lhs_hint = false} : vector<64x1024xbf16>, vector<1024x2xbf16>, vector<64x2xf32> -> vector<64x2xf32>
    %slice3A_1313 = vector.extract_strided_slice %dot_general3A_1312 {offsets = [0, 0], sizes = [64, 1], strides = [1, 1]} : vector<64x2xf32> to vector<64x1xf32>
    %mul3A_1314 = arith.constant 3.200000e+01 : f32
    %mul3A_1315 = vector.broadcast %mul3A_1314 : f32 to vector<64x1xf32>
    %mul3A_1316 = arith.mulf %mul3A_1315, %slice3A_1313 : vector<64x1xf32>
    %slice3A_1317 = vector.extract_strided_slice %dot_general3A_1312 {offsets = [0, 1], sizes = [64, 1], strides = [1, 1]} : vector<64x2xf32> to vector<64x1xf32>
    %add3A_1318 = arith.addf %mul3A_1316, %slice3A_1317 : vector<64x1xf32>
    %round3A_1319 = math.roundeven %add3A_1318 : vector<64x1xf32>
    %convert_element_type3A_1320 = arith.fptosi %round3A_1319 : vector<64x1xf32> to vector<64x1xi32>
    %mul3A_1321 = arith.constant 64 : i32
    %mul3A_1322 = arith.muli %arg0, %mul3A_1321 : i32
    %add3A_1323 = arith.constant 27 : i32
    %add3A_1324 = arith.addi %mul3A_1322, %add3A_1323 : i32
    %mul3A_1325 = arith.constant 1024 : i32
    %mul3A_1326 = arith.muli %add3A_1324, %mul3A_1325 : i32
    %add3A_1327 = vector.broadcast %mul3A_1326 : i32 to vector<64x1xi32>
    %add3A_1328 = arith.addi %convert_element_type3A_1320, %add3A_1327 : vector<64x1xi32>
    %swap3A_1329 = arith.constant 0 : index
    %swap3A_1330 = arith.constant 27 : index
    %swap3A_1331 = vector.load %arg10[%swap3A_1329, %swap3A_1330] : memref<64x64xi32, #tpu.memory_space<vmem>>, vector<64x1xi32>
    tpu.vector_store %arg10[%swap3A_1329, %swap3A_1330], %add3A_1328 {strides = array<i32>} : memref<64x64xi32, #tpu.memory_space<vmem>>, vector<64x1xi32>,
    %slice3A_1332 = vector.extract_strided_slice %select_n3A_330 {offsets = [28, 0], sizes = [1, 1024], strides = [1, 1]} : vector<64x1024xi32> to vector<1x1024xi32>
    %slice3A_1333 = vector.extract_strided_slice %select_n3A_381 {offsets = [0, 28], sizes = [64, 1], strides = [1, 1]} : vector<64x64xi32> to vector<64x1xi32>
    %eq3A_1334 = vector.broadcast %slice3A_1333 : vector<64x1xi32> to vector<64x1024xi32>
    %eq3A_1335 = vector.broadcast %slice3A_1332 : vector<1x1024xi32> to vector<64x1024xi32>
    %eq3A_1336 = arith.cmpi eq, %eq3A_1334, %eq3A_1335 : vector<64x1024xi32>
    %jit3A_1337 = arith.constant 1.000000e+00 : f32
    %jit3A_1338 = arith.constant 0.000000e+00 : f32
    %broadcast_in_dim3A_1339 = vector.broadcast %jit3A_1337 : f32 to vector<64x1024xf32>
    %broadcast_in_dim3A_1340 = vector.broadcast %jit3A_1338 : f32 to vector<64x1024xf32>
    %select_n3A_1341 = arith.select %eq3A_1336, %broadcast_in_dim3A_1339, %broadcast_in_dim3A_1340 : vector<64x1024xi1>, vector<64x1024xf32>
    %convert_element_type3A_1342 = arith.truncf %select_n3A_1341 : vector<64x1024xf32> to vector<64x1024xbf16>
    %dot_general3A_1343 = arith.constant dense<0.000000e+00> : vector<64x2xf32>
    %dot_general3A_1344 = tpu.matmul %convert_element_type3A_1342, %concatenate3A_435, %dot_general3A_1343 {dimension_numbers = #tpu.dot_dimension_numbers<[1], [0], [0], [1], [0, 0, 1, 1], [], []>, transpose_lhs_hint = false} : vector<64x1024xbf16>, vector<1024x2xbf16>, vector<64x2xf32> -> vector<64x2xf32>
    %slice3A_1345 = vector.extract_strided_slice %dot_general3A_1344 {offsets = [0, 0], sizes = [64, 1], strides = [1, 1]} : vector<64x2xf32> to vector<64x1xf32>
    %mul3A_1346 = arith.constant 3.200000e+01 : f32
    %mul3A_1347 = vector.broadcast %mul3A_1346 : f32 to vector<64x1xf32>
    %mul3A_1348 = arith.mulf %mul3A_1347, %slice3A_1345 : vector<64x1xf32>
    %slice3A_1349 = vector.extract_strided_slice %dot_general3A_1344 {offsets = [0, 1], sizes = [64, 1], strides = [1, 1]} : vector<64x2xf32> to vector<64x1xf32>
    %add3A_1350 = arith.addf %mul3A_1348, %slice3A_1349 : vector<64x1xf32>
    %round3A_1351 = math.roundeven %add3A_1350 : vector<64x1xf32>
    %convert_element_type3A_1352 = arith.fptosi %round3A_1351 : vector<64x1xf32> to vector<64x1xi32>
    %mul3A_1353 = arith.constant 64 : i32
    %mul3A_1354 = arith.muli %arg0, %mul3A_1353 : i32
    %add3A_1355 = arith.constant 28 : i32
    %add3A_1356 = arith.addi %mul3A_1354, %add3A_1355 : i32
    %mul3A_1357 = arith.constant 1024 : i32
    %mul3A_1358 = arith.muli %add3A_1356, %mul3A_1357 : i32
    %add3A_1359 = vector.broadcast %mul3A_1358 : i32 to vector<64x1xi32>
    %add3A_1360 = arith.addi %convert_element_type3A_1352, %add3A_1359 : vector<64x1xi32>
    %swap3A_1361 = arith.constant 0 : index
    %swap3A_1362 = arith.constant 28 : index
    %swap3A_1363 = vector.load %arg10[%swap3A_1361, %swap3A_1362] : memref<64x64xi32, #tpu.memory_space<vmem>>, vector<64x1xi32>
    tpu.vector_store %arg10[%swap3A_1361, %swap3A_1362], %add3A_1360 {strides = array<i32>} : memref<64x64xi32, #tpu.memory_space<vmem>>, vector<64x1xi32>,
    %slice3A_1364 = vector.extract_strided_slice %select_n3A_330 {offsets = [29, 0], sizes = [1, 1024], strides = [1, 1]} : vector<64x1024xi32> to vector<1x1024xi32>
    %slice3A_1365 = vector.extract_strided_slice %select_n3A_381 {offsets = [0, 29], sizes = [64, 1], strides = [1, 1]} : vector<64x64xi32> to vector<64x1xi32>
    %eq3A_1366 = vector.broadcast %slice3A_1365 : vector<64x1xi32> to vector<64x1024xi32>
    %eq3A_1367 = vector.broadcast %slice3A_1364 : vector<1x1024xi32> to vector<64x1024xi32>
    %eq3A_1368 = arith.cmpi eq, %eq3A_1366, %eq3A_1367 : vector<64x1024xi32>
    %jit3A_1369 = arith.constant 1.000000e+00 : f32
    %jit3A_1370 = arith.constant 0.000000e+00 : f32
    %broadcast_in_dim3A_1371 = vector.broadcast %jit3A_1369 : f32 to vector<64x1024xf32>
    %broadcast_in_dim3A_1372 = vector.broadcast %jit3A_1370 : f32 to vector<64x1024xf32>
    %select_n3A_1373 = arith.select %eq3A_1368, %broadcast_in_dim3A_1371, %broadcast_in_dim3A_1372 : vector<64x1024xi1>, vector<64x1024xf32>
    %convert_element_type3A_1374 = arith.truncf %select_n3A_1373 : vector<64x1024xf32> to vector<64x1024xbf16>
    %dot_general3A_1375 = arith.constant dense<0.000000e+00> : vector<64x2xf32>
    %dot_general3A_1376 = tpu.matmul %convert_element_type3A_1374, %concatenate3A_435, %dot_general3A_1375 {dimension_numbers = #tpu.dot_dimension_numbers<[1], [0], [0], [1], [0, 0, 1, 1], [], []>, transpose_lhs_hint = false} : vector<64x1024xbf16>, vector<1024x2xbf16>, vector<64x2xf32> -> vector<64x2xf32>
    %slice3A_1377 = vector.extract_strided_slice %dot_general3A_1376 {offsets = [0, 0], sizes = [64, 1], strides = [1, 1]} : vector<64x2xf32> to vector<64x1xf32>
    %mul3A_1378 = arith.constant 3.200000e+01 : f32
    %mul3A_1379 = vector.broadcast %mul3A_1378 : f32 to vector<64x1xf32>
    %mul3A_1380 = arith.mulf %mul3A_1379, %slice3A_1377 : vector<64x1xf32>
    %slice3A_1381 = vector.extract_strided_slice %dot_general3A_1376 {offsets = [0, 1], sizes = [64, 1], strides = [1, 1]} : vector<64x2xf32> to vector<64x1xf32>
    %add3A_1382 = arith.addf %mul3A_1380, %slice3A_1381 : vector<64x1xf32>
    %round3A_1383 = math.roundeven %add3A_1382 : vector<64x1xf32>
    %convert_element_type3A_1384 = arith.fptosi %round3A_1383 : vector<64x1xf32> to vector<64x1xi32>
    %mul3A_1385 = arith.constant 64 : i32
    %mul3A_1386 = arith.muli %arg0, %mul3A_1385 : i32
    %add3A_1387 = arith.constant 29 : i32
    %add3A_1388 = arith.addi %mul3A_1386, %add3A_1387 : i32
    %mul3A_1389 = arith.constant 1024 : i32
    %mul3A_1390 = arith.muli %add3A_1388, %mul3A_1389 : i32
    %add3A_1391 = vector.broadcast %mul3A_1390 : i32 to vector<64x1xi32>
    %add3A_1392 = arith.addi %convert_element_type3A_1384, %add3A_1391 : vector<64x1xi32>
    %swap3A_1393 = arith.constant 0 : index
    %swap3A_1394 = arith.constant 29 : index
    %swap3A_1395 = vector.load %arg10[%swap3A_1393, %swap3A_1394] : memref<64x64xi32, #tpu.memory_space<vmem>>, vector<64x1xi32>
    tpu.vector_store %arg10[%swap3A_1393, %swap3A_1394], %add3A_1392 {strides = array<i32>} : memref<64x64xi32, #tpu.memory_space<vmem>>, vector<64x1xi32>,
    %slice3A_1396 = vector.extract_strided_slice %select_n3A_330 {offsets = [30, 0], sizes = [1, 1024], strides = [1, 1]} : vector<64x1024xi32> to vector<1x1024xi32>
    %slice3A_1397 = vector.extract_strided_slice %select_n3A_381 {offsets = [0, 30], sizes = [64, 1], strides = [1, 1]} : vector<64x64xi32> to vector<64x1xi32>
    %eq3A_1398 = vector.broadcast %slice3A_1397 : vector<64x1xi32> to vector<64x1024xi32>
    %eq3A_1399 = vector.broadcast %slice3A_1396 : vector<1x1024xi32> to vector<64x1024xi32>
    %eq3A_1400 = arith.cmpi eq, %eq3A_1398, %eq3A_1399 : vector<64x1024xi32>
    %jit3A_1401 = arith.constant 1.000000e+00 : f32
    %jit3A_1402 = arith.constant 0.000000e+00 : f32
    %broadcast_in_dim3A_1403 = vector.broadcast %jit3A_1401 : f32 to vector<64x1024xf32>
    %broadcast_in_dim3A_1404 = vector.broadcast %jit3A_1402 : f32 to vector<64x1024xf32>
    %select_n3A_1405 = arith.select %eq3A_1400, %broadcast_in_dim3A_1403, %broadcast_in_dim3A_1404 : vector<64x1024xi1>, vector<64x1024xf32>
    %convert_element_type3A_1406 = arith.truncf %select_n3A_1405 : vector<64x1024xf32> to vector<64x1024xbf16>
    %dot_general3A_1407 = arith.constant dense<0.000000e+00> : vector<64x2xf32>
    %dot_general3A_1408 = tpu.matmul %convert_element_type3A_1406, %concatenate3A_435, %dot_general3A_1407 {dimension_numbers = #tpu.dot_dimension_numbers<[1], [0], [0], [1], [0, 0, 1, 1], [], []>, transpose_lhs_hint = false} : vector<64x1024xbf16>, vector<1024x2xbf16>, vector<64x2xf32> -> vector<64x2xf32>
    %slice3A_1409 = vector.extract_strided_slice %dot_general3A_1408 {offsets = [0, 0], sizes = [64, 1], strides = [1, 1]} : vector<64x2xf32> to vector<64x1xf32>
    %mul3A_1410 = arith.constant 3.200000e+01 : f32
    %mul3A_1411 = vector.broadcast %mul3A_1410 : f32 to vector<64x1xf32>
    %mul3A_1412 = arith.mulf %mul3A_1411, %slice3A_1409 : vector<64x1xf32>
    %slice3A_1413 = vector.extract_strided_slice %dot_general3A_1408 {offsets = [0, 1], sizes = [64, 1], strides = [1, 1]} : vector<64x2xf32> to vector<64x1xf32>
    %add3A_1414 = arith.addf %mul3A_1412, %slice3A_1413 : vector<64x1xf32>
    %round3A_1415 = math.roundeven %add3A_1414 : vector<64x1xf32>
    %convert_element_type3A_1416 = arith.fptosi %round3A_1415 : vector<64x1xf32> to vector<64x1xi32>
    %mul3A_1417 = arith.constant 64 : i32
    %mul3A_1418 = arith.muli %arg0, %mul3A_1417 : i32
    %add3A_1419 = arith.constant 30 : i32
    %add3A_1420 = arith.addi %mul3A_1418, %add3A_1419 : i32
    %mul3A_1421 = arith.constant 1024 : i32
    %mul3A_1422 = arith.muli %add3A_1420, %mul3A_1421 : i32
    %add3A_1423 = vector.broadcast %mul3A_1422 : i32 to vector<64x1xi32>
    %add3A_1424 = arith.addi %convert_element_type3A_1416, %add3A_1423 : vector<64x1xi32>
    %swap3A_1425 = arith.constant 0 : index
    %swap3A_1426 = arith.constant 30 : index
    %swap3A_1427 = vector.load %arg10[%swap3A_1425, %swap3A_1426] : memref<64x64xi32, #tpu.memory_space<vmem>>, vector<64x1xi32>
    tpu.vector_store %arg10[%swap3A_1425, %swap3A_1426], %add3A_1424 {strides = array<i32>} : memref<64x64xi32, #tpu.memory_space<vmem>>, vector<64x1xi32>,
    %slice3A_1428 = vector.extract_strided_slice %select_n3A_330 {offsets = [31, 0], sizes = [1, 1024], strides = [1, 1]} : vector<64x1024xi32> to vector<1x1024xi32>
    %slice3A_1429 = vector.extract_strided_slice %select_n3A_381 {offsets = [0, 31], sizes = [64, 1], strides = [1, 1]} : vector<64x64xi32> to vector<64x1xi32>
    %eq3A_1430 = vector.broadcast %slice3A_1429 : vector<64x1xi32> to vector<64x1024xi32>
    %eq3A_1431 = vector.broadcast %slice3A_1428 : vector<1x1024xi32> to vector<64x1024xi32>
    %eq3A_1432 = arith.cmpi eq, %eq3A_1430, %eq3A_1431 : vector<64x1024xi32>
    %jit3A_1433 = arith.constant 1.000000e+00 : f32
    %jit3A_1434 = arith.constant 0.000000e+00 : f32
    %broadcast_in_dim3A_1435 = vector.broadcast %jit3A_1433 : f32 to vector<64x1024xf32>
    %broadcast_in_dim3A_1436 = vector.broadcast %jit3A_1434 : f32 to vector<64x1024xf32>
    %select_n3A_1437 = arith.select %eq3A_1432, %broadcast_in_dim3A_1435, %broadcast_in_dim3A_1436 : vector<64x1024xi1>, vector<64x1024xf32>
    %convert_element_type3A_1438 = arith.truncf %select_n3A_1437 : vector<64x1024xf32> to vector<64x1024xbf16>
    %dot_general3A_1439 = arith.constant dense<0.000000e+00> : vector<64x2xf32>
    %dot_general3A_1440 = tpu.matmul %convert_element_type3A_1438, %concatenate3A_435, %dot_general3A_1439 {dimension_numbers = #tpu.dot_dimension_numbers<[1], [0], [0], [1], [0, 0, 1, 1], [], []>, transpose_lhs_hint = false} : vector<64x1024xbf16>, vector<1024x2xbf16>, vector<64x2xf32> -> vector<64x2xf32>
    %slice3A_1441 = vector.extract_strided_slice %dot_general3A_1440 {offsets = [0, 0], sizes = [64, 1], strides = [1, 1]} : vector<64x2xf32> to vector<64x1xf32>
    %mul3A_1442 = arith.constant 3.200000e+01 : f32
    %mul3A_1443 = vector.broadcast %mul3A_1442 : f32 to vector<64x1xf32>
    %mul3A_1444 = arith.mulf %mul3A_1443, %slice3A_1441 : vector<64x1xf32>
    %slice3A_1445 = vector.extract_strided_slice %dot_general3A_1440 {offsets = [0, 1], sizes = [64, 1], strides = [1, 1]} : vector<64x2xf32> to vector<64x1xf32>
    %add3A_1446 = arith.addf %mul3A_1444, %slice3A_1445 : vector<64x1xf32>
    %round3A_1447 = math.roundeven %add3A_1446 : vector<64x1xf32>
    %convert_element_type3A_1448 = arith.fptosi %round3A_1447 : vector<64x1xf32> to vector<64x1xi32>
    %mul3A_1449 = arith.constant 64 : i32
    %mul3A_1450 = arith.muli %arg0, %mul3A_1449 : i32
    %add3A_1451 = arith.constant 31 : i32
    %add3A_1452 = arith.addi %mul3A_1450, %add3A_1451 : i32
    %mul3A_1453 = arith.constant 1024 : i32
    %mul3A_1454 = arith.muli %add3A_1452, %mul3A_1453 : i32
    %add3A_1455 = vector.broadcast %mul3A_1454 : i32 to vector<64x1xi32>
    %add3A_1456 = arith.addi %convert_element_type3A_1448, %add3A_1455 : vector<64x1xi32>
    %swap3A_1457 = arith.constant 0 : index
    %swap3A_1458 = arith.constant 31 : index
    %swap3A_1459 = vector.load %arg10[%swap3A_1457, %swap3A_1458] : memref<64x64xi32, #tpu.memory_space<vmem>>, vector<64x1xi32>
    tpu.vector_store %arg10[%swap3A_1457, %swap3A_1458], %add3A_1456 {strides = array<i32>} : memref<64x64xi32, #tpu.memory_space<vmem>>, vector<64x1xi32>,
    %slice3A_1460 = vector.extract_strided_slice %select_n3A_330 {offsets = [32, 0], sizes = [1, 1024], strides = [1, 1]} : vector<64x1024xi32> to vector<1x1024xi32>
    %slice3A_1461 = vector.extract_strided_slice %select_n3A_381 {offsets = [0, 32], sizes = [64, 1], strides = [1, 1]} : vector<64x64xi32> to vector<64x1xi32>
    %eq3A_1462 = vector.broadcast %slice3A_1461 : vector<64x1xi32> to vector<64x1024xi32>
    %eq3A_1463 = vector.broadcast %slice3A_1460 : vector<1x1024xi32> to vector<64x1024xi32>
    %eq3A_1464 = arith.cmpi eq, %eq3A_1462, %eq3A_1463 : vector<64x1024xi32>
    %jit3A_1465 = arith.constant 1.000000e+00 : f32
    %jit3A_1466 = arith.constant 0.000000e+00 : f32
    %broadcast_in_dim3A_1467 = vector.broadcast %jit3A_1465 : f32 to vector<64x1024xf32>
    %broadcast_in_dim3A_1468 = vector.broadcast %jit3A_1466 : f32 to vector<64x1024xf32>
    %select_n3A_1469 = arith.select %eq3A_1464, %broadcast_in_dim3A_1467, %broadcast_in_dim3A_1468 : vector<64x1024xi1>, vector<64x1024xf32>
    %convert_element_type3A_1470 = arith.truncf %select_n3A_1469 : vector<64x1024xf32> to vector<64x1024xbf16>
    %dot_general3A_1471 = arith.constant dense<0.000000e+00> : vector<64x2xf32>
    %dot_general3A_1472 = tpu.matmul %convert_element_type3A_1470, %concatenate3A_435, %dot_general3A_1471 {dimension_numbers = #tpu.dot_dimension_numbers<[1], [0], [0], [1], [0, 0, 1, 1], [], []>, transpose_lhs_hint = false} : vector<64x1024xbf16>, vector<1024x2xbf16>, vector<64x2xf32> -> vector<64x2xf32>
    %slice3A_1473 = vector.extract_strided_slice %dot_general3A_1472 {offsets = [0, 0], sizes = [64, 1], strides = [1, 1]} : vector<64x2xf32> to vector<64x1xf32>
    %mul3A_1474 = arith.constant 3.200000e+01 : f32
    %mul3A_1475 = vector.broadcast %mul3A_1474 : f32 to vector<64x1xf32>
    %mul3A_1476 = arith.mulf %mul3A_1475, %slice3A_1473 : vector<64x1xf32>
    %slice3A_1477 = vector.extract_strided_slice %dot_general3A_1472 {offsets = [0, 1], sizes = [64, 1], strides = [1, 1]} : vector<64x2xf32> to vector<64x1xf32>
    %add3A_1478 = arith.addf %mul3A_1476, %slice3A_1477 : vector<64x1xf32>
    %round3A_1479 = math.roundeven %add3A_1478 : vector<64x1xf32>
    %convert_element_type3A_1480 = arith.fptosi %round3A_1479 : vector<64x1xf32> to vector<64x1xi32>
    %mul3A_1481 = arith.constant 64 : i32
    %mul3A_1482 = arith.muli %arg0, %mul3A_1481 : i32
    %add3A_1483 = arith.constant 32 : i32
    %add3A_1484 = arith.addi %mul3A_1482, %add3A_1483 : i32
    %mul3A_1485 = arith.constant 1024 : i32
    %mul3A_1486 = arith.muli %add3A_1484, %mul3A_1485 : i32
    %add3A_1487 = vector.broadcast %mul3A_1486 : i32 to vector<64x1xi32>
    %add3A_1488 = arith.addi %convert_element_type3A_1480, %add3A_1487 : vector<64x1xi32>
    %swap3A_1489 = arith.constant 0 : index
    %swap3A_1490 = arith.constant 32 : index
    %swap3A_1491 = vector.load %arg10[%swap3A_1489, %swap3A_1490] : memref<64x64xi32, #tpu.memory_space<vmem>>, vector<64x1xi32>
    tpu.vector_store %arg10[%swap3A_1489, %swap3A_1490], %add3A_1488 {strides = array<i32>} : memref<64x64xi32, #tpu.memory_space<vmem>>, vector<64x1xi32>,
    %slice3A_1492 = vector.extract_strided_slice %select_n3A_330 {offsets = [33, 0], sizes = [1, 1024], strides = [1, 1]} : vector<64x1024xi32> to vector<1x1024xi32>
    %slice3A_1493 = vector.extract_strided_slice %select_n3A_381 {offsets = [0, 33], sizes = [64, 1], strides = [1, 1]} : vector<64x64xi32> to vector<64x1xi32>
    %eq3A_1494 = vector.broadcast %slice3A_1493 : vector<64x1xi32> to vector<64x1024xi32>
    %eq3A_1495 = vector.broadcast %slice3A_1492 : vector<1x1024xi32> to vector<64x1024xi32>
    %eq3A_1496 = arith.cmpi eq, %eq3A_1494, %eq3A_1495 : vector<64x1024xi32>
    %jit3A_1497 = arith.constant 1.000000e+00 : f32
    %jit3A_1498 = arith.constant 0.000000e+00 : f32
    %broadcast_in_dim3A_1499 = vector.broadcast %jit3A_1497 : f32 to vector<64x1024xf32>
    %broadcast_in_dim3A_1500 = vector.broadcast %jit3A_1498 : f32 to vector<64x1024xf32>
    %select_n3A_1501 = arith.select %eq3A_1496, %broadcast_in_dim3A_1499, %broadcast_in_dim3A_1500 : vector<64x1024xi1>, vector<64x1024xf32>
    %convert_element_type3A_1502 = arith.truncf %select_n3A_1501 : vector<64x1024xf32> to vector<64x1024xbf16>
    %dot_general3A_1503 = arith.constant dense<0.000000e+00> : vector<64x2xf32>
    %dot_general3A_1504 = tpu.matmul %convert_element_type3A_1502, %concatenate3A_435, %dot_general3A_1503 {dimension_numbers = #tpu.dot_dimension_numbers<[1], [0], [0], [1], [0, 0, 1, 1], [], []>, transpose_lhs_hint = false} : vector<64x1024xbf16>, vector<1024x2xbf16>, vector<64x2xf32> -> vector<64x2xf32>
    %slice3A_1505 = vector.extract_strided_slice %dot_general3A_1504 {offsets = [0, 0], sizes = [64, 1], strides = [1, 1]} : vector<64x2xf32> to vector<64x1xf32>
    %mul3A_1506 = arith.constant 3.200000e+01 : f32
    %mul3A_1507 = vector.broadcast %mul3A_1506 : f32 to vector<64x1xf32>
    %mul3A_1508 = arith.mulf %mul3A_1507, %slice3A_1505 : vector<64x1xf32>
    %slice3A_1509 = vector.extract_strided_slice %dot_general3A_1504 {offsets = [0, 1], sizes = [64, 1], strides = [1, 1]} : vector<64x2xf32> to vector<64x1xf32>
    %add3A_1510 = arith.addf %mul3A_1508, %slice3A_1509 : vector<64x1xf32>
    %round3A_1511 = math.roundeven %add3A_1510 : vector<64x1xf32>
    %convert_element_type3A_1512 = arith.fptosi %round3A_1511 : vector<64x1xf32> to vector<64x1xi32>
    %mul3A_1513 = arith.constant 64 : i32
    %mul3A_1514 = arith.muli %arg0, %mul3A_1513 : i32
    %add3A_1515 = arith.constant 33 : i32
    %add3A_1516 = arith.addi %mul3A_1514, %add3A_1515 : i32
    %mul3A_1517 = arith.constant 1024 : i32
    %mul3A_1518 = arith.muli %add3A_1516, %mul3A_1517 : i32
    %add3A_1519 = vector.broadcast %mul3A_1518 : i32 to vector<64x1xi32>
    %add3A_1520 = arith.addi %convert_element_type3A_1512, %add3A_1519 : vector<64x1xi32>
    %swap3A_1521 = arith.constant 0 : index
    %swap3A_1522 = arith.constant 33 : index
    %swap3A_1523 = vector.load %arg10[%swap3A_1521, %swap3A_1522] : memref<64x64xi32, #tpu.memory_space<vmem>>, vector<64x1xi32>
    tpu.vector_store %arg10[%swap3A_1521, %swap3A_1522], %add3A_1520 {strides = array<i32>} : memref<64x64xi32, #tpu.memory_space<vmem>>, vector<64x1xi32>,
    %slice3A_1524 = vector.extract_strided_slice %select_n3A_330 {offsets = [34, 0], sizes = [1, 1024], strides = [1, 1]} : vector<64x1024xi32> to vector<1x1024xi32>
    %slice3A_1525 = vector.extract_strided_slice %select_n3A_381 {offsets = [0, 34], sizes = [64, 1], strides = [1, 1]} : vector<64x64xi32> to vector<64x1xi32>
    %eq3A_1526 = vector.broadcast %slice3A_1525 : vector<64x1xi32> to vector<64x1024xi32>
    %eq3A_1527 = vector.broadcast %slice3A_1524 : vector<1x1024xi32> to vector<64x1024xi32>
    %eq3A_1528 = arith.cmpi eq, %eq3A_1526, %eq3A_1527 : vector<64x1024xi32>
    %jit3A_1529 = arith.constant 1.000000e+00 : f32
    %jit3A_1530 = arith.constant 0.000000e+00 : f32
    %broadcast_in_dim3A_1531 = vector.broadcast %jit3A_1529 : f32 to vector<64x1024xf32>
    %broadcast_in_dim3A_1532 = vector.broadcast %jit3A_1530 : f32 to vector<64x1024xf32>
    %select_n3A_1533 = arith.select %eq3A_1528, %broadcast_in_dim3A_1531, %broadcast_in_dim3A_1532 : vector<64x1024xi1>, vector<64x1024xf32>
    %convert_element_type3A_1534 = arith.truncf %select_n3A_1533 : vector<64x1024xf32> to vector<64x1024xbf16>
    %dot_general3A_1535 = arith.constant dense<0.000000e+00> : vector<64x2xf32>
    %dot_general3A_1536 = tpu.matmul %convert_element_type3A_1534, %concatenate3A_435, %dot_general3A_1535 {dimension_numbers = #tpu.dot_dimension_numbers<[1], [0], [0], [1], [0, 0, 1, 1], [], []>, transpose_lhs_hint = false} : vector<64x1024xbf16>, vector<1024x2xbf16>, vector<64x2xf32> -> vector<64x2xf32>
    %slice3A_1537 = vector.extract_strided_slice %dot_general3A_1536 {offsets = [0, 0], sizes = [64, 1], strides = [1, 1]} : vector<64x2xf32> to vector<64x1xf32>
    %mul3A_1538 = arith.constant 3.200000e+01 : f32
    %mul3A_1539 = vector.broadcast %mul3A_1538 : f32 to vector<64x1xf32>
    %mul3A_1540 = arith.mulf %mul3A_1539, %slice3A_1537 : vector<64x1xf32>
    %slice3A_1541 = vector.extract_strided_slice %dot_general3A_1536 {offsets = [0, 1], sizes = [64, 1], strides = [1, 1]} : vector<64x2xf32> to vector<64x1xf32>
    %add3A_1542 = arith.addf %mul3A_1540, %slice3A_1541 : vector<64x1xf32>
    %round3A_1543 = math.roundeven %add3A_1542 : vector<64x1xf32>
    %convert_element_type3A_1544 = arith.fptosi %round3A_1543 : vector<64x1xf32> to vector<64x1xi32>
    %mul3A_1545 = arith.constant 64 : i32
    %mul3A_1546 = arith.muli %arg0, %mul3A_1545 : i32
    %add3A_1547 = arith.constant 34 : i32
    %add3A_1548 = arith.addi %mul3A_1546, %add3A_1547 : i32
    %mul3A_1549 = arith.constant 1024 : i32
    %mul3A_1550 = arith.muli %add3A_1548, %mul3A_1549 : i32
    %add3A_1551 = vector.broadcast %mul3A_1550 : i32 to vector<64x1xi32>
    %add3A_1552 = arith.addi %convert_element_type3A_1544, %add3A_1551 : vector<64x1xi32>
    %swap3A_1553 = arith.constant 0 : index
    %swap3A_1554 = arith.constant 34 : index
    %swap3A_1555 = vector.load %arg10[%swap3A_1553, %swap3A_1554] : memref<64x64xi32, #tpu.memory_space<vmem>>, vector<64x1xi32>
    tpu.vector_store %arg10[%swap3A_1553, %swap3A_1554], %add3A_1552 {strides = array<i32>} : memref<64x64xi32, #tpu.memory_space<vmem>>, vector<64x1xi32>,
    %slice3A_1556 = vector.extract_strided_slice %select_n3A_330 {offsets = [35, 0], sizes = [1, 1024], strides = [1, 1]} : vector<64x1024xi32> to vector<1x1024xi32>
    %slice3A_1557 = vector.extract_strided_slice %select_n3A_381 {offsets = [0, 35], sizes = [64, 1], strides = [1, 1]} : vector<64x64xi32> to vector<64x1xi32>
    %eq3A_1558 = vector.broadcast %slice3A_1557 : vector<64x1xi32> to vector<64x1024xi32>
    %eq3A_1559 = vector.broadcast %slice3A_1556 : vector<1x1024xi32> to vector<64x1024xi32>
    %eq3A_1560 = arith.cmpi eq, %eq3A_1558, %eq3A_1559 : vector<64x1024xi32>
    %jit3A_1561 = arith.constant 1.000000e+00 : f32
    %jit3A_1562 = arith.constant 0.000000e+00 : f32
    %broadcast_in_dim3A_1563 = vector.broadcast %jit3A_1561 : f32 to vector<64x1024xf32>
    %broadcast_in_dim3A_1564 = vector.broadcast %jit3A_1562 : f32 to vector<64x1024xf32>
    %select_n3A_1565 = arith.select %eq3A_1560, %broadcast_in_dim3A_1563, %broadcast_in_dim3A_1564 : vector<64x1024xi1>, vector<64x1024xf32>
    %convert_element_type3A_1566 = arith.truncf %select_n3A_1565 : vector<64x1024xf32> to vector<64x1024xbf16>
    %dot_general3A_1567 = arith.constant dense<0.000000e+00> : vector<64x2xf32>
    %dot_general3A_1568 = tpu.matmul %convert_element_type3A_1566, %concatenate3A_435, %dot_general3A_1567 {dimension_numbers = #tpu.dot_dimension_numbers<[1], [0], [0], [1], [0, 0, 1, 1], [], []>, transpose_lhs_hint = false} : vector<64x1024xbf16>, vector<1024x2xbf16>, vector<64x2xf32> -> vector<64x2xf32>
    %slice3A_1569 = vector.extract_strided_slice %dot_general3A_1568 {offsets = [0, 0], sizes = [64, 1], strides = [1, 1]} : vector<64x2xf32> to vector<64x1xf32>
    %mul3A_1570 = arith.constant 3.200000e+01 : f32
    %mul3A_1571 = vector.broadcast %mul3A_1570 : f32 to vector<64x1xf32>
    %mul3A_1572 = arith.mulf %mul3A_1571, %slice3A_1569 : vector<64x1xf32>
    %slice3A_1573 = vector.extract_strided_slice %dot_general3A_1568 {offsets = [0, 1], sizes = [64, 1], strides = [1, 1]} : vector<64x2xf32> to vector<64x1xf32>
    %add3A_1574 = arith.addf %mul3A_1572, %slice3A_1573 : vector<64x1xf32>
    %round3A_1575 = math.roundeven %add3A_1574 : vector<64x1xf32>
    %convert_element_type3A_1576 = arith.fptosi %round3A_1575 : vector<64x1xf32> to vector<64x1xi32>
    %mul3A_1577 = arith.constant 64 : i32
    %mul3A_1578 = arith.muli %arg0, %mul3A_1577 : i32
    %add3A_1579 = arith.constant 35 : i32
    %add3A_1580 = arith.addi %mul3A_1578, %add3A_1579 : i32
    %mul3A_1581 = arith.constant 1024 : i32
    %mul3A_1582 = arith.muli %add3A_1580, %mul3A_1581 : i32
    %add3A_1583 = vector.broadcast %mul3A_1582 : i32 to vector<64x1xi32>
    %add3A_1584 = arith.addi %convert_element_type3A_1576, %add3A_1583 : vector<64x1xi32>
    %swap3A_1585 = arith.constant 0 : index
    %swap3A_1586 = arith.constant 35 : index
    %swap3A_1587 = vector.load %arg10[%swap3A_1585, %swap3A_1586] : memref<64x64xi32, #tpu.memory_space<vmem>>, vector<64x1xi32>
    tpu.vector_store %arg10[%swap3A_1585, %swap3A_1586], %add3A_1584 {strides = array<i32>} : memref<64x64xi32, #tpu.memory_space<vmem>>, vector<64x1xi32>,
    %slice3A_1588 = vector.extract_strided_slice %select_n3A_330 {offsets = [36, 0], sizes = [1, 1024], strides = [1, 1]} : vector<64x1024xi32> to vector<1x1024xi32>
    %slice3A_1589 = vector.extract_strided_slice %select_n3A_381 {offsets = [0, 36], sizes = [64, 1], strides = [1, 1]} : vector<64x64xi32> to vector<64x1xi32>
    %eq3A_1590 = vector.broadcast %slice3A_1589 : vector<64x1xi32> to vector<64x1024xi32>
    %eq3A_1591 = vector.broadcast %slice3A_1588 : vector<1x1024xi32> to vector<64x1024xi32>
    %eq3A_1592 = arith.cmpi eq, %eq3A_1590, %eq3A_1591 : vector<64x1024xi32>
    %jit3A_1593 = arith.constant 1.000000e+00 : f32
    %jit3A_1594 = arith.constant 0.000000e+00 : f32
    %broadcast_in_dim3A_1595 = vector.broadcast %jit3A_1593 : f32 to vector<64x1024xf32>
    %broadcast_in_dim3A_1596 = vector.broadcast %jit3A_1594 : f32 to vector<64x1024xf32>
    %select_n3A_1597 = arith.select %eq3A_1592, %broadcast_in_dim3A_1595, %broadcast_in_dim3A_1596 : vector<64x1024xi1>, vector<64x1024xf32>
    %convert_element_type3A_1598 = arith.truncf %select_n3A_1597 : vector<64x1024xf32> to vector<64x1024xbf16>
    %dot_general3A_1599 = arith.constant dense<0.000000e+00> : vector<64x2xf32>
    %dot_general3A_1600 = tpu.matmul %convert_element_type3A_1598, %concatenate3A_435, %dot_general3A_1599 {dimension_numbers = #tpu.dot_dimension_numbers<[1], [0], [0], [1], [0, 0, 1, 1], [], []>, transpose_lhs_hint = false} : vector<64x1024xbf16>, vector<1024x2xbf16>, vector<64x2xf32> -> vector<64x2xf32>
    %slice3A_1601 = vector.extract_strided_slice %dot_general3A_1600 {offsets = [0, 0], sizes = [64, 1], strides = [1, 1]} : vector<64x2xf32> to vector<64x1xf32>
    %mul3A_1602 = arith.constant 3.200000e+01 : f32
    %mul3A_1603 = vector.broadcast %mul3A_1602 : f32 to vector<64x1xf32>
    %mul3A_1604 = arith.mulf %mul3A_1603, %slice3A_1601 : vector<64x1xf32>
    %slice3A_1605 = vector.extract_strided_slice %dot_general3A_1600 {offsets = [0, 1], sizes = [64, 1], strides = [1, 1]} : vector<64x2xf32> to vector<64x1xf32>
    %add3A_1606 = arith.addf %mul3A_1604, %slice3A_1605 : vector<64x1xf32>
    %round3A_1607 = math.roundeven %add3A_1606 : vector<64x1xf32>
    %convert_element_type3A_1608 = arith.fptosi %round3A_1607 : vector<64x1xf32> to vector<64x1xi32>
    %mul3A_1609 = arith.constant 64 : i32
    %mul3A_1610 = arith.muli %arg0, %mul3A_1609 : i32
    %add3A_1611 = arith.constant 36 : i32
    %add3A_1612 = arith.addi %mul3A_1610, %add3A_1611 : i32
    %mul3A_1613 = arith.constant 1024 : i32
    %mul3A_1614 = arith.muli %add3A_1612, %mul3A_1613 : i32
    %add3A_1615 = vector.broadcast %mul3A_1614 : i32 to vector<64x1xi32>
    %add3A_1616 = arith.addi %convert_element_type3A_1608, %add3A_1615 : vector<64x1xi32>
    %swap3A_1617 = arith.constant 0 : index
    %swap3A_1618 = arith.constant 36 : index
    %swap3A_1619 = vector.load %arg10[%swap3A_1617, %swap3A_1618] : memref<64x64xi32, #tpu.memory_space<vmem>>, vector<64x1xi32>
    tpu.vector_store %arg10[%swap3A_1617, %swap3A_1618], %add3A_1616 {strides = array<i32>} : memref<64x64xi32, #tpu.memory_space<vmem>>, vector<64x1xi32>,
    %slice3A_1620 = vector.extract_strided_slice %select_n3A_330 {offsets = [37, 0], sizes = [1, 1024], strides = [1, 1]} : vector<64x1024xi32> to vector<1x1024xi32>
    %slice3A_1621 = vector.extract_strided_slice %select_n3A_381 {offsets = [0, 37], sizes = [64, 1], strides = [1, 1]} : vector<64x64xi32> to vector<64x1xi32>
    %eq3A_1622 = vector.broadcast %slice3A_1621 : vector<64x1xi32> to vector<64x1024xi32>
    %eq3A_1623 = vector.broadcast %slice3A_1620 : vector<1x1024xi32> to vector<64x1024xi32>
    %eq3A_1624 = arith.cmpi eq, %eq3A_1622, %eq3A_1623 : vector<64x1024xi32>
    %jit3A_1625 = arith.constant 1.000000e+00 : f32
    %jit3A_1626 = arith.constant 0.000000e+00 : f32
    %broadcast_in_dim3A_1627 = vector.broadcast %jit3A_1625 : f32 to vector<64x1024xf32>
    %broadcast_in_dim3A_1628 = vector.broadcast %jit3A_1626 : f32 to vector<64x1024xf32>
    %select_n3A_1629 = arith.select %eq3A_1624, %broadcast_in_dim3A_1627, %broadcast_in_dim3A_1628 : vector<64x1024xi1>, vector<64x1024xf32>
    %convert_element_type3A_1630 = arith.truncf %select_n3A_1629 : vector<64x1024xf32> to vector<64x1024xbf16>
    %dot_general3A_1631 = arith.constant dense<0.000000e+00> : vector<64x2xf32>
    %dot_general3A_1632 = tpu.matmul %convert_element_type3A_1630, %concatenate3A_435, %dot_general3A_1631 {dimension_numbers = #tpu.dot_dimension_numbers<[1], [0], [0], [1], [0, 0, 1, 1], [], []>, transpose_lhs_hint = false} : vector<64x1024xbf16>, vector<1024x2xbf16>, vector<64x2xf32> -> vector<64x2xf32>
    %slice3A_1633 = vector.extract_strided_slice %dot_general3A_1632 {offsets = [0, 0], sizes = [64, 1], strides = [1, 1]} : vector<64x2xf32> to vector<64x1xf32>
    %mul3A_1634 = arith.constant 3.200000e+01 : f32
    %mul3A_1635 = vector.broadcast %mul3A_1634 : f32 to vector<64x1xf32>
    %mul3A_1636 = arith.mulf %mul3A_1635, %slice3A_1633 : vector<64x1xf32>
    %slice3A_1637 = vector.extract_strided_slice %dot_general3A_1632 {offsets = [0, 1], sizes = [64, 1], strides = [1, 1]} : vector<64x2xf32> to vector<64x1xf32>
    %add3A_1638 = arith.addf %mul3A_1636, %slice3A_1637 : vector<64x1xf32>
    %round3A_1639 = math.roundeven %add3A_1638 : vector<64x1xf32>
    %convert_element_type3A_1640 = arith.fptosi %round3A_1639 : vector<64x1xf32> to vector<64x1xi32>
    %mul3A_1641 = arith.constant 64 : i32
    %mul3A_1642 = arith.muli %arg0, %mul3A_1641 : i32
    %add3A_1643 = arith.constant 37 : i32
    %add3A_1644 = arith.addi %mul3A_1642, %add3A_1643 : i32
    %mul3A_1645 = arith.constant 1024 : i32
    %mul3A_1646 = arith.muli %add3A_1644, %mul3A_1645 : i32
    %add3A_1647 = vector.broadcast %mul3A_1646 : i32 to vector<64x1xi32>
    %add3A_1648 = arith.addi %convert_element_type3A_1640, %add3A_1647 : vector<64x1xi32>
    %swap3A_1649 = arith.constant 0 : index
    %swap3A_1650 = arith.constant 37 : index
    %swap3A_1651 = vector.load %arg10[%swap3A_1649, %swap3A_1650] : memref<64x64xi32, #tpu.memory_space<vmem>>, vector<64x1xi32>
    tpu.vector_store %arg10[%swap3A_1649, %swap3A_1650], %add3A_1648 {strides = array<i32>} : memref<64x64xi32, #tpu.memory_space<vmem>>, vector<64x1xi32>,
    %slice3A_1652 = vector.extract_strided_slice %select_n3A_330 {offsets = [38, 0], sizes = [1, 1024], strides = [1, 1]} : vector<64x1024xi32> to vector<1x1024xi32>
    %slice3A_1653 = vector.extract_strided_slice %select_n3A_381 {offsets = [0, 38], sizes = [64, 1], strides = [1, 1]} : vector<64x64xi32> to vector<64x1xi32>
    %eq3A_1654 = vector.broadcast %slice3A_1653 : vector<64x1xi32> to vector<64x1024xi32>
    %eq3A_1655 = vector.broadcast %slice3A_1652 : vector<1x1024xi32> to vector<64x1024xi32>
    %eq3A_1656 = arith.cmpi eq, %eq3A_1654, %eq3A_1655 : vector<64x1024xi32>
    %jit3A_1657 = arith.constant 1.000000e+00 : f32
    %jit3A_1658 = arith.constant 0.000000e+00 : f32
    %broadcast_in_dim3A_1659 = vector.broadcast %jit3A_1657 : f32 to vector<64x1024xf32>
    %broadcast_in_dim3A_1660 = vector.broadcast %jit3A_1658 : f32 to vector<64x1024xf32>
    %select_n3A_1661 = arith.select %eq3A_1656, %broadcast_in_dim3A_1659, %broadcast_in_dim3A_1660 : vector<64x1024xi1>, vector<64x1024xf32>
    %convert_element_type3A_1662 = arith.truncf %select_n3A_1661 : vector<64x1024xf32> to vector<64x1024xbf16>
    %dot_general3A_1663 = arith.constant dense<0.000000e+00> : vector<64x2xf32>
    %dot_general3A_1664 = tpu.matmul %convert_element_type3A_1662, %concatenate3A_435, %dot_general3A_1663 {dimension_numbers = #tpu.dot_dimension_numbers<[1], [0], [0], [1], [0, 0, 1, 1], [], []>, transpose_lhs_hint = false} : vector<64x1024xbf16>, vector<1024x2xbf16>, vector<64x2xf32> -> vector<64x2xf32>
    %slice3A_1665 = vector.extract_strided_slice %dot_general3A_1664 {offsets = [0, 0], sizes = [64, 1], strides = [1, 1]} : vector<64x2xf32> to vector<64x1xf32>
    %mul3A_1666 = arith.constant 3.200000e+01 : f32
    %mul3A_1667 = vector.broadcast %mul3A_1666 : f32 to vector<64x1xf32>
    %mul3A_1668 = arith.mulf %mul3A_1667, %slice3A_1665 : vector<64x1xf32>
    %slice3A_1669 = vector.extract_strided_slice %dot_general3A_1664 {offsets = [0, 1], sizes = [64, 1], strides = [1, 1]} : vector<64x2xf32> to vector<64x1xf32>
    %add3A_1670 = arith.addf %mul3A_1668, %slice3A_1669 : vector<64x1xf32>
    %round3A_1671 = math.roundeven %add3A_1670 : vector<64x1xf32>
    %convert_element_type3A_1672 = arith.fptosi %round3A_1671 : vector<64x1xf32> to vector<64x1xi32>
    %mul3A_1673 = arith.constant 64 : i32
    %mul3A_1674 = arith.muli %arg0, %mul3A_1673 : i32
    %add3A_1675 = arith.constant 38 : i32
    %add3A_1676 = arith.addi %mul3A_1674, %add3A_1675 : i32
    %mul3A_1677 = arith.constant 1024 : i32
    %mul3A_1678 = arith.muli %add3A_1676, %mul3A_1677 : i32
    %add3A_1679 = vector.broadcast %mul3A_1678 : i32 to vector<64x1xi32>
    %add3A_1680 = arith.addi %convert_element_type3A_1672, %add3A_1679 : vector<64x1xi32>
    %swap3A_1681 = arith.constant 0 : index
    %swap3A_1682 = arith.constant 38 : index
    %swap3A_1683 = vector.load %arg10[%swap3A_1681, %swap3A_1682] : memref<64x64xi32, #tpu.memory_space<vmem>>, vector<64x1xi32>
    tpu.vector_store %arg10[%swap3A_1681, %swap3A_1682], %add3A_1680 {strides = array<i32>} : memref<64x64xi32, #tpu.memory_space<vmem>>, vector<64x1xi32>,
    %slice3A_1684 = vector.extract_strided_slice %select_n3A_330 {offsets = [39, 0], sizes = [1, 1024], strides = [1, 1]} : vector<64x1024xi32> to vector<1x1024xi32>
    %slice3A_1685 = vector.extract_strided_slice %select_n3A_381 {offsets = [0, 39], sizes = [64, 1], strides = [1, 1]} : vector<64x64xi32> to vector<64x1xi32>
    %eq3A_1686 = vector.broadcast %slice3A_1685 : vector<64x1xi32> to vector<64x1024xi32>
    %eq3A_1687 = vector.broadcast %slice3A_1684 : vector<1x1024xi32> to vector<64x1024xi32>
    %eq3A_1688 = arith.cmpi eq, %eq3A_1686, %eq3A_1687 : vector<64x1024xi32>
    %jit3A_1689 = arith.constant 1.000000e+00 : f32
    %jit3A_1690 = arith.constant 0.000000e+00 : f32
    %broadcast_in_dim3A_1691 = vector.broadcast %jit3A_1689 : f32 to vector<64x1024xf32>
    %broadcast_in_dim3A_1692 = vector.broadcast %jit3A_1690 : f32 to vector<64x1024xf32>
    %select_n3A_1693 = arith.select %eq3A_1688, %broadcast_in_dim3A_1691, %broadcast_in_dim3A_1692 : vector<64x1024xi1>, vector<64x1024xf32>
    %convert_element_type3A_1694 = arith.truncf %select_n3A_1693 : vector<64x1024xf32> to vector<64x1024xbf16>
    %dot_general3A_1695 = arith.constant dense<0.000000e+00> : vector<64x2xf32>
    %dot_general3A_1696 = tpu.matmul %convert_element_type3A_1694, %concatenate3A_435, %dot_general3A_1695 {dimension_numbers = #tpu.dot_dimension_numbers<[1], [0], [0], [1], [0, 0, 1, 1], [], []>, transpose_lhs_hint = false} : vector<64x1024xbf16>, vector<1024x2xbf16>, vector<64x2xf32> -> vector<64x2xf32>
    %slice3A_1697 = vector.extract_strided_slice %dot_general3A_1696 {offsets = [0, 0], sizes = [64, 1], strides = [1, 1]} : vector<64x2xf32> to vector<64x1xf32>
    %mul3A_1698 = arith.constant 3.200000e+01 : f32
    %mul3A_1699 = vector.broadcast %mul3A_1698 : f32 to vector<64x1xf32>
    %mul3A_1700 = arith.mulf %mul3A_1699, %slice3A_1697 : vector<64x1xf32>
    %slice3A_1701 = vector.extract_strided_slice %dot_general3A_1696 {offsets = [0, 1], sizes = [64, 1], strides = [1, 1]} : vector<64x2xf32> to vector<64x1xf32>
    %add3A_1702 = arith.addf %mul3A_1700, %slice3A_1701 : vector<64x1xf32>
    %round3A_1703 = math.roundeven %add3A_1702 : vector<64x1xf32>
    %convert_element_type3A_1704 = arith.fptosi %round3A_1703 : vector<64x1xf32> to vector<64x1xi32>
    %mul3A_1705 = arith.constant 64 : i32
    %mul3A_1706 = arith.muli %arg0, %mul3A_1705 : i32
    %add3A_1707 = arith.constant 39 : i32
    %add3A_1708 = arith.addi %mul3A_1706, %add3A_1707 : i32
    %mul3A_1709 = arith.constant 1024 : i32
    %mul3A_1710 = arith.muli %add3A_1708, %mul3A_1709 : i32
    %add3A_1711 = vector.broadcast %mul3A_1710 : i32 to vector<64x1xi32>
    %add3A_1712 = arith.addi %convert_element_type3A_1704, %add3A_1711 : vector<64x1xi32>
    %swap3A_1713 = arith.constant 0 : index
    %swap3A_1714 = arith.constant 39 : index
    %swap3A_1715 = vector.load %arg10[%swap3A_1713, %swap3A_1714] : memref<64x64xi32, #tpu.memory_space<vmem>>, vector<64x1xi32>
    tpu.vector_store %arg10[%swap3A_1713, %swap3A_1714], %add3A_1712 {strides = array<i32>} : memref<64x64xi32, #tpu.memory_space<vmem>>, vector<64x1xi32>,
    %slice3A_1716 = vector.extract_strided_slice %select_n3A_330 {offsets = [40, 0], sizes = [1, 1024], strides = [1, 1]} : vector<64x1024xi32> to vector<1x1024xi32>
    %slice3A_1717 = vector.extract_strided_slice %select_n3A_381 {offsets = [0, 40], sizes = [64, 1], strides = [1, 1]} : vector<64x64xi32> to vector<64x1xi32>
    %eq3A_1718 = vector.broadcast %slice3A_1717 : vector<64x1xi32> to vector<64x1024xi32>
    %eq3A_1719 = vector.broadcast %slice3A_1716 : vector<1x1024xi32> to vector<64x1024xi32>
    %eq3A_1720 = arith.cmpi eq, %eq3A_1718, %eq3A_1719 : vector<64x1024xi32>
    %jit3A_1721 = arith.constant 1.000000e+00 : f32
    %jit3A_1722 = arith.constant 0.000000e+00 : f32
    %broadcast_in_dim3A_1723 = vector.broadcast %jit3A_1721 : f32 to vector<64x1024xf32>
    %broadcast_in_dim3A_1724 = vector.broadcast %jit3A_1722 : f32 to vector<64x1024xf32>
    %select_n3A_1725 = arith.select %eq3A_1720, %broadcast_in_dim3A_1723, %broadcast_in_dim3A_1724 : vector<64x1024xi1>, vector<64x1024xf32>
    %convert_element_type3A_1726 = arith.truncf %select_n3A_1725 : vector<64x1024xf32> to vector<64x1024xbf16>
    %dot_general3A_1727 = arith.constant dense<0.000000e+00> : vector<64x2xf32>
    %dot_general3A_1728 = tpu.matmul %convert_element_type3A_1726, %concatenate3A_435, %dot_general3A_1727 {dimension_numbers = #tpu.dot_dimension_numbers<[1], [0], [0], [1], [0, 0, 1, 1], [], []>, transpose_lhs_hint = false} : vector<64x1024xbf16>, vector<1024x2xbf16>, vector<64x2xf32> -> vector<64x2xf32>
    %slice3A_1729 = vector.extract_strided_slice %dot_general3A_1728 {offsets = [0, 0], sizes = [64, 1], strides = [1, 1]} : vector<64x2xf32> to vector<64x1xf32>
    %mul3A_1730 = arith.constant 3.200000e+01 : f32
    %mul3A_1731 = vector.broadcast %mul3A_1730 : f32 to vector<64x1xf32>
    %mul3A_1732 = arith.mulf %mul3A_1731, %slice3A_1729 : vector<64x1xf32>
    %slice3A_1733 = vector.extract_strided_slice %dot_general3A_1728 {offsets = [0, 1], sizes = [64, 1], strides = [1, 1]} : vector<64x2xf32> to vector<64x1xf32>
    %add3A_1734 = arith.addf %mul3A_1732, %slice3A_1733 : vector<64x1xf32>
    %round3A_1735 = math.roundeven %add3A_1734 : vector<64x1xf32>
    %convert_element_type3A_1736 = arith.fptosi %round3A_1735 : vector<64x1xf32> to vector<64x1xi32>
    %mul3A_1737 = arith.constant 64 : i32
    %mul3A_1738 = arith.muli %arg0, %mul3A_1737 : i32
    %add3A_1739 = arith.constant 40 : i32
    %add3A_1740 = arith.addi %mul3A_1738, %add3A_1739 : i32
    %mul3A_1741 = arith.constant 1024 : i32
    %mul3A_1742 = arith.muli %add3A_1740, %mul3A_1741 : i32
    %add3A_1743 = vector.broadcast %mul3A_1742 : i32 to vector<64x1xi32>
    %add3A_1744 = arith.addi %convert_element_type3A_1736, %add3A_1743 : vector<64x1xi32>
    %swap3A_1745 = arith.constant 0 : index
    %swap3A_1746 = arith.constant 40 : index
    %swap3A_1747 = vector.load %arg10[%swap3A_1745, %swap3A_1746] : memref<64x64xi32, #tpu.memory_space<vmem>>, vector<64x1xi32>
    tpu.vector_store %arg10[%swap3A_1745, %swap3A_1746], %add3A_1744 {strides = array<i32>} : memref<64x64xi32, #tpu.memory_space<vmem>>, vector<64x1xi32>,
    %slice3A_1748 = vector.extract_strided_slice %select_n3A_330 {offsets = [41, 0], sizes = [1, 1024], strides = [1, 1]} : vector<64x1024xi32> to vector<1x1024xi32>
    %slice3A_1749 = vector.extract_strided_slice %select_n3A_381 {offsets = [0, 41], sizes = [64, 1], strides = [1, 1]} : vector<64x64xi32> to vector<64x1xi32>
    %eq3A_1750 = vector.broadcast %slice3A_1749 : vector<64x1xi32> to vector<64x1024xi32>
    %eq3A_1751 = vector.broadcast %slice3A_1748 : vector<1x1024xi32> to vector<64x1024xi32>
    %eq3A_1752 = arith.cmpi eq, %eq3A_1750, %eq3A_1751 : vector<64x1024xi32>
    %jit3A_1753 = arith.constant 1.000000e+00 : f32
    %jit3A_1754 = arith.constant 0.000000e+00 : f32
    %broadcast_in_dim3A_1755 = vector.broadcast %jit3A_1753 : f32 to vector<64x1024xf32>
    %broadcast_in_dim3A_1756 = vector.broadcast %jit3A_1754 : f32 to vector<64x1024xf32>
    %select_n3A_1757 = arith.select %eq3A_1752, %broadcast_in_dim3A_1755, %broadcast_in_dim3A_1756 : vector<64x1024xi1>, vector<64x1024xf32>
    %convert_element_type3A_1758 = arith.truncf %select_n3A_1757 : vector<64x1024xf32> to vector<64x1024xbf16>
    %dot_general3A_1759 = arith.constant dense<0.000000e+00> : vector<64x2xf32>
    %dot_general3A_1760 = tpu.matmul %convert_element_type3A_1758, %concatenate3A_435, %dot_general3A_1759 {dimension_numbers = #tpu.dot_dimension_numbers<[1], [0], [0], [1], [0, 0, 1, 1], [], []>, transpose_lhs_hint = false} : vector<64x1024xbf16>, vector<1024x2xbf16>, vector<64x2xf32> -> vector<64x2xf32>
    %slice3A_1761 = vector.extract_strided_slice %dot_general3A_1760 {offsets = [0, 0], sizes = [64, 1], strides = [1, 1]} : vector<64x2xf32> to vector<64x1xf32>
    %mul3A_1762 = arith.constant 3.200000e+01 : f32
    %mul3A_1763 = vector.broadcast %mul3A_1762 : f32 to vector<64x1xf32>
    %mul3A_1764 = arith.mulf %mul3A_1763, %slice3A_1761 : vector<64x1xf32>
    %slice3A_1765 = vector.extract_strided_slice %dot_general3A_1760 {offsets = [0, 1], sizes = [64, 1], strides = [1, 1]} : vector<64x2xf32> to vector<64x1xf32>
    %add3A_1766 = arith.addf %mul3A_1764, %slice3A_1765 : vector<64x1xf32>
    %round3A_1767 = math.roundeven %add3A_1766 : vector<64x1xf32>
    %convert_element_type3A_1768 = arith.fptosi %round3A_1767 : vector<64x1xf32> to vector<64x1xi32>
    %mul3A_1769 = arith.constant 64 : i32
    %mul3A_1770 = arith.muli %arg0, %mul3A_1769 : i32
    %add3A_1771 = arith.constant 41 : i32
    %add3A_1772 = arith.addi %mul3A_1770, %add3A_1771 : i32
    %mul3A_1773 = arith.constant 1024 : i32
    %mul3A_1774 = arith.muli %add3A_1772, %mul3A_1773 : i32
    %add3A_1775 = vector.broadcast %mul3A_1774 : i32 to vector<64x1xi32>
    %add3A_1776 = arith.addi %convert_element_type3A_1768, %add3A_1775 : vector<64x1xi32>
    %swap3A_1777 = arith.constant 0 : index
    %swap3A_1778 = arith.constant 41 : index
    %swap3A_1779 = vector.load %arg10[%swap3A_1777, %swap3A_1778] : memref<64x64xi32, #tpu.memory_space<vmem>>, vector<64x1xi32>
    tpu.vector_store %arg10[%swap3A_1777, %swap3A_1778], %add3A_1776 {strides = array<i32>} : memref<64x64xi32, #tpu.memory_space<vmem>>, vector<64x1xi32>,
    %slice3A_1780 = vector.extract_strided_slice %select_n3A_330 {offsets = [42, 0], sizes = [1, 1024], strides = [1, 1]} : vector<64x1024xi32> to vector<1x1024xi32>
    %slice3A_1781 = vector.extract_strided_slice %select_n3A_381 {offsets = [0, 42], sizes = [64, 1], strides = [1, 1]} : vector<64x64xi32> to vector<64x1xi32>
    %eq3A_1782 = vector.broadcast %slice3A_1781 : vector<64x1xi32> to vector<64x1024xi32>
    %eq3A_1783 = vector.broadcast %slice3A_1780 : vector<1x1024xi32> to vector<64x1024xi32>
    %eq3A_1784 = arith.cmpi eq, %eq3A_1782, %eq3A_1783 : vector<64x1024xi32>
    %jit3A_1785 = arith.constant 1.000000e+00 : f32
    %jit3A_1786 = arith.constant 0.000000e+00 : f32
    %broadcast_in_dim3A_1787 = vector.broadcast %jit3A_1785 : f32 to vector<64x1024xf32>
    %broadcast_in_dim3A_1788 = vector.broadcast %jit3A_1786 : f32 to vector<64x1024xf32>
    %select_n3A_1789 = arith.select %eq3A_1784, %broadcast_in_dim3A_1787, %broadcast_in_dim3A_1788 : vector<64x1024xi1>, vector<64x1024xf32>
    %convert_element_type3A_1790 = arith.truncf %select_n3A_1789 : vector<64x1024xf32> to vector<64x1024xbf16>
    %dot_general3A_1791 = arith.constant dense<0.000000e+00> : vector<64x2xf32>
    %dot_general3A_1792 = tpu.matmul %convert_element_type3A_1790, %concatenate3A_435, %dot_general3A_1791 {dimension_numbers = #tpu.dot_dimension_numbers<[1], [0], [0], [1], [0, 0, 1, 1], [], []>, transpose_lhs_hint = false} : vector<64x1024xbf16>, vector<1024x2xbf16>, vector<64x2xf32> -> vector<64x2xf32>
    %slice3A_1793 = vector.extract_strided_slice %dot_general3A_1792 {offsets = [0, 0], sizes = [64, 1], strides = [1, 1]} : vector<64x2xf32> to vector<64x1xf32>
    %mul3A_1794 = arith.constant 3.200000e+01 : f32
    %mul3A_1795 = vector.broadcast %mul3A_1794 : f32 to vector<64x1xf32>
    %mul3A_1796 = arith.mulf %mul3A_1795, %slice3A_1793 : vector<64x1xf32>
    %slice3A_1797 = vector.extract_strided_slice %dot_general3A_1792 {offsets = [0, 1], sizes = [64, 1], strides = [1, 1]} : vector<64x2xf32> to vector<64x1xf32>
    %add3A_1798 = arith.addf %mul3A_1796, %slice3A_1797 : vector<64x1xf32>
    %round3A_1799 = math.roundeven %add3A_1798 : vector<64x1xf32>
    %convert_element_type3A_1800 = arith.fptosi %round3A_1799 : vector<64x1xf32> to vector<64x1xi32>
    %mul3A_1801 = arith.constant 64 : i32
    %mul3A_1802 = arith.muli %arg0, %mul3A_1801 : i32
    %add3A_1803 = arith.constant 42 : i32
    %add3A_1804 = arith.addi %mul3A_1802, %add3A_1803 : i32
    %mul3A_1805 = arith.constant 1024 : i32
    %mul3A_1806 = arith.muli %add3A_1804, %mul3A_1805 : i32
    %add3A_1807 = vector.broadcast %mul3A_1806 : i32 to vector<64x1xi32>
    %add3A_1808 = arith.addi %convert_element_type3A_1800, %add3A_1807 : vector<64x1xi32>
    %swap3A_1809 = arith.constant 0 : index
    %swap3A_1810 = arith.constant 42 : index
    %swap3A_1811 = vector.load %arg10[%swap3A_1809, %swap3A_1810] : memref<64x64xi32, #tpu.memory_space<vmem>>, vector<64x1xi32>
    tpu.vector_store %arg10[%swap3A_1809, %swap3A_1810], %add3A_1808 {strides = array<i32>} : memref<64x64xi32, #tpu.memory_space<vmem>>, vector<64x1xi32>,
    %slice3A_1812 = vector.extract_strided_slice %select_n3A_330 {offsets = [43, 0], sizes = [1, 1024], strides = [1, 1]} : vector<64x1024xi32> to vector<1x1024xi32>
    %slice3A_1813 = vector.extract_strided_slice %select_n3A_381 {offsets = [0, 43], sizes = [64, 1], strides = [1, 1]} : vector<64x64xi32> to vector<64x1xi32>
    %eq3A_1814 = vector.broadcast %slice3A_1813 : vector<64x1xi32> to vector<64x1024xi32>
    %eq3A_1815 = vector.broadcast %slice3A_1812 : vector<1x1024xi32> to vector<64x1024xi32>
    %eq3A_1816 = arith.cmpi eq, %eq3A_1814, %eq3A_1815 : vector<64x1024xi32>
    %jit3A_1817 = arith.constant 1.000000e+00 : f32
    %jit3A_1818 = arith.constant 0.000000e+00 : f32
    %broadcast_in_dim3A_1819 = vector.broadcast %jit3A_1817 : f32 to vector<64x1024xf32>
    %broadcast_in_dim3A_1820 = vector.broadcast %jit3A_1818 : f32 to vector<64x1024xf32>
    %select_n3A_1821 = arith.select %eq3A_1816, %broadcast_in_dim3A_1819, %broadcast_in_dim3A_1820 : vector<64x1024xi1>, vector<64x1024xf32>
    %convert_element_type3A_1822 = arith.truncf %select_n3A_1821 : vector<64x1024xf32> to vector<64x1024xbf16>
    %dot_general3A_1823 = arith.constant dense<0.000000e+00> : vector<64x2xf32>
    %dot_general3A_1824 = tpu.matmul %convert_element_type3A_1822, %concatenate3A_435, %dot_general3A_1823 {dimension_numbers = #tpu.dot_dimension_numbers<[1], [0], [0], [1], [0, 0, 1, 1], [], []>, transpose_lhs_hint = false} : vector<64x1024xbf16>, vector<1024x2xbf16>, vector<64x2xf32> -> vector<64x2xf32>
    %slice3A_1825 = vector.extract_strided_slice %dot_general3A_1824 {offsets = [0, 0], sizes = [64, 1], strides = [1, 1]} : vector<64x2xf32> to vector<64x1xf32>
    %mul3A_1826 = arith.constant 3.200000e+01 : f32
    %mul3A_1827 = vector.broadcast %mul3A_1826 : f32 to vector<64x1xf32>
    %mul3A_1828 = arith.mulf %mul3A_1827, %slice3A_1825 : vector<64x1xf32>
    %slice3A_1829 = vector.extract_strided_slice %dot_general3A_1824 {offsets = [0, 1], sizes = [64, 1], strides = [1, 1]} : vector<64x2xf32> to vector<64x1xf32>
    %add3A_1830 = arith.addf %mul3A_1828, %slice3A_1829 : vector<64x1xf32>
    %round3A_1831 = math.roundeven %add3A_1830 : vector<64x1xf32>
    %convert_element_type3A_1832 = arith.fptosi %round3A_1831 : vector<64x1xf32> to vector<64x1xi32>
    %mul3A_1833 = arith.constant 64 : i32
    %mul3A_1834 = arith.muli %arg0, %mul3A_1833 : i32
    %add3A_1835 = arith.constant 43 : i32
    %add3A_1836 = arith.addi %mul3A_1834, %add3A_1835 : i32
    %mul3A_1837 = arith.constant 1024 : i32
    %mul3A_1838 = arith.muli %add3A_1836, %mul3A_1837 : i32
    %add3A_1839 = vector.broadcast %mul3A_1838 : i32 to vector<64x1xi32>
    %add3A_1840 = arith.addi %convert_element_type3A_1832, %add3A_1839 : vector<64x1xi32>
    %swap3A_1841 = arith.constant 0 : index
    %swap3A_1842 = arith.constant 43 : index
    %swap3A_1843 = vector.load %arg10[%swap3A_1841, %swap3A_1842] : memref<64x64xi32, #tpu.memory_space<vmem>>, vector<64x1xi32>
    tpu.vector_store %arg10[%swap3A_1841, %swap3A_1842], %add3A_1840 {strides = array<i32>} : memref<64x64xi32, #tpu.memory_space<vmem>>, vector<64x1xi32>,
    %slice3A_1844 = vector.extract_strided_slice %select_n3A_330 {offsets = [44, 0], sizes = [1, 1024], strides = [1, 1]} : vector<64x1024xi32> to vector<1x1024xi32>
    %slice3A_1845 = vector.extract_strided_slice %select_n3A_381 {offsets = [0, 44], sizes = [64, 1], strides = [1, 1]} : vector<64x64xi32> to vector<64x1xi32>
    %eq3A_1846 = vector.broadcast %slice3A_1845 : vector<64x1xi32> to vector<64x1024xi32>
    %eq3A_1847 = vector.broadcast %slice3A_1844 : vector<1x1024xi32> to vector<64x1024xi32>
    %eq3A_1848 = arith.cmpi eq, %eq3A_1846, %eq3A_1847 : vector<64x1024xi32>
    %jit3A_1849 = arith.constant 1.000000e+00 : f32
    %jit3A_1850 = arith.constant 0.000000e+00 : f32
    %broadcast_in_dim3A_1851 = vector.broadcast %jit3A_1849 : f32 to vector<64x1024xf32>
    %broadcast_in_dim3A_1852 = vector.broadcast %jit3A_1850 : f32 to vector<64x1024xf32>
    %select_n3A_1853 = arith.select %eq3A_1848, %broadcast_in_dim3A_1851, %broadcast_in_dim3A_1852 : vector<64x1024xi1>, vector<64x1024xf32>
    %convert_element_type3A_1854 = arith.truncf %select_n3A_1853 : vector<64x1024xf32> to vector<64x1024xbf16>
    %dot_general3A_1855 = arith.constant dense<0.000000e+00> : vector<64x2xf32>
    %dot_general3A_1856 = tpu.matmul %convert_element_type3A_1854, %concatenate3A_435, %dot_general3A_1855 {dimension_numbers = #tpu.dot_dimension_numbers<[1], [0], [0], [1], [0, 0, 1, 1], [], []>, transpose_lhs_hint = false} : vector<64x1024xbf16>, vector<1024x2xbf16>, vector<64x2xf32> -> vector<64x2xf32>
    %slice3A_1857 = vector.extract_strided_slice %dot_general3A_1856 {offsets = [0, 0], sizes = [64, 1], strides = [1, 1]} : vector<64x2xf32> to vector<64x1xf32>
    %mul3A_1858 = arith.constant 3.200000e+01 : f32
    %mul3A_1859 = vector.broadcast %mul3A_1858 : f32 to vector<64x1xf32>
    %mul3A_1860 = arith.mulf %mul3A_1859, %slice3A_1857 : vector<64x1xf32>
    %slice3A_1861 = vector.extract_strided_slice %dot_general3A_1856 {offsets = [0, 1], sizes = [64, 1], strides = [1, 1]} : vector<64x2xf32> to vector<64x1xf32>
    %add3A_1862 = arith.addf %mul3A_1860, %slice3A_1861 : vector<64x1xf32>
    %round3A_1863 = math.roundeven %add3A_1862 : vector<64x1xf32>
    %convert_element_type3A_1864 = arith.fptosi %round3A_1863 : vector<64x1xf32> to vector<64x1xi32>
    %mul3A_1865 = arith.constant 64 : i32
    %mul3A_1866 = arith.muli %arg0, %mul3A_1865 : i32
    %add3A_1867 = arith.constant 44 : i32
    %add3A_1868 = arith.addi %mul3A_1866, %add3A_1867 : i32
    %mul3A_1869 = arith.constant 1024 : i32
    %mul3A_1870 = arith.muli %add3A_1868, %mul3A_1869 : i32
    %add3A_1871 = vector.broadcast %mul3A_1870 : i32 to vector<64x1xi32>
    %add3A_1872 = arith.addi %convert_element_type3A_1864, %add3A_1871 : vector<64x1xi32>
    %swap3A_1873 = arith.constant 0 : index
    %swap3A_1874 = arith.constant 44 : index
    %swap3A_1875 = vector.load %arg10[%swap3A_1873, %swap3A_1874] : memref<64x64xi32, #tpu.memory_space<vmem>>, vector<64x1xi32>
    tpu.vector_store %arg10[%swap3A_1873, %swap3A_1874], %add3A_1872 {strides = array<i32>} : memref<64x64xi32, #tpu.memory_space<vmem>>, vector<64x1xi32>,
    %slice3A_1876 = vector.extract_strided_slice %select_n3A_330 {offsets = [45, 0], sizes = [1, 1024], strides = [1, 1]} : vector<64x1024xi32> to vector<1x1024xi32>
    %slice3A_1877 = vector.extract_strided_slice %select_n3A_381 {offsets = [0, 45], sizes = [64, 1], strides = [1, 1]} : vector<64x64xi32> to vector<64x1xi32>
    %eq3A_1878 = vector.broadcast %slice3A_1877 : vector<64x1xi32> to vector<64x1024xi32>
    %eq3A_1879 = vector.broadcast %slice3A_1876 : vector<1x1024xi32> to vector<64x1024xi32>
    %eq3A_1880 = arith.cmpi eq, %eq3A_1878, %eq3A_1879 : vector<64x1024xi32>
    %jit3A_1881 = arith.constant 1.000000e+00 : f32
    %jit3A_1882 = arith.constant 0.000000e+00 : f32
    %broadcast_in_dim3A_1883 = vector.broadcast %jit3A_1881 : f32 to vector<64x1024xf32>
    %broadcast_in_dim3A_1884 = vector.broadcast %jit3A_1882 : f32 to vector<64x1024xf32>
    %select_n3A_1885 = arith.select %eq3A_1880, %broadcast_in_dim3A_1883, %broadcast_in_dim3A_1884 : vector<64x1024xi1>, vector<64x1024xf32>
    %convert_element_type3A_1886 = arith.truncf %select_n3A_1885 : vector<64x1024xf32> to vector<64x1024xbf16>
    %dot_general3A_1887 = arith.constant dense<0.000000e+00> : vector<64x2xf32>
    %dot_general3A_1888 = tpu.matmul %convert_element_type3A_1886, %concatenate3A_435, %dot_general3A_1887 {dimension_numbers = #tpu.dot_dimension_numbers<[1], [0], [0], [1], [0, 0, 1, 1], [], []>, transpose_lhs_hint = false} : vector<64x1024xbf16>, vector<1024x2xbf16>, vector<64x2xf32> -> vector<64x2xf32>
    %slice3A_1889 = vector.extract_strided_slice %dot_general3A_1888 {offsets = [0, 0], sizes = [64, 1], strides = [1, 1]} : vector<64x2xf32> to vector<64x1xf32>
    %mul3A_1890 = arith.constant 3.200000e+01 : f32
    %mul3A_1891 = vector.broadcast %mul3A_1890 : f32 to vector<64x1xf32>
    %mul3A_1892 = arith.mulf %mul3A_1891, %slice3A_1889 : vector<64x1xf32>
    %slice3A_1893 = vector.extract_strided_slice %dot_general3A_1888 {offsets = [0, 1], sizes = [64, 1], strides = [1, 1]} : vector<64x2xf32> to vector<64x1xf32>
    %add3A_1894 = arith.addf %mul3A_1892, %slice3A_1893 : vector<64x1xf32>
    %round3A_1895 = math.roundeven %add3A_1894 : vector<64x1xf32>
    %convert_element_type3A_1896 = arith.fptosi %round3A_1895 : vector<64x1xf32> to vector<64x1xi32>
    %mul3A_1897 = arith.constant 64 : i32
    %mul3A_1898 = arith.muli %arg0, %mul3A_1897 : i32
    %add3A_1899 = arith.constant 45 : i32
    %add3A_1900 = arith.addi %mul3A_1898, %add3A_1899 : i32
    %mul3A_1901 = arith.constant 1024 : i32
    %mul3A_1902 = arith.muli %add3A_1900, %mul3A_1901 : i32
    %add3A_1903 = vector.broadcast %mul3A_1902 : i32 to vector<64x1xi32>
    %add3A_1904 = arith.addi %convert_element_type3A_1896, %add3A_1903 : vector<64x1xi32>
    %swap3A_1905 = arith.constant 0 : index
    %swap3A_1906 = arith.constant 45 : index
    %swap3A_1907 = vector.load %arg10[%swap3A_1905, %swap3A_1906] : memref<64x64xi32, #tpu.memory_space<vmem>>, vector<64x1xi32>
    tpu.vector_store %arg10[%swap3A_1905, %swap3A_1906], %add3A_1904 {strides = array<i32>} : memref<64x64xi32, #tpu.memory_space<vmem>>, vector<64x1xi32>,
    %slice3A_1908 = vector.extract_strided_slice %select_n3A_330 {offsets = [46, 0], sizes = [1, 1024], strides = [1, 1]} : vector<64x1024xi32> to vector<1x1024xi32>
    %slice3A_1909 = vector.extract_strided_slice %select_n3A_381 {offsets = [0, 46], sizes = [64, 1], strides = [1, 1]} : vector<64x64xi32> to vector<64x1xi32>
    %eq3A_1910 = vector.broadcast %slice3A_1909 : vector<64x1xi32> to vector<64x1024xi32>
    %eq3A_1911 = vector.broadcast %slice3A_1908 : vector<1x1024xi32> to vector<64x1024xi32>
    %eq3A_1912 = arith.cmpi eq, %eq3A_1910, %eq3A_1911 : vector<64x1024xi32>
    %jit3A_1913 = arith.constant 1.000000e+00 : f32
    %jit3A_1914 = arith.constant 0.000000e+00 : f32
    %broadcast_in_dim3A_1915 = vector.broadcast %jit3A_1913 : f32 to vector<64x1024xf32>
    %broadcast_in_dim3A_1916 = vector.broadcast %jit3A_1914 : f32 to vector<64x1024xf32>
    %select_n3A_1917 = arith.select %eq3A_1912, %broadcast_in_dim3A_1915, %broadcast_in_dim3A_1916 : vector<64x1024xi1>, vector<64x1024xf32>
    %convert_element_type3A_1918 = arith.truncf %select_n3A_1917 : vector<64x1024xf32> to vector<64x1024xbf16>
    %dot_general3A_1919 = arith.constant dense<0.000000e+00> : vector<64x2xf32>
    %dot_general3A_1920 = tpu.matmul %convert_element_type3A_1918, %concatenate3A_435, %dot_general3A_1919 {dimension_numbers = #tpu.dot_dimension_numbers<[1], [0], [0], [1], [0, 0, 1, 1], [], []>, transpose_lhs_hint = false} : vector<64x1024xbf16>, vector<1024x2xbf16>, vector<64x2xf32> -> vector<64x2xf32>
    %slice3A_1921 = vector.extract_strided_slice %dot_general3A_1920 {offsets = [0, 0], sizes = [64, 1], strides = [1, 1]} : vector<64x2xf32> to vector<64x1xf32>
    %mul3A_1922 = arith.constant 3.200000e+01 : f32
    %mul3A_1923 = vector.broadcast %mul3A_1922 : f32 to vector<64x1xf32>
    %mul3A_1924 = arith.mulf %mul3A_1923, %slice3A_1921 : vector<64x1xf32>
    %slice3A_1925 = vector.extract_strided_slice %dot_general3A_1920 {offsets = [0, 1], sizes = [64, 1], strides = [1, 1]} : vector<64x2xf32> to vector<64x1xf32>
    %add3A_1926 = arith.addf %mul3A_1924, %slice3A_1925 : vector<64x1xf32>
    %round3A_1927 = math.roundeven %add3A_1926 : vector<64x1xf32>
    %convert_element_type3A_1928 = arith.fptosi %round3A_1927 : vector<64x1xf32> to vector<64x1xi32>
    %mul3A_1929 = arith.constant 64 : i32
    %mul3A_1930 = arith.muli %arg0, %mul3A_1929 : i32
    %add3A_1931 = arith.constant 46 : i32
    %add3A_1932 = arith.addi %mul3A_1930, %add3A_1931 : i32
    %mul3A_1933 = arith.constant 1024 : i32
    %mul3A_1934 = arith.muli %add3A_1932, %mul3A_1933 : i32
    %add3A_1935 = vector.broadcast %mul3A_1934 : i32 to vector<64x1xi32>
    %add3A_1936 = arith.addi %convert_element_type3A_1928, %add3A_1935 : vector<64x1xi32>
    %swap3A_1937 = arith.constant 0 : index
    %swap3A_1938 = arith.constant 46 : index
    %swap3A_1939 = vector.load %arg10[%swap3A_1937, %swap3A_1938] : memref<64x64xi32, #tpu.memory_space<vmem>>, vector<64x1xi32>
    tpu.vector_store %arg10[%swap3A_1937, %swap3A_1938], %add3A_1936 {strides = array<i32>} : memref<64x64xi32, #tpu.memory_space<vmem>>, vector<64x1xi32>,
    %slice3A_1940 = vector.extract_strided_slice %select_n3A_330 {offsets = [47, 0], sizes = [1, 1024], strides = [1, 1]} : vector<64x1024xi32> to vector<1x1024xi32>
    %slice3A_1941 = vector.extract_strided_slice %select_n3A_381 {offsets = [0, 47], sizes = [64, 1], strides = [1, 1]} : vector<64x64xi32> to vector<64x1xi32>
    %eq3A_1942 = vector.broadcast %slice3A_1941 : vector<64x1xi32> to vector<64x1024xi32>
    %eq3A_1943 = vector.broadcast %slice3A_1940 : vector<1x1024xi32> to vector<64x1024xi32>
    %eq3A_1944 = arith.cmpi eq, %eq3A_1942, %eq3A_1943 : vector<64x1024xi32>
    %jit3A_1945 = arith.constant 1.000000e+00 : f32
    %jit3A_1946 = arith.constant 0.000000e+00 : f32
    %broadcast_in_dim3A_1947 = vector.broadcast %jit3A_1945 : f32 to vector<64x1024xf32>
    %broadcast_in_dim3A_1948 = vector.broadcast %jit3A_1946 : f32 to vector<64x1024xf32>
    %select_n3A_1949 = arith.select %eq3A_1944, %broadcast_in_dim3A_1947, %broadcast_in_dim3A_1948 : vector<64x1024xi1>, vector<64x1024xf32>
    %convert_element_type3A_1950 = arith.truncf %select_n3A_1949 : vector<64x1024xf32> to vector<64x1024xbf16>
    %dot_general3A_1951 = arith.constant dense<0.000000e+00> : vector<64x2xf32>
    %dot_general3A_1952 = tpu.matmul %convert_element_type3A_1950, %concatenate3A_435, %dot_general3A_1951 {dimension_numbers = #tpu.dot_dimension_numbers<[1], [0], [0], [1], [0, 0, 1, 1], [], []>, transpose_lhs_hint = false} : vector<64x1024xbf16>, vector<1024x2xbf16>, vector<64x2xf32> -> vector<64x2xf32>
    %slice3A_1953 = vector.extract_strided_slice %dot_general3A_1952 {offsets = [0, 0], sizes = [64, 1], strides = [1, 1]} : vector<64x2xf32> to vector<64x1xf32>
    %mul3A_1954 = arith.constant 3.200000e+01 : f32
    %mul3A_1955 = vector.broadcast %mul3A_1954 : f32 to vector<64x1xf32>
    %mul3A_1956 = arith.mulf %mul3A_1955, %slice3A_1953 : vector<64x1xf32>
    %slice3A_1957 = vector.extract_strided_slice %dot_general3A_1952 {offsets = [0, 1], sizes = [64, 1], strides = [1, 1]} : vector<64x2xf32> to vector<64x1xf32>
    %add3A_1958 = arith.addf %mul3A_1956, %slice3A_1957 : vector<64x1xf32>
    %round3A_1959 = math.roundeven %add3A_1958 : vector<64x1xf32>
    %convert_element_type3A_1960 = arith.fptosi %round3A_1959 : vector<64x1xf32> to vector<64x1xi32>
    %mul3A_1961 = arith.constant 64 : i32
    %mul3A_1962 = arith.muli %arg0, %mul3A_1961 : i32
    %add3A_1963 = arith.constant 47 : i32
    %add3A_1964 = arith.addi %mul3A_1962, %add3A_1963 : i32
    %mul3A_1965 = arith.constant 1024 : i32
    %mul3A_1966 = arith.muli %add3A_1964, %mul3A_1965 : i32
    %add3A_1967 = vector.broadcast %mul3A_1966 : i32 to vector<64x1xi32>
    %add3A_1968 = arith.addi %convert_element_type3A_1960, %add3A_1967 : vector<64x1xi32>
    %swap3A_1969 = arith.constant 0 : index
    %swap3A_1970 = arith.constant 47 : index
    %swap3A_1971 = vector.load %arg10[%swap3A_1969, %swap3A_1970] : memref<64x64xi32, #tpu.memory_space<vmem>>, vector<64x1xi32>
    tpu.vector_store %arg10[%swap3A_1969, %swap3A_1970], %add3A_1968 {strides = array<i32>} : memref<64x64xi32, #tpu.memory_space<vmem>>, vector<64x1xi32>,
    %slice3A_1972 = vector.extract_strided_slice %select_n3A_330 {offsets = [48, 0], sizes = [1, 1024], strides = [1, 1]} : vector<64x1024xi32> to vector<1x1024xi32>
    %slice3A_1973 = vector.extract_strided_slice %select_n3A_381 {offsets = [0, 48], sizes = [64, 1], strides = [1, 1]} : vector<64x64xi32> to vector<64x1xi32>
    %eq3A_1974 = vector.broadcast %slice3A_1973 : vector<64x1xi32> to vector<64x1024xi32>
    %eq3A_1975 = vector.broadcast %slice3A_1972 : vector<1x1024xi32> to vector<64x1024xi32>
    %eq3A_1976 = arith.cmpi eq, %eq3A_1974, %eq3A_1975 : vector<64x1024xi32>
    %jit3A_1977 = arith.constant 1.000000e+00 : f32
    %jit3A_1978 = arith.constant 0.000000e+00 : f32
    %broadcast_in_dim3A_1979 = vector.broadcast %jit3A_1977 : f32 to vector<64x1024xf32>
    %broadcast_in_dim3A_1980 = vector.broadcast %jit3A_1978 : f32 to vector<64x1024xf32>
    %select_n3A_1981 = arith.select %eq3A_1976, %broadcast_in_dim3A_1979, %broadcast_in_dim3A_1980 : vector<64x1024xi1>, vector<64x1024xf32>
    %convert_element_type3A_1982 = arith.truncf %select_n3A_1981 : vector<64x1024xf32> to vector<64x1024xbf16>
    %dot_general3A_1983 = arith.constant dense<0.000000e+00> : vector<64x2xf32>
    %dot_general3A_1984 = tpu.matmul %convert_element_type3A_1982, %concatenate3A_435, %dot_general3A_1983 {dimension_numbers = #tpu.dot_dimension_numbers<[1], [0], [0], [1], [0, 0, 1, 1], [], []>, transpose_lhs_hint = false} : vector<64x1024xbf16>, vector<1024x2xbf16>, vector<64x2xf32> -> vector<64x2xf32>
    %slice3A_1985 = vector.extract_strided_slice %dot_general3A_1984 {offsets = [0, 0], sizes = [64, 1], strides = [1, 1]} : vector<64x2xf32> to vector<64x1xf32>
    %mul3A_1986 = arith.constant 3.200000e+01 : f32
    %mul3A_1987 = vector.broadcast %mul3A_1986 : f32 to vector<64x1xf32>
    %mul3A_1988 = arith.mulf %mul3A_1987, %slice3A_1985 : vector<64x1xf32>
    %slice3A_1989 = vector.extract_strided_slice %dot_general3A_1984 {offsets = [0, 1], sizes = [64, 1], strides = [1, 1]} : vector<64x2xf32> to vector<64x1xf32>
    %add3A_1990 = arith.addf %mul3A_1988, %slice3A_1989 : vector<64x1xf32>
    %round3A_1991 = math.roundeven %add3A_1990 : vector<64x1xf32>
    %convert_element_type3A_1992 = arith.fptosi %round3A_1991 : vector<64x1xf32> to vector<64x1xi32>
    %mul3A_1993 = arith.constant 64 : i32
    %mul3A_1994 = arith.muli %arg0, %mul3A_1993 : i32
    %add3A_1995 = arith.constant 48 : i32
    %add3A_1996 = arith.addi %mul3A_1994, %add3A_1995 : i32
    %mul3A_1997 = arith.constant 1024 : i32
    %mul3A_1998 = arith.muli %add3A_1996, %mul3A_1997 : i32
    %add3A_1999 = vector.broadcast %mul3A_1998 : i32 to vector<64x1xi32>
    %add3A_2000 = arith.addi %convert_element_type3A_1992, %add3A_1999 : vector<64x1xi32>
    %swap3A_2001 = arith.constant 0 : index
    %swap3A_2002 = arith.constant 48 : index
    %swap3A_2003 = vector.load %arg10[%swap3A_2001, %swap3A_2002] : memref<64x64xi32, #tpu.memory_space<vmem>>, vector<64x1xi32>
    tpu.vector_store %arg10[%swap3A_2001, %swap3A_2002], %add3A_2000 {strides = array<i32>} : memref<64x64xi32, #tpu.memory_space<vmem>>, vector<64x1xi32>,
    %slice3A_2004 = vector.extract_strided_slice %select_n3A_330 {offsets = [49, 0], sizes = [1, 1024], strides = [1, 1]} : vector<64x1024xi32> to vector<1x1024xi32>
    %slice3A_2005 = vector.extract_strided_slice %select_n3A_381 {offsets = [0, 49], sizes = [64, 1], strides = [1, 1]} : vector<64x64xi32> to vector<64x1xi32>
    %eq3A_2006 = vector.broadcast %slice3A_2005 : vector<64x1xi32> to vector<64x1024xi32>
    %eq3A_2007 = vector.broadcast %slice3A_2004 : vector<1x1024xi32> to vector<64x1024xi32>
    %eq3A_2008 = arith.cmpi eq, %eq3A_2006, %eq3A_2007 : vector<64x1024xi32>
    %jit3A_2009 = arith.constant 1.000000e+00 : f32
    %jit3A_2010 = arith.constant 0.000000e+00 : f32
    %broadcast_in_dim3A_2011 = vector.broadcast %jit3A_2009 : f32 to vector<64x1024xf32>
    %broadcast_in_dim3A_2012 = vector.broadcast %jit3A_2010 : f32 to vector<64x1024xf32>
    %select_n3A_2013 = arith.select %eq3A_2008, %broadcast_in_dim3A_2011, %broadcast_in_dim3A_2012 : vector<64x1024xi1>, vector<64x1024xf32>
    %convert_element_type3A_2014 = arith.truncf %select_n3A_2013 : vector<64x1024xf32> to vector<64x1024xbf16>
    %dot_general3A_2015 = arith.constant dense<0.000000e+00> : vector<64x2xf32>
    %dot_general3A_2016 = tpu.matmul %convert_element_type3A_2014, %concatenate3A_435, %dot_general3A_2015 {dimension_numbers = #tpu.dot_dimension_numbers<[1], [0], [0], [1], [0, 0, 1, 1], [], []>, transpose_lhs_hint = false} : vector<64x1024xbf16>, vector<1024x2xbf16>, vector<64x2xf32> -> vector<64x2xf32>
    %slice3A_2017 = vector.extract_strided_slice %dot_general3A_2016 {offsets = [0, 0], sizes = [64, 1], strides = [1, 1]} : vector<64x2xf32> to vector<64x1xf32>
    %mul3A_2018 = arith.constant 3.200000e+01 : f32
    %mul3A_2019 = vector.broadcast %mul3A_2018 : f32 to vector<64x1xf32>
    %mul3A_2020 = arith.mulf %mul3A_2019, %slice3A_2017 : vector<64x1xf32>
    %slice3A_2021 = vector.extract_strided_slice %dot_general3A_2016 {offsets = [0, 1], sizes = [64, 1], strides = [1, 1]} : vector<64x2xf32> to vector<64x1xf32>
    %add3A_2022 = arith.addf %mul3A_2020, %slice3A_2021 : vector<64x1xf32>
    %round3A_2023 = math.roundeven %add3A_2022 : vector<64x1xf32>
    %convert_element_type3A_2024 = arith.fptosi %round3A_2023 : vector<64x1xf32> to vector<64x1xi32>
    %mul3A_2025 = arith.constant 64 : i32
    %mul3A_2026 = arith.muli %arg0, %mul3A_2025 : i32
    %add3A_2027 = arith.constant 49 : i32
    %add3A_2028 = arith.addi %mul3A_2026, %add3A_2027 : i32
    %mul3A_2029 = arith.constant 1024 : i32
    %mul3A_2030 = arith.muli %add3A_2028, %mul3A_2029 : i32
    %add3A_2031 = vector.broadcast %mul3A_2030 : i32 to vector<64x1xi32>
    %add3A_2032 = arith.addi %convert_element_type3A_2024, %add3A_2031 : vector<64x1xi32>
    %swap3A_2033 = arith.constant 0 : index
    %swap3A_2034 = arith.constant 49 : index
    %swap3A_2035 = vector.load %arg10[%swap3A_2033, %swap3A_2034] : memref<64x64xi32, #tpu.memory_space<vmem>>, vector<64x1xi32>
    tpu.vector_store %arg10[%swap3A_2033, %swap3A_2034], %add3A_2032 {strides = array<i32>} : memref<64x64xi32, #tpu.memory_space<vmem>>, vector<64x1xi32>,
    %slice3A_2036 = vector.extract_strided_slice %select_n3A_330 {offsets = [50, 0], sizes = [1, 1024], strides = [1, 1]} : vector<64x1024xi32> to vector<1x1024xi32>
    %slice3A_2037 = vector.extract_strided_slice %select_n3A_381 {offsets = [0, 50], sizes = [64, 1], strides = [1, 1]} : vector<64x64xi32> to vector<64x1xi32>
    %eq3A_2038 = vector.broadcast %slice3A_2037 : vector<64x1xi32> to vector<64x1024xi32>
    %eq3A_2039 = vector.broadcast %slice3A_2036 : vector<1x1024xi32> to vector<64x1024xi32>
    %eq3A_2040 = arith.cmpi eq, %eq3A_2038, %eq3A_2039 : vector<64x1024xi32>
    %jit3A_2041 = arith.constant 1.000000e+00 : f32
    %jit3A_2042 = arith.constant 0.000000e+00 : f32
    %broadcast_in_dim3A_2043 = vector.broadcast %jit3A_2041 : f32 to vector<64x1024xf32>
    %broadcast_in_dim3A_2044 = vector.broadcast %jit3A_2042 : f32 to vector<64x1024xf32>
    %select_n3A_2045 = arith.select %eq3A_2040, %broadcast_in_dim3A_2043, %broadcast_in_dim3A_2044 : vector<64x1024xi1>, vector<64x1024xf32>
    %convert_element_type3A_2046 = arith.truncf %select_n3A_2045 : vector<64x1024xf32> to vector<64x1024xbf16>
    %dot_general3A_2047 = arith.constant dense<0.000000e+00> : vector<64x2xf32>
    %dot_general3A_2048 = tpu.matmul %convert_element_type3A_2046, %concatenate3A_435, %dot_general3A_2047 {dimension_numbers = #tpu.dot_dimension_numbers<[1], [0], [0], [1], [0, 0, 1, 1], [], []>, transpose_lhs_hint = false} : vector<64x1024xbf16>, vector<1024x2xbf16>, vector<64x2xf32> -> vector<64x2xf32>
    %slice3A_2049 = vector.extract_strided_slice %dot_general3A_2048 {offsets = [0, 0], sizes = [64, 1], strides = [1, 1]} : vector<64x2xf32> to vector<64x1xf32>
    %mul3A_2050 = arith.constant 3.200000e+01 : f32
    %mul3A_2051 = vector.broadcast %mul3A_2050 : f32 to vector<64x1xf32>
    %mul3A_2052 = arith.mulf %mul3A_2051, %slice3A_2049 : vector<64x1xf32>
    %slice3A_2053 = vector.extract_strided_slice %dot_general3A_2048 {offsets = [0, 1], sizes = [64, 1], strides = [1, 1]} : vector<64x2xf32> to vector<64x1xf32>
    %add3A_2054 = arith.addf %mul3A_2052, %slice3A_2053 : vector<64x1xf32>
    %round3A_2055 = math.roundeven %add3A_2054 : vector<64x1xf32>
    %convert_element_type3A_2056 = arith.fptosi %round3A_2055 : vector<64x1xf32> to vector<64x1xi32>
    %mul3A_2057 = arith.constant 64 : i32
    %mul3A_2058 = arith.muli %arg0, %mul3A_2057 : i32
    %add3A_2059 = arith.constant 50 : i32
    %add3A_2060 = arith.addi %mul3A_2058, %add3A_2059 : i32
    %mul3A_2061 = arith.constant 1024 : i32
    %mul3A_2062 = arith.muli %add3A_2060, %mul3A_2061 : i32
    %add3A_2063 = vector.broadcast %mul3A_2062 : i32 to vector<64x1xi32>
    %add3A_2064 = arith.addi %convert_element_type3A_2056, %add3A_2063 : vector<64x1xi32>
    %swap3A_2065 = arith.constant 0 : index
    %swap3A_2066 = arith.constant 50 : index
    %swap3A_2067 = vector.load %arg10[%swap3A_2065, %swap3A_2066] : memref<64x64xi32, #tpu.memory_space<vmem>>, vector<64x1xi32>
    tpu.vector_store %arg10[%swap3A_2065, %swap3A_2066], %add3A_2064 {strides = array<i32>} : memref<64x64xi32, #tpu.memory_space<vmem>>, vector<64x1xi32>,
    %slice3A_2068 = vector.extract_strided_slice %select_n3A_330 {offsets = [51, 0], sizes = [1, 1024], strides = [1, 1]} : vector<64x1024xi32> to vector<1x1024xi32>
    %slice3A_2069 = vector.extract_strided_slice %select_n3A_381 {offsets = [0, 51], sizes = [64, 1], strides = [1, 1]} : vector<64x64xi32> to vector<64x1xi32>
    %eq3A_2070 = vector.broadcast %slice3A_2069 : vector<64x1xi32> to vector<64x1024xi32>
    %eq3A_2071 = vector.broadcast %slice3A_2068 : vector<1x1024xi32> to vector<64x1024xi32>
    %eq3A_2072 = arith.cmpi eq, %eq3A_2070, %eq3A_2071 : vector<64x1024xi32>
    %jit3A_2073 = arith.constant 1.000000e+00 : f32
    %jit3A_2074 = arith.constant 0.000000e+00 : f32
    %broadcast_in_dim3A_2075 = vector.broadcast %jit3A_2073 : f32 to vector<64x1024xf32>
    %broadcast_in_dim3A_2076 = vector.broadcast %jit3A_2074 : f32 to vector<64x1024xf32>
    %select_n3A_2077 = arith.select %eq3A_2072, %broadcast_in_dim3A_2075, %broadcast_in_dim3A_2076 : vector<64x1024xi1>, vector<64x1024xf32>
    %convert_element_type3A_2078 = arith.truncf %select_n3A_2077 : vector<64x1024xf32> to vector<64x1024xbf16>
    %dot_general3A_2079 = arith.constant dense<0.000000e+00> : vector<64x2xf32>
    %dot_general3A_2080 = tpu.matmul %convert_element_type3A_2078, %concatenate3A_435, %dot_general3A_2079 {dimension_numbers = #tpu.dot_dimension_numbers<[1], [0], [0], [1], [0, 0, 1, 1], [], []>, transpose_lhs_hint = false} : vector<64x1024xbf16>, vector<1024x2xbf16>, vector<64x2xf32> -> vector<64x2xf32>
    %slice3A_2081 = vector.extract_strided_slice %dot_general3A_2080 {offsets = [0, 0], sizes = [64, 1], strides = [1, 1]} : vector<64x2xf32> to vector<64x1xf32>
    %mul3A_2082 = arith.constant 3.200000e+01 : f32
    %mul3A_2083 = vector.broadcast %mul3A_2082 : f32 to vector<64x1xf32>
    %mul3A_2084 = arith.mulf %mul3A_2083, %slice3A_2081 : vector<64x1xf32>
    %slice3A_2085 = vector.extract_strided_slice %dot_general3A_2080 {offsets = [0, 1], sizes = [64, 1], strides = [1, 1]} : vector<64x2xf32> to vector<64x1xf32>
    %add3A_2086 = arith.addf %mul3A_2084, %slice3A_2085 : vector<64x1xf32>
    %round3A_2087 = math.roundeven %add3A_2086 : vector<64x1xf32>
    %convert_element_type3A_2088 = arith.fptosi %round3A_2087 : vector<64x1xf32> to vector<64x1xi32>
    %mul3A_2089 = arith.constant 64 : i32
    %mul3A_2090 = arith.muli %arg0, %mul3A_2089 : i32
    %add3A_2091 = arith.constant 51 : i32
    %add3A_2092 = arith.addi %mul3A_2090, %add3A_2091 : i32
    %mul3A_2093 = arith.constant 1024 : i32
    %mul3A_2094 = arith.muli %add3A_2092, %mul3A_2093 : i32
    %add3A_2095 = vector.broadcast %mul3A_2094 : i32 to vector<64x1xi32>
    %add3A_2096 = arith.addi %convert_element_type3A_2088, %add3A_2095 : vector<64x1xi32>
    %swap3A_2097 = arith.constant 0 : index
    %swap3A_2098 = arith.constant 51 : index
    %swap3A_2099 = vector.load %arg10[%swap3A_2097, %swap3A_2098] : memref<64x64xi32, #tpu.memory_space<vmem>>, vector<64x1xi32>
    tpu.vector_store %arg10[%swap3A_2097, %swap3A_2098], %add3A_2096 {strides = array<i32>} : memref<64x64xi32, #tpu.memory_space<vmem>>, vector<64x1xi32>,
    %slice3A_2100 = vector.extract_strided_slice %select_n3A_330 {offsets = [52, 0], sizes = [1, 1024], strides = [1, 1]} : vector<64x1024xi32> to vector<1x1024xi32>
    %slice3A_2101 = vector.extract_strided_slice %select_n3A_381 {offsets = [0, 52], sizes = [64, 1], strides = [1, 1]} : vector<64x64xi32> to vector<64x1xi32>
    %eq3A_2102 = vector.broadcast %slice3A_2101 : vector<64x1xi32> to vector<64x1024xi32>
    %eq3A_2103 = vector.broadcast %slice3A_2100 : vector<1x1024xi32> to vector<64x1024xi32>
    %eq3A_2104 = arith.cmpi eq, %eq3A_2102, %eq3A_2103 : vector<64x1024xi32>
    %jit3A_2105 = arith.constant 1.000000e+00 : f32
    %jit3A_2106 = arith.constant 0.000000e+00 : f32
    %broadcast_in_dim3A_2107 = vector.broadcast %jit3A_2105 : f32 to vector<64x1024xf32>
    %broadcast_in_dim3A_2108 = vector.broadcast %jit3A_2106 : f32 to vector<64x1024xf32>
    %select_n3A_2109 = arith.select %eq3A_2104, %broadcast_in_dim3A_2107, %broadcast_in_dim3A_2108 : vector<64x1024xi1>, vector<64x1024xf32>
    %convert_element_type3A_2110 = arith.truncf %select_n3A_2109 : vector<64x1024xf32> to vector<64x1024xbf16>
    %dot_general3A_2111 = arith.constant dense<0.000000e+00> : vector<64x2xf32>
    %dot_general3A_2112 = tpu.matmul %convert_element_type3A_2110, %concatenate3A_435, %dot_general3A_2111 {dimension_numbers = #tpu.dot_dimension_numbers<[1], [0], [0], [1], [0, 0, 1, 1], [], []>, transpose_lhs_hint = false} : vector<64x1024xbf16>, vector<1024x2xbf16>, vector<64x2xf32> -> vector<64x2xf32>
    %slice3A_2113 = vector.extract_strided_slice %dot_general3A_2112 {offsets = [0, 0], sizes = [64, 1], strides = [1, 1]} : vector<64x2xf32> to vector<64x1xf32>
    %mul3A_2114 = arith.constant 3.200000e+01 : f32
    %mul3A_2115 = vector.broadcast %mul3A_2114 : f32 to vector<64x1xf32>
    %mul3A_2116 = arith.mulf %mul3A_2115, %slice3A_2113 : vector<64x1xf32>
    %slice3A_2117 = vector.extract_strided_slice %dot_general3A_2112 {offsets = [0, 1], sizes = [64, 1], strides = [1, 1]} : vector<64x2xf32> to vector<64x1xf32>
    %add3A_2118 = arith.addf %mul3A_2116, %slice3A_2117 : vector<64x1xf32>
    %round3A_2119 = math.roundeven %add3A_2118 : vector<64x1xf32>
    %convert_element_type3A_2120 = arith.fptosi %round3A_2119 : vector<64x1xf32> to vector<64x1xi32>
    %mul3A_2121 = arith.constant 64 : i32
    %mul3A_2122 = arith.muli %arg0, %mul3A_2121 : i32
    %add3A_2123 = arith.constant 52 : i32
    %add3A_2124 = arith.addi %mul3A_2122, %add3A_2123 : i32
    %mul3A_2125 = arith.constant 1024 : i32
    %mul3A_2126 = arith.muli %add3A_2124, %mul3A_2125 : i32
    %add3A_2127 = vector.broadcast %mul3A_2126 : i32 to vector<64x1xi32>
    %add3A_2128 = arith.addi %convert_element_type3A_2120, %add3A_2127 : vector<64x1xi32>
    %swap3A_2129 = arith.constant 0 : index
    %swap3A_2130 = arith.constant 52 : index
    %swap3A_2131 = vector.load %arg10[%swap3A_2129, %swap3A_2130] : memref<64x64xi32, #tpu.memory_space<vmem>>, vector<64x1xi32>
    tpu.vector_store %arg10[%swap3A_2129, %swap3A_2130], %add3A_2128 {strides = array<i32>} : memref<64x64xi32, #tpu.memory_space<vmem>>, vector<64x1xi32>,
    %slice3A_2132 = vector.extract_strided_slice %select_n3A_330 {offsets = [53, 0], sizes = [1, 1024], strides = [1, 1]} : vector<64x1024xi32> to vector<1x1024xi32>
    %slice3A_2133 = vector.extract_strided_slice %select_n3A_381 {offsets = [0, 53], sizes = [64, 1], strides = [1, 1]} : vector<64x64xi32> to vector<64x1xi32>
    %eq3A_2134 = vector.broadcast %slice3A_2133 : vector<64x1xi32> to vector<64x1024xi32>
    %eq3A_2135 = vector.broadcast %slice3A_2132 : vector<1x1024xi32> to vector<64x1024xi32>
    %eq3A_2136 = arith.cmpi eq, %eq3A_2134, %eq3A_2135 : vector<64x1024xi32>
    %jit3A_2137 = arith.constant 1.000000e+00 : f32
    %jit3A_2138 = arith.constant 0.000000e+00 : f32
    %broadcast_in_dim3A_2139 = vector.broadcast %jit3A_2137 : f32 to vector<64x1024xf32>
    %broadcast_in_dim3A_2140 = vector.broadcast %jit3A_2138 : f32 to vector<64x1024xf32>
    %select_n3A_2141 = arith.select %eq3A_2136, %broadcast_in_dim3A_2139, %broadcast_in_dim3A_2140 : vector<64x1024xi1>, vector<64x1024xf32>
    %convert_element_type3A_2142 = arith.truncf %select_n3A_2141 : vector<64x1024xf32> to vector<64x1024xbf16>
    %dot_general3A_2143 = arith.constant dense<0.000000e+00> : vector<64x2xf32>
    %dot_general3A_2144 = tpu.matmul %convert_element_type3A_2142, %concatenate3A_435, %dot_general3A_2143 {dimension_numbers = #tpu.dot_dimension_numbers<[1], [0], [0], [1], [0, 0, 1, 1], [], []>, transpose_lhs_hint = false} : vector<64x1024xbf16>, vector<1024x2xbf16>, vector<64x2xf32> -> vector<64x2xf32>
    %slice3A_2145 = vector.extract_strided_slice %dot_general3A_2144 {offsets = [0, 0], sizes = [64, 1], strides = [1, 1]} : vector<64x2xf32> to vector<64x1xf32>
    %mul3A_2146 = arith.constant 3.200000e+01 : f32
    %mul3A_2147 = vector.broadcast %mul3A_2146 : f32 to vector<64x1xf32>
    %mul3A_2148 = arith.mulf %mul3A_2147, %slice3A_2145 : vector<64x1xf32>
    %slice3A_2149 = vector.extract_strided_slice %dot_general3A_2144 {offsets = [0, 1], sizes = [64, 1], strides = [1, 1]} : vector<64x2xf32> to vector<64x1xf32>
    %add3A_2150 = arith.addf %mul3A_2148, %slice3A_2149 : vector<64x1xf32>
    %round3A_2151 = math.roundeven %add3A_2150 : vector<64x1xf32>
    %convert_element_type3A_2152 = arith.fptosi %round3A_2151 : vector<64x1xf32> to vector<64x1xi32>
    %mul3A_2153 = arith.constant 64 : i32
    %mul3A_2154 = arith.muli %arg0, %mul3A_2153 : i32
    %add3A_2155 = arith.constant 53 : i32
    %add3A_2156 = arith.addi %mul3A_2154, %add3A_2155 : i32
    %mul3A_2157 = arith.constant 1024 : i32
    %mul3A_2158 = arith.muli %add3A_2156, %mul3A_2157 : i32
    %add3A_2159 = vector.broadcast %mul3A_2158 : i32 to vector<64x1xi32>
    %add3A_2160 = arith.addi %convert_element_type3A_2152, %add3A_2159 : vector<64x1xi32>
    %swap3A_2161 = arith.constant 0 : index
    %swap3A_2162 = arith.constant 53 : index
    %swap3A_2163 = vector.load %arg10[%swap3A_2161, %swap3A_2162] : memref<64x64xi32, #tpu.memory_space<vmem>>, vector<64x1xi32>
    tpu.vector_store %arg10[%swap3A_2161, %swap3A_2162], %add3A_2160 {strides = array<i32>} : memref<64x64xi32, #tpu.memory_space<vmem>>, vector<64x1xi32>,
    %slice3A_2164 = vector.extract_strided_slice %select_n3A_330 {offsets = [54, 0], sizes = [1, 1024], strides = [1, 1]} : vector<64x1024xi32> to vector<1x1024xi32>
    %slice3A_2165 = vector.extract_strided_slice %select_n3A_381 {offsets = [0, 54], sizes = [64, 1], strides = [1, 1]} : vector<64x64xi32> to vector<64x1xi32>
    %eq3A_2166 = vector.broadcast %slice3A_2165 : vector<64x1xi32> to vector<64x1024xi32>
    %eq3A_2167 = vector.broadcast %slice3A_2164 : vector<1x1024xi32> to vector<64x1024xi32>
    %eq3A_2168 = arith.cmpi eq, %eq3A_2166, %eq3A_2167 : vector<64x1024xi32>
    %jit3A_2169 = arith.constant 1.000000e+00 : f32
    %jit3A_2170 = arith.constant 0.000000e+00 : f32
    %broadcast_in_dim3A_2171 = vector.broadcast %jit3A_2169 : f32 to vector<64x1024xf32>
    %broadcast_in_dim3A_2172 = vector.broadcast %jit3A_2170 : f32 to vector<64x1024xf32>
    %select_n3A_2173 = arith.select %eq3A_2168, %broadcast_in_dim3A_2171, %broadcast_in_dim3A_2172 : vector<64x1024xi1>, vector<64x1024xf32>
    %convert_element_type3A_2174 = arith.truncf %select_n3A_2173 : vector<64x1024xf32> to vector<64x1024xbf16>
    %dot_general3A_2175 = arith.constant dense<0.000000e+00> : vector<64x2xf32>
    %dot_general3A_2176 = tpu.matmul %convert_element_type3A_2174, %concatenate3A_435, %dot_general3A_2175 {dimension_numbers = #tpu.dot_dimension_numbers<[1], [0], [0], [1], [0, 0, 1, 1], [], []>, transpose_lhs_hint = false} : vector<64x1024xbf16>, vector<1024x2xbf16>, vector<64x2xf32> -> vector<64x2xf32>
    %slice3A_2177 = vector.extract_strided_slice %dot_general3A_2176 {offsets = [0, 0], sizes = [64, 1], strides = [1, 1]} : vector<64x2xf32> to vector<64x1xf32>
    %mul3A_2178 = arith.constant 3.200000e+01 : f32
    %mul3A_2179 = vector.broadcast %mul3A_2178 : f32 to vector<64x1xf32>
    %mul3A_2180 = arith.mulf %mul3A_2179, %slice3A_2177 : vector<64x1xf32>
    %slice3A_2181 = vector.extract_strided_slice %dot_general3A_2176 {offsets = [0, 1], sizes = [64, 1], strides = [1, 1]} : vector<64x2xf32> to vector<64x1xf32>
    %add3A_2182 = arith.addf %mul3A_2180, %slice3A_2181 : vector<64x1xf32>
    %round3A_2183 = math.roundeven %add3A_2182 : vector<64x1xf32>
    %convert_element_type3A_2184 = arith.fptosi %round3A_2183 : vector<64x1xf32> to vector<64x1xi32>
    %mul3A_2185 = arith.constant 64 : i32
    %mul3A_2186 = arith.muli %arg0, %mul3A_2185 : i32
    %add3A_2187 = arith.constant 54 : i32
    %add3A_2188 = arith.addi %mul3A_2186, %add3A_2187 : i32
    %mul3A_2189 = arith.constant 1024 : i32
    %mul3A_2190 = arith.muli %add3A_2188, %mul3A_2189 : i32
    %add3A_2191 = vector.broadcast %mul3A_2190 : i32 to vector<64x1xi32>
    %add3A_2192 = arith.addi %convert_element_type3A_2184, %add3A_2191 : vector<64x1xi32>
    %swap3A_2193 = arith.constant 0 : index
    %swap3A_2194 = arith.constant 54 : index
    %swap3A_2195 = vector.load %arg10[%swap3A_2193, %swap3A_2194] : memref<64x64xi32, #tpu.memory_space<vmem>>, vector<64x1xi32>
    tpu.vector_store %arg10[%swap3A_2193, %swap3A_2194], %add3A_2192 {strides = array<i32>} : memref<64x64xi32, #tpu.memory_space<vmem>>, vector<64x1xi32>,
    %slice3A_2196 = vector.extract_strided_slice %select_n3A_330 {offsets = [55, 0], sizes = [1, 1024], strides = [1, 1]} : vector<64x1024xi32> to vector<1x1024xi32>
    %slice3A_2197 = vector.extract_strided_slice %select_n3A_381 {offsets = [0, 55], sizes = [64, 1], strides = [1, 1]} : vector<64x64xi32> to vector<64x1xi32>
    %eq3A_2198 = vector.broadcast %slice3A_2197 : vector<64x1xi32> to vector<64x1024xi32>
    %eq3A_2199 = vector.broadcast %slice3A_2196 : vector<1x1024xi32> to vector<64x1024xi32>
    %eq3A_2200 = arith.cmpi eq, %eq3A_2198, %eq3A_2199 : vector<64x1024xi32>
    %jit3A_2201 = arith.constant 1.000000e+00 : f32
    %jit3A_2202 = arith.constant 0.000000e+00 : f32
    %broadcast_in_dim3A_2203 = vector.broadcast %jit3A_2201 : f32 to vector<64x1024xf32>
    %broadcast_in_dim3A_2204 = vector.broadcast %jit3A_2202 : f32 to vector<64x1024xf32>
    %select_n3A_2205 = arith.select %eq3A_2200, %broadcast_in_dim3A_2203, %broadcast_in_dim3A_2204 : vector<64x1024xi1>, vector<64x1024xf32>
    %convert_element_type3A_2206 = arith.truncf %select_n3A_2205 : vector<64x1024xf32> to vector<64x1024xbf16>
    %dot_general3A_2207 = arith.constant dense<0.000000e+00> : vector<64x2xf32>
    %dot_general3A_2208 = tpu.matmul %convert_element_type3A_2206, %concatenate3A_435, %dot_general3A_2207 {dimension_numbers = #tpu.dot_dimension_numbers<[1], [0], [0], [1], [0, 0, 1, 1], [], []>, transpose_lhs_hint = false} : vector<64x1024xbf16>, vector<1024x2xbf16>, vector<64x2xf32> -> vector<64x2xf32>
    %slice3A_2209 = vector.extract_strided_slice %dot_general3A_2208 {offsets = [0, 0], sizes = [64, 1], strides = [1, 1]} : vector<64x2xf32> to vector<64x1xf32>
    %mul3A_2210 = arith.constant 3.200000e+01 : f32
    %mul3A_2211 = vector.broadcast %mul3A_2210 : f32 to vector<64x1xf32>
    %mul3A_2212 = arith.mulf %mul3A_2211, %slice3A_2209 : vector<64x1xf32>
    %slice3A_2213 = vector.extract_strided_slice %dot_general3A_2208 {offsets = [0, 1], sizes = [64, 1], strides = [1, 1]} : vector<64x2xf32> to vector<64x1xf32>
    %add3A_2214 = arith.addf %mul3A_2212, %slice3A_2213 : vector<64x1xf32>
    %round3A_2215 = math.roundeven %add3A_2214 : vector<64x1xf32>
    %convert_element_type3A_2216 = arith.fptosi %round3A_2215 : vector<64x1xf32> to vector<64x1xi32>
    %mul3A_2217 = arith.constant 64 : i32
    %mul3A_2218 = arith.muli %arg0, %mul3A_2217 : i32
    %add3A_2219 = arith.constant 55 : i32
    %add3A_2220 = arith.addi %mul3A_2218, %add3A_2219 : i32
    %mul3A_2221 = arith.constant 1024 : i32
    %mul3A_2222 = arith.muli %add3A_2220, %mul3A_2221 : i32
    %add3A_2223 = vector.broadcast %mul3A_2222 : i32 to vector<64x1xi32>
    %add3A_2224 = arith.addi %convert_element_type3A_2216, %add3A_2223 : vector<64x1xi32>
    %swap3A_2225 = arith.constant 0 : index
    %swap3A_2226 = arith.constant 55 : index
    %swap3A_2227 = vector.load %arg10[%swap3A_2225, %swap3A_2226] : memref<64x64xi32, #tpu.memory_space<vmem>>, vector<64x1xi32>
    tpu.vector_store %arg10[%swap3A_2225, %swap3A_2226], %add3A_2224 {strides = array<i32>} : memref<64x64xi32, #tpu.memory_space<vmem>>, vector<64x1xi32>,
    %slice3A_2228 = vector.extract_strided_slice %select_n3A_330 {offsets = [56, 0], sizes = [1, 1024], strides = [1, 1]} : vector<64x1024xi32> to vector<1x1024xi32>
    %slice3A_2229 = vector.extract_strided_slice %select_n3A_381 {offsets = [0, 56], sizes = [64, 1], strides = [1, 1]} : vector<64x64xi32> to vector<64x1xi32>
    %eq3A_2230 = vector.broadcast %slice3A_2229 : vector<64x1xi32> to vector<64x1024xi32>
    %eq3A_2231 = vector.broadcast %slice3A_2228 : vector<1x1024xi32> to vector<64x1024xi32>
    %eq3A_2232 = arith.cmpi eq, %eq3A_2230, %eq3A_2231 : vector<64x1024xi32>
    %jit3A_2233 = arith.constant 1.000000e+00 : f32
    %jit3A_2234 = arith.constant 0.000000e+00 : f32
    %broadcast_in_dim3A_2235 = vector.broadcast %jit3A_2233 : f32 to vector<64x1024xf32>
    %broadcast_in_dim3A_2236 = vector.broadcast %jit3A_2234 : f32 to vector<64x1024xf32>
    %select_n3A_2237 = arith.select %eq3A_2232, %broadcast_in_dim3A_2235, %broadcast_in_dim3A_2236 : vector<64x1024xi1>, vector<64x1024xf32>
    %convert_element_type3A_2238 = arith.truncf %select_n3A_2237 : vector<64x1024xf32> to vector<64x1024xbf16>
    %dot_general3A_2239 = arith.constant dense<0.000000e+00> : vector<64x2xf32>
    %dot_general3A_2240 = tpu.matmul %convert_element_type3A_2238, %concatenate3A_435, %dot_general3A_2239 {dimension_numbers = #tpu.dot_dimension_numbers<[1], [0], [0], [1], [0, 0, 1, 1], [], []>, transpose_lhs_hint = false} : vector<64x1024xbf16>, vector<1024x2xbf16>, vector<64x2xf32> -> vector<64x2xf32>
    %slice3A_2241 = vector.extract_strided_slice %dot_general3A_2240 {offsets = [0, 0], sizes = [64, 1], strides = [1, 1]} : vector<64x2xf32> to vector<64x1xf32>
    %mul3A_2242 = arith.constant 3.200000e+01 : f32
    %mul3A_2243 = vector.broadcast %mul3A_2242 : f32 to vector<64x1xf32>
    %mul3A_2244 = arith.mulf %mul3A_2243, %slice3A_2241 : vector<64x1xf32>
    %slice3A_2245 = vector.extract_strided_slice %dot_general3A_2240 {offsets = [0, 1], sizes = [64, 1], strides = [1, 1]} : vector<64x2xf32> to vector<64x1xf32>
    %add3A_2246 = arith.addf %mul3A_2244, %slice3A_2245 : vector<64x1xf32>
    %round3A_2247 = math.roundeven %add3A_2246 : vector<64x1xf32>
    %convert_element_type3A_2248 = arith.fptosi %round3A_2247 : vector<64x1xf32> to vector<64x1xi32>
    %mul3A_2249 = arith.constant 64 : i32
    %mul3A_2250 = arith.muli %arg0, %mul3A_2249 : i32
    %add3A_2251 = arith.constant 56 : i32
    %add3A_2252 = arith.addi %mul3A_2250, %add3A_2251 : i32
    %mul3A_2253 = arith.constant 1024 : i32
    %mul3A_2254 = arith.muli %add3A_2252, %mul3A_2253 : i32
    %add3A_2255 = vector.broadcast %mul3A_2254 : i32 to vector<64x1xi32>
    %add3A_2256 = arith.addi %convert_element_type3A_2248, %add3A_2255 : vector<64x1xi32>
    %swap3A_2257 = arith.constant 0 : index
    %swap3A_2258 = arith.constant 56 : index
    %swap3A_2259 = vector.load %arg10[%swap3A_2257, %swap3A_2258] : memref<64x64xi32, #tpu.memory_space<vmem>>, vector<64x1xi32>
    tpu.vector_store %arg10[%swap3A_2257, %swap3A_2258], %add3A_2256 {strides = array<i32>} : memref<64x64xi32, #tpu.memory_space<vmem>>, vector<64x1xi32>,
    %slice3A_2260 = vector.extract_strided_slice %select_n3A_330 {offsets = [57, 0], sizes = [1, 1024], strides = [1, 1]} : vector<64x1024xi32> to vector<1x1024xi32>
    %slice3A_2261 = vector.extract_strided_slice %select_n3A_381 {offsets = [0, 57], sizes = [64, 1], strides = [1, 1]} : vector<64x64xi32> to vector<64x1xi32>
    %eq3A_2262 = vector.broadcast %slice3A_2261 : vector<64x1xi32> to vector<64x1024xi32>
    %eq3A_2263 = vector.broadcast %slice3A_2260 : vector<1x1024xi32> to vector<64x1024xi32>
    %eq3A_2264 = arith.cmpi eq, %eq3A_2262, %eq3A_2263 : vector<64x1024xi32>
    %jit3A_2265 = arith.constant 1.000000e+00 : f32
    %jit3A_2266 = arith.constant 0.000000e+00 : f32
    %broadcast_in_dim3A_2267 = vector.broadcast %jit3A_2265 : f32 to vector<64x1024xf32>
    %broadcast_in_dim3A_2268 = vector.broadcast %jit3A_2266 : f32 to vector<64x1024xf32>
    %select_n3A_2269 = arith.select %eq3A_2264, %broadcast_in_dim3A_2267, %broadcast_in_dim3A_2268 : vector<64x1024xi1>, vector<64x1024xf32>
    %convert_element_type3A_2270 = arith.truncf %select_n3A_2269 : vector<64x1024xf32> to vector<64x1024xbf16>
    %dot_general3A_2271 = arith.constant dense<0.000000e+00> : vector<64x2xf32>
    %dot_general3A_2272 = tpu.matmul %convert_element_type3A_2270, %concatenate3A_435, %dot_general3A_2271 {dimension_numbers = #tpu.dot_dimension_numbers<[1], [0], [0], [1], [0, 0, 1, 1], [], []>, transpose_lhs_hint = false} : vector<64x1024xbf16>, vector<1024x2xbf16>, vector<64x2xf32> -> vector<64x2xf32>
    %slice3A_2273 = vector.extract_strided_slice %dot_general3A_2272 {offsets = [0, 0], sizes = [64, 1], strides = [1, 1]} : vector<64x2xf32> to vector<64x1xf32>
    %mul3A_2274 = arith.constant 3.200000e+01 : f32
    %mul3A_2275 = vector.broadcast %mul3A_2274 : f32 to vector<64x1xf32>
    %mul3A_2276 = arith.mulf %mul3A_2275, %slice3A_2273 : vector<64x1xf32>
    %slice3A_2277 = vector.extract_strided_slice %dot_general3A_2272 {offsets = [0, 1], sizes = [64, 1], strides = [1, 1]} : vector<64x2xf32> to vector<64x1xf32>
    %add3A_2278 = arith.addf %mul3A_2276, %slice3A_2277 : vector<64x1xf32>
    %round3A_2279 = math.roundeven %add3A_2278 : vector<64x1xf32>
    %convert_element_type3A_2280 = arith.fptosi %round3A_2279 : vector<64x1xf32> to vector<64x1xi32>
    %mul3A_2281 = arith.constant 64 : i32
    %mul3A_2282 = arith.muli %arg0, %mul3A_2281 : i32
    %add3A_2283 = arith.constant 57 : i32
    %add3A_2284 = arith.addi %mul3A_2282, %add3A_2283 : i32
    %mul3A_2285 = arith.constant 1024 : i32
    %mul3A_2286 = arith.muli %add3A_2284, %mul3A_2285 : i32
    %add3A_2287 = vector.broadcast %mul3A_2286 : i32 to vector<64x1xi32>
    %add3A_2288 = arith.addi %convert_element_type3A_2280, %add3A_2287 : vector<64x1xi32>
    %swap3A_2289 = arith.constant 0 : index
    %swap3A_2290 = arith.constant 57 : index
    %swap3A_2291 = vector.load %arg10[%swap3A_2289, %swap3A_2290] : memref<64x64xi32, #tpu.memory_space<vmem>>, vector<64x1xi32>
    tpu.vector_store %arg10[%swap3A_2289, %swap3A_2290], %add3A_2288 {strides = array<i32>} : memref<64x64xi32, #tpu.memory_space<vmem>>, vector<64x1xi32>,
    %slice3A_2292 = vector.extract_strided_slice %select_n3A_330 {offsets = [58, 0], sizes = [1, 1024], strides = [1, 1]} : vector<64x1024xi32> to vector<1x1024xi32>
    %slice3A_2293 = vector.extract_strided_slice %select_n3A_381 {offsets = [0, 58], sizes = [64, 1], strides = [1, 1]} : vector<64x64xi32> to vector<64x1xi32>
    %eq3A_2294 = vector.broadcast %slice3A_2293 : vector<64x1xi32> to vector<64x1024xi32>
    %eq3A_2295 = vector.broadcast %slice3A_2292 : vector<1x1024xi32> to vector<64x1024xi32>
    %eq3A_2296 = arith.cmpi eq, %eq3A_2294, %eq3A_2295 : vector<64x1024xi32>
    %jit3A_2297 = arith.constant 1.000000e+00 : f32
    %jit3A_2298 = arith.constant 0.000000e+00 : f32
    %broadcast_in_dim3A_2299 = vector.broadcast %jit3A_2297 : f32 to vector<64x1024xf32>
    %broadcast_in_dim3A_2300 = vector.broadcast %jit3A_2298 : f32 to vector<64x1024xf32>
    %select_n3A_2301 = arith.select %eq3A_2296, %broadcast_in_dim3A_2299, %broadcast_in_dim3A_2300 : vector<64x1024xi1>, vector<64x1024xf32>
    %convert_element_type3A_2302 = arith.truncf %select_n3A_2301 : vector<64x1024xf32> to vector<64x1024xbf16>
    %dot_general3A_2303 = arith.constant dense<0.000000e+00> : vector<64x2xf32>
    %dot_general3A_2304 = tpu.matmul %convert_element_type3A_2302, %concatenate3A_435, %dot_general3A_2303 {dimension_numbers = #tpu.dot_dimension_numbers<[1], [0], [0], [1], [0, 0, 1, 1], [], []>, transpose_lhs_hint = false} : vector<64x1024xbf16>, vector<1024x2xbf16>, vector<64x2xf32> -> vector<64x2xf32>
    %slice3A_2305 = vector.extract_strided_slice %dot_general3A_2304 {offsets = [0, 0], sizes = [64, 1], strides = [1, 1]} : vector<64x2xf32> to vector<64x1xf32>
    %mul3A_2306 = arith.constant 3.200000e+01 : f32
    %mul3A_2307 = vector.broadcast %mul3A_2306 : f32 to vector<64x1xf32>
    %mul3A_2308 = arith.mulf %mul3A_2307, %slice3A_2305 : vector<64x1xf32>
    %slice3A_2309 = vector.extract_strided_slice %dot_general3A_2304 {offsets = [0, 1], sizes = [64, 1], strides = [1, 1]} : vector<64x2xf32> to vector<64x1xf32>
    %add3A_2310 = arith.addf %mul3A_2308, %slice3A_2309 : vector<64x1xf32>
    %round3A_2311 = math.roundeven %add3A_2310 : vector<64x1xf32>
    %convert_element_type3A_2312 = arith.fptosi %round3A_2311 : vector<64x1xf32> to vector<64x1xi32>
    %mul3A_2313 = arith.constant 64 : i32
    %mul3A_2314 = arith.muli %arg0, %mul3A_2313 : i32
    %add3A_2315 = arith.constant 58 : i32
    %add3A_2316 = arith.addi %mul3A_2314, %add3A_2315 : i32
    %mul3A_2317 = arith.constant 1024 : i32
    %mul3A_2318 = arith.muli %add3A_2316, %mul3A_2317 : i32
    %add3A_2319 = vector.broadcast %mul3A_2318 : i32 to vector<64x1xi32>
    %add3A_2320 = arith.addi %convert_element_type3A_2312, %add3A_2319 : vector<64x1xi32>
    %swap3A_2321 = arith.constant 0 : index
    %swap3A_2322 = arith.constant 58 : index
    %swap3A_2323 = vector.load %arg10[%swap3A_2321, %swap3A_2322] : memref<64x64xi32, #tpu.memory_space<vmem>>, vector<64x1xi32>
    tpu.vector_store %arg10[%swap3A_2321, %swap3A_2322], %add3A_2320 {strides = array<i32>} : memref<64x64xi32, #tpu.memory_space<vmem>>, vector<64x1xi32>,
    %slice3A_2324 = vector.extract_strided_slice %select_n3A_330 {offsets = [59, 0], sizes = [1, 1024], strides = [1, 1]} : vector<64x1024xi32> to vector<1x1024xi32>
    %slice3A_2325 = vector.extract_strided_slice %select_n3A_381 {offsets = [0, 59], sizes = [64, 1], strides = [1, 1]} : vector<64x64xi32> to vector<64x1xi32>
    %eq3A_2326 = vector.broadcast %slice3A_2325 : vector<64x1xi32> to vector<64x1024xi32>
    %eq3A_2327 = vector.broadcast %slice3A_2324 : vector<1x1024xi32> to vector<64x1024xi32>
    %eq3A_2328 = arith.cmpi eq, %eq3A_2326, %eq3A_2327 : vector<64x1024xi32>
    %jit3A_2329 = arith.constant 1.000000e+00 : f32
    %jit3A_2330 = arith.constant 0.000000e+00 : f32
    %broadcast_in_dim3A_2331 = vector.broadcast %jit3A_2329 : f32 to vector<64x1024xf32>
    %broadcast_in_dim3A_2332 = vector.broadcast %jit3A_2330 : f32 to vector<64x1024xf32>
    %select_n3A_2333 = arith.select %eq3A_2328, %broadcast_in_dim3A_2331, %broadcast_in_dim3A_2332 : vector<64x1024xi1>, vector<64x1024xf32>
    %convert_element_type3A_2334 = arith.truncf %select_n3A_2333 : vector<64x1024xf32> to vector<64x1024xbf16>
    %dot_general3A_2335 = arith.constant dense<0.000000e+00> : vector<64x2xf32>
    %dot_general3A_2336 = tpu.matmul %convert_element_type3A_2334, %concatenate3A_435, %dot_general3A_2335 {dimension_numbers = #tpu.dot_dimension_numbers<[1], [0], [0], [1], [0, 0, 1, 1], [], []>, transpose_lhs_hint = false} : vector<64x1024xbf16>, vector<1024x2xbf16>, vector<64x2xf32> -> vector<64x2xf32>
    %slice3A_2337 = vector.extract_strided_slice %dot_general3A_2336 {offsets = [0, 0], sizes = [64, 1], strides = [1, 1]} : vector<64x2xf32> to vector<64x1xf32>
    %mul3A_2338 = arith.constant 3.200000e+01 : f32
    %mul3A_2339 = vector.broadcast %mul3A_2338 : f32 to vector<64x1xf32>
    %mul3A_2340 = arith.mulf %mul3A_2339, %slice3A_2337 : vector<64x1xf32>
    %slice3A_2341 = vector.extract_strided_slice %dot_general3A_2336 {offsets = [0, 1], sizes = [64, 1], strides = [1, 1]} : vector<64x2xf32> to vector<64x1xf32>
    %add3A_2342 = arith.addf %mul3A_2340, %slice3A_2341 : vector<64x1xf32>
    %round3A_2343 = math.roundeven %add3A_2342 : vector<64x1xf32>
    %convert_element_type3A_2344 = arith.fptosi %round3A_2343 : vector<64x1xf32> to vector<64x1xi32>
    %mul3A_2345 = arith.constant 64 : i32
    %mul3A_2346 = arith.muli %arg0, %mul3A_2345 : i32
    %add3A_2347 = arith.constant 59 : i32
    %add3A_2348 = arith.addi %mul3A_2346, %add3A_2347 : i32
    %mul3A_2349 = arith.constant 1024 : i32
    %mul3A_2350 = arith.muli %add3A_2348, %mul3A_2349 : i32
    %add3A_2351 = vector.broadcast %mul3A_2350 : i32 to vector<64x1xi32>
    %add3A_2352 = arith.addi %convert_element_type3A_2344, %add3A_2351 : vector<64x1xi32>
    %swap3A_2353 = arith.constant 0 : index
    %swap3A_2354 = arith.constant 59 : index
    %swap3A_2355 = vector.load %arg10[%swap3A_2353, %swap3A_2354] : memref<64x64xi32, #tpu.memory_space<vmem>>, vector<64x1xi32>
    tpu.vector_store %arg10[%swap3A_2353, %swap3A_2354], %add3A_2352 {strides = array<i32>} : memref<64x64xi32, #tpu.memory_space<vmem>>, vector<64x1xi32>,
    %slice3A_2356 = vector.extract_strided_slice %select_n3A_330 {offsets = [60, 0], sizes = [1, 1024], strides = [1, 1]} : vector<64x1024xi32> to vector<1x1024xi32>
    %slice3A_2357 = vector.extract_strided_slice %select_n3A_381 {offsets = [0, 60], sizes = [64, 1], strides = [1, 1]} : vector<64x64xi32> to vector<64x1xi32>
    %eq3A_2358 = vector.broadcast %slice3A_2357 : vector<64x1xi32> to vector<64x1024xi32>
    %eq3A_2359 = vector.broadcast %slice3A_2356 : vector<1x1024xi32> to vector<64x1024xi32>
    %eq3A_2360 = arith.cmpi eq, %eq3A_2358, %eq3A_2359 : vector<64x1024xi32>
    %jit3A_2361 = arith.constant 1.000000e+00 : f32
    %jit3A_2362 = arith.constant 0.000000e+00 : f32
    %broadcast_in_dim3A_2363 = vector.broadcast %jit3A_2361 : f32 to vector<64x1024xf32>
    %broadcast_in_dim3A_2364 = vector.broadcast %jit3A_2362 : f32 to vector<64x1024xf32>
    %select_n3A_2365 = arith.select %eq3A_2360, %broadcast_in_dim3A_2363, %broadcast_in_dim3A_2364 : vector<64x1024xi1>, vector<64x1024xf32>
    %convert_element_type3A_2366 = arith.truncf %select_n3A_2365 : vector<64x1024xf32> to vector<64x1024xbf16>
    %dot_general3A_2367 = arith.constant dense<0.000000e+00> : vector<64x2xf32>
    %dot_general3A_2368 = tpu.matmul %convert_element_type3A_2366, %concatenate3A_435, %dot_general3A_2367 {dimension_numbers = #tpu.dot_dimension_numbers<[1], [0], [0], [1], [0, 0, 1, 1], [], []>, transpose_lhs_hint = false} : vector<64x1024xbf16>, vector<1024x2xbf16>, vector<64x2xf32> -> vector<64x2xf32>
    %slice3A_2369 = vector.extract_strided_slice %dot_general3A_2368 {offsets = [0, 0], sizes = [64, 1], strides = [1, 1]} : vector<64x2xf32> to vector<64x1xf32>
    %mul3A_2370 = arith.constant 3.200000e+01 : f32
    %mul3A_2371 = vector.broadcast %mul3A_2370 : f32 to vector<64x1xf32>
    %mul3A_2372 = arith.mulf %mul3A_2371, %slice3A_2369 : vector<64x1xf32>
    %slice3A_2373 = vector.extract_strided_slice %dot_general3A_2368 {offsets = [0, 1], sizes = [64, 1], strides = [1, 1]} : vector<64x2xf32> to vector<64x1xf32>
    %add3A_2374 = arith.addf %mul3A_2372, %slice3A_2373 : vector<64x1xf32>
    %round3A_2375 = math.roundeven %add3A_2374 : vector<64x1xf32>
    %convert_element_type3A_2376 = arith.fptosi %round3A_2375 : vector<64x1xf32> to vector<64x1xi32>
    %mul3A_2377 = arith.constant 64 : i32
    %mul3A_2378 = arith.muli %arg0, %mul3A_2377 : i32
    %add3A_2379 = arith.constant 60 : i32
    %add3A_2380 = arith.addi %mul3A_2378, %add3A_2379 : i32
    %mul3A_2381 = arith.constant 1024 : i32
    %mul3A_2382 = arith.muli %add3A_2380, %mul3A_2381 : i32
    %add3A_2383 = vector.broadcast %mul3A_2382 : i32 to vector<64x1xi32>
    %add3A_2384 = arith.addi %convert_element_type3A_2376, %add3A_2383 : vector<64x1xi32>
    %swap3A_2385 = arith.constant 0 : index
    %swap3A_2386 = arith.constant 60 : index
    %swap3A_2387 = vector.load %arg10[%swap3A_2385, %swap3A_2386] : memref<64x64xi32, #tpu.memory_space<vmem>>, vector<64x1xi32>
    tpu.vector_store %arg10[%swap3A_2385, %swap3A_2386], %add3A_2384 {strides = array<i32>} : memref<64x64xi32, #tpu.memory_space<vmem>>, vector<64x1xi32>,
    %slice3A_2388 = vector.extract_strided_slice %select_n3A_330 {offsets = [61, 0], sizes = [1, 1024], strides = [1, 1]} : vector<64x1024xi32> to vector<1x1024xi32>
    %slice3A_2389 = vector.extract_strided_slice %select_n3A_381 {offsets = [0, 61], sizes = [64, 1], strides = [1, 1]} : vector<64x64xi32> to vector<64x1xi32>
    %eq3A_2390 = vector.broadcast %slice3A_2389 : vector<64x1xi32> to vector<64x1024xi32>
    %eq3A_2391 = vector.broadcast %slice3A_2388 : vector<1x1024xi32> to vector<64x1024xi32>
    %eq3A_2392 = arith.cmpi eq, %eq3A_2390, %eq3A_2391 : vector<64x1024xi32>
    %jit3A_2393 = arith.constant 1.000000e+00 : f32
    %jit3A_2394 = arith.constant 0.000000e+00 : f32
    %broadcast_in_dim3A_2395 = vector.broadcast %jit3A_2393 : f32 to vector<64x1024xf32>
    %broadcast_in_dim3A_2396 = vector.broadcast %jit3A_2394 : f32 to vector<64x1024xf32>
    %select_n3A_2397 = arith.select %eq3A_2392, %broadcast_in_dim3A_2395, %broadcast_in_dim3A_2396 : vector<64x1024xi1>, vector<64x1024xf32>
    %convert_element_type3A_2398 = arith.truncf %select_n3A_2397 : vector<64x1024xf32> to vector<64x1024xbf16>
    %dot_general3A_2399 = arith.constant dense<0.000000e+00> : vector<64x2xf32>
    %dot_general3A_2400 = tpu.matmul %convert_element_type3A_2398, %concatenate3A_435, %dot_general3A_2399 {dimension_numbers = #tpu.dot_dimension_numbers<[1], [0], [0], [1], [0, 0, 1, 1], [], []>, transpose_lhs_hint = false} : vector<64x1024xbf16>, vector<1024x2xbf16>, vector<64x2xf32> -> vector<64x2xf32>
    %slice3A_2401 = vector.extract_strided_slice %dot_general3A_2400 {offsets = [0, 0], sizes = [64, 1], strides = [1, 1]} : vector<64x2xf32> to vector<64x1xf32>
    %mul3A_2402 = arith.constant 3.200000e+01 : f32
    %mul3A_2403 = vector.broadcast %mul3A_2402 : f32 to vector<64x1xf32>
    %mul3A_2404 = arith.mulf %mul3A_2403, %slice3A_2401 : vector<64x1xf32>
    %slice3A_2405 = vector.extract_strided_slice %dot_general3A_2400 {offsets = [0, 1], sizes = [64, 1], strides = [1, 1]} : vector<64x2xf32> to vector<64x1xf32>
    %add3A_2406 = arith.addf %mul3A_2404, %slice3A_2405 : vector<64x1xf32>
    %round3A_2407 = math.roundeven %add3A_2406 : vector<64x1xf32>
    %convert_element_type3A_2408 = arith.fptosi %round3A_2407 : vector<64x1xf32> to vector<64x1xi32>
    %mul3A_2409 = arith.constant 64 : i32
    %mul3A_2410 = arith.muli %arg0, %mul3A_2409 : i32
    %add3A_2411 = arith.constant 61 : i32
    %add3A_2412 = arith.addi %mul3A_2410, %add3A_2411 : i32
    %mul3A_2413 = arith.constant 1024 : i32
    %mul3A_2414 = arith.muli %add3A_2412, %mul3A_2413 : i32
    %add3A_2415 = vector.broadcast %mul3A_2414 : i32 to vector<64x1xi32>
    %add3A_2416 = arith.addi %convert_element_type3A_2408, %add3A_2415 : vector<64x1xi32>
    %swap3A_2417 = arith.constant 0 : index
    %swap3A_2418 = arith.constant 61 : index
    %swap3A_2419 = vector.load %arg10[%swap3A_2417, %swap3A_2418] : memref<64x64xi32, #tpu.memory_space<vmem>>, vector<64x1xi32>
    tpu.vector_store %arg10[%swap3A_2417, %swap3A_2418], %add3A_2416 {strides = array<i32>} : memref<64x64xi32, #tpu.memory_space<vmem>>, vector<64x1xi32>,
    %slice3A_2420 = vector.extract_strided_slice %select_n3A_330 {offsets = [62, 0], sizes = [1, 1024], strides = [1, 1]} : vector<64x1024xi32> to vector<1x1024xi32>
    %slice3A_2421 = vector.extract_strided_slice %select_n3A_381 {offsets = [0, 62], sizes = [64, 1], strides = [1, 1]} : vector<64x64xi32> to vector<64x1xi32>
    %eq3A_2422 = vector.broadcast %slice3A_2421 : vector<64x1xi32> to vector<64x1024xi32>
    %eq3A_2423 = vector.broadcast %slice3A_2420 : vector<1x1024xi32> to vector<64x1024xi32>
    %eq3A_2424 = arith.cmpi eq, %eq3A_2422, %eq3A_2423 : vector<64x1024xi32>
    %jit3A_2425 = arith.constant 1.000000e+00 : f32
    %jit3A_2426 = arith.constant 0.000000e+00 : f32
    %broadcast_in_dim3A_2427 = vector.broadcast %jit3A_2425 : f32 to vector<64x1024xf32>
    %broadcast_in_dim3A_2428 = vector.broadcast %jit3A_2426 : f32 to vector<64x1024xf32>
    %select_n3A_2429 = arith.select %eq3A_2424, %broadcast_in_dim3A_2427, %broadcast_in_dim3A_2428 : vector<64x1024xi1>, vector<64x1024xf32>
    %convert_element_type3A_2430 = arith.truncf %select_n3A_2429 : vector<64x1024xf32> to vector<64x1024xbf16>
    %dot_general3A_2431 = arith.constant dense<0.000000e+00> : vector<64x2xf32>
    %dot_general3A_2432 = tpu.matmul %convert_element_type3A_2430, %concatenate3A_435, %dot_general3A_2431 {dimension_numbers = #tpu.dot_dimension_numbers<[1], [0], [0], [1], [0, 0, 1, 1], [], []>, transpose_lhs_hint = false} : vector<64x1024xbf16>, vector<1024x2xbf16>, vector<64x2xf32> -> vector<64x2xf32>
    %slice3A_2433 = vector.extract_strided_slice %dot_general3A_2432 {offsets = [0, 0], sizes = [64, 1], strides = [1, 1]} : vector<64x2xf32> to vector<64x1xf32>
    %mul3A_2434 = arith.constant 3.200000e+01 : f32
    %mul3A_2435 = vector.broadcast %mul3A_2434 : f32 to vector<64x1xf32>
    %mul3A_2436 = arith.mulf %mul3A_2435, %slice3A_2433 : vector<64x1xf32>
    %slice3A_2437 = vector.extract_strided_slice %dot_general3A_2432 {offsets = [0, 1], sizes = [64, 1], strides = [1, 1]} : vector<64x2xf32> to vector<64x1xf32>
    %add3A_2438 = arith.addf %mul3A_2436, %slice3A_2437 : vector<64x1xf32>
    %round3A_2439 = math.roundeven %add3A_2438 : vector<64x1xf32>
    %convert_element_type3A_2440 = arith.fptosi %round3A_2439 : vector<64x1xf32> to vector<64x1xi32>
    %mul3A_2441 = arith.constant 64 : i32
    %mul3A_2442 = arith.muli %arg0, %mul3A_2441 : i32
    %add3A_2443 = arith.constant 62 : i32
    %add3A_2444 = arith.addi %mul3A_2442, %add3A_2443 : i32
    %mul3A_2445 = arith.constant 1024 : i32
    %mul3A_2446 = arith.muli %add3A_2444, %mul3A_2445 : i32
    %add3A_2447 = vector.broadcast %mul3A_2446 : i32 to vector<64x1xi32>
    %add3A_2448 = arith.addi %convert_element_type3A_2440, %add3A_2447 : vector<64x1xi32>
    %swap3A_2449 = arith.constant 0 : index
    %swap3A_2450 = arith.constant 62 : index
    %swap3A_2451 = vector.load %arg10[%swap3A_2449, %swap3A_2450] : memref<64x64xi32, #tpu.memory_space<vmem>>, vector<64x1xi32>
    tpu.vector_store %arg10[%swap3A_2449, %swap3A_2450], %add3A_2448 {strides = array<i32>} : memref<64x64xi32, #tpu.memory_space<vmem>>, vector<64x1xi32>,
    %slice3A_2452 = vector.extract_strided_slice %select_n3A_330 {offsets = [63, 0], sizes = [1, 1024], strides = [1, 1]} : vector<64x1024xi32> to vector<1x1024xi32>
    %slice3A_2453 = vector.extract_strided_slice %select_n3A_381 {offsets = [0, 63], sizes = [64, 1], strides = [1, 1]} : vector<64x64xi32> to vector<64x1xi32>
    %eq3A_2454 = vector.broadcast %slice3A_2453 : vector<64x1xi32> to vector<64x1024xi32>
    %eq3A_2455 = vector.broadcast %slice3A_2452 : vector<1x1024xi32> to vector<64x1024xi32>
    %eq3A_2456 = arith.cmpi eq, %eq3A_2454, %eq3A_2455 : vector<64x1024xi32>
    %jit3A_2457 = arith.constant 1.000000e+00 : f32
    %jit3A_2458 = arith.constant 0.000000e+00 : f32
    %broadcast_in_dim3A_2459 = vector.broadcast %jit3A_2457 : f32 to vector<64x1024xf32>
    %broadcast_in_dim3A_2460 = vector.broadcast %jit3A_2458 : f32 to vector<64x1024xf32>
    %select_n3A_2461 = arith.select %eq3A_2456, %broadcast_in_dim3A_2459, %broadcast_in_dim3A_2460 : vector<64x1024xi1>, vector<64x1024xf32>
    %convert_element_type3A_2462 = arith.truncf %select_n3A_2461 : vector<64x1024xf32> to vector<64x1024xbf16>
    %dot_general3A_2463 = arith.constant dense<0.000000e+00> : vector<64x2xf32>
    %dot_general3A_2464 = tpu.matmul %convert_element_type3A_2462, %concatenate3A_435, %dot_general3A_2463 {dimension_numbers = #tpu.dot_dimension_numbers<[1], [0], [0], [1], [0, 0, 1, 1], [], []>, transpose_lhs_hint = false} : vector<64x1024xbf16>, vector<1024x2xbf16>, vector<64x2xf32> -> vector<64x2xf32>
    %slice3A_2465 = vector.extract_strided_slice %dot_general3A_2464 {offsets = [0, 0], sizes = [64, 1], strides = [1, 1]} : vector<64x2xf32> to vector<64x1xf32>
    %mul3A_2466 = arith.constant 3.200000e+01 : f32
    %mul3A_2467 = vector.broadcast %mul3A_2466 : f32 to vector<64x1xf32>
    %mul3A_2468 = arith.mulf %mul3A_2467, %slice3A_2465 : vector<64x1xf32>
    %slice3A_2469 = vector.extract_strided_slice %dot_general3A_2464 {offsets = [0, 1], sizes = [64, 1], strides = [1, 1]} : vector<64x2xf32> to vector<64x1xf32>
    %add3A_2470 = arith.addf %mul3A_2468, %slice3A_2469 : vector<64x1xf32>
    %round3A_2471 = math.roundeven %add3A_2470 : vector<64x1xf32>
    %convert_element_type3A_2472 = arith.fptosi %round3A_2471 : vector<64x1xf32> to vector<64x1xi32>
    %mul3A_2473 = arith.constant 64 : i32
    %mul3A_2474 = arith.muli %arg0, %mul3A_2473 : i32
    %add3A_2475 = arith.constant 63 : i32
    %add3A_2476 = arith.addi %mul3A_2474, %add3A_2475 : i32
    %mul3A_2477 = arith.constant 1024 : i32
    %mul3A_2478 = arith.muli %add3A_2476, %mul3A_2477 : i32
    %add3A_2479 = vector.broadcast %mul3A_2478 : i32 to vector<64x1xi32>
    %add3A_2480 = arith.addi %convert_element_type3A_2472, %add3A_2479 : vector<64x1xi32>
    %swap3A_2481 = arith.constant 0 : index
    %swap3A_2482 = arith.constant 63 : index
    %swap3A_2483 = vector.load %arg10[%swap3A_2481, %swap3A_2482] : memref<64x64xi32, #tpu.memory_space<vmem>>, vector<64x1xi32>
    tpu.vector_store %arg10[%swap3A_2481, %swap3A_2482], %add3A_2480 {strides = array<i32>} : memref<64x64xi32, #tpu.memory_space<vmem>>, vector<64x1xi32>,
    %get3A_2484 = arith.constant 0 : index
    %get3A_2485 = arith.constant 0 : index
    %get3A_2486 = vector.load %arg10[%get3A_2484, %get3A_2485] : memref<64x64xi32, #tpu.memory_space<vmem>>, vector<1x64xi32>
    %reshape3A_2487 = vector.shape_cast %get3A_2486 : vector<1x64xi32> to vector<64xi32>
    %swap3A_2488 = arith.constant 0 : index
    %swap3A_2489 = vector.load %arg8[%swap3A_2488] : memref<4096xi32, #tpu.memory_space<vmem>>, vector<64xi32>
    tpu.vector_store %arg8[%swap3A_2488], %reshape3A_2487 {strides = array<i32>} : memref<4096xi32, #tpu.memory_space<vmem>>, vector<64xi32>,
    %get3A_2490 = arith.constant 1 : index
    %get3A_2491 = arith.constant 0 : index
    %get3A_2492 = vector.load %arg10[%get3A_2490, %get3A_2491] : memref<64x64xi32, #tpu.memory_space<vmem>>, vector<1x64xi32>
    %reshape3A_2493 = vector.shape_cast %get3A_2492 : vector<1x64xi32> to vector<64xi32>
    %swap3A_2494 = arith.constant 64 : index
    %swap3A_2495 = vector.load %arg8[%swap3A_2494] : memref<4096xi32, #tpu.memory_space<vmem>>, vector<64xi32>
    tpu.vector_store %arg8[%swap3A_2494], %reshape3A_2493 {strides = array<i32>} : memref<4096xi32, #tpu.memory_space<vmem>>, vector<64xi32>,
    %get3A_2496 = arith.constant 2 : index
    %get3A_2497 = arith.constant 0 : index
    %get3A_2498 = vector.load %arg10[%get3A_2496, %get3A_2497] : memref<64x64xi32, #tpu.memory_space<vmem>>, vector<1x64xi32>
    %reshape3A_2499 = vector.shape_cast %get3A_2498 : vector<1x64xi32> to vector<64xi32>
    %swap3A_2500 = arith.constant 128 : index
    %swap3A_2501 = vector.load %arg8[%swap3A_2500] : memref<4096xi32, #tpu.memory_space<vmem>>, vector<64xi32>
    tpu.vector_store %arg8[%swap3A_2500], %reshape3A_2499 {strides = array<i32>} : memref<4096xi32, #tpu.memory_space<vmem>>, vector<64xi32>,
    %get3A_2502 = arith.constant 3 : index
    %get3A_2503 = arith.constant 0 : index
    %get3A_2504 = vector.load %arg10[%get3A_2502, %get3A_2503] : memref<64x64xi32, #tpu.memory_space<vmem>>, vector<1x64xi32>
    %reshape3A_2505 = vector.shape_cast %get3A_2504 : vector<1x64xi32> to vector<64xi32>
    %swap3A_2506 = arith.constant 192 : index
    %swap3A_2507 = vector.load %arg8[%swap3A_2506] : memref<4096xi32, #tpu.memory_space<vmem>>, vector<64xi32>
    tpu.vector_store %arg8[%swap3A_2506], %reshape3A_2505 {strides = array<i32>} : memref<4096xi32, #tpu.memory_space<vmem>>, vector<64xi32>,
    %get3A_2508 = arith.constant 4 : index
    %get3A_2509 = arith.constant 0 : index
    %get3A_2510 = vector.load %arg10[%get3A_2508, %get3A_2509] : memref<64x64xi32, #tpu.memory_space<vmem>>, vector<1x64xi32>
    %reshape3A_2511 = vector.shape_cast %get3A_2510 : vector<1x64xi32> to vector<64xi32>
    %swap3A_2512 = arith.constant 256 : index
    %swap3A_2513 = vector.load %arg8[%swap3A_2512] : memref<4096xi32, #tpu.memory_space<vmem>>, vector<64xi32>
    tpu.vector_store %arg8[%swap3A_2512], %reshape3A_2511 {strides = array<i32>} : memref<4096xi32, #tpu.memory_space<vmem>>, vector<64xi32>,
    %get3A_2514 = arith.constant 5 : index
    %get3A_2515 = arith.constant 0 : index
    %get3A_2516 = vector.load %arg10[%get3A_2514, %get3A_2515] : memref<64x64xi32, #tpu.memory_space<vmem>>, vector<1x64xi32>
    %reshape3A_2517 = vector.shape_cast %get3A_2516 : vector<1x64xi32> to vector<64xi32>
    %swap3A_2518 = arith.constant 320 : index
    %swap3A_2519 = vector.load %arg8[%swap3A_2518] : memref<4096xi32, #tpu.memory_space<vmem>>, vector<64xi32>
    tpu.vector_store %arg8[%swap3A_2518], %reshape3A_2517 {strides = array<i32>} : memref<4096xi32, #tpu.memory_space<vmem>>, vector<64xi32>,
    %get3A_2520 = arith.constant 6 : index
    %get3A_2521 = arith.constant 0 : index
    %get3A_2522 = vector.load %arg10[%get3A_2520, %get3A_2521] : memref<64x64xi32, #tpu.memory_space<vmem>>, vector<1x64xi32>
    %reshape3A_2523 = vector.shape_cast %get3A_2522 : vector<1x64xi32> to vector<64xi32>
    %swap3A_2524 = arith.constant 384 : index
    %swap3A_2525 = vector.load %arg8[%swap3A_2524] : memref<4096xi32, #tpu.memory_space<vmem>>, vector<64xi32>
    tpu.vector_store %arg8[%swap3A_2524], %reshape3A_2523 {strides = array<i32>} : memref<4096xi32, #tpu.memory_space<vmem>>, vector<64xi32>,
    %get3A_2526 = arith.constant 7 : index
    %get3A_2527 = arith.constant 0 : index
    %get3A_2528 = vector.load %arg10[%get3A_2526, %get3A_2527] : memref<64x64xi32, #tpu.memory_space<vmem>>, vector<1x64xi32>
    %reshape3A_2529 = vector.shape_cast %get3A_2528 : vector<1x64xi32> to vector<64xi32>
    %swap3A_2530 = arith.constant 448 : index
    %swap3A_2531 = vector.load %arg8[%swap3A_2530] : memref<4096xi32, #tpu.memory_space<vmem>>, vector<64xi32>
    tpu.vector_store %arg8[%swap3A_2530], %reshape3A_2529 {strides = array<i32>} : memref<4096xi32, #tpu.memory_space<vmem>>, vector<64xi32>,
    %get3A_2532 = arith.constant 8 : index
    %get3A_2533 = arith.constant 0 : index
    %get3A_2534 = vector.load %arg10[%get3A_2532, %get3A_2533] : memref<64x64xi32, #tpu.memory_space<vmem>>, vector<1x64xi32>
    %reshape3A_2535 = vector.shape_cast %get3A_2534 : vector<1x64xi32> to vector<64xi32>
    %swap3A_2536 = arith.constant 512 : index
    %swap3A_2537 = vector.load %arg8[%swap3A_2536] : memref<4096xi32, #tpu.memory_space<vmem>>, vector<64xi32>
    tpu.vector_store %arg8[%swap3A_2536], %reshape3A_2535 {strides = array<i32>} : memref<4096xi32, #tpu.memory_space<vmem>>, vector<64xi32>,
    %get3A_2538 = arith.constant 9 : index
    %get3A_2539 = arith.constant 0 : index
    %get3A_2540 = vector.load %arg10[%get3A_2538, %get3A_2539] : memref<64x64xi32, #tpu.memory_space<vmem>>, vector<1x64xi32>
    %reshape3A_2541 = vector.shape_cast %get3A_2540 : vector<1x64xi32> to vector<64xi32>
    %swap3A_2542 = arith.constant 576 : index
    %swap3A_2543 = vector.load %arg8[%swap3A_2542] : memref<4096xi32, #tpu.memory_space<vmem>>, vector<64xi32>
    tpu.vector_store %arg8[%swap3A_2542], %reshape3A_2541 {strides = array<i32>} : memref<4096xi32, #tpu.memory_space<vmem>>, vector<64xi32>,
    %get3A_2544 = arith.constant 10 : index
    %get3A_2545 = arith.constant 0 : index
    %get3A_2546 = vector.load %arg10[%get3A_2544, %get3A_2545] : memref<64x64xi32, #tpu.memory_space<vmem>>, vector<1x64xi32>
    %reshape3A_2547 = vector.shape_cast %get3A_2546 : vector<1x64xi32> to vector<64xi32>
    %swap3A_2548 = arith.constant 640 : index
    %swap3A_2549 = vector.load %arg8[%swap3A_2548] : memref<4096xi32, #tpu.memory_space<vmem>>, vector<64xi32>
    tpu.vector_store %arg8[%swap3A_2548], %reshape3A_2547 {strides = array<i32>} : memref<4096xi32, #tpu.memory_space<vmem>>, vector<64xi32>,
    %get3A_2550 = arith.constant 11 : index
    %get3A_2551 = arith.constant 0 : index
    %get3A_2552 = vector.load %arg10[%get3A_2550, %get3A_2551] : memref<64x64xi32, #tpu.memory_space<vmem>>, vector<1x64xi32>
    %reshape3A_2553 = vector.shape_cast %get3A_2552 : vector<1x64xi32> to vector<64xi32>
    %swap3A_2554 = arith.constant 704 : index
    %swap3A_2555 = vector.load %arg8[%swap3A_2554] : memref<4096xi32, #tpu.memory_space<vmem>>, vector<64xi32>
    tpu.vector_store %arg8[%swap3A_2554], %reshape3A_2553 {strides = array<i32>} : memref<4096xi32, #tpu.memory_space<vmem>>, vector<64xi32>,
    %get3A_2556 = arith.constant 12 : index
    %get3A_2557 = arith.constant 0 : index
    %get3A_2558 = vector.load %arg10[%get3A_2556, %get3A_2557] : memref<64x64xi32, #tpu.memory_space<vmem>>, vector<1x64xi32>
    %reshape3A_2559 = vector.shape_cast %get3A_2558 : vector<1x64xi32> to vector<64xi32>
    %swap3A_2560 = arith.constant 768 : index
    %swap3A_2561 = vector.load %arg8[%swap3A_2560] : memref<4096xi32, #tpu.memory_space<vmem>>, vector<64xi32>
    tpu.vector_store %arg8[%swap3A_2560], %reshape3A_2559 {strides = array<i32>} : memref<4096xi32, #tpu.memory_space<vmem>>, vector<64xi32>,
    %get3A_2562 = arith.constant 13 : index
    %get3A_2563 = arith.constant 0 : index
    %get3A_2564 = vector.load %arg10[%get3A_2562, %get3A_2563] : memref<64x64xi32, #tpu.memory_space<vmem>>, vector<1x64xi32>
    %reshape3A_2565 = vector.shape_cast %get3A_2564 : vector<1x64xi32> to vector<64xi32>
    %swap3A_2566 = arith.constant 832 : index
    %swap3A_2567 = vector.load %arg8[%swap3A_2566] : memref<4096xi32, #tpu.memory_space<vmem>>, vector<64xi32>
    tpu.vector_store %arg8[%swap3A_2566], %reshape3A_2565 {strides = array<i32>} : memref<4096xi32, #tpu.memory_space<vmem>>, vector<64xi32>,
    %get3A_2568 = arith.constant 14 : index
    %get3A_2569 = arith.constant 0 : index
    %get3A_2570 = vector.load %arg10[%get3A_2568, %get3A_2569] : memref<64x64xi32, #tpu.memory_space<vmem>>, vector<1x64xi32>
    %reshape3A_2571 = vector.shape_cast %get3A_2570 : vector<1x64xi32> to vector<64xi32>
    %swap3A_2572 = arith.constant 896 : index
    %swap3A_2573 = vector.load %arg8[%swap3A_2572] : memref<4096xi32, #tpu.memory_space<vmem>>, vector<64xi32>
    tpu.vector_store %arg8[%swap3A_2572], %reshape3A_2571 {strides = array<i32>} : memref<4096xi32, #tpu.memory_space<vmem>>, vector<64xi32>,
    %get3A_2574 = arith.constant 15 : index
    %get3A_2575 = arith.constant 0 : index
    %get3A_2576 = vector.load %arg10[%get3A_2574, %get3A_2575] : memref<64x64xi32, #tpu.memory_space<vmem>>, vector<1x64xi32>
    %reshape3A_2577 = vector.shape_cast %get3A_2576 : vector<1x64xi32> to vector<64xi32>
    %swap3A_2578 = arith.constant 960 : index
    %swap3A_2579 = vector.load %arg8[%swap3A_2578] : memref<4096xi32, #tpu.memory_space<vmem>>, vector<64xi32>
    tpu.vector_store %arg8[%swap3A_2578], %reshape3A_2577 {strides = array<i32>} : memref<4096xi32, #tpu.memory_space<vmem>>, vector<64xi32>,
    %get3A_2580 = arith.constant 16 : index
    %get3A_2581 = arith.constant 0 : index
    %get3A_2582 = vector.load %arg10[%get3A_2580, %get3A_2581] : memref<64x64xi32, #tpu.memory_space<vmem>>, vector<1x64xi32>
    %reshape3A_2583 = vector.shape_cast %get3A_2582 : vector<1x64xi32> to vector<64xi32>
    %swap3A_2584 = arith.constant 1024 : index
    %swap3A_2585 = vector.load %arg8[%swap3A_2584] : memref<4096xi32, #tpu.memory_space<vmem>>, vector<64xi32>
    tpu.vector_store %arg8[%swap3A_2584], %reshape3A_2583 {strides = array<i32>} : memref<4096xi32, #tpu.memory_space<vmem>>, vector<64xi32>,
    %get3A_2586 = arith.constant 17 : index
    %get3A_2587 = arith.constant 0 : index
    %get3A_2588 = vector.load %arg10[%get3A_2586, %get3A_2587] : memref<64x64xi32, #tpu.memory_space<vmem>>, vector<1x64xi32>
    %reshape3A_2589 = vector.shape_cast %get3A_2588 : vector<1x64xi32> to vector<64xi32>
    %swap3A_2590 = arith.constant 1088 : index
    %swap3A_2591 = vector.load %arg8[%swap3A_2590] : memref<4096xi32, #tpu.memory_space<vmem>>, vector<64xi32>
    tpu.vector_store %arg8[%swap3A_2590], %reshape3A_2589 {strides = array<i32>} : memref<4096xi32, #tpu.memory_space<vmem>>, vector<64xi32>,
    %get3A_2592 = arith.constant 18 : index
    %get3A_2593 = arith.constant 0 : index
    %get3A_2594 = vector.load %arg10[%get3A_2592, %get3A_2593] : memref<64x64xi32, #tpu.memory_space<vmem>>, vector<1x64xi32>
    %reshape3A_2595 = vector.shape_cast %get3A_2594 : vector<1x64xi32> to vector<64xi32>
    %swap3A_2596 = arith.constant 1152 : index
    %swap3A_2597 = vector.load %arg8[%swap3A_2596] : memref<4096xi32, #tpu.memory_space<vmem>>, vector<64xi32>
    tpu.vector_store %arg8[%swap3A_2596], %reshape3A_2595 {strides = array<i32>} : memref<4096xi32, #tpu.memory_space<vmem>>, vector<64xi32>,
    %get3A_2598 = arith.constant 19 : index
    %get3A_2599 = arith.constant 0 : index
    %get3A_2600 = vector.load %arg10[%get3A_2598, %get3A_2599] : memref<64x64xi32, #tpu.memory_space<vmem>>, vector<1x64xi32>
    %reshape3A_2601 = vector.shape_cast %get3A_2600 : vector<1x64xi32> to vector<64xi32>
    %swap3A_2602 = arith.constant 1216 : index
    %swap3A_2603 = vector.load %arg8[%swap3A_2602] : memref<4096xi32, #tpu.memory_space<vmem>>, vector<64xi32>
    tpu.vector_store %arg8[%swap3A_2602], %reshape3A_2601 {strides = array<i32>} : memref<4096xi32, #tpu.memory_space<vmem>>, vector<64xi32>,
    %get3A_2604 = arith.constant 20 : index
    %get3A_2605 = arith.constant 0 : index
    %get3A_2606 = vector.load %arg10[%get3A_2604, %get3A_2605] : memref<64x64xi32, #tpu.memory_space<vmem>>, vector<1x64xi32>
    %reshape3A_2607 = vector.shape_cast %get3A_2606 : vector<1x64xi32> to vector<64xi32>
    %swap3A_2608 = arith.constant 1280 : index
    %swap3A_2609 = vector.load %arg8[%swap3A_2608] : memref<4096xi32, #tpu.memory_space<vmem>>, vector<64xi32>
    tpu.vector_store %arg8[%swap3A_2608], %reshape3A_2607 {strides = array<i32>} : memref<4096xi32, #tpu.memory_space<vmem>>, vector<64xi32>,
    %get3A_2610 = arith.constant 21 : index
    %get3A_2611 = arith.constant 0 : index
    %get3A_2612 = vector.load %arg10[%get3A_2610, %get3A_2611] : memref<64x64xi32, #tpu.memory_space<vmem>>, vector<1x64xi32>
    %reshape3A_2613 = vector.shape_cast %get3A_2612 : vector<1x64xi32> to vector<64xi32>
    %swap3A_2614 = arith.constant 1344 : index
    %swap3A_2615 = vector.load %arg8[%swap3A_2614] : memref<4096xi32, #tpu.memory_space<vmem>>, vector<64xi32>
    tpu.vector_store %arg8[%swap3A_2614], %reshape3A_2613 {strides = array<i32>} : memref<4096xi32, #tpu.memory_space<vmem>>, vector<64xi32>,
    %get3A_2616 = arith.constant 22 : index
    %get3A_2617 = arith.constant 0 : index
    %get3A_2618 = vector.load %arg10[%get3A_2616, %get3A_2617] : memref<64x64xi32, #tpu.memory_space<vmem>>, vector<1x64xi32>
    %reshape3A_2619 = vector.shape_cast %get3A_2618 : vector<1x64xi32> to vector<64xi32>
    %swap3A_2620 = arith.constant 1408 : index
    %swap3A_2621 = vector.load %arg8[%swap3A_2620] : memref<4096xi32, #tpu.memory_space<vmem>>, vector<64xi32>
    tpu.vector_store %arg8[%swap3A_2620], %reshape3A_2619 {strides = array<i32>} : memref<4096xi32, #tpu.memory_space<vmem>>, vector<64xi32>,
    %get3A_2622 = arith.constant 23 : index
    %get3A_2623 = arith.constant 0 : index
    %get3A_2624 = vector.load %arg10[%get3A_2622, %get3A_2623] : memref<64x64xi32, #tpu.memory_space<vmem>>, vector<1x64xi32>
    %reshape3A_2625 = vector.shape_cast %get3A_2624 : vector<1x64xi32> to vector<64xi32>
    %swap3A_2626 = arith.constant 1472 : index
    %swap3A_2627 = vector.load %arg8[%swap3A_2626] : memref<4096xi32, #tpu.memory_space<vmem>>, vector<64xi32>
    tpu.vector_store %arg8[%swap3A_2626], %reshape3A_2625 {strides = array<i32>} : memref<4096xi32, #tpu.memory_space<vmem>>, vector<64xi32>,
    %get3A_2628 = arith.constant 24 : index
    %get3A_2629 = arith.constant 0 : index
    %get3A_2630 = vector.load %arg10[%get3A_2628, %get3A_2629] : memref<64x64xi32, #tpu.memory_space<vmem>>, vector<1x64xi32>
    %reshape3A_2631 = vector.shape_cast %get3A_2630 : vector<1x64xi32> to vector<64xi32>
    %swap3A_2632 = arith.constant 1536 : index
    %swap3A_2633 = vector.load %arg8[%swap3A_2632] : memref<4096xi32, #tpu.memory_space<vmem>>, vector<64xi32>
    tpu.vector_store %arg8[%swap3A_2632], %reshape3A_2631 {strides = array<i32>} : memref<4096xi32, #tpu.memory_space<vmem>>, vector<64xi32>,
    %get3A_2634 = arith.constant 25 : index
    %get3A_2635 = arith.constant 0 : index
    %get3A_2636 = vector.load %arg10[%get3A_2634, %get3A_2635] : memref<64x64xi32, #tpu.memory_space<vmem>>, vector<1x64xi32>
    %reshape3A_2637 = vector.shape_cast %get3A_2636 : vector<1x64xi32> to vector<64xi32>
    %swap3A_2638 = arith.constant 1600 : index
    %swap3A_2639 = vector.load %arg8[%swap3A_2638] : memref<4096xi32, #tpu.memory_space<vmem>>, vector<64xi32>
    tpu.vector_store %arg8[%swap3A_2638], %reshape3A_2637 {strides = array<i32>} : memref<4096xi32, #tpu.memory_space<vmem>>, vector<64xi32>,
    %get3A_2640 = arith.constant 26 : index
    %get3A_2641 = arith.constant 0 : index
    %get3A_2642 = vector.load %arg10[%get3A_2640, %get3A_2641] : memref<64x64xi32, #tpu.memory_space<vmem>>, vector<1x64xi32>
    %reshape3A_2643 = vector.shape_cast %get3A_2642 : vector<1x64xi32> to vector<64xi32>
    %swap3A_2644 = arith.constant 1664 : index
    %swap3A_2645 = vector.load %arg8[%swap3A_2644] : memref<4096xi32, #tpu.memory_space<vmem>>, vector<64xi32>
    tpu.vector_store %arg8[%swap3A_2644], %reshape3A_2643 {strides = array<i32>} : memref<4096xi32, #tpu.memory_space<vmem>>, vector<64xi32>,
    %get3A_2646 = arith.constant 27 : index
    %get3A_2647 = arith.constant 0 : index
    %get3A_2648 = vector.load %arg10[%get3A_2646, %get3A_2647] : memref<64x64xi32, #tpu.memory_space<vmem>>, vector<1x64xi32>
    %reshape3A_2649 = vector.shape_cast %get3A_2648 : vector<1x64xi32> to vector<64xi32>
    %swap3A_2650 = arith.constant 1728 : index
    %swap3A_2651 = vector.load %arg8[%swap3A_2650] : memref<4096xi32, #tpu.memory_space<vmem>>, vector<64xi32>
    tpu.vector_store %arg8[%swap3A_2650], %reshape3A_2649 {strides = array<i32>} : memref<4096xi32, #tpu.memory_space<vmem>>, vector<64xi32>,
    %get3A_2652 = arith.constant 28 : index
    %get3A_2653 = arith.constant 0 : index
    %get3A_2654 = vector.load %arg10[%get3A_2652, %get3A_2653] : memref<64x64xi32, #tpu.memory_space<vmem>>, vector<1x64xi32>
    %reshape3A_2655 = vector.shape_cast %get3A_2654 : vector<1x64xi32> to vector<64xi32>
    %swap3A_2656 = arith.constant 1792 : index
    %swap3A_2657 = vector.load %arg8[%swap3A_2656] : memref<4096xi32, #tpu.memory_space<vmem>>, vector<64xi32>
    tpu.vector_store %arg8[%swap3A_2656], %reshape3A_2655 {strides = array<i32>} : memref<4096xi32, #tpu.memory_space<vmem>>, vector<64xi32>,
    %get3A_2658 = arith.constant 29 : index
    %get3A_2659 = arith.constant 0 : index
    %get3A_2660 = vector.load %arg10[%get3A_2658, %get3A_2659] : memref<64x64xi32, #tpu.memory_space<vmem>>, vector<1x64xi32>
    %reshape3A_2661 = vector.shape_cast %get3A_2660 : vector<1x64xi32> to vector<64xi32>
    %swap3A_2662 = arith.constant 1856 : index
    %swap3A_2663 = vector.load %arg8[%swap3A_2662] : memref<4096xi32, #tpu.memory_space<vmem>>, vector<64xi32>
    tpu.vector_store %arg8[%swap3A_2662], %reshape3A_2661 {strides = array<i32>} : memref<4096xi32, #tpu.memory_space<vmem>>, vector<64xi32>,
    %get3A_2664 = arith.constant 30 : index
    %get3A_2665 = arith.constant 0 : index
    %get3A_2666 = vector.load %arg10[%get3A_2664, %get3A_2665] : memref<64x64xi32, #tpu.memory_space<vmem>>, vector<1x64xi32>
    %reshape3A_2667 = vector.shape_cast %get3A_2666 : vector<1x64xi32> to vector<64xi32>
    %swap3A_2668 = arith.constant 1920 : index
    %swap3A_2669 = vector.load %arg8[%swap3A_2668] : memref<4096xi32, #tpu.memory_space<vmem>>, vector<64xi32>
    tpu.vector_store %arg8[%swap3A_2668], %reshape3A_2667 {strides = array<i32>} : memref<4096xi32, #tpu.memory_space<vmem>>, vector<64xi32>,
    %get3A_2670 = arith.constant 31 : index
    %get3A_2671 = arith.constant 0 : index
    %get3A_2672 = vector.load %arg10[%get3A_2670, %get3A_2671] : memref<64x64xi32, #tpu.memory_space<vmem>>, vector<1x64xi32>
    %reshape3A_2673 = vector.shape_cast %get3A_2672 : vector<1x64xi32> to vector<64xi32>
    %swap3A_2674 = arith.constant 1984 : index
    %swap3A_2675 = vector.load %arg8[%swap3A_2674] : memref<4096xi32, #tpu.memory_space<vmem>>, vector<64xi32>
    tpu.vector_store %arg8[%swap3A_2674], %reshape3A_2673 {strides = array<i32>} : memref<4096xi32, #tpu.memory_space<vmem>>, vector<64xi32>,
    %get3A_2676 = arith.constant 32 : index
    %get3A_2677 = arith.constant 0 : index
    %get3A_2678 = vector.load %arg10[%get3A_2676, %get3A_2677] : memref<64x64xi32, #tpu.memory_space<vmem>>, vector<1x64xi32>
    %reshape3A_2679 = vector.shape_cast %get3A_2678 : vector<1x64xi32> to vector<64xi32>
    %swap3A_2680 = arith.constant 2048 : index
    %swap3A_2681 = vector.load %arg8[%swap3A_2680] : memref<4096xi32, #tpu.memory_space<vmem>>, vector<64xi32>
    tpu.vector_store %arg8[%swap3A_2680], %reshape3A_2679 {strides = array<i32>} : memref<4096xi32, #tpu.memory_space<vmem>>, vector<64xi32>,
    %get3A_2682 = arith.constant 33 : index
    %get3A_2683 = arith.constant 0 : index
    %get3A_2684 = vector.load %arg10[%get3A_2682, %get3A_2683] : memref<64x64xi32, #tpu.memory_space<vmem>>, vector<1x64xi32>
    %reshape3A_2685 = vector.shape_cast %get3A_2684 : vector<1x64xi32> to vector<64xi32>
    %swap3A_2686 = arith.constant 2112 : index
    %swap3A_2687 = vector.load %arg8[%swap3A_2686] : memref<4096xi32, #tpu.memory_space<vmem>>, vector<64xi32>
    tpu.vector_store %arg8[%swap3A_2686], %reshape3A_2685 {strides = array<i32>} : memref<4096xi32, #tpu.memory_space<vmem>>, vector<64xi32>,
    %get3A_2688 = arith.constant 34 : index
    %get3A_2689 = arith.constant 0 : index
    %get3A_2690 = vector.load %arg10[%get3A_2688, %get3A_2689] : memref<64x64xi32, #tpu.memory_space<vmem>>, vector<1x64xi32>
    %reshape3A_2691 = vector.shape_cast %get3A_2690 : vector<1x64xi32> to vector<64xi32>
    %swap3A_2692 = arith.constant 2176 : index
    %swap3A_2693 = vector.load %arg8[%swap3A_2692] : memref<4096xi32, #tpu.memory_space<vmem>>, vector<64xi32>
    tpu.vector_store %arg8[%swap3A_2692], %reshape3A_2691 {strides = array<i32>} : memref<4096xi32, #tpu.memory_space<vmem>>, vector<64xi32>,
    %get3A_2694 = arith.constant 35 : index
    %get3A_2695 = arith.constant 0 : index
    %get3A_2696 = vector.load %arg10[%get3A_2694, %get3A_2695] : memref<64x64xi32, #tpu.memory_space<vmem>>, vector<1x64xi32>
    %reshape3A_2697 = vector.shape_cast %get3A_2696 : vector<1x64xi32> to vector<64xi32>
    %swap3A_2698 = arith.constant 2240 : index
    %swap3A_2699 = vector.load %arg8[%swap3A_2698] : memref<4096xi32, #tpu.memory_space<vmem>>, vector<64xi32>
    tpu.vector_store %arg8[%swap3A_2698], %reshape3A_2697 {strides = array<i32>} : memref<4096xi32, #tpu.memory_space<vmem>>, vector<64xi32>,
    %get3A_2700 = arith.constant 36 : index
    %get3A_2701 = arith.constant 0 : index
    %get3A_2702 = vector.load %arg10[%get3A_2700, %get3A_2701] : memref<64x64xi32, #tpu.memory_space<vmem>>, vector<1x64xi32>
    %reshape3A_2703 = vector.shape_cast %get3A_2702 : vector<1x64xi32> to vector<64xi32>
    %swap3A_2704 = arith.constant 2304 : index
    %swap3A_2705 = vector.load %arg8[%swap3A_2704] : memref<4096xi32, #tpu.memory_space<vmem>>, vector<64xi32>
    tpu.vector_store %arg8[%swap3A_2704], %reshape3A_2703 {strides = array<i32>} : memref<4096xi32, #tpu.memory_space<vmem>>, vector<64xi32>,
    %get3A_2706 = arith.constant 37 : index
    %get3A_2707 = arith.constant 0 : index
    %get3A_2708 = vector.load %arg10[%get3A_2706, %get3A_2707] : memref<64x64xi32, #tpu.memory_space<vmem>>, vector<1x64xi32>
    %reshape3A_2709 = vector.shape_cast %get3A_2708 : vector<1x64xi32> to vector<64xi32>
    %swap3A_2710 = arith.constant 2368 : index
    %swap3A_2711 = vector.load %arg8[%swap3A_2710] : memref<4096xi32, #tpu.memory_space<vmem>>, vector<64xi32>
    tpu.vector_store %arg8[%swap3A_2710], %reshape3A_2709 {strides = array<i32>} : memref<4096xi32, #tpu.memory_space<vmem>>, vector<64xi32>,
    %get3A_2712 = arith.constant 38 : index
    %get3A_2713 = arith.constant 0 : index
    %get3A_2714 = vector.load %arg10[%get3A_2712, %get3A_2713] : memref<64x64xi32, #tpu.memory_space<vmem>>, vector<1x64xi32>
    %reshape3A_2715 = vector.shape_cast %get3A_2714 : vector<1x64xi32> to vector<64xi32>
    %swap3A_2716 = arith.constant 2432 : index
    %swap3A_2717 = vector.load %arg8[%swap3A_2716] : memref<4096xi32, #tpu.memory_space<vmem>>, vector<64xi32>
    tpu.vector_store %arg8[%swap3A_2716], %reshape3A_2715 {strides = array<i32>} : memref<4096xi32, #tpu.memory_space<vmem>>, vector<64xi32>,
    %get3A_2718 = arith.constant 39 : index
    %get3A_2719 = arith.constant 0 : index
    %get3A_2720 = vector.load %arg10[%get3A_2718, %get3A_2719] : memref<64x64xi32, #tpu.memory_space<vmem>>, vector<1x64xi32>
    %reshape3A_2721 = vector.shape_cast %get3A_2720 : vector<1x64xi32> to vector<64xi32>
    %swap3A_2722 = arith.constant 2496 : index
    %swap3A_2723 = vector.load %arg8[%swap3A_2722] : memref<4096xi32, #tpu.memory_space<vmem>>, vector<64xi32>
    tpu.vector_store %arg8[%swap3A_2722], %reshape3A_2721 {strides = array<i32>} : memref<4096xi32, #tpu.memory_space<vmem>>, vector<64xi32>,
    %get3A_2724 = arith.constant 40 : index
    %get3A_2725 = arith.constant 0 : index
    %get3A_2726 = vector.load %arg10[%get3A_2724, %get3A_2725] : memref<64x64xi32, #tpu.memory_space<vmem>>, vector<1x64xi32>
    %reshape3A_2727 = vector.shape_cast %get3A_2726 : vector<1x64xi32> to vector<64xi32>
    %swap3A_2728 = arith.constant 2560 : index
    %swap3A_2729 = vector.load %arg8[%swap3A_2728] : memref<4096xi32, #tpu.memory_space<vmem>>, vector<64xi32>
    tpu.vector_store %arg8[%swap3A_2728], %reshape3A_2727 {strides = array<i32>} : memref<4096xi32, #tpu.memory_space<vmem>>, vector<64xi32>,
    %get3A_2730 = arith.constant 41 : index
    %get3A_2731 = arith.constant 0 : index
    %get3A_2732 = vector.load %arg10[%get3A_2730, %get3A_2731] : memref<64x64xi32, #tpu.memory_space<vmem>>, vector<1x64xi32>
    %reshape3A_2733 = vector.shape_cast %get3A_2732 : vector<1x64xi32> to vector<64xi32>
    %swap3A_2734 = arith.constant 2624 : index
    %swap3A_2735 = vector.load %arg8[%swap3A_2734] : memref<4096xi32, #tpu.memory_space<vmem>>, vector<64xi32>
    tpu.vector_store %arg8[%swap3A_2734], %reshape3A_2733 {strides = array<i32>} : memref<4096xi32, #tpu.memory_space<vmem>>, vector<64xi32>,
    %get3A_2736 = arith.constant 42 : index
    %get3A_2737 = arith.constant 0 : index
    %get3A_2738 = vector.load %arg10[%get3A_2736, %get3A_2737] : memref<64x64xi32, #tpu.memory_space<vmem>>, vector<1x64xi32>
    %reshape3A_2739 = vector.shape_cast %get3A_2738 : vector<1x64xi32> to vector<64xi32>
    %swap3A_2740 = arith.constant 2688 : index
    %swap3A_2741 = vector.load %arg8[%swap3A_2740] : memref<4096xi32, #tpu.memory_space<vmem>>, vector<64xi32>
    tpu.vector_store %arg8[%swap3A_2740], %reshape3A_2739 {strides = array<i32>} : memref<4096xi32, #tpu.memory_space<vmem>>, vector<64xi32>,
    %get3A_2742 = arith.constant 43 : index
    %get3A_2743 = arith.constant 0 : index
    %get3A_2744 = vector.load %arg10[%get3A_2742, %get3A_2743] : memref<64x64xi32, #tpu.memory_space<vmem>>, vector<1x64xi32>
    %reshape3A_2745 = vector.shape_cast %get3A_2744 : vector<1x64xi32> to vector<64xi32>
    %swap3A_2746 = arith.constant 2752 : index
    %swap3A_2747 = vector.load %arg8[%swap3A_2746] : memref<4096xi32, #tpu.memory_space<vmem>>, vector<64xi32>
    tpu.vector_store %arg8[%swap3A_2746], %reshape3A_2745 {strides = array<i32>} : memref<4096xi32, #tpu.memory_space<vmem>>, vector<64xi32>,
    %get3A_2748 = arith.constant 44 : index
    %get3A_2749 = arith.constant 0 : index
    %get3A_2750 = vector.load %arg10[%get3A_2748, %get3A_2749] : memref<64x64xi32, #tpu.memory_space<vmem>>, vector<1x64xi32>
    %reshape3A_2751 = vector.shape_cast %get3A_2750 : vector<1x64xi32> to vector<64xi32>
    %swap3A_2752 = arith.constant 2816 : index
    %swap3A_2753 = vector.load %arg8[%swap3A_2752] : memref<4096xi32, #tpu.memory_space<vmem>>, vector<64xi32>
    tpu.vector_store %arg8[%swap3A_2752], %reshape3A_2751 {strides = array<i32>} : memref<4096xi32, #tpu.memory_space<vmem>>, vector<64xi32>,
    %get3A_2754 = arith.constant 45 : index
    %get3A_2755 = arith.constant 0 : index
    %get3A_2756 = vector.load %arg10[%get3A_2754, %get3A_2755] : memref<64x64xi32, #tpu.memory_space<vmem>>, vector<1x64xi32>
    %reshape3A_2757 = vector.shape_cast %get3A_2756 : vector<1x64xi32> to vector<64xi32>
    %swap3A_2758 = arith.constant 2880 : index
    %swap3A_2759 = vector.load %arg8[%swap3A_2758] : memref<4096xi32, #tpu.memory_space<vmem>>, vector<64xi32>
    tpu.vector_store %arg8[%swap3A_2758], %reshape3A_2757 {strides = array<i32>} : memref<4096xi32, #tpu.memory_space<vmem>>, vector<64xi32>,
    %get3A_2760 = arith.constant 46 : index
    %get3A_2761 = arith.constant 0 : index
    %get3A_2762 = vector.load %arg10[%get3A_2760, %get3A_2761] : memref<64x64xi32, #tpu.memory_space<vmem>>, vector<1x64xi32>
    %reshape3A_2763 = vector.shape_cast %get3A_2762 : vector<1x64xi32> to vector<64xi32>
    %swap3A_2764 = arith.constant 2944 : index
    %swap3A_2765 = vector.load %arg8[%swap3A_2764] : memref<4096xi32, #tpu.memory_space<vmem>>, vector<64xi32>
    tpu.vector_store %arg8[%swap3A_2764], %reshape3A_2763 {strides = array<i32>} : memref<4096xi32, #tpu.memory_space<vmem>>, vector<64xi32>,
    %get3A_2766 = arith.constant 47 : index
    %get3A_2767 = arith.constant 0 : index
    %get3A_2768 = vector.load %arg10[%get3A_2766, %get3A_2767] : memref<64x64xi32, #tpu.memory_space<vmem>>, vector<1x64xi32>
    %reshape3A_2769 = vector.shape_cast %get3A_2768 : vector<1x64xi32> to vector<64xi32>
    %swap3A_2770 = arith.constant 3008 : index
    %swap3A_2771 = vector.load %arg8[%swap3A_2770] : memref<4096xi32, #tpu.memory_space<vmem>>, vector<64xi32>
    tpu.vector_store %arg8[%swap3A_2770], %reshape3A_2769 {strides = array<i32>} : memref<4096xi32, #tpu.memory_space<vmem>>, vector<64xi32>,
    %get3A_2772 = arith.constant 48 : index
    %get3A_2773 = arith.constant 0 : index
    %get3A_2774 = vector.load %arg10[%get3A_2772, %get3A_2773] : memref<64x64xi32, #tpu.memory_space<vmem>>, vector<1x64xi32>
    %reshape3A_2775 = vector.shape_cast %get3A_2774 : vector<1x64xi32> to vector<64xi32>
    %swap3A_2776 = arith.constant 3072 : index
    %swap3A_2777 = vector.load %arg8[%swap3A_2776] : memref<4096xi32, #tpu.memory_space<vmem>>, vector<64xi32>
    tpu.vector_store %arg8[%swap3A_2776], %reshape3A_2775 {strides = array<i32>} : memref<4096xi32, #tpu.memory_space<vmem>>, vector<64xi32>,
    %get3A_2778 = arith.constant 49 : index
    %get3A_2779 = arith.constant 0 : index
    %get3A_2780 = vector.load %arg10[%get3A_2778, %get3A_2779] : memref<64x64xi32, #tpu.memory_space<vmem>>, vector<1x64xi32>
    %reshape3A_2781 = vector.shape_cast %get3A_2780 : vector<1x64xi32> to vector<64xi32>
    %swap3A_2782 = arith.constant 3136 : index
    %swap3A_2783 = vector.load %arg8[%swap3A_2782] : memref<4096xi32, #tpu.memory_space<vmem>>, vector<64xi32>
    tpu.vector_store %arg8[%swap3A_2782], %reshape3A_2781 {strides = array<i32>} : memref<4096xi32, #tpu.memory_space<vmem>>, vector<64xi32>,
    %get3A_2784 = arith.constant 50 : index
    %get3A_2785 = arith.constant 0 : index
    %get3A_2786 = vector.load %arg10[%get3A_2784, %get3A_2785] : memref<64x64xi32, #tpu.memory_space<vmem>>, vector<1x64xi32>
    %reshape3A_2787 = vector.shape_cast %get3A_2786 : vector<1x64xi32> to vector<64xi32>
    %swap3A_2788 = arith.constant 3200 : index
    %swap3A_2789 = vector.load %arg8[%swap3A_2788] : memref<4096xi32, #tpu.memory_space<vmem>>, vector<64xi32>
    tpu.vector_store %arg8[%swap3A_2788], %reshape3A_2787 {strides = array<i32>} : memref<4096xi32, #tpu.memory_space<vmem>>, vector<64xi32>,
    %get3A_2790 = arith.constant 51 : index
    %get3A_2791 = arith.constant 0 : index
    %get3A_2792 = vector.load %arg10[%get3A_2790, %get3A_2791] : memref<64x64xi32, #tpu.memory_space<vmem>>, vector<1x64xi32>
    %reshape3A_2793 = vector.shape_cast %get3A_2792 : vector<1x64xi32> to vector<64xi32>
    %swap3A_2794 = arith.constant 3264 : index
    %swap3A_2795 = vector.load %arg8[%swap3A_2794] : memref<4096xi32, #tpu.memory_space<vmem>>, vector<64xi32>
    tpu.vector_store %arg8[%swap3A_2794], %reshape3A_2793 {strides = array<i32>} : memref<4096xi32, #tpu.memory_space<vmem>>, vector<64xi32>,
    %get3A_2796 = arith.constant 52 : index
    %get3A_2797 = arith.constant 0 : index
    %get3A_2798 = vector.load %arg10[%get3A_2796, %get3A_2797] : memref<64x64xi32, #tpu.memory_space<vmem>>, vector<1x64xi32>
    %reshape3A_2799 = vector.shape_cast %get3A_2798 : vector<1x64xi32> to vector<64xi32>
    %swap3A_2800 = arith.constant 3328 : index
    %swap3A_2801 = vector.load %arg8[%swap3A_2800] : memref<4096xi32, #tpu.memory_space<vmem>>, vector<64xi32>
    tpu.vector_store %arg8[%swap3A_2800], %reshape3A_2799 {strides = array<i32>} : memref<4096xi32, #tpu.memory_space<vmem>>, vector<64xi32>,
    %get3A_2802 = arith.constant 53 : index
    %get3A_2803 = arith.constant 0 : index
    %get3A_2804 = vector.load %arg10[%get3A_2802, %get3A_2803] : memref<64x64xi32, #tpu.memory_space<vmem>>, vector<1x64xi32>
    %reshape3A_2805 = vector.shape_cast %get3A_2804 : vector<1x64xi32> to vector<64xi32>
    %swap3A_2806 = arith.constant 3392 : index
    %swap3A_2807 = vector.load %arg8[%swap3A_2806] : memref<4096xi32, #tpu.memory_space<vmem>>, vector<64xi32>
    tpu.vector_store %arg8[%swap3A_2806], %reshape3A_2805 {strides = array<i32>} : memref<4096xi32, #tpu.memory_space<vmem>>, vector<64xi32>,
    %get3A_2808 = arith.constant 54 : index
    %get3A_2809 = arith.constant 0 : index
    %get3A_2810 = vector.load %arg10[%get3A_2808, %get3A_2809] : memref<64x64xi32, #tpu.memory_space<vmem>>, vector<1x64xi32>
    %reshape3A_2811 = vector.shape_cast %get3A_2810 : vector<1x64xi32> to vector<64xi32>
    %swap3A_2812 = arith.constant 3456 : index
    %swap3A_2813 = vector.load %arg8[%swap3A_2812] : memref<4096xi32, #tpu.memory_space<vmem>>, vector<64xi32>
    tpu.vector_store %arg8[%swap3A_2812], %reshape3A_2811 {strides = array<i32>} : memref<4096xi32, #tpu.memory_space<vmem>>, vector<64xi32>,
    %get3A_2814 = arith.constant 55 : index
    %get3A_2815 = arith.constant 0 : index
    %get3A_2816 = vector.load %arg10[%get3A_2814, %get3A_2815] : memref<64x64xi32, #tpu.memory_space<vmem>>, vector<1x64xi32>
    %reshape3A_2817 = vector.shape_cast %get3A_2816 : vector<1x64xi32> to vector<64xi32>
    %swap3A_2818 = arith.constant 3520 : index
    %swap3A_2819 = vector.load %arg8[%swap3A_2818] : memref<4096xi32, #tpu.memory_space<vmem>>, vector<64xi32>
    tpu.vector_store %arg8[%swap3A_2818], %reshape3A_2817 {strides = array<i32>} : memref<4096xi32, #tpu.memory_space<vmem>>, vector<64xi32>,
    %get3A_2820 = arith.constant 56 : index
    %get3A_2821 = arith.constant 0 : index
    %get3A_2822 = vector.load %arg10[%get3A_2820, %get3A_2821] : memref<64x64xi32, #tpu.memory_space<vmem>>, vector<1x64xi32>
    %reshape3A_2823 = vector.shape_cast %get3A_2822 : vector<1x64xi32> to vector<64xi32>
    %swap3A_2824 = arith.constant 3584 : index
    %swap3A_2825 = vector.load %arg8[%swap3A_2824] : memref<4096xi32, #tpu.memory_space<vmem>>, vector<64xi32>
    tpu.vector_store %arg8[%swap3A_2824], %reshape3A_2823 {strides = array<i32>} : memref<4096xi32, #tpu.memory_space<vmem>>, vector<64xi32>,
    %get3A_2826 = arith.constant 57 : index
    %get3A_2827 = arith.constant 0 : index
    %get3A_2828 = vector.load %arg10[%get3A_2826, %get3A_2827] : memref<64x64xi32, #tpu.memory_space<vmem>>, vector<1x64xi32>
    %reshape3A_2829 = vector.shape_cast %get3A_2828 : vector<1x64xi32> to vector<64xi32>
    %swap3A_2830 = arith.constant 3648 : index
    %swap3A_2831 = vector.load %arg8[%swap3A_2830] : memref<4096xi32, #tpu.memory_space<vmem>>, vector<64xi32>
    tpu.vector_store %arg8[%swap3A_2830], %reshape3A_2829 {strides = array<i32>} : memref<4096xi32, #tpu.memory_space<vmem>>, vector<64xi32>,
    %get3A_2832 = arith.constant 58 : index
    %get3A_2833 = arith.constant 0 : index
    %get3A_2834 = vector.load %arg10[%get3A_2832, %get3A_2833] : memref<64x64xi32, #tpu.memory_space<vmem>>, vector<1x64xi32>
    %reshape3A_2835 = vector.shape_cast %get3A_2834 : vector<1x64xi32> to vector<64xi32>
    %swap3A_2836 = arith.constant 3712 : index
    %swap3A_2837 = vector.load %arg8[%swap3A_2836] : memref<4096xi32, #tpu.memory_space<vmem>>, vector<64xi32>
    tpu.vector_store %arg8[%swap3A_2836], %reshape3A_2835 {strides = array<i32>} : memref<4096xi32, #tpu.memory_space<vmem>>, vector<64xi32>,
    %get3A_2838 = arith.constant 59 : index
    %get3A_2839 = arith.constant 0 : index
    %get3A_2840 = vector.load %arg10[%get3A_2838, %get3A_2839] : memref<64x64xi32, #tpu.memory_space<vmem>>, vector<1x64xi32>
    %reshape3A_2841 = vector.shape_cast %get3A_2840 : vector<1x64xi32> to vector<64xi32>
    %swap3A_2842 = arith.constant 3776 : index
    %swap3A_2843 = vector.load %arg8[%swap3A_2842] : memref<4096xi32, #tpu.memory_space<vmem>>, vector<64xi32>
    tpu.vector_store %arg8[%swap3A_2842], %reshape3A_2841 {strides = array<i32>} : memref<4096xi32, #tpu.memory_space<vmem>>, vector<64xi32>,
    %get3A_2844 = arith.constant 60 : index
    %get3A_2845 = arith.constant 0 : index
    %get3A_2846 = vector.load %arg10[%get3A_2844, %get3A_2845] : memref<64x64xi32, #tpu.memory_space<vmem>>, vector<1x64xi32>
    %reshape3A_2847 = vector.shape_cast %get3A_2846 : vector<1x64xi32> to vector<64xi32>
    %swap3A_2848 = arith.constant 3840 : index
    %swap3A_2849 = vector.load %arg8[%swap3A_2848] : memref<4096xi32, #tpu.memory_space<vmem>>, vector<64xi32>
    tpu.vector_store %arg8[%swap3A_2848], %reshape3A_2847 {strides = array<i32>} : memref<4096xi32, #tpu.memory_space<vmem>>, vector<64xi32>,
    %get3A_2850 = arith.constant 61 : index
    %get3A_2851 = arith.constant 0 : index
    %get3A_2852 = vector.load %arg10[%get3A_2850, %get3A_2851] : memref<64x64xi32, #tpu.memory_space<vmem>>, vector<1x64xi32>
    %reshape3A_2853 = vector.shape_cast %get3A_2852 : vector<1x64xi32> to vector<64xi32>
    %swap3A_2854 = arith.constant 3904 : index
    %swap3A_2855 = vector.load %arg8[%swap3A_2854] : memref<4096xi32, #tpu.memory_space<vmem>>, vector<64xi32>
    tpu.vector_store %arg8[%swap3A_2854], %reshape3A_2853 {strides = array<i32>} : memref<4096xi32, #tpu.memory_space<vmem>>, vector<64xi32>,
    %get3A_2856 = arith.constant 62 : index
    %get3A_2857 = arith.constant 0 : index
    %get3A_2858 = vector.load %arg10[%get3A_2856, %get3A_2857] : memref<64x64xi32, #tpu.memory_space<vmem>>, vector<1x64xi32>
    %reshape3A_2859 = vector.shape_cast %get3A_2858 : vector<1x64xi32> to vector<64xi32>
    %swap3A_2860 = arith.constant 3968 : index
    %swap3A_2861 = vector.load %arg8[%swap3A_2860] : memref<4096xi32, #tpu.memory_space<vmem>>, vector<64xi32>
    tpu.vector_store %arg8[%swap3A_2860], %reshape3A_2859 {strides = array<i32>} : memref<4096xi32, #tpu.memory_space<vmem>>, vector<64xi32>,
    %get3A_2862 = arith.constant 63 : index
    %get3A_2863 = arith.constant 0 : index
    %get3A_2864 = vector.load %arg10[%get3A_2862, %get3A_2863] : memref<64x64xi32, #tpu.memory_space<vmem>>, vector<1x64xi32>
    %reshape3A_2865 = vector.shape_cast %get3A_2864 : vector<1x64xi32> to vector<64xi32>
    %swap3A_2866 = arith.constant 4032 : index
    %swap3A_2867 = vector.load %arg8[%swap3A_2866] : memref<4096xi32, #tpu.memory_space<vmem>>, vector<64xi32>
    tpu.vector_store %arg8[%swap3A_2866], %reshape3A_2865 {strides = array<i32>} : memref<4096xi32, #tpu.memory_space<vmem>>, vector<64xi32>,
    return
  }
  func.func @transform_0(%arg0: i32) -> (i32, i32, i32) {
    %c0_i32 = arith.constant 0 : i32
    %c0_i32_0 = arith.constant 0 : i32
    %c0_i32_1 = arith.constant 0 : i32
    return %arg0, %c0_i32, %c0_i32_0 : i32, i32, i32
  }
  func.func @transform_1(%arg0: i32) -> (i32, i32, i32) {
    %c0_i32 = arith.constant 0 : i32
    %c0_i32_0 = arith.constant 0 : i32
    %c0_i32_1 = arith.constant 0 : i32
    return %arg0, %c0_i32, %c0_i32_0 : i32, i32, i32
  }
  func.func @transform_2(%arg0: i32) -> (i32, i32, i32) {
    %c0_i32 = arith.constant 0 : i32
    %c0_i32_0 = arith.constant 0 : i32
    %c0_i32_1 = arith.constant 0 : i32
    return %arg0, %c0_i32, %c0_i32_0 : i32, i32, i32
  }
  func.func @transform_3(%arg0: i32) -> (i32, i32, i32) {
    %c0_i32 = arith.constant 0 : i32
    %c0_i32_0 = arith.constant 0 : i32
    %c0_i32_1 = arith.constant 0 : i32
    return %arg0, %c0_i32, %c0_i32_0 : i32, i32, i32
  }
  func.func @transform_4(%arg0: i32) -> (i32, i32) {
    %c0_i32 = arith.constant 0 : i32
    %c0_i32_0 = arith.constant 0 : i32
    %c0_i32_1 = arith.constant 0 : i32
    return %c0_i32, %c0_i32_0 : i32, i32
  }
  func.func @transform_5(%arg0: i32) -> (i32, i32) {
    %c0_i32 = arith.constant 0 : i32
    %c0_i32_0 = arith.constant 0 : i32
    %c0_i32_1 = arith.constant 0 : i32
    return %c0_i32, %c0_i32_0 : i32, i32
  }
  func.func @transform_6(%arg0: i32) -> i32 {
    %c0_i32 = arith.constant 0 : i32
    return %arg0 : i32
  }
  func.func @transform_7(%arg0: i32) -> i32 {
    %c0_i32 = arith.constant 0 : i32
    return %arg0 : i32
  }
  func.func @transform_8(%arg0: i32) -> (i32, i32, i32) {
    %c0_i32 = arith.constant 0 : i32
    %c0_i32_0 = arith.constant 0 : i32
    %c0_i32_1 = arith.constant 0 : i32
    return %arg0, %c0_i32, %c0_i32_0 : i32, i32, i32
  }
}

</mosaic_0001>

<sc_bundles>
// kernel: kernel.5.cloned.1.call-start
scs
__scs_entry_jumppad:
0x0: {  	(pc) =	sbr.rel $0x88, $3  }
0x1: {  	(tag) =	ssettag $0x0;
	lr =	simm.s32 $0x1  }
0x2: {  	[smem:$0x3F9D] =	sst lr;
	_ =	strace $0xD0000000  }
0x3: {  	_ = 	snop  }
0x4: {  	_ = 	snop  }
0x5: {  	_ = 	snop  }
0x6: {  	_ = 	snop  }
0x7: {  	_ = 	snop  }
__scs_overlays_trampoline_lowered:
0x8: {  	[smem:$0x3FAC] =	sst s0  }
0x9: {  	[smem:$0x3FAD] =	sst s1  }
0xa: {  	[smem:$0x3FAE] =	sst s2  }
0xb: {  	[smem:$0x3FAF] =	sst s3  }
0xc: {  	[smem:$0x3FB0] =	sst s4  }
0xd: {  	[smem:$0x3FB1] =	sst s5  }
0xe: {  	[smem:$0x3FB2] =	sst s6  }
0xf: {  	[smem:$0x3FB3] =	sst s7  }
0x10: {  	[smem:$0x3FB4] =	sst s8  }
0x11: {  	[smem:$0x3FB5] =	sst s9;
	s0 =	simm.s32 @!p0 $0x0  }
0x12: {  	s1 =	sld [smem:$0x3F9B];
	s0 =	simm.s32 @p0 $0x1  }
0x13: {  	[smem:$0x3FB6] =	sst s0;
	s0 =	simm.s32 @!p1 $0x0  }
0x14: {  	s2 =	sld [smem:$0x3F9A];
	s0 =	simm.s32 @p1 $0x1  }
0x15: {  	[smem:$0x3FB7] =	sst s0;
	s0 =	simm.s32 @!p2 $0x0  }
0x16: {  	s3 =	sld [smem:$0x3FDB];
	s0 =	simm.s32 @p2 $0x1  }
0x17: {  	s4 =	simm.s32 $0x1BF5;
	[smem:$0x3FB9] =	sst s0  }
0x18: {  	s0 =	sld [smem:$0x3F9C];
	_ =	swait.ge [sflag:s4], $0x0  }
0x19: {  	s7 =	sld [smem:$0x3F9D]  }
0x1a: {  	s8 =	sadd.s32 $0xFFFFE003, lr  }
0x1b: {  	s9 =	sadd.s32 $0xFFFFFEF7, lr;
	s5 =	simm.s32 $0xFFFFFFFF;
	p2 =	slt.u32 s8, $0xFFFFF086  }
0x1c: {  	p1 =	slt.u32 s9, $0xF7A;
	s5 =	simm.s32 @!p2 $0x0  }
0x1d: {  	s5 =	simm.s32 @p1 $0x1;
	p0 =	seq.s32 s7, s2  }
0x1e: {  	s7 =	smul.u32 @!p0 $0xF7A, s2;
	p2 =	seq.s32 @!p0 s5, $0x0  }
0x1f: {  	s9 =	smul.u32 $0xF7A, s1;
	s8 =	simm.s32 @!p0 $0x1BF5;
	p2 =	por !p2, p0  }
0x20: {  	[sflag:s8] =	ssyncset.s32 @!p0 $0xFFFFF086;
	s6 =	sadd.s32 @!p0 s3, s7;
	s7 =	simm.s32 @!p0 $0x108  }
0x21: {  	s3 =	sadd.s32 s3, s9;
	s6 =	sadd.s32 @!p0 $0x88, s6;
	s7 =	simm.s32 @p2 $0x1082  }
0x22: {  	[simem:s7], [sflag:s8] =	dma.local @!p0 [hbm:s6], $0xF7A  }
0x23: {  	s9 =	sor.u32 $0xD0000000, s2;
	s6 =	simm.s32 $0x108;
	_ =	swait.ge @!p0 [sflag:s8], $0x0  }
0x24: {  	s3 =	sadd.s32 $0x88, s3;
	s6 =	simm.s32 @!p1 $0x1082;
	[sflag:s4] =	ssyncset.s32 $0xFFFFF086  }
0x25: {  	[simem:s6], [sflag:s4] =	dma.local [hbm:s3], $0xF7A  }
0x26: {  	[smem:$0x3F9D] =	sst s1;
	(tag) =	ssettag s2;
	_ =	strace s9  }
0x27: {  	s1 =	sld [smem:$0x3FAD]  }
0x28: {  	s2 =	sld [smem:$0x3FAE]  }
0x29: {  	s4 =	sld [smem:$0x3FB0]  }
0x2a: {  	p0 =	seq.s32 s5, $0x0;
	s5 =	sld [smem:$0x3FB1]  }
0x2b: {  	s6 =	sld [smem:$0x3FB2]  }
0x2c: {  	s7 =	sld [smem:$0x3FB3]  }
0x2d: {  	s3 =	simm.s32 $0x108;
	s8 =	sld [smem:$0x3FB4]  }
0x2e: {  	s3 =	simm.s32 @!p0 $0x1082;
	s9 =	sld [smem:$0x3FB5]  }
0x2f: {  	lr =	sadd.s32 s0, s3;
	s0 =	sld [smem:$0x3FAC]  }
0x30: {  	s3 =	sld [smem:$0x3FAF]  }
0x31: {  	[smem:$0x3FB8] =	sst s10  }
0x32: {  	s10 =	sld [smem:$0x3FB6];
	_ =	sdelay $0x3  }
0x33: {  	p0 =	seq.s32 s10, $0x1;
	s10 =	sld [smem:$0x3FB8];
	_ =	sdelay $0x3  }
0x34: {  	[smem:$0x3FB8] =	sst s10  }
0x35: {  	s10 =	sld [smem:$0x3FB7];
	_ =	sdelay $0x3  }
0x36: {  	p1 =	seq.s32 s10, $0x1;
	s10 =	sld [smem:$0x3FB8];
	_ =	sdelay $0x3  }
0x37: {  	[smem:$0x3FB8] =	sst s10  }
0x38: {  	s10 =	sld [smem:$0x3FB9]  }
0x39: {  	_ = 	snop;
	(pc) =	sbr.ind lr, $3  }
0x3a: {  	_ = 	snop  }
0x3b: {  	_ = 	snop  }
0x3c: {  	p2 =	seq.s32 s10, $0x1;
	s10 =	sld [smem:$0x3FB8]  }
0x3d: {  	_ =	shalt  }
0x3e: {  	_ =	shalt  }
0x3f: {  	_ =	shalt  }
0x40: {  	_ =	shalt  }
0x41: {  	_ =	shalt  }
0x42: {  	_ =	shalt  }
0x43: {  	_ =	shalt  }
0x44: {  	_ =	shalt  }
0x45: {  	_ =	shalt  }
0x46: {  	_ =	shalt  }
0x47: {  	_ =	shalt  }
0x48: {  	_ =	shalt  }
0x49: {  	_ =	shalt  }
0x4a: {  	_ =	shalt  }
0x4b: {  	_ =	shalt  }
0x4c: {  	_ =	shalt  }
0x4d: {  	_ =	shalt  }
0x4e: {  	_ =	shalt  }
0x4f: {  	_ =	shalt  }
0x50: {  	_ =	shalt  }
0x51: {  	_ =	shalt  }
0x52: {  	_ =	shalt  }
0x53: {  	_ =	shalt  }
0x54: {  	_ =	shalt  }
0x55: {  	_ =	shalt  }
0x56: {  	_ =	shalt  }
0x57: {  	_ =	shalt  }
0x58: {  	_ =	shalt  }
0x59: {  	_ =	shalt  }
0x5a: {  	_ =	shalt  }
0x5b: {  	_ =	shalt  }
0x5c: {  	_ =	shalt  }
0x5d: {  	_ =	shalt  }
0x5e: {  	_ =	shalt  }
0x5f: {  	_ =	shalt  }
0x60: {  	_ =	shalt  }
0x61: {  	_ =	shalt  }
0x62: {  	_ =	shalt  }
0x63: {  	_ =	shalt  }
0x64: {  	_ =	shalt  }
0x65: {  	_ =	shalt  }
0x66: {  	_ =	shalt  }
0x67: {  	_ =	shalt  }
0x68: {  	_ =	shalt  }
0x69: {  	_ =	shalt  }
0x6a: {  	_ =	shalt  }
0x6b: {  	_ =	shalt  }
0x6c: {  	_ =	shalt  }
0x6d: {  	_ =	shalt  }
0x6e: {  	_ =	shalt  }
0x6f: {  	_ =	shalt  }
0x70: {  	_ =	shalt  }
0x71: {  	_ =	shalt  }
0x72: {  	_ =	shalt  }
0x73: {  	_ =	shalt  }
0x74: {  	_ =	shalt  }
0x75: {  	_ =	shalt  }
0x76: {  	_ =	shalt  }
0x77: {  	_ =	shalt  }
0x78: {  	_ =	shalt  }
0x79: {  	_ =	shalt  }
0x7a: {  	_ =	shalt  }
0x7b: {  	_ =	shalt  }
0x7c: {  	_ =	shalt  }
0x7d: {  	_ =	shalt  }
0x7e: {  	_ =	shalt  }
0x7f: {  	_ =	shalt  }
0x80: {  	_ =	shalt  }
0x81: {  	_ =	shalt  }
0x82: {  	_ =	shalt  }
0x83: {  	_ =	shalt  }
0x84: {  	_ =	shalt  }
0x85: {  	_ =	shalt  }
0x86: {  	_ =	shalt  }
0x87: {  	_ =	shalt  }
.Lfunc_end0:
.L_simem_size_0:
called_computation_lowered:
.L_overlay_start_0:
0x88: {  	s2 =	sld [smem:$0x3FD9]  }
0x89: {  	s3 =	sld [smem:$0x3FFE];
	_ =	sdelay $0x1  }
0x8a: {  	s1 =	srdreg.scid  }
0x8b: {  	s0 =	sand.u32 $0x1, s1  }
0x8c: {  	s14 =	sshll.u32 s0, $0xA;
	s2 =	sadd.s32 s3, s2  }
0x8d: {  	s2 =	sadd.s32 s2, s14  }
0x8e: {  	[smem:$0x3FC4] =	sst s2  }
0x8f: {  	_ = 	snop  }
0x90: {  	s2 =	sld [smem:$0x3FD0];
	_ =	sdelay $0x2  }
0x91: {  	s15 =	simm.s32 $0xA;
	s4 =	simm.s32 $0x10  }
0x92: {  	[smem:s4], [sflag:s15] =	dma.local [hbm:s2], $0x1  }
0x93: {  	_ =	swait.eq [sflag:s15], $0x1  }
0x94: {  	[sflag:s15] =	ssyncset.done $0x0  }
0x95: {  	[sflag:s15] =	ssyncadd.s32 $0xFFFFFFFF  }
0x96: {  	s16 =	sld [smem:$0x11];
	(tm) =	ssettm $0x1  }
0x97: {  	s17 =	sld [smem:$0x3FFB];
	_ =	sdelay $0x3  }
0x98: {  	_ =	strace s17  }
0x99: {  	s3 =	sld [smem:$0x3FFC];
	_ =	sdelay $0x3  }
0x9a: {  	_ =	strace s3  }
0x9b: {  	s3 =	sld [smem:$0x3FFD];
	_ =	sdelay $0x3  }
0x9c: {  	_ =	strace s3  }
0x9d: {  	_ =	strace $0x8FFFFFFF  }
0x9e: {  	s18 =	sld [smem:$0x3FDB];
	_ =	sdelay $0x1  }
0x9f: {  	s19 =	simm.s32 $_scs_section_size  }
0xa0: {  	s5 =	simm.s32 $_size__tile_overlayer_lowered;
	s6 =	simm.s32 $_tile_overlayer_lowered  }
0xa1: {  	s22 =	simm.s32 $0x1BFF;
	s21 =	sshll.u32 s6, $0x1;
	s3 =	sadd.s32 s19, s18  }
0xa2: {  	s7 =	simm.s32 $0x0;
	s20 =	sshll.u32 s5, $0x1;
	s5 =	sadd.s32 s21, s3  }
0xa3: {  	[timem:s7], [sflag:s22] =	dma.local [hbm:s5], s20  }
0xa4: {  	_ =	swait.ge [sflag:s22], s20  }
0xa5: {  	s4 =	ssub.s32 $0x0, s20;
	[sflag:s22] =	ssyncset.done $0x0  }
0xa6: {  	[sflag:s22] =	ssyncadd.s32 s4;
	_ =	sdelay $0x1  }
0xa7: {  	s23 =	simm.s32 $0x1B8B  }
0xa8: {  	_ =	swait.ge [sflag:s23], $0x1  }
0xa9: {  	[sflag:s23] =	ssyncset.done $0x0  }
0xaa: {  	s25 =	simm.s32 $0x1B8E;
	s24 =	sld [smem:$0x3FFE];
	[sflag:s23] =	ssyncadd.s32 $0xFFFFFFFF  }
0xab: {  	s26 =	simm.s32 $execute0_lowered;
	[smem:$0x3FD2] =	sst s25  }
0xac: {  	s5 =	sshll.u32 s26, $0x1;
	_ =	strace $0x80000046;
	[dreg:$0x1] =	wrdreg $0xFFFFFFFF  }
0xad: {  	s28 =	simm.s32 $_size_execute0_lowered;
	s3 =	sadd.s32 s3, s5;
	[dreg:$0x0] =	wrdreg $0x0  }
0xae: {  	s5 =	sshll.u32 s28, $0x1;
	[dreg:$0x2] =	wrdreg s3  }
0xaf: {  	[dreg:$0x3] =	wrdreg s5  }
0xb0: {  	[dreg:$0x4] =	wrdreg $0xC0  }
0xb1: {  	_ =	task [dreg:s7], $0x5FFFF  }
0xb2: {  	[dreg:$0x1] =	wrdreg $0xFFFFFFFF  }
0xb3: {  	[dreg:$0x0] =	wrdreg $0x60  }
0xb4: {  	[dreg:$0x2] =	wrdreg s24  }
0xb5: {  	[dreg:$0x3] =	wrdreg s16  }
0xb6: {  	[dreg:$0x4] =	wrdreg $0x9  }
0xb7: {  	_ =	task.clear_ibuf [dreg:s7], $0x5FFFF;
	_ =	strace $0x90000046  }
0xb8: {  	s29 =	simm.s32 $0x9;
	_ =	strace $0x80000048  }
0xb9: {  	_ =	swait.ge [sflag:s29], $0x1  }
0xba: {  	[sflag:s29] =	ssyncadd.s32 $0xFFFFFFFF  }
0xbb: {  	_ =	strace $0x90000048  }
0xbc: {  	_ =	sfence  }
0xbd: {  	s30 =	sld [smem:$0x0];
	_ =	sdelay $0x2  }
0xbe: {  	s31 =	sshll.u32 s1, $0xD;
	s1 =	sshrl.u32 s1, $0x2  }
0xbf: {  	s3 =	sand.u32 $0x4000, s31;
	s1 =	sadd.s32 s1, s30  }
0xc0: {  	s0 =	sor.u32 s3, s0;
	s1 =	sshll.u32 s1, $0x11  }
0xc1: {  	s0 =	sor.u32 s1, s0  }
0xc2: {  	s0 =	sadd.s32 $0x8F2B, s0  }
0xc3: {  	[sflag:s0] =	ssyncadd.remote.s32 $0x1  }
0xc4: {  	_ =	sfence.sel $0xFFFF  }
0xc5: {  	[dreg:$0x0] =	wrdreg $0xFFFFFFFF;
	(pc) =	sbr.abs _section_cstart, $3  }
0xc6: {  	[dreg:$0x1] =	wrdreg $0xFFFFFFFF  }
0xc7: {  	_ =	task.clear_ibuf [dreg:s7], $0x2FFFF;
	_ =	strace $0x9FFFFFFF  }
0xc8: {  	(tm) =	ssettm $0x7FFFFFFF  }
0xc9: {  	_ =	shalt  }
tec
execute0_lowered:
.L_overlay_start_1:
0x0: {  	(tag) =	ssettag $0x1  }
0x1: {  	s1 =	srdreg.scid;
	s0 =	stileid.u32  }
0x2: {  	s1 =	sand.u32 $0x1, s1;
	s2 =	sshll.u32 s0, $0x1  }
0x3: {  	s6 =	sshll.u32 s0, $0xA;
	s12 =	sor.u32 s1, s2  }
0x4: {  	s21 =	rddreg [dreg:$0x0];
	v0 =	vlaneseq.u32;
	s5 =	sand.u32 $0x3000, s6;
	s3 =	sshll.u32 s12, $0x3  }
0x5: {  	s14 =	rddreg [dreg:$0x1];
	v31 =	vmul.u32 $0x40, v0;
	s4 =	sor.u32 $0x800, s5;
	s3 =	sand.u32 $0x38, s3  }
0x6: {  	s2 =	simm.s32 $0x0;
	s7 =	sor.u32 $0xC00, s6;
	s8 =	sor.u32 s4, s3  }
0x7: {  	[smem:$0x7FF] =	sst s2;
	s0 =	sor.u32 s7, s3;
	s9 =	sor.u32 $0x1, s3;
	v0 =	vor.u32 s8, v31  }
0x8: {  	s6 =	sor.u32 $0x400, s5;
	_ =	strace $0x80000047;
	v1 =	vor.u32 s0, v31;
	s10 =	sor.u32 s5, s9;
	[tilespmem:$0x20] =	vst v0  }
0x9: {  	s11 =	sor.u32 s6, s9;
	v2 =	vor.u32 s10, v31;
	[tilespmem:$0x30] =	vst v1  }
0xa: {  	s13 =	sor.u32 s4, s9;
	v3 =	vor.u32 s11, v31;
	[tilespmem:$0x80] =	vst v2  }
0xb: {  	s16 =	sor.u32 $0x2, s3;
	s15 =	sor.u32 s7, s9;
	v4 =	vor.u32 s13, v31;
	[tilespmem:$0x90] =	vst v3  }
0xc: {  	s17 =	sor.u32 s5, s16;
	v5 =	vor.u32 s15, v31;
	[tilespmem:$0xA0] =	vst v4  }
0xd: {  	s18 =	sor.u32 s6, s16;
	v6 =	vor.u32 s17, v31;
	[tilespmem:$0xB0] =	vst v5  }
0xe: {  	s19 =	sor.u32 s4, s16;
	v7 =	vor.u32 s18, v31;
	[tilespmem:$0x100] =	vst v6  }
0xf: {  	s22 =	sor.u32 $0x3, s3;
	s20 =	sor.u32 s7, s16;
	v8 =	vor.u32 s19, v31;
	[tilespmem:$0x110] =	vst v7  }
0x10: {  	s23 =	sor.u32 s5, s22;
	v9 =	vor.u32 s20, v31;
	[tilespmem:$0x120] =	vst v8  }
0x11: {  	s24 =	sor.u32 s6, s22;
	v10 =	vor.u32 s23, v31;
	[tilespmem:$0x130] =	vst v9  }
0x12: {  	s25 =	sor.u32 s4, s22;
	v11 =	vor.u32 s24, v31;
	[tilespmem:$0x180] =	vst v10  }
0x13: {  	s26 =	sor.u32 s7, s22;
	s0 =	sor.u32 $0x4, s3;
	v12 =	vor.u32 s25, v31;
	[tilespmem:$0x190] =	vst v11  }
0x14: {  	v13 =	vor.u32 s26, v31;
	s11 =	sor.u32 s5, s0;
	[tilespmem:$0x1A0] =	vst v12  }
0x15: {  	s22 =	sor.u32 $0x5, s3;
	s10 =	sor.u32 s5, s3;
	v14 =	vor.u32 s11, v31;
	[tilespmem:$0x1B0] =	vst v13  }
0x16: {  	s23 =	sor.u32 s7, s22;
	v15 =	vor.u32 s10, v31;
	[tilespmem:$0x200] =	vst v14  }
0x17: {  	s24 =	sor.u32 s4, s22;
	v24 =	vor.u32 s23, v31;
	[tilespmem:$0x0] =	vst v15  }
0x18: {  	s25 =	sor.u32 s6, s22;
	v25 =	vor.u32 s24, v31;
	[tilespmem:$0x2B0] =	vst v24  }
0x19: {  	s13 =	sor.u32 $0x7, s3;
	s26 =	sor.u32 s6, s0;
	v26 =	vor.u32 s25, v31;
	[tilespmem:$0x2A0] =	vst v25  }
0x1a: {  	s15 =	sor.u32 s7, s13;
	v30 =	vor.u32 s26, v31;
	[tilespmem:$0x290] =	vst v26  }
0x1b: {  	s11 =	sor.u32 s4, s13;
	v16 =	vor.u32 s15, v31;
	[tilespmem:$0x210] =	vst v30  }
0x1c: {  	s16 =	sor.u32 s6, s13;
	v17 =	vor.u32 s11, v31;
	[tilespmem:$0x3B0] =	vst v16  }
0x1d: {  	s17 =	sor.u32 $0x6, s3;
	s8 =	sor.u32 s5, s13;
	v18 =	vor.u32 s16, v31;
	[tilespmem:$0x3A0] =	vst v17  }
0x1e: {  	s18 =	sor.u32 s7, s17;
	v19 =	vor.u32 s8, v31;
	[tilespmem:$0x390] =	vst v18  }
0x1f: {  	s19 =	sor.u32 s4, s17;
	v20 =	vor.u32 s18, v31;
	[tilespmem:$0x380] =	vst v19  }
0x20: {  	s20 =	sor.u32 s6, s17;
	v21 =	vor.u32 s19, v31;
	[tilespmem:$0x330] =	vst v20  }
0x21: {  	s7 =	sor.u32 s7, s0;
	v22 =	vor.u32 s20, v31;
	[tilespmem:$0x320] =	vst v21  }
0x22: {  	s4 =	sor.u32 s4, s0;
	v28 =	vor.u32 s7, v31;
	[tilespmem:$0x310] =	vst v22  }
0x23: {  	s11 =	sor.u32 s5, s17;
	v29 =	vor.u32 s4, v31;
	[tilespmem:$0x230] =	vst v28  }
0x24: {  	s5 =	sor.u32 s5, s22;
	v23 =	vor.u32 s11, v31;
	[tilespmem:$0x220] =	vst v29  }
0x25: {  	s3 =	sor.u32 s6, s3;
	v27 =	vor.u32 s5, v31;
	[tilespmem:$0x300] =	vst v23  }
0x26: {  	v31 =	vor.u32 s3, v31;
	[tilespmem:$0x280] =	vst v27  }
0x27: {  	s4 =	simm.s32 $0x40;
	s3 =	sadd.s32 $0x9600, s21;
	s5 =	simm.s32 $0x400;
	[tilespmem:$0x10] =	vst v31  }
0x28: {  	[tilespmem:s5], [sflag:$0x1] =	stream.indirect.gather [hbm4b:s3+s4], $0x1, s2, s4, $0xb8;
	[tilespmem:$0xC00] =	vst v63  }
0x29: {  	s6 =	simm.s32 $0x80;
	s7 =	simm.s32 $0x480  }
0x2a: {  	[tilespmem:s7], [sflag:$0x1] =	stream.indirect.gather [hbm4b:s3+s4], $0x1, s6, s4, $0xb8;
	[tilespmem:$0xC00] =	vst v63  }
0x2b: {  	s9 =	simm.s32 $0x500;
	s8 =	simm.s32 $0x100  }
0x2c: {  	[tilespmem:s9], [sflag:$0x1] =	stream.indirect.gather [hbm4b:s3+s4], $0x1, s8, s4, $0xb8;
	[tilespmem:$0xC00] =	vst v63  }
0x2d: {  	s10 =	simm.s32 $0x180;
	s11 =	simm.s32 $0x580  }
0x2e: {  	[tilespmem:s11], [sflag:$0x1] =	stream.indirect.gather [hbm4b:s3+s4], $0x1, s10, s4, $0xb8;
	[tilespmem:$0xC00] =	vst v63  }
0x2f: {  	s13 =	simm.s32 $0x600;
	s15 =	sshll.u32 s12, $0x7;
	s12 =	simm.s32 $0x200  }
0x30: {  	[tilespmem:s13], [sflag:$0x1] =	stream.indirect.gather [hbm4b:s3+s4], $0x1, s12, s4, $0xb8;
	[tilespmem:$0xC00] =	vst v63  }
0x31: {  	s16 =	sadd.s32 s14, s15;
	s14 =	simm.s32 $0x280;
	s15 =	simm.s32 $0x680  }
0x32: {  	[tilespmem:s15], [sflag:$0x1] =	stream.indirect.gather [hbm4b:s3+s4], $0x1, s14, s4, $0xb8;
	[tilespmem:$0xC00] =	vst v63  }
0x33: {  	s17 =	simm.s32 $0x700;
	[dreg:$0x3] =	wrdreg s16;
	s16 =	simm.s32 $0x300  }
0x34: {  	[tilespmem:s17], [sflag:$0x1] =	stream.indirect.gather [hbm4b:s3+s4], $0x1, s16, s4, $0xb8;
	[tilespmem:$0xC00] =	vst v63  }
0x35: {  	s18 =	simm.s32 $0x380;
	s19 =	simm.s32 $0x780;
	s20 =	simm.s32 $0x1  }
0x36: {  	[tilespmem:s19], [sflag:$0x1] =	stream.indirect.gather [hbm4b:s3+s4], $0x1, s18, s4, $0xb8;
	[tilespmem:$0xC00] =	vst v63  }
0x37: {  	_ =	swait.ge [sflag:s20], $0x40  }
0x38: {  	[sflag:s20] =	ssyncset.done $0x0  }
0x39: {  	[sflag:s20] =	ssyncadd.s32 $0xFFFFFFC0  }
0x3a: {  	_ =	swait.ge [sflag:s20], $0x40  }
0x3b: {  	[sflag:s20] =	ssyncset.done $0x0  }
0x3c: {  	[sflag:s20] =	ssyncadd.s32 $0xFFFFFFC0  }
0x3d: {  	_ =	swait.ge [sflag:s20], $0x40  }
0x3e: {  	[sflag:s20] =	ssyncset.done $0x0  }
0x3f: {  	[sflag:s20] =	ssyncadd.s32 $0xFFFFFFC0  }
0x40: {  	_ =	swait.ge [sflag:s20], $0x40  }
0x41: {  	[sflag:s20] =	ssyncset.done $0x0  }
0x42: {  	[sflag:s20] =	ssyncadd.s32 $0xFFFFFFC0  }
0x43: {  	_ =	swait.ge [sflag:s20], $0x40  }
0x44: {  	[sflag:s20] =	ssyncset.done $0x0  }
0x45: {  	[sflag:s20] =	ssyncadd.s32 $0xFFFFFFC0  }
0x46: {  	_ =	swait.ge [sflag:s20], $0x40  }
0x47: {  	[sflag:s20] =	ssyncset.done $0x0  }
0x48: {  	[sflag:s20] =	ssyncadd.s32 $0xFFFFFFC0  }
0x49: {  	_ =	swait.ge [sflag:s20], $0x40  }
0x4a: {  	[sflag:s20] =	ssyncset.done $0x0  }
0x4b: {  	[sflag:s20] =	ssyncadd.s32 $0xFFFFFFC0  }
0x4c: {  	_ =	swait.ge [sflag:s20], $0x40  }
0x4d: {  	[sflag:s20] =	ssyncset.done $0x0  }
0x4e: {  	s22 =	simm.s32 $0x800;
	s21 =	sadd.s32 $0x1600, s21;
	[sflag:s20] =	ssyncadd.s32 $0xFFFFFFC0  }
0x4f: {  	[tilespmem:s22], [sflag:$0x1] =	stream.indirect.gather [hbm4b:s21+s4], $0x1, s5, s4, $0xb8;
	[tilespmem:$0xC00] =	vst v63  }
0x50: {  	s23 =	simm.s32 $0x880  }
0x51: {  	[tilespmem:s23], [sflag:$0x1] =	stream.indirect.gather [hbm4b:s21+s4], $0x1, s7, s4, $0xb8;
	[tilespmem:$0xC00] =	vst v63  }
0x52: {  	s24 =	simm.s32 $0x900  }
0x53: {  	[tilespmem:s24], [sflag:$0x1] =	stream.indirect.gather [hbm4b:s21+s4], $0x1, s9, s4, $0xb8;
	[tilespmem:$0xC00] =	vst v63  }
0x54: {  	s25 =	simm.s32 $0x980  }
0x55: {  	[tilespmem:s25], [sflag:$0x1] =	stream.indirect.gather [hbm4b:s21+s4], $0x1, s11, s4, $0xb8;
	[tilespmem:$0xC00] =	vst v63  }
0x56: {  	s26 =	simm.s32 $0xA00  }
0x57: {  	[tilespmem:s26], [sflag:$0x1] =	stream.indirect.gather [hbm4b:s21+s4], $0x1, s13, s4, $0xb8;
	[tilespmem:$0xC00] =	vst v63  }
0x58: {  	s28 =	simm.s32 $0xA80  }
0x59: {  	[tilespmem:s28], [sflag:$0x1] =	stream.indirect.gather [hbm4b:s21+s4], $0x1, s15, s4, $0xb8;
	[tilespmem:$0xC00] =	vst v63  }
0x5a: {  	s29 =	simm.s32 $0xB00  }
0x5b: {  	[tilespmem:s29], [sflag:$0x1] =	stream.indirect.gather [hbm4b:s21+s4], $0x1, s17, s4, $0xb8;
	[tilespmem:$0xC00] =	vst v63  }
0x5c: {  	s30 =	simm.s32 $0xB80  }
0x5d: {  	[tilespmem:s30], [sflag:$0x1] =	stream.indirect.gather [hbm4b:s21+s4], $0x1, s19, s4, $0xb8;
	[tilespmem:$0xC00] =	vst v63  }
0x5e: {  	_ =	swait.ge [sflag:s20], $0x40  }
0x5f: {  	[sflag:s20] =	ssyncset.done $0x0  }
0x60: {  	[sflag:s20] =	ssyncadd.s32 $0xFFFFFFC0  }
0x61: {  	_ =	swait.ge [sflag:s20], $0x40  }
0x62: {  	[sflag:s20] =	ssyncset.done $0x0  }
0x63: {  	[sflag:s20] =	ssyncadd.s32 $0xFFFFFFC0  }
0x64: {  	_ =	swait.ge [sflag:s20], $0x40  }
0x65: {  	[sflag:s20] =	ssyncset.done $0x0  }
0x66: {  	[sflag:s20] =	ssyncadd.s32 $0xFFFFFFC0  }
0x67: {  	_ =	swait.ge [sflag:s20], $0x40  }
0x68: {  	[sflag:s20] =	ssyncset.done $0x0  }
0x69: {  	[sflag:s20] =	ssyncadd.s32 $0xFFFFFFC0  }
0x6a: {  	_ =	swait.ge [sflag:s20], $0x40  }
0x6b: {  	[sflag:s20] =	ssyncset.done $0x0  }
0x6c: {  	[sflag:s20] =	ssyncadd.s32 $0xFFFFFFC0  }
0x6d: {  	_ =	swait.ge [sflag:s20], $0x40  }
0x6e: {  	[sflag:s20] =	ssyncset.done $0x0  }
0x6f: {  	[sflag:s20] =	ssyncadd.s32 $0xFFFFFFC0  }
0x70: {  	s1 =	ssub.s32 $0x2, s1;
	_ =	swait.ge [sflag:s20], $0x40  }
0x71: {  	s0 =	sshrl.u32 s1, $0x1;
	[sflag:s20] =	ssyncset.done $0x0  }
0x72: {  	s0 =	ssub.s32 s1, s0;
	[sflag:s20] =	ssyncadd.s32 $0xFFFFFFC0  }
0x73: {  	s0 =	smax.u32 s0, $0x1;
	_ =	swait.ge [sflag:s20], $0x40  }
0x74: {  	p0 =	sne.s32 s0, $0x1;
	[sflag:s20] =	ssyncset.done $0x0  }
.Ltmp0:
0x75: {  	s31 =	rddreg [dreg:$0x3];
	[sflag:s20] =	ssyncadd.s32 $0xFFFFFFC0;
	(pc) =	sbr.rel @!p0 .LBB2_2-.Ltmp0, $4  }
0x76: {  	[hbm4b:s31+s2] =	stream.linear.scatter [tilespmem:s22], [sflag:$0x2], $0x400, $0x38;
	[tilespmem:$0xC00] =	vst v63  }
0x77: {  	s31 =	simm.s32 $0x2  }
0x78: {  	_ =	swait.ge [sflag:s31], $0x400  }
0x79: {  	s1 =	sadd.s32 $0xFFFFFFFF, s0;
	[sflag:s31] =	ssyncset.done $0x0  }
.LBB2_1:
0x7a: {  	[sflag:s31] =	ssyncadd.s32 $0xFFFFFC00  }
0x7b: {  	[tilespmem:$0x20] =	vst v0  }
0x7c: {  	[tilespmem:$0x30] =	vst v1  }
0x7d: {  	[tilespmem:$0x80] =	vst v2  }
0x7e: {  	[tilespmem:$0x90] =	vst v3  }
0x7f: {  	[tilespmem:$0xA0] =	vst v4  }
0x80: {  	[tilespmem:$0xB0] =	vst v5  }
0x81: {  	[tilespmem:$0x100] =	vst v6  }
0x82: {  	[tilespmem:$0x110] =	vst v7  }
0x83: {  	[tilespmem:$0x120] =	vst v8  }
0x84: {  	[tilespmem:$0x130] =	vst v9  }
0x85: {  	[tilespmem:$0x180] =	vst v10  }
0x86: {  	[tilespmem:$0x190] =	vst v11  }
0x87: {  	[tilespmem:$0x1A0] =	vst v12  }
0x88: {  	[tilespmem:$0x1B0] =	vst v13  }
0x89: {  	[tilespmem:$0x200] =	vst v14  }
0x8a: {  	[tilespmem:$0x0] =	vst v15  }
0x8b: {  	[tilespmem:$0x3B0] =	vst v16  }
0x8c: {  	[tilespmem:$0x3A0] =	vst v17  }
0x8d: {  	[tilespmem:$0x390] =	vst v18  }
0x8e: {  	[tilespmem:$0x380] =	vst v19  }
0x8f: {  	[tilespmem:$0x330] =	vst v20  }
0x90: {  	[tilespmem:$0x320] =	vst v21  }
0x91: {  	[tilespmem:$0x310] =	vst v22  }
0x92: {  	[tilespmem:$0x300] =	vst v23  }
0x93: {  	[tilespmem:$0x2B0] =	vst v24  }
0x94: {  	[tilespmem:$0x2A0] =	vst v25  }
0x95: {  	[tilespmem:$0x290] =	vst v26  }
0x96: {  	[tilespmem:$0x280] =	vst v27  }
0x97: {  	[tilespmem:$0x230] =	vst v28  }
0x98: {  	[tilespmem:$0x220] =	vst v29  }
0x99: {  	[tilespmem:$0x210] =	vst v30  }
0x9a: {  	[tilespmem:$0x10] =	vst v31  }
0x9b: {  	[tilespmem:s5], [sflag:$0x1] =	stream.indirect.gather [hbm4b:s3+s4], $0x1, s2, s4, $0xb8;
	[tilespmem:$0xC00] =	vst v63  }
0x9c: {  	_ = 	snop  }
0x9d: {  	[tilespmem:s7], [sflag:$0x1] =	stream.indirect.gather [hbm4b:s3+s4], $0x1, s6, s4, $0xb8;
	[tilespmem:$0xC00] =	vst v63  }
0x9e: {  	_ = 	snop  }
0x9f: {  	[tilespmem:s9], [sflag:$0x1] =	stream.indirect.gather [hbm4b:s3+s4], $0x1, s8, s4, $0xb8;
	[tilespmem:$0xC00] =	vst v63  }
0xa0: {  	_ = 	snop  }
0xa1: {  	[tilespmem:s11], [sflag:$0x1] =	stream.indirect.gather [hbm4b:s3+s4], $0x1, s10, s4, $0xb8;
	[tilespmem:$0xC00] =	vst v63  }
0xa2: {  	_ = 	snop  }
0xa3: {  	[tilespmem:s13], [sflag:$0x1] =	stream.indirect.gather [hbm4b:s3+s4], $0x1, s12, s4, $0xb8;
	[tilespmem:$0xC00] =	vst v63  }
0xa4: {  	_ = 	snop  }
0xa5: {  	[tilespmem:s15], [sflag:$0x1] =	stream.indirect.gather [hbm4b:s3+s4], $0x1, s14, s4, $0xb8;
	[tilespmem:$0xC00] =	vst v63  }
0xa6: {  	_ = 	snop  }
0xa7: {  	[tilespmem:s17], [sflag:$0x1] =	stream.indirect.gather [hbm4b:s3+s4], $0x1, s16, s4, $0xb8;
	[tilespmem:$0xC00] =	vst v63  }
0xa8: {  	_ = 	snop  }
0xa9: {  	[tilespmem:s19], [sflag:$0x1] =	stream.indirect.gather [hbm4b:s3+s4], $0x1, s18, s4, $0xb8;
	[tilespmem:$0xC00] =	vst v63  }
0xaa: {  	_ =	swait.ge [sflag:s20], $0x40  }
0xab: {  	[sflag:s20] =	ssyncset.done $0x0  }
0xac: {  	[sflag:s20] =	ssyncadd.s32 $0xFFFFFFC0  }
0xad: {  	_ =	swait.ge [sflag:s20], $0x40  }
0xae: {  	[sflag:s20] =	ssyncset.done $0x0  }
0xaf: {  	[sflag:s20] =	ssyncadd.s32 $0xFFFFFFC0  }
0xb0: {  	_ =	swait.ge [sflag:s20], $0x40  }
0xb1: {  	[sflag:s20] =	ssyncset.done $0x0  }
0xb2: {  	[sflag:s20] =	ssyncadd.s32 $0xFFFFFFC0  }
0xb3: {  	_ =	swait.ge [sflag:s20], $0x40  }
0xb4: {  	[sflag:s20] =	ssyncset.done $0x0  }
0xb5: {  	[sflag:s20] =	ssyncadd.s32 $0xFFFFFFC0  }
0xb6: {  	_ =	swait.ge [sflag:s20], $0x40  }
0xb7: {  	[sflag:s20] =	ssyncset.done $0x0  }
0xb8: {  	[sflag:s20] =	ssyncadd.s32 $0xFFFFFFC0  }
0xb9: {  	_ =	swait.ge [sflag:s20], $0x40  }
0xba: {  	[sflag:s20] =	ssyncset.done $0x0  }
0xbb: {  	[sflag:s20] =	ssyncadd.s32 $0xFFFFFFC0  }
0xbc: {  	_ =	swait.ge [sflag:s20], $0x40  }
0xbd: {  	[sflag:s20] =	ssyncset.done $0x0  }
0xbe: {  	[sflag:s20] =	ssyncadd.s32 $0xFFFFFFC0  }
0xbf: {  	_ =	swait.ge [sflag:s20], $0x40  }
0xc0: {  	[sflag:s20] =	ssyncset.done $0x0  }
0xc1: {  	[sflag:s20] =	ssyncadd.s32 $0xFFFFFFC0  }
0xc2: {  	[tilespmem:s22], [sflag:$0x1] =	stream.indirect.gather [hbm4b:s21+s4], $0x1, s5, s4, $0xb8;
	[tilespmem:$0xC00] =	vst v63  }
0xc3: {  	_ = 	snop  }
0xc4: {  	[tilespmem:s23], [sflag:$0x1] =	stream.indirect.gather [hbm4b:s21+s4], $0x1, s7, s4, $0xb8;
	[tilespmem:$0xC00] =	vst v63  }
0xc5: {  	_ = 	snop  }
0xc6: {  	[tilespmem:s24], [sflag:$0x1] =	stream.indirect.gather [hbm4b:s21+s4], $0x1, s9, s4, $0xb8;
	[tilespmem:$0xC00] =	vst v63  }
0xc7: {  	_ = 	snop  }
0xc8: {  	[tilespmem:s25], [sflag:$0x1] =	stream.indirect.gather [hbm4b:s21+s4], $0x1, s11, s4, $0xb8;
	[tilespmem:$0xC00] =	vst v63  }
0xc9: {  	_ = 	snop  }
0xca: {  	[tilespmem:s26], [sflag:$0x1] =	stream.indirect.gather [hbm4b:s21+s4], $0x1, s13, s4, $0xb8;
	[tilespmem:$0xC00] =	vst v63  }
0xcb: {  	_ = 	snop  }
0xcc: {  	[tilespmem:s28], [sflag:$0x1] =	stream.indirect.gather [hbm4b:s21+s4], $0x1, s15, s4, $0xb8;
	[tilespmem:$0xC00] =	vst v63  }
0xcd: {  	_ = 	snop  }
0xce: {  	[tilespmem:s29], [sflag:$0x1] =	stream.indirect.gather [hbm4b:s21+s4], $0x1, s17, s4, $0xb8;
	[tilespmem:$0xC00] =	vst v63  }
0xcf: {  	_ = 	snop  }
0xd0: {  	[tilespmem:s30], [sflag:$0x1] =	stream.indirect.gather [hbm4b:s21+s4], $0x1, s19, s4, $0xb8;
	[tilespmem:$0xC00] =	vst v63  }
0xd1: {  	_ =	swait.ge [sflag:s20], $0x40  }
0xd2: {  	[sflag:s20] =	ssyncset.done $0x0  }
0xd3: {  	[sflag:s20] =	ssyncadd.s32 $0xFFFFFFC0  }
0xd4: {  	_ =	swait.ge [sflag:s20], $0x40  }
0xd5: {  	[sflag:s20] =	ssyncset.done $0x0  }
0xd6: {  	[sflag:s20] =	ssyncadd.s32 $0xFFFFFFC0  }
0xd7: {  	_ =	swait.ge [sflag:s20], $0x40  }
0xd8: {  	[sflag:s20] =	ssyncset.done $0x0  }
0xd9: {  	[sflag:s20] =	ssyncadd.s32 $0xFFFFFFC0  }
0xda: {  	_ =	swait.ge [sflag:s20], $0x40  }
0xdb: {  	[sflag:s20] =	ssyncset.done $0x0  }
0xdc: {  	[sflag:s20] =	ssyncadd.s32 $0xFFFFFFC0  }
0xdd: {  	_ =	swait.ge [sflag:s20], $0x40  }
0xde: {  	[sflag:s20] =	ssyncset.done $0x0  }
0xdf: {  	[sflag:s20] =	ssyncadd.s32 $0xFFFFFFC0  }
0xe0: {  	_ =	swait.ge [sflag:s20], $0x40  }
0xe1: {  	[sflag:s20] =	ssyncset.done $0x0  }
0xe2: {  	[sflag:s20] =	ssyncadd.s32 $0xFFFFFFC0  }
0xe3: {  	_ =	swait.ge [sflag:s20], $0x40  }
0xe4: {  	[sflag:s20] =	ssyncset.done $0x0  }
0xe5: {  	[sflag:s20] =	ssyncadd.s32 $0xFFFFFFC0  }
0xe6: {  	p0 =	sne.s32 s1, $0x1;
	_ =	swait.ge [sflag:s20], $0x40  }
.Ltmp1:
0xe7: {  	[sflag:s20] =	ssyncset.done $0x0;
	(pc) =	sbr.rel @p0 .LBB2_1-.Ltmp1, $4  }
0xe8: {  	s0 =	rddreg [dreg:$0x3];
	[sflag:s20] =	ssyncadd.s32 $0xFFFFFFC0  }
0xe9: {  	[hbm4b:s0+s2] =	stream.linear.scatter [tilespmem:s22], [sflag:$0x2], $0x400, $0x38;
	[tilespmem:$0xC00] =	vst v63  }
0xea: {  	_ =	swait.ge [sflag:s31], $0x400  }
0xeb: {  	s1 =	sadd.s32 $0xFFFFFFFF, s1;
	[sflag:s31] =	ssyncset.done $0x0  }
.LBB2_2:
0xec: {  	[sflag:s31] =	ssyncadd.s32 $0xFFFFFC00  }
0xed: {  	_ =	sfence.sel $0x180000  }
0xee: {  	[bflag:$0x0] =	sbarrier.arrive $0xFFFF  }
0xef: {  	_ =	strace $0x90000047  }
0xf0: {  	s0 =	stileid.u32;
	[bflag:$0x2] =	sbarrier.arrive $0xFFFF  }
0xf1: {  	p0 =	sne.s32 s0, $0x0;
	s0 =	rddreg [dreg:$0x2]  }
0xf2: {  	s0 =	sadd.s32 @!p0 $0x100000, s0  }
0xf3: {  	[sflag:s0] =	ssyncadd.tile.s32 @!p0 $0x1;
	_ =	shalt  }
.Lfunc_end2:
_tile_overlayer_lowered:
.L_overlay_start_2:
0xf4: {  	(tag) =	ssettag $0x2  }
0xf5: {  	s0 =	rddreg [dreg:$0x0];
	s2 =	stileid.u32  }
0xf6: {  	s1 =	rddreg [dreg:$0x1];
	p0 =	sne.s32 s2, $0x0  }
0xf7: {  	s3 =	rddreg [dreg:$0x2];
	[bflag:$0x3] =	sbarrier.arrive $0xFFFF;
	s2 =	simm.s32 @!p0 $0x1C02  }
0xf8: {  	[timem:s3], [sflag:s2] =	dma.local @!p0 [hbm:s0], s1  }
0xf9: {  	s0 =	simm.s32 @!p0 $0x2  }
0xfa: {  	_ =	swait.ge @!p0 [sflag:s0], s1  }
0xfb: {  	s1 =	ssub.s32 @!p0 $0x0, s1;
	[sflag:s0] =	ssyncset.done @!p0 $0x0  }
0xfc: {  	[sflag:s0] =	ssyncadd.s32 @!p0 s1  }
0xfd: {  	[bflag:$0x3] =	sbarrier.arrive $0xFFFF  }
0xfe: {  	_ =	shalt  }

</sc_bundles>
